<compile_context>
chip_gen: v7x
topology: tpu7x:2x2x1
jax: 0.10.2.dev20260603
libtpu: 0.0.44.dev20260713+nightly
codegen_flags: <defaults>
</compile_context>

<pallas_src>
import functools

import jax
import jax.numpy as jnp
from jax import lax
from jax.experimental import pallas as pl
from jax.experimental.pallas import tpu as pltpu
from jax.experimental.pallas import tpu_sc as plsc

VOCAB = 100000
EMBED = 128
HIDDEN = 512
OUT = 256
BATCH = 4096
HIST = 50

NC = 2
NS = 16
NW = NC * NS
ROWS_PER_W = BATCH // NW
CB = 1
CHUNK_IDX = CB * HIST
NCHUNK = ROWS_PER_W // CB
LANES = 16
EV = EMBED // LANES
NBUF = 8
DEPTH = 6

_sc_mesh = plsc.VectorSubcoreMesh(
    core_axis_name="c", subcore_axis_name="s", num_cores=NC, num_subcores=NS
)


@functools.partial(
    pl.kernel,
    out_type=jax.ShapeDtypeStruct((BATCH, EMBED), jnp.float32),
    mesh=_sc_mesh,
    scratch_types=[
        pltpu.VMEM((NCHUNK, HIST), jnp.int32),
        pltpu.VMEM((ROWS_PER_W, EMBED), jnp.float32),
    ]
    + [pltpu.VMEM((CHUNK_IDX, EMBED), jnp.float32) for _ in range(NBUF)]
    + [pltpu.SemaphoreType.DMA for _ in range(NBUF)],
)
def _embbag_sum(idx_hbm, table_hbm, out_hbm, idx_v, pool_v, *bufs_and_sems):
    bufs = tuple(zip(bufs_and_sems[:NBUF], bufs_and_sems[NBUF:]))
    wid = lax.axis_index("s") * NC + lax.axis_index("c")

    pltpu.sync_copy(idx_hbm.at[pl.ds(wid * NCHUNK, NCHUNK)], idx_v)

    def gather(c, buf, sem):
        pltpu.async_copy(table_hbm.at[idx_v.at[jnp.minimum(c, NCHUNK - 1)]],
                         buf, sem)

    def drain(buf, sem):
        pltpu.make_async_copy(table_hbm.at[idx_v.at[0]], buf, sem).wait()

    def accumulate(c, buf):
        for i in range(CB):
            def bag_body(r, accs):
                return tuple(
                    accs[j] + buf[i * HIST + r, pl.ds(j * LANES, LANES)]
                    for j in range(EV)
                )
            accs = lax.fori_loop(
                0, HIST, bag_body,
                tuple(jnp.zeros((LANES,), jnp.float32) for _ in range(EV)),
                unroll=5,
            )
            for j in range(EV):
                pool_v[c * CB + i, pl.ds(j * LANES, LANES)] = accs[j]

    for d in range(DEPTH):
        gather(d, *bufs[d])

    def ring_body(p, carry):
        a = p * NBUF
        for q in range(NBUF):
            gather(a + q + DEPTH, *bufs[(q + DEPTH) % NBUF])
            drain(*bufs[q])
            accumulate(a + q, bufs[q][0])
        return carry

    lax.fori_loop(0, NCHUNK // NBUF, ring_body, 0)
    for d in range(DEPTH):
        drain(*bufs[d])

    pltpu.sync_copy(pool_v, out_hbm.at[pl.ds(wid * ROWS_PER_W, ROWS_PER_W)])


def _mlp_body(x_ref, w1_ref, b1_ref, w2_ref, b2_ref, o_ref):
    x = x_ref[...] * (1.0 / HIST)
    h = lax.dot_general(
        x, w1_ref[...], (((1,), (1,)), ((), ())),
        preferred_element_type=jnp.float32,
    ) + b1_ref[...]
    o_ref[...] = lax.dot_general(
        h, w2_ref[...], (((1,), (1,)), ((), ())),
        preferred_element_type=jnp.float32,
    ) + b2_ref[...]


_mlp = pl.pallas_call(
    _mlp_body,
    out_shape=jax.ShapeDtypeStruct((BATCH, OUT), jnp.float32),
)


@jax.jit
def kernel(input_batch, emb_table, W1, b1, W2, b2):
    pooled_sum = _embbag_sum(input_batch.astype(jnp.int32), emb_table)
    return _mlp(pooled_sum, W1, b1.reshape(1, HIDDEN), W2, b2.reshape(1, OUT))

# --- scband reference (transcript-rebuilt; emitter-appended) ---
"""Pipeline reference for scband-model-89129161327092 (READ-ONLY COPY).

The authoritative reference and input builder live on the scoring server;
editing this copy changes nothing except your own understanding.
"""

import jax, jax.numpy as jnp
import numpy as np

VOCAB = 100000
EMBED = 128
HIDDEN = 512
OUT = 256
BATCH = 4096
HIST = 50

def setup_inputs(seed: int = 0) -> dict:
    key = jax.random.key(seed)
    k1, k2, k3, k4 = jax.random.split(key, 4)
    input_batch = jax.random.randint(k1, (BATCH, HIST), 0, VOCAB, dtype=jnp.int64) if jax.config.jax_enable_x64 else jax.random.randint(k1, (BATCH, HIST), 0, VOCAB, dtype=jnp.int32)
    emb_table = jax.random.normal(k2, (VOCAB, EMBED), dtype=jnp.float32) * 0.02
    W1 = jax.random.normal(k3, (HIDDEN, EMBED), dtype=jnp.float32) * (1.0 / np.sqrt(EMBED))
    b1 = jnp.zeros((HIDDEN,), dtype=jnp.float32)
    W2 = jax.random.normal(k4, (OUT, HIDDEN), dtype=jnp.float32) * (1.0 / np.sqrt(HIDDEN))
    b2 = jnp.zeros((OUT,), dtype=jnp.float32)
    return {"input_batch": input_batch, "emb_table": emb_table, "W1": W1, "b1": b1, "W2": W2, "b2": b2}

def reference(input_batch, emb_table, W1, b1, W2, b2):
    # nn.EmbeddingBag with default mode='mean' on a 2D [B, L] input:
    # gather then mean-pool over the bag (L) dimension.
    gathered = jnp.take(emb_table, input_batch, axis=0)  # [B, L, E]
    pooled = jnp.mean(gathered, axis=1)                  # [B, E]
    # Dropout is identity in eval mode.
    h = pooled @ W1.T + b1                               # [B, H]
    out = h @ W2.T + b2                                  # [B, O]
    return out

if __name__ == "__main__":
    import jax
    _d = setup_inputs()
    print(jax.jit(kernel)(*tuple(_d.values())))

</pallas_src>

<mosaic_0001>
#map = affine_map<(d0, d1) -> (0, 0)>
module attributes {stable_mosaic.version = 14 : i64} {
  func.func @_embbag_sum(%arg0: i32, %arg1: i32, %arg2: memref<4096x50xi32, #tpu.memory_space<hbm>>, %arg3: memref<100000x128xf32, #tpu.memory_space<hbm>>, %arg4: memref<4096x128xf32, #tpu.memory_space<hbm>>, %arg5: memref<128x50xi32, #tpu.memory_space<vmem>>, %arg6: memref<128x128xf32, #tpu.memory_space<vmem>>, %arg7: memref<50x128xf32, #tpu.memory_space<vmem>>, %arg8: memref<50x128xf32, #tpu.memory_space<vmem>>, %arg9: memref<50x128xf32, #tpu.memory_space<vmem>>, %arg10: memref<50x128xf32, #tpu.memory_space<vmem>>, %arg11: memref<50x128xf32, #tpu.memory_space<vmem>>, %arg12: memref<50x128xf32, #tpu.memory_space<vmem>>, %arg13: memref<50x128xf32, #tpu.memory_space<vmem>>, %arg14: memref<50x128xf32, #tpu.memory_space<vmem>>, %arg15: memref<!tpu.dma_semaphore, #tpu.memory_space<semaphore_mem>>, %arg16: memref<!tpu.dma_semaphore, #tpu.memory_space<semaphore_mem>>, %arg17: memref<!tpu.dma_semaphore, #tpu.memory_space<semaphore_mem>>, %arg18: memref<!tpu.dma_semaphore, #tpu.memory_space<semaphore_mem>>, %arg19: memref<!tpu.dma_semaphore, #tpu.memory_space<semaphore_mem>>, %arg20: memref<!tpu.dma_semaphore, #tpu.memory_space<semaphore_mem>>, %arg21: memref<!tpu.dma_semaphore, #tpu.memory_space<semaphore_mem>>, %arg22: memref<!tpu.dma_semaphore, #tpu.memory_space<semaphore_mem>>) attributes {dimension_semantics = [#tpu.dimension_semantics<core_parallel>, #tpu.dimension_semantics<subcore_parallel>], iteration_bounds = array<i64: 2, 16>, scalar_prefetch = 0 : i64, scratch_operands = 18 : i64, tpu.core_type = #tpu.core_type<sc_vector_subcore>, window_params = [{transform_indices = #map}, {transform_indices = #map}, {transform_indices = #map}]} {
    %mul3A = arith.constant 2 : i32
    %mul3A_0 = arith.muli %arg1, %mul3A : i32
    %add3A = arith.addi %mul3A_0, %arg0 : i32
    %mul3A_1 = arith.constant 128 : i32
    %mul3A_2 = arith.muli %add3A, %mul3A_1 : i32
    "tpu.region"() ({
      %run_scoped3A = tpu.sem_alloc : memref<!tpu.dma_semaphore, #tpu.memory_space<semaphore_mem>>
      %dma_start3A_103 = arith.constant 0 : i32
      %dma_start3A_104 = tpu.memref_slice %arg2[%mul3A_2, %dma_start3A_103] : memref<4096x50xi32, #tpu.memory_space<hbm>> -> memref<128x50xi32, #tpu.memory_space<hbm>>
      %dma_start3A_105 = arith.constant 0 : i32
      %dma_start3A_106 = tpu.memref_slice %arg2[%mul3A_2, %dma_start3A_105] : memref<4096x50xi32, #tpu.memory_space<hbm>> -> memref<128x50xi32, #tpu.memory_space<hbm>>
      tpu.enqueue_dma source(%dma_start3A_106 : memref<128x50xi32, #tpu.memory_space<hbm>>) target(%arg5 : memref<128x50xi32, #tpu.memory_space<vmem>>) target_semaphore(%run_scoped3A : memref<!tpu.dma_semaphore, #tpu.memory_space<semaphore_mem>>)
      %dma_wait3A_107 = arith.constant 0 : i32
      %dma_wait3A_108 = tpu.memref_slice %arg2[%mul3A_2, %dma_wait3A_107] : memref<4096x50xi32, #tpu.memory_space<hbm>> -> memref<128x50xi32, #tpu.memory_space<hbm>>
      %dma_wait3A_109 = arith.constant 0 : i32
      %dma_wait3A_110 = tpu.memref_slice %arg2[%mul3A_2, %dma_wait3A_109] : memref<4096x50xi32, #tpu.memory_space<hbm>> -> memref<128x50xi32, #tpu.memory_space<hbm>>
      tpu.wait_dma2 semaphore(%run_scoped3A : memref<!tpu.dma_semaphore, #tpu.memory_space<semaphore_mem>>) src(%dma_wait3A_110 : memref<128x50xi32, #tpu.memory_space<hbm>>) dst(%arg5 : memref<128x50xi32, #tpu.memory_space<vmem>>)
      tpu.yield
    }) : () -> ()
    %min3A = arith.constant 0 : i32
    %min3A_3 = arith.constant 127 : i32
    %min3A_4 = arith.minsi %min3A, %min3A_3 : i32
    %dma_start3A = arith.constant 0 : i32
    %dma_start3A_5 = tpu.memref_slice %arg5[%min3A_4, %dma_start3A] : memref<128x50xi32, #tpu.memory_space<vmem>> -> memref<1x50xi32, #tpu.memory_space<vmem>>
    %dma_start3A_6 = tpu.memref_squeeze %dma_start3A_5 : memref<1x50xi32, #tpu.memory_space<vmem>> -> memref<50xi32, #tpu.memory_space<vmem>>
    %dma_start3A_7 = arith.constant 0 : i32
    %dma_start3A_8 = arith.constant 0 : i32
    %dma_start3A_9 = tpu.memref_slice %arg3[%dma_start3A_7, %dma_start3A_8] : memref<100000x128xf32, #tpu.memory_space<hbm>> -> memref<100000x128xf32, #tpu.memory_space<hbm>>
    tpu.enqueue_indirect_dma source(%dma_start3A_9 : memref<100000x128xf32, #tpu.memory_space<hbm>>) target(%arg7 : memref<50x128xf32, #tpu.memory_space<vmem>>) offsets(%dma_start3A_6 : memref<50xi32, #tpu.memory_space<vmem>>) semaphore(%arg15 : memref<!tpu.dma_semaphore, #tpu.memory_space<semaphore_mem>>)
    %min3A_10 = arith.constant 1 : i32
    %min3A_11 = arith.constant 127 : i32
    %min3A_12 = arith.minsi %min3A_10, %min3A_11 : i32
    %dma_start3A_13 = arith.constant 0 : i32
    %dma_start3A_14 = tpu.memref_slice %arg5[%min3A_12, %dma_start3A_13] : memref<128x50xi32, #tpu.memory_space<vmem>> -> memref<1x50xi32, #tpu.memory_space<vmem>>
    %dma_start3A_15 = tpu.memref_squeeze %dma_start3A_14 : memref<1x50xi32, #tpu.memory_space<vmem>> -> memref<50xi32, #tpu.memory_space<vmem>>
    %dma_start3A_16 = arith.constant 0 : i32
    %dma_start3A_17 = arith.constant 0 : i32
    %dma_start3A_18 = tpu.memref_slice %arg3[%dma_start3A_16, %dma_start3A_17] : memref<100000x128xf32, #tpu.memory_space<hbm>> -> memref<100000x128xf32, #tpu.memory_space<hbm>>
    tpu.enqueue_indirect_dma source(%dma_start3A_18 : memref<100000x128xf32, #tpu.memory_space<hbm>>) target(%arg8 : memref<50x128xf32, #tpu.memory_space<vmem>>) offsets(%dma_start3A_15 : memref<50xi32, #tpu.memory_space<vmem>>) semaphore(%arg16 : memref<!tpu.dma_semaphore, #tpu.memory_space<semaphore_mem>>)
    %min3A_19 = arith.constant 2 : i32
    %min3A_20 = arith.constant 127 : i32
    %min3A_21 = arith.minsi %min3A_19, %min3A_20 : i32
    %dma_start3A_22 = arith.constant 0 : i32
    %dma_start3A_23 = tpu.memref_slice %arg5[%min3A_21, %dma_start3A_22] : memref<128x50xi32, #tpu.memory_space<vmem>> -> memref<1x50xi32, #tpu.memory_space<vmem>>
    %dma_start3A_24 = tpu.memref_squeeze %dma_start3A_23 : memref<1x50xi32, #tpu.memory_space<vmem>> -> memref<50xi32, #tpu.memory_space<vmem>>
    %dma_start3A_25 = arith.constant 0 : i32
    %dma_start3A_26 = arith.constant 0 : i32
    %dma_start3A_27 = tpu.memref_slice %arg3[%dma_start3A_25, %dma_start3A_26] : memref<100000x128xf32, #tpu.memory_space<hbm>> -> memref<100000x128xf32, #tpu.memory_space<hbm>>
    tpu.enqueue_indirect_dma source(%dma_start3A_27 : memref<100000x128xf32, #tpu.memory_space<hbm>>) target(%arg9 : memref<50x128xf32, #tpu.memory_space<vmem>>) offsets(%dma_start3A_24 : memref<50xi32, #tpu.memory_space<vmem>>) semaphore(%arg17 : memref<!tpu.dma_semaphore, #tpu.memory_space<semaphore_mem>>)
    %min3A_28 = arith.constant 3 : i32
    %min3A_29 = arith.constant 127 : i32
    %min3A_30 = arith.minsi %min3A_28, %min3A_29 : i32
    %dma_start3A_31 = arith.constant 0 : i32
    %dma_start3A_32 = tpu.memref_slice %arg5[%min3A_30, %dma_start3A_31] : memref<128x50xi32, #tpu.memory_space<vmem>> -> memref<1x50xi32, #tpu.memory_space<vmem>>
    %dma_start3A_33 = tpu.memref_squeeze %dma_start3A_32 : memref<1x50xi32, #tpu.memory_space<vmem>> -> memref<50xi32, #tpu.memory_space<vmem>>
    %dma_start3A_34 = arith.constant 0 : i32
    %dma_start3A_35 = arith.constant 0 : i32
    %dma_start3A_36 = tpu.memref_slice %arg3[%dma_start3A_34, %dma_start3A_35] : memref<100000x128xf32, #tpu.memory_space<hbm>> -> memref<100000x128xf32, #tpu.memory_space<hbm>>
    tpu.enqueue_indirect_dma source(%dma_start3A_36 : memref<100000x128xf32, #tpu.memory_space<hbm>>) target(%arg10 : memref<50x128xf32, #tpu.memory_space<vmem>>) offsets(%dma_start3A_33 : memref<50xi32, #tpu.memory_space<vmem>>) semaphore(%arg18 : memref<!tpu.dma_semaphore, #tpu.memory_space<semaphore_mem>>)
    %min3A_37 = arith.constant 4 : i32
    %min3A_38 = arith.constant 127 : i32
    %min3A_39 = arith.minsi %min3A_37, %min3A_38 : i32
    %dma_start3A_40 = arith.constant 0 : i32
    %dma_start3A_41 = tpu.memref_slice %arg5[%min3A_39, %dma_start3A_40] : memref<128x50xi32, #tpu.memory_space<vmem>> -> memref<1x50xi32, #tpu.memory_space<vmem>>
    %dma_start3A_42 = tpu.memref_squeeze %dma_start3A_41 : memref<1x50xi32, #tpu.memory_space<vmem>> -> memref<50xi32, #tpu.memory_space<vmem>>
    %dma_start3A_43 = arith.constant 0 : i32
    %dma_start3A_44 = arith.constant 0 : i32
    %dma_start3A_45 = tpu.memref_slice %arg3[%dma_start3A_43, %dma_start3A_44] : memref<100000x128xf32, #tpu.memory_space<hbm>> -> memref<100000x128xf32, #tpu.memory_space<hbm>>
    tpu.enqueue_indirect_dma source(%dma_start3A_45 : memref<100000x128xf32, #tpu.memory_space<hbm>>) target(%arg11 : memref<50x128xf32, #tpu.memory_space<vmem>>) offsets(%dma_start3A_42 : memref<50xi32, #tpu.memory_space<vmem>>) semaphore(%arg19 : memref<!tpu.dma_semaphore, #tpu.memory_space<semaphore_mem>>)
    %min3A_46 = arith.constant 5 : i32
    %min3A_47 = arith.constant 127 : i32
    %min3A_48 = arith.minsi %min3A_46, %min3A_47 : i32
    %dma_start3A_49 = arith.constant 0 : i32
    %dma_start3A_50 = tpu.memref_slice %arg5[%min3A_48, %dma_start3A_49] : memref<128x50xi32, #tpu.memory_space<vmem>> -> memref<1x50xi32, #tpu.memory_space<vmem>>
    %dma_start3A_51 = tpu.memref_squeeze %dma_start3A_50 : memref<1x50xi32, #tpu.memory_space<vmem>> -> memref<50xi32, #tpu.memory_space<vmem>>
    %dma_start3A_52 = arith.constant 0 : i32
    %dma_start3A_53 = arith.constant 0 : i32
    %dma_start3A_54 = tpu.memref_slice %arg3[%dma_start3A_52, %dma_start3A_53] : memref<100000x128xf32, #tpu.memory_space<hbm>> -> memref<100000x128xf32, #tpu.memory_space<hbm>>
    tpu.enqueue_indirect_dma source(%dma_start3A_54 : memref<100000x128xf32, #tpu.memory_space<hbm>>) target(%arg12 : memref<50x128xf32, #tpu.memory_space<vmem>>) offsets(%dma_start3A_51 : memref<50xi32, #tpu.memory_space<vmem>>) semaphore(%arg20 : memref<!tpu.dma_semaphore, #tpu.memory_space<semaphore_mem>>)
    %scan3A = arith.constant 0 : i32
    %scan3A_55 = arith.constant 0 : i32
    %scan3A_56 = arith.constant 16 : i32
    %scan3A_57 = arith.addi %scan3A_55, %scan3A_56 : i32
    %scan3A_58 = arith.constant 1 : i32
    scf.for %scan3A_103 = %scan3A_55 to %scan3A_57 step %scan3A_58  : i32 {
      %mul3A_104 = arith.constant 8 : i32
      %mul3A_105 = arith.muli %scan3A_103, %mul3A_104 : i32
      %add3A_106 = arith.constant 0 : i32
      %add3A_107 = arith.addi %mul3A_105, %add3A_106 : i32
      %add3A_108 = arith.constant 6 : i32
      %add3A_109 = arith.addi %add3A_107, %add3A_108 : i32
      %min3A_110 = arith.constant 127 : i32
      %min3A_111 = arith.minsi %add3A_109, %min3A_110 : i32
      %dma_start3A_112 = arith.constant 0 : i32
      %dma_start3A_113 = tpu.memref_slice %arg5[%min3A_111, %dma_start3A_112] : memref<128x50xi32, #tpu.memory_space<vmem>> -> memref<1x50xi32, #tpu.memory_space<vmem>>
      %dma_start3A_114 = tpu.memref_squeeze %dma_start3A_113 : memref<1x50xi32, #tpu.memory_space<vmem>> -> memref<50xi32, #tpu.memory_space<vmem>>
      %dma_start3A_115 = arith.constant 0 : i32
      %dma_start3A_116 = arith.constant 0 : i32
      %dma_start3A_117 = tpu.memref_slice %arg3[%dma_start3A_115, %dma_start3A_116] : memref<100000x128xf32, #tpu.memory_space<hbm>> -> memref<100000x128xf32, #tpu.memory_space<hbm>>
      tpu.enqueue_indirect_dma source(%dma_start3A_117 : memref<100000x128xf32, #tpu.memory_space<hbm>>) target(%arg13 : memref<50x128xf32, #tpu.memory_space<vmem>>) offsets(%dma_start3A_114 : memref<50xi32, #tpu.memory_space<vmem>>) semaphore(%arg21 : memref<!tpu.dma_semaphore, #tpu.memory_space<semaphore_mem>>)
      %dma_wait3A_118 = arith.constant 0 : i32
      %dma_wait3A_119 = arith.constant 0 : i32
      %dma_wait3A_120 = tpu.memref_slice %arg5[%dma_wait3A_118, %dma_wait3A_119] : memref<128x50xi32, #tpu.memory_space<vmem>> -> memref<1x50xi32, #tpu.memory_space<vmem>>
      %dma_wait3A_121 = tpu.memref_squeeze %dma_wait3A_120 : memref<1x50xi32, #tpu.memory_space<vmem>> -> memref<50xi32, #tpu.memory_space<vmem>>
      %dma_wait3A_122 = arith.constant 0 : i32
      %dma_wait3A_123 = arith.constant 0 : i32
      %dma_wait3A_124 = tpu.memref_slice %arg3[%dma_wait3A_122, %dma_wait3A_123] : memref<100000x128xf32, #tpu.memory_space<hbm>> -> memref<100000x128xf32, #tpu.memory_space<hbm>>
      tpu.wait_indirect_dma semaphore(%arg15 : memref<!tpu.dma_semaphore, #tpu.memory_space<semaphore_mem>>) src(%dma_wait3A_124 : memref<100000x128xf32, #tpu.memory_space<hbm>>) dst(%arg7 : memref<50x128xf32, #tpu.memory_space<vmem>>)
      %add3A_125 = arith.constant 0 : i32
      %add3A_126 = arith.addi %mul3A_105, %add3A_125 : i32
      %broadcast_in_dim3A = arith.constant 0.000000e+00 : f32
      %broadcast_in_dim3A_127 = vector.broadcast %broadcast_in_dim3A : f32 to vector<16xf32>
      %broadcast_in_dim3A_128 = arith.constant 0.000000e+00 : f32
      %broadcast_in_dim3A_129 = vector.broadcast %broadcast_in_dim3A_128 : f32 to vector<16xf32>
      %broadcast_in_dim3A_130 = arith.constant 0.000000e+00 : f32
      %broadcast_in_dim3A_131 = vector.broadcast %broadcast_in_dim3A_130 : f32 to vector<16xf32>
      %broadcast_in_dim3A_132 = arith.constant 0.000000e+00 : f32
      %broadcast_in_dim3A_133 = vector.broadcast %broadcast_in_dim3A_132 : f32 to vector<16xf32>
      %broadcast_in_dim3A_134 = arith.constant 0.000000e+00 : f32
      %broadcast_in_dim3A_135 = vector.broadcast %broadcast_in_dim3A_134 : f32 to vector<16xf32>
      %broadcast_in_dim3A_136 = arith.constant 0.000000e+00 : f32
      %broadcast_in_dim3A_137 = vector.broadcast %broadcast_in_dim3A_136 : f32 to vector<16xf32>
      %broadcast_in_dim3A_138 = arith.constant 0.000000e+00 : f32
      %broadcast_in_dim3A_139 = vector.broadcast %broadcast_in_dim3A_138 : f32 to vector<16xf32>
      %broadcast_in_dim3A_140 = arith.constant 0.000000e+00 : f32
      %broadcast_in_dim3A_141 = vector.broadcast %broadcast_in_dim3A_140 : f32 to vector<16xf32>
      %scan3A_142 = arith.constant 0 : i32
      %scan3A_143 = arith.constant 50 : i32
      %scan3A_144 = arith.addi %scan3A_142, %scan3A_143 : i32
      %scan3A_145 = arith.constant 5 : i32
      %scan3A_146:8 = scf.for %scan3A_1024 = %scan3A_142 to %scan3A_144 step %scan3A_145 iter_args(%scan3A_1025 = %broadcast_in_dim3A_127, %scan3A_1026 = %broadcast_in_dim3A_129, %scan3A_1027 = %broadcast_in_dim3A_131, %scan3A_1028 = %broadcast_in_dim3A_133, %scan3A_1029 = %broadcast_in_dim3A_135, %scan3A_1030 = %broadcast_in_dim3A_137, %scan3A_1031 = %broadcast_in_dim3A_139, %scan3A_1032 = %broadcast_in_dim3A_141) -> (vector<16xf32>, vector<16xf32>, vector<16xf32>, vector<16xf32>, vector<16xf32>, vector<16xf32>, vector<16xf32>, vector<16xf32>)  : i32 {
        %add3A_1033 = arith.constant 0 : i32
        %add3A_1034 = arith.addi %add3A_1033, %scan3A_1024 : i32
        %get3A = arith.index_cast %add3A_1034 : i32 to index
        %get3A_1035 = arith.constant 0 : index
        %get3A_1036 = tpu.vector_load %arg7[%get3A, %get3A_1035] {strides = array<i32>} : memref<50x128xf32, #tpu.memory_space<vmem>>, vector<1x16xf32>,
        %get3A_1037 = vector.shape_cast %get3A_1036 : vector<1x16xf32> to vector<16xf32>
        %add3A_1038 = arith.addf %scan3A_1025, %get3A_1037 : vector<16xf32>
        %add3A_1039 = arith.constant 0 : i32
        %add3A_1040 = arith.addi %add3A_1039, %scan3A_1024 : i32
        %get3A_1041 = arith.index_cast %add3A_1040 : i32 to index
        %get3A_1042 = arith.constant 16 : index
        %get3A_1043 = tpu.vector_load %arg7[%get3A_1041, %get3A_1042] {strides = array<i32>} : memref<50x128xf32, #tpu.memory_space<vmem>>, vector<1x16xf32>,
        %get3A_1044 = vector.shape_cast %get3A_1043 : vector<1x16xf32> to vector<16xf32>
        %add3A_1045 = arith.addf %scan3A_1026, %get3A_1044 : vector<16xf32>
        %add3A_1046 = arith.constant 0 : i32
        %add3A_1047 = arith.addi %add3A_1046, %scan3A_1024 : i32
        %get3A_1048 = arith.index_cast %add3A_1047 : i32 to index
        %get3A_1049 = arith.constant 32 : index
        %get3A_1050 = tpu.vector_load %arg7[%get3A_1048, %get3A_1049] {strides = array<i32>} : memref<50x128xf32, #tpu.memory_space<vmem>>, vector<1x16xf32>,
        %get3A_1051 = vector.shape_cast %get3A_1050 : vector<1x16xf32> to vector<16xf32>
        %add3A_1052 = arith.addf %scan3A_1027, %get3A_1051 : vector<16xf32>
        %add3A_1053 = arith.constant 0 : i32
        %add3A_1054 = arith.addi %add3A_1053, %scan3A_1024 : i32
        %get3A_1055 = arith.index_cast %add3A_1054 : i32 to index
        %get3A_1056 = arith.constant 48 : index
        %get3A_1057 = tpu.vector_load %arg7[%get3A_1055, %get3A_1056] {strides = array<i32>} : memref<50x128xf32, #tpu.memory_space<vmem>>, vector<1x16xf32>,
        %get3A_1058 = vector.shape_cast %get3A_1057 : vector<1x16xf32> to vector<16xf32>
        %add3A_1059 = arith.addf %scan3A_1028, %get3A_1058 : vector<16xf32>
        %add3A_1060 = arith.constant 0 : i32
        %add3A_1061 = arith.addi %add3A_1060, %scan3A_1024 : i32
        %get3A_1062 = arith.index_cast %add3A_1061 : i32 to index
        %get3A_1063 = arith.constant 64 : index
        %get3A_1064 = tpu.vector_load %arg7[%get3A_1062, %get3A_1063] {strides = array<i32>} : memref<50x128xf32, #tpu.memory_space<vmem>>, vector<1x16xf32>,
        %get3A_1065 = vector.shape_cast %get3A_1064 : vector<1x16xf32> to vector<16xf32>
        %add3A_1066 = arith.addf %scan3A_1029, %get3A_1065 : vector<16xf32>
        %add3A_1067 = arith.constant 0 : i32
        %add3A_1068 = arith.addi %add3A_1067, %scan3A_1024 : i32
        %get3A_1069 = arith.index_cast %add3A_1068 : i32 to index
        %get3A_1070 = arith.constant 80 : index
        %get3A_1071 = tpu.vector_load %arg7[%get3A_1069, %get3A_1070] {strides = array<i32>} : memref<50x128xf32, #tpu.memory_space<vmem>>, vector<1x16xf32>,
        %get3A_1072 = vector.shape_cast %get3A_1071 : vector<1x16xf32> to vector<16xf32>
        %add3A_1073 = arith.addf %scan3A_1030, %get3A_1072 : vector<16xf32>
        %add3A_1074 = arith.constant 0 : i32
        %add3A_1075 = arith.addi %add3A_1074, %scan3A_1024 : i32
        %get3A_1076 = arith.index_cast %add3A_1075 : i32 to index
        %get3A_1077 = arith.constant 96 : index
        %get3A_1078 = tpu.vector_load %arg7[%get3A_1076, %get3A_1077] {strides = array<i32>} : memref<50x128xf32, #tpu.memory_space<vmem>>, vector<1x16xf32>,
        %get3A_1079 = vector.shape_cast %get3A_1078 : vector<1x16xf32> to vector<16xf32>
        %add3A_1080 = arith.addf %scan3A_1031, %get3A_1079 : vector<16xf32>
        %add3A_1081 = arith.constant 0 : i32
        %add3A_1082 = arith.addi %add3A_1081, %scan3A_1024 : i32
        %get3A_1083 = arith.index_cast %add3A_1082 : i32 to index
        %get3A_1084 = arith.constant 112 : index
        %get3A_1085 = tpu.vector_load %arg7[%get3A_1083, %get3A_1084] {strides = array<i32>} : memref<50x128xf32, #tpu.memory_space<vmem>>, vector<1x16xf32>,
        %get3A_1086 = vector.shape_cast %get3A_1085 : vector<1x16xf32> to vector<16xf32>
        %add3A_1087 = arith.addf %scan3A_1032, %get3A_1086 : vector<16xf32>
        %scan3A_1088 = arith.constant 1 : i32
        %scan3A_1089 = arith.addi %scan3A_1024, %scan3A_1088 : i32
        %add3A_1090 = arith.constant 0 : i32
        %add3A_1091 = arith.addi %add3A_1090, %scan3A_1089 : i32
        %get3A_1092 = arith.index_cast %add3A_1091 : i32 to index
        %get3A_1093 = arith.constant 0 : index
        %get3A_1094 = tpu.vector_load %arg7[%get3A_1092, %get3A_1093] {strides = array<i32>} : memref<50x128xf32, #tpu.memory_space<vmem>>, vector<1x16xf32>,
        %get3A_1095 = vector.shape_cast %get3A_1094 : vector<1x16xf32> to vector<16xf32>
        %add3A_1096 = arith.addf %add3A_1038, %get3A_1095 : vector<16xf32>
        %add3A_1097 = arith.constant 0 : i32
        %add3A_1098 = arith.addi %add3A_1097, %scan3A_1089 : i32
        %get3A_1099 = arith.index_cast %add3A_1098 : i32 to index
        %get3A_1100 = arith.constant 16 : index
        %get3A_1101 = tpu.vector_load %arg7[%get3A_1099, %get3A_1100] {strides = array<i32>} : memref<50x128xf32, #tpu.memory_space<vmem>>, vector<1x16xf32>,
        %get3A_1102 = vector.shape_cast %get3A_1101 : vector<1x16xf32> to vector<16xf32>
        %add3A_1103 = arith.addf %add3A_1045, %get3A_1102 : vector<16xf32>
        %add3A_1104 = arith.constant 0 : i32
        %add3A_1105 = arith.addi %add3A_1104, %scan3A_1089 : i32
        %get3A_1106 = arith.index_cast %add3A_1105 : i32 to index
        %get3A_1107 = arith.constant 32 : index
        %get3A_1108 = tpu.vector_load %arg7[%get3A_1106, %get3A_1107] {strides = array<i32>} : memref<50x128xf32, #tpu.memory_space<vmem>>, vector<1x16xf32>,
        %get3A_1109 = vector.shape_cast %get3A_1108 : vector<1x16xf32> to vector<16xf32>
        %add3A_1110 = arith.addf %add3A_1052, %get3A_1109 : vector<16xf32>
        %add3A_1111 = arith.constant 0 : i32
        %add3A_1112 = arith.addi %add3A_1111, %scan3A_1089 : i32
        %get3A_1113 = arith.index_cast %add3A_1112 : i32 to index
        %get3A_1114 = arith.constant 48 : index
        %get3A_1115 = tpu.vector_load %arg7[%get3A_1113, %get3A_1114] {strides = array<i32>} : memref<50x128xf32, #tpu.memory_space<vmem>>, vector<1x16xf32>,
        %get3A_1116 = vector.shape_cast %get3A_1115 : vector<1x16xf32> to vector<16xf32>
        %add3A_1117 = arith.addf %add3A_1059, %get3A_1116 : vector<16xf32>
        %add3A_1118 = arith.constant 0 : i32
        %add3A_1119 = arith.addi %add3A_1118, %scan3A_1089 : i32
        %get3A_1120 = arith.index_cast %add3A_1119 : i32 to index
        %get3A_1121 = arith.constant 64 : index
        %get3A_1122 = tpu.vector_load %arg7[%get3A_1120, %get3A_1121] {strides = array<i32>} : memref<50x128xf32, #tpu.memory_space<vmem>>, vector<1x16xf32>,
        %get3A_1123 = vector.shape_cast %get3A_1122 : vector<1x16xf32> to vector<16xf32>
        %add3A_1124 = arith.addf %add3A_1066, %get3A_1123 : vector<16xf32>
        %add3A_1125 = arith.constant 0 : i32
        %add3A_1126 = arith.addi %add3A_1125, %scan3A_1089 : i32
        %get3A_1127 = arith.index_cast %add3A_1126 : i32 to index
        %get3A_1128 = arith.constant 80 : index
        %get3A_1129 = tpu.vector_load %arg7[%get3A_1127, %get3A_1128] {strides = array<i32>} : memref<50x128xf32, #tpu.memory_space<vmem>>, vector<1x16xf32>,
        %get3A_1130 = vector.shape_cast %get3A_1129 : vector<1x16xf32> to vector<16xf32>
        %add3A_1131 = arith.addf %add3A_1073, %get3A_1130 : vector<16xf32>
        %add3A_1132 = arith.constant 0 : i32
        %add3A_1133 = arith.addi %add3A_1132, %scan3A_1089 : i32
        %get3A_1134 = arith.index_cast %add3A_1133 : i32 to index
        %get3A_1135 = arith.constant 96 : index
        %get3A_1136 = tpu.vector_load %arg7[%get3A_1134, %get3A_1135] {strides = array<i32>} : memref<50x128xf32, #tpu.memory_space<vmem>>, vector<1x16xf32>,
        %get3A_1137 = vector.shape_cast %get3A_1136 : vector<1x16xf32> to vector<16xf32>
        %add3A_1138 = arith.addf %add3A_1080, %get3A_1137 : vector<16xf32>
        %add3A_1139 = arith.constant 0 : i32
        %add3A_1140 = arith.addi %add3A_1139, %scan3A_1089 : i32
        %get3A_1141 = arith.index_cast %add3A_1140 : i32 to index
        %get3A_1142 = arith.constant 112 : index
        %get3A_1143 = tpu.vector_load %arg7[%get3A_1141, %get3A_1142] {strides = array<i32>} : memref<50x128xf32, #tpu.memory_space<vmem>>, vector<1x16xf32>,
        %get3A_1144 = vector.shape_cast %get3A_1143 : vector<1x16xf32> to vector<16xf32>
        %add3A_1145 = arith.addf %add3A_1087, %get3A_1144 : vector<16xf32>
        %scan3A_1146 = arith.constant 2 : i32
        %scan3A_1147 = arith.addi %scan3A_1024, %scan3A_1146 : i32
        %add3A_1148 = arith.constant 0 : i32
        %add3A_1149 = arith.addi %add3A_1148, %scan3A_1147 : i32
        %get3A_1150 = arith.index_cast %add3A_1149 : i32 to index
        %get3A_1151 = arith.constant 0 : index
        %get3A_1152 = tpu.vector_load %arg7[%get3A_1150, %get3A_1151] {strides = array<i32>} : memref<50x128xf32, #tpu.memory_space<vmem>>, vector<1x16xf32>,
        %get3A_1153 = vector.shape_cast %get3A_1152 : vector<1x16xf32> to vector<16xf32>
        %add3A_1154 = arith.addf %add3A_1096, %get3A_1153 : vector<16xf32>
        %add3A_1155 = arith.constant 0 : i32
        %add3A_1156 = arith.addi %add3A_1155, %scan3A_1147 : i32
        %get3A_1157 = arith.index_cast %add3A_1156 : i32 to index
        %get3A_1158 = arith.constant 16 : index
        %get3A_1159 = tpu.vector_load %arg7[%get3A_1157, %get3A_1158] {strides = array<i32>} : memref<50x128xf32, #tpu.memory_space<vmem>>, vector<1x16xf32>,
        %get3A_1160 = vector.shape_cast %get3A_1159 : vector<1x16xf32> to vector<16xf32>
        %add3A_1161 = arith.addf %add3A_1103, %get3A_1160 : vector<16xf32>
        %add3A_1162 = arith.constant 0 : i32
        %add3A_1163 = arith.addi %add3A_1162, %scan3A_1147 : i32
        %get3A_1164 = arith.index_cast %add3A_1163 : i32 to index
        %get3A_1165 = arith.constant 32 : index
        %get3A_1166 = tpu.vector_load %arg7[%get3A_1164, %get3A_1165] {strides = array<i32>} : memref<50x128xf32, #tpu.memory_space<vmem>>, vector<1x16xf32>,
        %get3A_1167 = vector.shape_cast %get3A_1166 : vector<1x16xf32> to vector<16xf32>
        %add3A_1168 = arith.addf %add3A_1110, %get3A_1167 : vector<16xf32>
        %add3A_1169 = arith.constant 0 : i32
        %add3A_1170 = arith.addi %add3A_1169, %scan3A_1147 : i32
        %get3A_1171 = arith.index_cast %add3A_1170 : i32 to index
        %get3A_1172 = arith.constant 48 : index
        %get3A_1173 = tpu.vector_load %arg7[%get3A_1171, %get3A_1172] {strides = array<i32>} : memref<50x128xf32, #tpu.memory_space<vmem>>, vector<1x16xf32>,
        %get3A_1174 = vector.shape_cast %get3A_1173 : vector<1x16xf32> to vector<16xf32>
        %add3A_1175 = arith.addf %add3A_1117, %get3A_1174 : vector<16xf32>
        %add3A_1176 = arith.constant 0 : i32
        %add3A_1177 = arith.addi %add3A_1176, %scan3A_1147 : i32
        %get3A_1178 = arith.index_cast %add3A_1177 : i32 to index
        %get3A_1179 = arith.constant 64 : index
        %get3A_1180 = tpu.vector_load %arg7[%get3A_1178, %get3A_1179] {strides = array<i32>} : memref<50x128xf32, #tpu.memory_space<vmem>>, vector<1x16xf32>,
        %get3A_1181 = vector.shape_cast %get3A_1180 : vector<1x16xf32> to vector<16xf32>
        %add3A_1182 = arith.addf %add3A_1124, %get3A_1181 : vector<16xf32>
        %add3A_1183 = arith.constant 0 : i32
        %add3A_1184 = arith.addi %add3A_1183, %scan3A_1147 : i32
        %get3A_1185 = arith.index_cast %add3A_1184 : i32 to index
        %get3A_1186 = arith.constant 80 : index
        %get3A_1187 = tpu.vector_load %arg7[%get3A_1185, %get3A_1186] {strides = array<i32>} : memref<50x128xf32, #tpu.memory_space<vmem>>, vector<1x16xf32>,
        %get3A_1188 = vector.shape_cast %get3A_1187 : vector<1x16xf32> to vector<16xf32>
        %add3A_1189 = arith.addf %add3A_1131, %get3A_1188 : vector<16xf32>
        %add3A_1190 = arith.constant 0 : i32
        %add3A_1191 = arith.addi %add3A_1190, %scan3A_1147 : i32
        %get3A_1192 = arith.index_cast %add3A_1191 : i32 to index
        %get3A_1193 = arith.constant 96 : index
        %get3A_1194 = tpu.vector_load %arg7[%get3A_1192, %get3A_1193] {strides = array<i32>} : memref<50x128xf32, #tpu.memory_space<vmem>>, vector<1x16xf32>,
        %get3A_1195 = vector.shape_cast %get3A_1194 : vector<1x16xf32> to vector<16xf32>
        %add3A_1196 = arith.addf %add3A_1138, %get3A_1195 : vector<16xf32>
        %add3A_1197 = arith.constant 0 : i32
        %add3A_1198 = arith.addi %add3A_1197, %scan3A_1147 : i32
        %get3A_1199 = arith.index_cast %add3A_1198 : i32 to index
        %get3A_1200 = arith.constant 112 : index
        %get3A_1201 = tpu.vector_load %arg7[%get3A_1199, %get3A_1200] {strides = array<i32>} : memref<50x128xf32, #tpu.memory_space<vmem>>, vector<1x16xf32>,
        %get3A_1202 = vector.shape_cast %get3A_1201 : vector<1x16xf32> to vector<16xf32>
        %add3A_1203 = arith.addf %add3A_1145, %get3A_1202 : vector<16xf32>
        %scan3A_1204 = arith.constant 3 : i32
        %scan3A_1205 = arith.addi %scan3A_1024, %scan3A_1204 : i32
        %add3A_1206 = arith.constant 0 : i32
        %add3A_1207 = arith.addi %add3A_1206, %scan3A_1205 : i32
        %get3A_1208 = arith.index_cast %add3A_1207 : i32 to index
        %get3A_1209 = arith.constant 0 : index
        %get3A_1210 = tpu.vector_load %arg7[%get3A_1208, %get3A_1209] {strides = array<i32>} : memref<50x128xf32, #tpu.memory_space<vmem>>, vector<1x16xf32>,
        %get3A_1211 = vector.shape_cast %get3A_1210 : vector<1x16xf32> to vector<16xf32>
        %add3A_1212 = arith.addf %add3A_1154, %get3A_1211 : vector<16xf32>
        %add3A_1213 = arith.constant 0 : i32
        %add3A_1214 = arith.addi %add3A_1213, %scan3A_1205 : i32
        %get3A_1215 = arith.index_cast %add3A_1214 : i32 to index
        %get3A_1216 = arith.constant 16 : index
        %get3A_1217 = tpu.vector_load %arg7[%get3A_1215, %get3A_1216] {strides = array<i32>} : memref<50x128xf32, #tpu.memory_space<vmem>>, vector<1x16xf32>,
        %get3A_1218 = vector.shape_cast %get3A_1217 : vector<1x16xf32> to vector<16xf32>
        %add3A_1219 = arith.addf %add3A_1161, %get3A_1218 : vector<16xf32>
        %add3A_1220 = arith.constant 0 : i32
        %add3A_1221 = arith.addi %add3A_1220, %scan3A_1205 : i32
        %get3A_1222 = arith.index_cast %add3A_1221 : i32 to index
        %get3A_1223 = arith.constant 32 : index
        %get3A_1224 = tpu.vector_load %arg7[%get3A_1222, %get3A_1223] {strides = array<i32>} : memref<50x128xf32, #tpu.memory_space<vmem>>, vector<1x16xf32>,
        %get3A_1225 = vector.shape_cast %get3A_1224 : vector<1x16xf32> to vector<16xf32>
        %add3A_1226 = arith.addf %add3A_1168, %get3A_1225 : vector<16xf32>
        %add3A_1227 = arith.constant 0 : i32
        %add3A_1228 = arith.addi %add3A_1227, %scan3A_1205 : i32
        %get3A_1229 = arith.index_cast %add3A_1228 : i32 to index
        %get3A_1230 = arith.constant 48 : index
        %get3A_1231 = tpu.vector_load %arg7[%get3A_1229, %get3A_1230] {strides = array<i32>} : memref<50x128xf32, #tpu.memory_space<vmem>>, vector<1x16xf32>,
        %get3A_1232 = vector.shape_cast %get3A_1231 : vector<1x16xf32> to vector<16xf32>
        %add3A_1233 = arith.addf %add3A_1175, %get3A_1232 : vector<16xf32>
        %add3A_1234 = arith.constant 0 : i32
        %add3A_1235 = arith.addi %add3A_1234, %scan3A_1205 : i32
        %get3A_1236 = arith.index_cast %add3A_1235 : i32 to index
        %get3A_1237 = arith.constant 64 : index
        %get3A_1238 = tpu.vector_load %arg7[%get3A_1236, %get3A_1237] {strides = array<i32>} : memref<50x128xf32, #tpu.memory_space<vmem>>, vector<1x16xf32>,
        %get3A_1239 = vector.shape_cast %get3A_1238 : vector<1x16xf32> to vector<16xf32>
        %add3A_1240 = arith.addf %add3A_1182, %get3A_1239 : vector<16xf32>
        %add3A_1241 = arith.constant 0 : i32
        %add3A_1242 = arith.addi %add3A_1241, %scan3A_1205 : i32
        %get3A_1243 = arith.index_cast %add3A_1242 : i32 to index
        %get3A_1244 = arith.constant 80 : index
        %get3A_1245 = tpu.vector_load %arg7[%get3A_1243, %get3A_1244] {strides = array<i32>} : memref<50x128xf32, #tpu.memory_space<vmem>>, vector<1x16xf32>,
        %get3A_1246 = vector.shape_cast %get3A_1245 : vector<1x16xf32> to vector<16xf32>
        %add3A_1247 = arith.addf %add3A_1189, %get3A_1246 : vector<16xf32>
        %add3A_1248 = arith.constant 0 : i32
        %add3A_1249 = arith.addi %add3A_1248, %scan3A_1205 : i32
        %get3A_1250 = arith.index_cast %add3A_1249 : i32 to index
        %get3A_1251 = arith.constant 96 : index
        %get3A_1252 = tpu.vector_load %arg7[%get3A_1250, %get3A_1251] {strides = array<i32>} : memref<50x128xf32, #tpu.memory_space<vmem>>, vector<1x16xf32>,
        %get3A_1253 = vector.shape_cast %get3A_1252 : vector<1x16xf32> to vector<16xf32>
        %add3A_1254 = arith.addf %add3A_1196, %get3A_1253 : vector<16xf32>
        %add3A_1255 = arith.constant 0 : i32
        %add3A_1256 = arith.addi %add3A_1255, %scan3A_1205 : i32
        %get3A_1257 = arith.index_cast %add3A_1256 : i32 to index
        %get3A_1258 = arith.constant 112 : index
        %get3A_1259 = tpu.vector_load %arg7[%get3A_1257, %get3A_1258] {strides = array<i32>} : memref<50x128xf32, #tpu.memory_space<vmem>>, vector<1x16xf32>,
        %get3A_1260 = vector.shape_cast %get3A_1259 : vector<1x16xf32> to vector<16xf32>
        %add3A_1261 = arith.addf %add3A_1203, %get3A_1260 : vector<16xf32>
        %scan3A_1262 = arith.constant 4 : i32
        %scan3A_1263 = arith.addi %scan3A_1024, %scan3A_1262 : i32
        %add3A_1264 = arith.constant 0 : i32
        %add3A_1265 = arith.addi %add3A_1264, %scan3A_1263 : i32
        %get3A_1266 = arith.index_cast %add3A_1265 : i32 to index
        %get3A_1267 = arith.constant 0 : index
        %get3A_1268 = tpu.vector_load %arg7[%get3A_1266, %get3A_1267] {strides = array<i32>} : memref<50x128xf32, #tpu.memory_space<vmem>>, vector<1x16xf32>,
        %get3A_1269 = vector.shape_cast %get3A_1268 : vector<1x16xf32> to vector<16xf32>
        %add3A_1270 = arith.addf %add3A_1212, %get3A_1269 : vector<16xf32>
        %add3A_1271 = arith.constant 0 : i32
        %add3A_1272 = arith.addi %add3A_1271, %scan3A_1263 : i32
        %get3A_1273 = arith.index_cast %add3A_1272 : i32 to index
        %get3A_1274 = arith.constant 16 : index
        %get3A_1275 = tpu.vector_load %arg7[%get3A_1273, %get3A_1274] {strides = array<i32>} : memref<50x128xf32, #tpu.memory_space<vmem>>, vector<1x16xf32>,
        %get3A_1276 = vector.shape_cast %get3A_1275 : vector<1x16xf32> to vector<16xf32>
        %add3A_1277 = arith.addf %add3A_1219, %get3A_1276 : vector<16xf32>
        %add3A_1278 = arith.constant 0 : i32
        %add3A_1279 = arith.addi %add3A_1278, %scan3A_1263 : i32
        %get3A_1280 = arith.index_cast %add3A_1279 : i32 to index
        %get3A_1281 = arith.constant 32 : index
        %get3A_1282 = tpu.vector_load %arg7[%get3A_1280, %get3A_1281] {strides = array<i32>} : memref<50x128xf32, #tpu.memory_space<vmem>>, vector<1x16xf32>,
        %get3A_1283 = vector.shape_cast %get3A_1282 : vector<1x16xf32> to vector<16xf32>
        %add3A_1284 = arith.addf %add3A_1226, %get3A_1283 : vector<16xf32>
        %add3A_1285 = arith.constant 0 : i32
        %add3A_1286 = arith.addi %add3A_1285, %scan3A_1263 : i32
        %get3A_1287 = arith.index_cast %add3A_1286 : i32 to index
        %get3A_1288 = arith.constant 48 : index
        %get3A_1289 = tpu.vector_load %arg7[%get3A_1287, %get3A_1288] {strides = array<i32>} : memref<50x128xf32, #tpu.memory_space<vmem>>, vector<1x16xf32>,
        %get3A_1290 = vector.shape_cast %get3A_1289 : vector<1x16xf32> to vector<16xf32>
        %add3A_1291 = arith.addf %add3A_1233, %get3A_1290 : vector<16xf32>
        %add3A_1292 = arith.constant 0 : i32
        %add3A_1293 = arith.addi %add3A_1292, %scan3A_1263 : i32
        %get3A_1294 = arith.index_cast %add3A_1293 : i32 to index
        %get3A_1295 = arith.constant 64 : index
        %get3A_1296 = tpu.vector_load %arg7[%get3A_1294, %get3A_1295] {strides = array<i32>} : memref<50x128xf32, #tpu.memory_space<vmem>>, vector<1x16xf32>,
        %get3A_1297 = vector.shape_cast %get3A_1296 : vector<1x16xf32> to vector<16xf32>
        %add3A_1298 = arith.addf %add3A_1240, %get3A_1297 : vector<16xf32>
        %add3A_1299 = arith.constant 0 : i32
        %add3A_1300 = arith.addi %add3A_1299, %scan3A_1263 : i32
        %get3A_1301 = arith.index_cast %add3A_1300 : i32 to index
        %get3A_1302 = arith.constant 80 : index
        %get3A_1303 = tpu.vector_load %arg7[%get3A_1301, %get3A_1302] {strides = array<i32>} : memref<50x128xf32, #tpu.memory_space<vmem>>, vector<1x16xf32>,
        %get3A_1304 = vector.shape_cast %get3A_1303 : vector<1x16xf32> to vector<16xf32>
        %add3A_1305 = arith.addf %add3A_1247, %get3A_1304 : vector<16xf32>
        %add3A_1306 = arith.constant 0 : i32
        %add3A_1307 = arith.addi %add3A_1306, %scan3A_1263 : i32
        %get3A_1308 = arith.index_cast %add3A_1307 : i32 to index
        %get3A_1309 = arith.constant 96 : index
        %get3A_1310 = tpu.vector_load %arg7[%get3A_1308, %get3A_1309] {strides = array<i32>} : memref<50x128xf32, #tpu.memory_space<vmem>>, vector<1x16xf32>,
        %get3A_1311 = vector.shape_cast %get3A_1310 : vector<1x16xf32> to vector<16xf32>
        %add3A_1312 = arith.addf %add3A_1254, %get3A_1311 : vector<16xf32>
        %add3A_1313 = arith.constant 0 : i32
        %add3A_1314 = arith.addi %add3A_1313, %scan3A_1263 : i32
        %get3A_1315 = arith.index_cast %add3A_1314 : i32 to index
        %get3A_1316 = arith.constant 112 : index
        %get3A_1317 = tpu.vector_load %arg7[%get3A_1315, %get3A_1316] {strides = array<i32>} : memref<50x128xf32, #tpu.memory_space<vmem>>, vector<1x16xf32>,
        %get3A_1318 = vector.shape_cast %get3A_1317 : vector<1x16xf32> to vector<16xf32>
        %add3A_1319 = arith.addf %add3A_1261, %get3A_1318 : vector<16xf32>
        scf.yield %add3A_1270, %add3A_1277, %add3A_1284, %add3A_1291, %add3A_1298, %add3A_1305, %add3A_1312, %add3A_1319 : vector<16xf32>, vector<16xf32>, vector<16xf32>, vector<16xf32>, vector<16xf32>, vector<16xf32>, vector<16xf32>, vector<16xf32>
      }
      %scan3A_147 = arith.constant 50 : i32
      %mul3A_148 = arith.constant 1 : i32
      %mul3A_149 = arith.muli %add3A_126, %mul3A_148 : i32
      %add3A_150 = arith.constant 0 : i32
      %add3A_151 = arith.addi %mul3A_149, %add3A_150 : i32
      %swap3A = arith.index_cast %add3A_151 : i32 to index
      %swap3A_152 = arith.constant 0 : index
      %swap3A_153 = tpu.vector_load %arg6[%swap3A, %swap3A_152] {strides = array<i32>} : memref<128x128xf32, #tpu.memory_space<vmem>>, vector<1x16xf32>,
      %swap3A_154 = vector.shape_cast %swap3A_153 : vector<1x16xf32> to vector<16xf32>
      %swap3A_155 = vector.shape_cast %scan3A_146#0 : vector<16xf32> to vector<1x16xf32>
      tpu.vector_store %arg6[%swap3A, %swap3A_152], %swap3A_155 {strides = array<i32>} : memref<128x128xf32, #tpu.memory_space<vmem>>, vector<1x16xf32>,
      %mul3A_156 = arith.constant 1 : i32
      %mul3A_157 = arith.muli %add3A_126, %mul3A_156 : i32
      %add3A_158 = arith.constant 0 : i32
      %add3A_159 = arith.addi %mul3A_157, %add3A_158 : i32
      %swap3A_160 = arith.index_cast %add3A_159 : i32 to index
      %swap3A_161 = arith.constant 16 : index
      %swap3A_162 = tpu.vector_load %arg6[%swap3A_160, %swap3A_161] {strides = array<i32>} : memref<128x128xf32, #tpu.memory_space<vmem>>, vector<1x16xf32>,
      %swap3A_163 = vector.shape_cast %swap3A_162 : vector<1x16xf32> to vector<16xf32>
      %swap3A_164 = vector.shape_cast %scan3A_146#1 : vector<16xf32> to vector<1x16xf32>
      tpu.vector_store %arg6[%swap3A_160, %swap3A_161], %swap3A_164 {strides = array<i32>} : memref<128x128xf32, #tpu.memory_space<vmem>>, vector<1x16xf32>,
      %mul3A_165 = arith.constant 1 : i32
      %mul3A_166 = arith.muli %add3A_126, %mul3A_165 : i32
      %add3A_167 = arith.constant 0 : i32
      %add3A_168 = arith.addi %mul3A_166, %add3A_167 : i32
      %swap3A_169 = arith.index_cast %add3A_168 : i32 to index
      %swap3A_170 = arith.constant 32 : index
      %swap3A_171 = tpu.vector_load %arg6[%swap3A_169, %swap3A_170] {strides = array<i32>} : memref<128x128xf32, #tpu.memory_space<vmem>>, vector<1x16xf32>,
      %swap3A_172 = vector.shape_cast %swap3A_171 : vector<1x16xf32> to vector<16xf32>
      %swap3A_173 = vector.shape_cast %scan3A_146#2 : vector<16xf32> to vector<1x16xf32>
      tpu.vector_store %arg6[%swap3A_169, %swap3A_170], %swap3A_173 {strides = array<i32>} : memref<128x128xf32, #tpu.memory_space<vmem>>, vector<1x16xf32>,
      %mul3A_174 = arith.constant 1 : i32
      %mul3A_175 = arith.muli %add3A_126, %mul3A_174 : i32
      %add3A_176 = arith.constant 0 : i32
      %add3A_177 = arith.addi %mul3A_175, %add3A_176 : i32
      %swap3A_178 = arith.index_cast %add3A_177 : i32 to index
      %swap3A_179 = arith.constant 48 : index
      %swap3A_180 = tpu.vector_load %arg6[%swap3A_178, %swap3A_179] {strides = array<i32>} : memref<128x128xf32, #tpu.memory_space<vmem>>, vector<1x16xf32>,
      %swap3A_181 = vector.shape_cast %swap3A_180 : vector<1x16xf32> to vector<16xf32>
      %swap3A_182 = vector.shape_cast %scan3A_146#3 : vector<16xf32> to vector<1x16xf32>
      tpu.vector_store %arg6[%swap3A_178, %swap3A_179], %swap3A_182 {strides = array<i32>} : memref<128x128xf32, #tpu.memory_space<vmem>>, vector<1x16xf32>,
      %mul3A_183 = arith.constant 1 : i32
      %mul3A_184 = arith.muli %add3A_126, %mul3A_183 : i32
      %add3A_185 = arith.constant 0 : i32
      %add3A_186 = arith.addi %mul3A_184, %add3A_185 : i32
      %swap3A_187 = arith.index_cast %add3A_186 : i32 to index
      %swap3A_188 = arith.constant 64 : index
      %swap3A_189 = tpu.vector_load %arg6[%swap3A_187, %swap3A_188] {strides = array<i32>} : memref<128x128xf32, #tpu.memory_space<vmem>>, vector<1x16xf32>,
      %swap3A_190 = vector.shape_cast %swap3A_189 : vector<1x16xf32> to vector<16xf32>
      %swap3A_191 = vector.shape_cast %scan3A_146#4 : vector<16xf32> to vector<1x16xf32>
      tpu.vector_store %arg6[%swap3A_187, %swap3A_188], %swap3A_191 {strides = array<i32>} : memref<128x128xf32, #tpu.memory_space<vmem>>, vector<1x16xf32>,
      %mul3A_192 = arith.constant 1 : i32
      %mul3A_193 = arith.muli %add3A_126, %mul3A_192 : i32
      %add3A_194 = arith.constant 0 : i32
      %add3A_195 = arith.addi %mul3A_193, %add3A_194 : i32
      %swap3A_196 = arith.index_cast %add3A_195 : i32 to index
      %swap3A_197 = arith.constant 80 : index
      %swap3A_198 = tpu.vector_load %arg6[%swap3A_196, %swap3A_197] {strides = array<i32>} : memref<128x128xf32, #tpu.memory_space<vmem>>, vector<1x16xf32>,
      %swap3A_199 = vector.shape_cast %swap3A_198 : vector<1x16xf32> to vector<16xf32>
      %swap3A_200 = vector.shape_cast %scan3A_146#5 : vector<16xf32> to vector<1x16xf32>
      tpu.vector_store %arg6[%swap3A_196, %swap3A_197], %swap3A_200 {strides = array<i32>} : memref<128x128xf32, #tpu.memory_space<vmem>>, vector<1x16xf32>,
      %mul3A_201 = arith.constant 1 : i32
      %mul3A_202 = arith.muli %add3A_126, %mul3A_201 : i32
      %add3A_203 = arith.constant 0 : i32
      %add3A_204 = arith.addi %mul3A_202, %add3A_203 : i32
      %swap3A_205 = arith.index_cast %add3A_204 : i32 to index
      %swap3A_206 = arith.constant 96 : index
      %swap3A_207 = tpu.vector_load %arg6[%swap3A_205, %swap3A_206] {strides = array<i32>} : memref<128x128xf32, #tpu.memory_space<vmem>>, vector<1x16xf32>,
      %swap3A_208 = vector.shape_cast %swap3A_207 : vector<1x16xf32> to vector<16xf32>
      %swap3A_209 = vector.shape_cast %scan3A_146#6 : vector<16xf32> to vector<1x16xf32>
      tpu.vector_store %arg6[%swap3A_205, %swap3A_206], %swap3A_209 {strides = array<i32>} : memref<128x128xf32, #tpu.memory_space<vmem>>, vector<1x16xf32>,
      %mul3A_210 = arith.constant 1 : i32
      %mul3A_211 = arith.muli %add3A_126, %mul3A_210 : i32
      %add3A_212 = arith.constant 0 : i32
      %add3A_213 = arith.addi %mul3A_211, %add3A_212 : i32
      %swap3A_214 = arith.index_cast %add3A_213 : i32 to index
      %swap3A_215 = arith.constant 112 : index
      %swap3A_216 = tpu.vector_load %arg6[%swap3A_214, %swap3A_215] {strides = array<i32>} : memref<128x128xf32, #tpu.memory_space<vmem>>, vector<1x16xf32>,
      %swap3A_217 = vector.shape_cast %swap3A_216 : vector<1x16xf32> to vector<16xf32>
      %swap3A_218 = vector.shape_cast %scan3A_146#7 : vector<16xf32> to vector<1x16xf32>
      tpu.vector_store %arg6[%swap3A_214, %swap3A_215], %swap3A_218 {strides = array<i32>} : memref<128x128xf32, #tpu.memory_space<vmem>>, vector<1x16xf32>,
      %add3A_219 = arith.constant 1 : i32
      %add3A_220 = arith.addi %mul3A_105, %add3A_219 : i32
      %add3A_221 = arith.constant 6 : i32
      %add3A_222 = arith.addi %add3A_220, %add3A_221 : i32
      %min3A_223 = arith.constant 127 : i32
      %min3A_224 = arith.minsi %add3A_222, %min3A_223 : i32
      %dma_start3A_225 = arith.constant 0 : i32
      %dma_start3A_226 = tpu.memref_slice %arg5[%min3A_224, %dma_start3A_225] : memref<128x50xi32, #tpu.memory_space<vmem>> -> memref<1x50xi32, #tpu.memory_space<vmem>>
      %dma_start3A_227 = tpu.memref_squeeze %dma_start3A_226 : memref<1x50xi32, #tpu.memory_space<vmem>> -> memref<50xi32, #tpu.memory_space<vmem>>
      %dma_start3A_228 = arith.constant 0 : i32
      %dma_start3A_229 = arith.constant 0 : i32
      %dma_start3A_230 = tpu.memref_slice %arg3[%dma_start3A_228, %dma_start3A_229] : memref<100000x128xf32, #tpu.memory_space<hbm>> -> memref<100000x128xf32, #tpu.memory_space<hbm>>
      tpu.enqueue_indirect_dma source(%dma_start3A_230 : memref<100000x128xf32, #tpu.memory_space<hbm>>) target(%arg14 : memref<50x128xf32, #tpu.memory_space<vmem>>) offsets(%dma_start3A_227 : memref<50xi32, #tpu.memory_space<vmem>>) semaphore(%arg22 : memref<!tpu.dma_semaphore, #tpu.memory_space<semaphore_mem>>)
      %dma_wait3A_231 = arith.constant 0 : i32
      %dma_wait3A_232 = arith.constant 0 : i32
      %dma_wait3A_233 = tpu.memref_slice %arg5[%dma_wait3A_231, %dma_wait3A_232] : memref<128x50xi32, #tpu.memory_space<vmem>> -> memref<1x50xi32, #tpu.memory_space<vmem>>
      %dma_wait3A_234 = tpu.memref_squeeze %dma_wait3A_233 : memref<1x50xi32, #tpu.memory_space<vmem>> -> memref<50xi32, #tpu.memory_space<vmem>>
      %dma_wait3A_235 = arith.constant 0 : i32
      %dma_wait3A_236 = arith.constant 0 : i32
      %dma_wait3A_237 = tpu.memref_slice %arg3[%dma_wait3A_235, %dma_wait3A_236] : memref<100000x128xf32, #tpu.memory_space<hbm>> -> memref<100000x128xf32, #tpu.memory_space<hbm>>
      tpu.wait_indirect_dma semaphore(%arg16 : memref<!tpu.dma_semaphore, #tpu.memory_space<semaphore_mem>>) src(%dma_wait3A_237 : memref<100000x128xf32, #tpu.memory_space<hbm>>) dst(%arg8 : memref<50x128xf32, #tpu.memory_space<vmem>>)
      %add3A_238 = arith.constant 1 : i32
      %add3A_239 = arith.addi %mul3A_105, %add3A_238 : i32
      %broadcast_in_dim3A_240 = arith.constant 0.000000e+00 : f32
      %broadcast_in_dim3A_241 = vector.broadcast %broadcast_in_dim3A_240 : f32 to vector<16xf32>
      %broadcast_in_dim3A_242 = arith.constant 0.000000e+00 : f32
      %broadcast_in_dim3A_243 = vector.broadcast %broadcast_in_dim3A_242 : f32 to vector<16xf32>
      %broadcast_in_dim3A_244 = arith.constant 0.000000e+00 : f32
      %broadcast_in_dim3A_245 = vector.broadcast %broadcast_in_dim3A_244 : f32 to vector<16xf32>
      %broadcast_in_dim3A_246 = arith.constant 0.000000e+00 : f32
      %broadcast_in_dim3A_247 = vector.broadcast %broadcast_in_dim3A_246 : f32 to vector<16xf32>
      %broadcast_in_dim3A_248 = arith.constant 0.000000e+00 : f32
      %broadcast_in_dim3A_249 = vector.broadcast %broadcast_in_dim3A_248 : f32 to vector<16xf32>
      %broadcast_in_dim3A_250 = arith.constant 0.000000e+00 : f32
      %broadcast_in_dim3A_251 = vector.broadcast %broadcast_in_dim3A_250 : f32 to vector<16xf32>
      %broadcast_in_dim3A_252 = arith.constant 0.000000e+00 : f32
      %broadcast_in_dim3A_253 = vector.broadcast %broadcast_in_dim3A_252 : f32 to vector<16xf32>
      %broadcast_in_dim3A_254 = arith.constant 0.000000e+00 : f32
      %broadcast_in_dim3A_255 = vector.broadcast %broadcast_in_dim3A_254 : f32 to vector<16xf32>
      %scan3A_256 = arith.constant 0 : i32
      %scan3A_257 = arith.constant 50 : i32
      %scan3A_258 = arith.addi %scan3A_256, %scan3A_257 : i32
      %scan3A_259 = arith.constant 5 : i32
      %scan3A_260:8 = scf.for %scan3A_1024 = %scan3A_256 to %scan3A_258 step %scan3A_259 iter_args(%scan3A_1025 = %broadcast_in_dim3A_241, %scan3A_1026 = %broadcast_in_dim3A_243, %scan3A_1027 = %broadcast_in_dim3A_245, %scan3A_1028 = %broadcast_in_dim3A_247, %scan3A_1029 = %broadcast_in_dim3A_249, %scan3A_1030 = %broadcast_in_dim3A_251, %scan3A_1031 = %broadcast_in_dim3A_253, %scan3A_1032 = %broadcast_in_dim3A_255) -> (vector<16xf32>, vector<16xf32>, vector<16xf32>, vector<16xf32>, vector<16xf32>, vector<16xf32>, vector<16xf32>, vector<16xf32>)  : i32 {
        %add3A_1033 = arith.constant 0 : i32
        %add3A_1034 = arith.addi %add3A_1033, %scan3A_1024 : i32
        %get3A = arith.index_cast %add3A_1034 : i32 to index
        %get3A_1035 = arith.constant 0 : index
        %get3A_1036 = tpu.vector_load %arg8[%get3A, %get3A_1035] {strides = array<i32>} : memref<50x128xf32, #tpu.memory_space<vmem>>, vector<1x16xf32>,
        %get3A_1037 = vector.shape_cast %get3A_1036 : vector<1x16xf32> to vector<16xf32>
        %add3A_1038 = arith.addf %scan3A_1025, %get3A_1037 : vector<16xf32>
        %add3A_1039 = arith.constant 0 : i32
        %add3A_1040 = arith.addi %add3A_1039, %scan3A_1024 : i32
        %get3A_1041 = arith.index_cast %add3A_1040 : i32 to index
        %get3A_1042 = arith.constant 16 : index
        %get3A_1043 = tpu.vector_load %arg8[%get3A_1041, %get3A_1042] {strides = array<i32>} : memref<50x128xf32, #tpu.memory_space<vmem>>, vector<1x16xf32>,
        %get3A_1044 = vector.shape_cast %get3A_1043 : vector<1x16xf32> to vector<16xf32>
        %add3A_1045 = arith.addf %scan3A_1026, %get3A_1044 : vector<16xf32>
        %add3A_1046 = arith.constant 0 : i32
        %add3A_1047 = arith.addi %add3A_1046, %scan3A_1024 : i32
        %get3A_1048 = arith.index_cast %add3A_1047 : i32 to index
        %get3A_1049 = arith.constant 32 : index
        %get3A_1050 = tpu.vector_load %arg8[%get3A_1048, %get3A_1049] {strides = array<i32>} : memref<50x128xf32, #tpu.memory_space<vmem>>, vector<1x16xf32>,
        %get3A_1051 = vector.shape_cast %get3A_1050 : vector<1x16xf32> to vector<16xf32>
        %add3A_1052 = arith.addf %scan3A_1027, %get3A_1051 : vector<16xf32>
        %add3A_1053 = arith.constant 0 : i32
        %add3A_1054 = arith.addi %add3A_1053, %scan3A_1024 : i32
        %get3A_1055 = arith.index_cast %add3A_1054 : i32 to index
        %get3A_1056 = arith.constant 48 : index
        %get3A_1057 = tpu.vector_load %arg8[%get3A_1055, %get3A_1056] {strides = array<i32>} : memref<50x128xf32, #tpu.memory_space<vmem>>, vector<1x16xf32>,
        %get3A_1058 = vector.shape_cast %get3A_1057 : vector<1x16xf32> to vector<16xf32>
        %add3A_1059 = arith.addf %scan3A_1028, %get3A_1058 : vector<16xf32>
        %add3A_1060 = arith.constant 0 : i32
        %add3A_1061 = arith.addi %add3A_1060, %scan3A_1024 : i32
        %get3A_1062 = arith.index_cast %add3A_1061 : i32 to index
        %get3A_1063 = arith.constant 64 : index
        %get3A_1064 = tpu.vector_load %arg8[%get3A_1062, %get3A_1063] {strides = array<i32>} : memref<50x128xf32, #tpu.memory_space<vmem>>, vector<1x16xf32>,
        %get3A_1065 = vector.shape_cast %get3A_1064 : vector<1x16xf32> to vector<16xf32>
        %add3A_1066 = arith.addf %scan3A_1029, %get3A_1065 : vector<16xf32>
        %add3A_1067 = arith.constant 0 : i32
        %add3A_1068 = arith.addi %add3A_1067, %scan3A_1024 : i32
        %get3A_1069 = arith.index_cast %add3A_1068 : i32 to index
        %get3A_1070 = arith.constant 80 : index
        %get3A_1071 = tpu.vector_load %arg8[%get3A_1069, %get3A_1070] {strides = array<i32>} : memref<50x128xf32, #tpu.memory_space<vmem>>, vector<1x16xf32>,
        %get3A_1072 = vector.shape_cast %get3A_1071 : vector<1x16xf32> to vector<16xf32>
        %add3A_1073 = arith.addf %scan3A_1030, %get3A_1072 : vector<16xf32>
        %add3A_1074 = arith.constant 0 : i32
        %add3A_1075 = arith.addi %add3A_1074, %scan3A_1024 : i32
        %get3A_1076 = arith.index_cast %add3A_1075 : i32 to index
        %get3A_1077 = arith.constant 96 : index
        %get3A_1078 = tpu.vector_load %arg8[%get3A_1076, %get3A_1077] {strides = array<i32>} : memref<50x128xf32, #tpu.memory_space<vmem>>, vector<1x16xf32>,
        %get3A_1079 = vector.shape_cast %get3A_1078 : vector<1x16xf32> to vector<16xf32>
        %add3A_1080 = arith.addf %scan3A_1031, %get3A_1079 : vector<16xf32>
        %add3A_1081 = arith.constant 0 : i32
        %add3A_1082 = arith.addi %add3A_1081, %scan3A_1024 : i32
        %get3A_1083 = arith.index_cast %add3A_1082 : i32 to index
        %get3A_1084 = arith.constant 112 : index
        %get3A_1085 = tpu.vector_load %arg8[%get3A_1083, %get3A_1084] {strides = array<i32>} : memref<50x128xf32, #tpu.memory_space<vmem>>, vector<1x16xf32>,
        %get3A_1086 = vector.shape_cast %get3A_1085 : vector<1x16xf32> to vector<16xf32>
        %add3A_1087 = arith.addf %scan3A_1032, %get3A_1086 : vector<16xf32>
        %scan3A_1088 = arith.constant 1 : i32
        %scan3A_1089 = arith.addi %scan3A_1024, %scan3A_1088 : i32
        %add3A_1090 = arith.constant 0 : i32
        %add3A_1091 = arith.addi %add3A_1090, %scan3A_1089 : i32
        %get3A_1092 = arith.index_cast %add3A_1091 : i32 to index
        %get3A_1093 = arith.constant 0 : index
        %get3A_1094 = tpu.vector_load %arg8[%get3A_1092, %get3A_1093] {strides = array<i32>} : memref<50x128xf32, #tpu.memory_space<vmem>>, vector<1x16xf32>,
        %get3A_1095 = vector.shape_cast %get3A_1094 : vector<1x16xf32> to vector<16xf32>
        %add3A_1096 = arith.addf %add3A_1038, %get3A_1095 : vector<16xf32>
        %add3A_1097 = arith.constant 0 : i32
        %add3A_1098 = arith.addi %add3A_1097, %scan3A_1089 : i32
        %get3A_1099 = arith.index_cast %add3A_1098 : i32 to index
        %get3A_1100 = arith.constant 16 : index
        %get3A_1101 = tpu.vector_load %arg8[%get3A_1099, %get3A_1100] {strides = array<i32>} : memref<50x128xf32, #tpu.memory_space<vmem>>, vector<1x16xf32>,
        %get3A_1102 = vector.shape_cast %get3A_1101 : vector<1x16xf32> to vector<16xf32>
        %add3A_1103 = arith.addf %add3A_1045, %get3A_1102 : vector<16xf32>
        %add3A_1104 = arith.constant 0 : i32
        %add3A_1105 = arith.addi %add3A_1104, %scan3A_1089 : i32
        %get3A_1106 = arith.index_cast %add3A_1105 : i32 to index
        %get3A_1107 = arith.constant 32 : index
        %get3A_1108 = tpu.vector_load %arg8[%get3A_1106, %get3A_1107] {strides = array<i32>} : memref<50x128xf32, #tpu.memory_space<vmem>>, vector<1x16xf32>,
        %get3A_1109 = vector.shape_cast %get3A_1108 : vector<1x16xf32> to vector<16xf32>
        %add3A_1110 = arith.addf %add3A_1052, %get3A_1109 : vector<16xf32>
        %add3A_1111 = arith.constant 0 : i32
        %add3A_1112 = arith.addi %add3A_1111, %scan3A_1089 : i32
        %get3A_1113 = arith.index_cast %add3A_1112 : i32 to index
        %get3A_1114 = arith.constant 48 : index
        %get3A_1115 = tpu.vector_load %arg8[%get3A_1113, %get3A_1114] {strides = array<i32>} : memref<50x128xf32, #tpu.memory_space<vmem>>, vector<1x16xf32>,
        %get3A_1116 = vector.shape_cast %get3A_1115 : vector<1x16xf32> to vector<16xf32>
        %add3A_1117 = arith.addf %add3A_1059, %get3A_1116 : vector<16xf32>
        %add3A_1118 = arith.constant 0 : i32
        %add3A_1119 = arith.addi %add3A_1118, %scan3A_1089 : i32
        %get3A_1120 = arith.index_cast %add3A_1119 : i32 to index
        %get3A_1121 = arith.constant 64 : index
        %get3A_1122 = tpu.vector_load %arg8[%get3A_1120, %get3A_1121] {strides = array<i32>} : memref<50x128xf32, #tpu.memory_space<vmem>>, vector<1x16xf32>,
        %get3A_1123 = vector.shape_cast %get3A_1122 : vector<1x16xf32> to vector<16xf32>
        %add3A_1124 = arith.addf %add3A_1066, %get3A_1123 : vector<16xf32>
        %add3A_1125 = arith.constant 0 : i32
        %add3A_1126 = arith.addi %add3A_1125, %scan3A_1089 : i32
        %get3A_1127 = arith.index_cast %add3A_1126 : i32 to index
        %get3A_1128 = arith.constant 80 : index
        %get3A_1129 = tpu.vector_load %arg8[%get3A_1127, %get3A_1128] {strides = array<i32>} : memref<50x128xf32, #tpu.memory_space<vmem>>, vector<1x16xf32>,
        %get3A_1130 = vector.shape_cast %get3A_1129 : vector<1x16xf32> to vector<16xf32>
        %add3A_1131 = arith.addf %add3A_1073, %get3A_1130 : vector<16xf32>
        %add3A_1132 = arith.constant 0 : i32
        %add3A_1133 = arith.addi %add3A_1132, %scan3A_1089 : i32
        %get3A_1134 = arith.index_cast %add3A_1133 : i32 to index
        %get3A_1135 = arith.constant 96 : index
        %get3A_1136 = tpu.vector_load %arg8[%get3A_1134, %get3A_1135] {strides = array<i32>} : memref<50x128xf32, #tpu.memory_space<vmem>>, vector<1x16xf32>,
        %get3A_1137 = vector.shape_cast %get3A_1136 : vector<1x16xf32> to vector<16xf32>
        %add3A_1138 = arith.addf %add3A_1080, %get3A_1137 : vector<16xf32>
        %add3A_1139 = arith.constant 0 : i32
        %add3A_1140 = arith.addi %add3A_1139, %scan3A_1089 : i32
        %get3A_1141 = arith.index_cast %add3A_1140 : i32 to index
        %get3A_1142 = arith.constant 112 : index
        %get3A_1143 = tpu.vector_load %arg8[%get3A_1141, %get3A_1142] {strides = array<i32>} : memref<50x128xf32, #tpu.memory_space<vmem>>, vector<1x16xf32>,
        %get3A_1144 = vector.shape_cast %get3A_1143 : vector<1x16xf32> to vector<16xf32>
        %add3A_1145 = arith.addf %add3A_1087, %get3A_1144 : vector<16xf32>
        %scan3A_1146 = arith.constant 2 : i32
        %scan3A_1147 = arith.addi %scan3A_1024, %scan3A_1146 : i32
        %add3A_1148 = arith.constant 0 : i32
        %add3A_1149 = arith.addi %add3A_1148, %scan3A_1147 : i32
        %get3A_1150 = arith.index_cast %add3A_1149 : i32 to index
        %get3A_1151 = arith.constant 0 : index
        %get3A_1152 = tpu.vector_load %arg8[%get3A_1150, %get3A_1151] {strides = array<i32>} : memref<50x128xf32, #tpu.memory_space<vmem>>, vector<1x16xf32>,
        %get3A_1153 = vector.shape_cast %get3A_1152 : vector<1x16xf32> to vector<16xf32>
        %add3A_1154 = arith.addf %add3A_1096, %get3A_1153 : vector<16xf32>
        %add3A_1155 = arith.constant 0 : i32
        %add3A_1156 = arith.addi %add3A_1155, %scan3A_1147 : i32
        %get3A_1157 = arith.index_cast %add3A_1156 : i32 to index
        %get3A_1158 = arith.constant 16 : index
        %get3A_1159 = tpu.vector_load %arg8[%get3A_1157, %get3A_1158] {strides = array<i32>} : memref<50x128xf32, #tpu.memory_space<vmem>>, vector<1x16xf32>,
        %get3A_1160 = vector.shape_cast %get3A_1159 : vector<1x16xf32> to vector<16xf32>
        %add3A_1161 = arith.addf %add3A_1103, %get3A_1160 : vector<16xf32>
        %add3A_1162 = arith.constant 0 : i32
        %add3A_1163 = arith.addi %add3A_1162, %scan3A_1147 : i32
        %get3A_1164 = arith.index_cast %add3A_1163 : i32 to index
        %get3A_1165 = arith.constant 32 : index
        %get3A_1166 = tpu.vector_load %arg8[%get3A_1164, %get3A_1165] {strides = array<i32>} : memref<50x128xf32, #tpu.memory_space<vmem>>, vector<1x16xf32>,
        %get3A_1167 = vector.shape_cast %get3A_1166 : vector<1x16xf32> to vector<16xf32>
        %add3A_1168 = arith.addf %add3A_1110, %get3A_1167 : vector<16xf32>
        %add3A_1169 = arith.constant 0 : i32
        %add3A_1170 = arith.addi %add3A_1169, %scan3A_1147 : i32
        %get3A_1171 = arith.index_cast %add3A_1170 : i32 to index
        %get3A_1172 = arith.constant 48 : index
        %get3A_1173 = tpu.vector_load %arg8[%get3A_1171, %get3A_1172] {strides = array<i32>} : memref<50x128xf32, #tpu.memory_space<vmem>>, vector<1x16xf32>,
        %get3A_1174 = vector.shape_cast %get3A_1173 : vector<1x16xf32> to vector<16xf32>
        %add3A_1175 = arith.addf %add3A_1117, %get3A_1174 : vector<16xf32>
        %add3A_1176 = arith.constant 0 : i32
        %add3A_1177 = arith.addi %add3A_1176, %scan3A_1147 : i32
        %get3A_1178 = arith.index_cast %add3A_1177 : i32 to index
        %get3A_1179 = arith.constant 64 : index
        %get3A_1180 = tpu.vector_load %arg8[%get3A_1178, %get3A_1179] {strides = array<i32>} : memref<50x128xf32, #tpu.memory_space<vmem>>, vector<1x16xf32>,
        %get3A_1181 = vector.shape_cast %get3A_1180 : vector<1x16xf32> to vector<16xf32>
        %add3A_1182 = arith.addf %add3A_1124, %get3A_1181 : vector<16xf32>
        %add3A_1183 = arith.constant 0 : i32
        %add3A_1184 = arith.addi %add3A_1183, %scan3A_1147 : i32
        %get3A_1185 = arith.index_cast %add3A_1184 : i32 to index
        %get3A_1186 = arith.constant 80 : index
        %get3A_1187 = tpu.vector_load %arg8[%get3A_1185, %get3A_1186] {strides = array<i32>} : memref<50x128xf32, #tpu.memory_space<vmem>>, vector<1x16xf32>,
        %get3A_1188 = vector.shape_cast %get3A_1187 : vector<1x16xf32> to vector<16xf32>
        %add3A_1189 = arith.addf %add3A_1131, %get3A_1188 : vector<16xf32>
        %add3A_1190 = arith.constant 0 : i32
        %add3A_1191 = arith.addi %add3A_1190, %scan3A_1147 : i32
        %get3A_1192 = arith.index_cast %add3A_1191 : i32 to index
        %get3A_1193 = arith.constant 96 : index
        %get3A_1194 = tpu.vector_load %arg8[%get3A_1192, %get3A_1193] {strides = array<i32>} : memref<50x128xf32, #tpu.memory_space<vmem>>, vector<1x16xf32>,
        %get3A_1195 = vector.shape_cast %get3A_1194 : vector<1x16xf32> to vector<16xf32>
        %add3A_1196 = arith.addf %add3A_1138, %get3A_1195 : vector<16xf32>
        %add3A_1197 = arith.constant 0 : i32
        %add3A_1198 = arith.addi %add3A_1197, %scan3A_1147 : i32
        %get3A_1199 = arith.index_cast %add3A_1198 : i32 to index
        %get3A_1200 = arith.constant 112 : index
        %get3A_1201 = tpu.vector_load %arg8[%get3A_1199, %get3A_1200] {strides = array<i32>} : memref<50x128xf32, #tpu.memory_space<vmem>>, vector<1x16xf32>,
        %get3A_1202 = vector.shape_cast %get3A_1201 : vector<1x16xf32> to vector<16xf32>
        %add3A_1203 = arith.addf %add3A_1145, %get3A_1202 : vector<16xf32>
        %scan3A_1204 = arith.constant 3 : i32
        %scan3A_1205 = arith.addi %scan3A_1024, %scan3A_1204 : i32
        %add3A_1206 = arith.constant 0 : i32
        %add3A_1207 = arith.addi %add3A_1206, %scan3A_1205 : i32
        %get3A_1208 = arith.index_cast %add3A_1207 : i32 to index
        %get3A_1209 = arith.constant 0 : index
        %get3A_1210 = tpu.vector_load %arg8[%get3A_1208, %get3A_1209] {strides = array<i32>} : memref<50x128xf32, #tpu.memory_space<vmem>>, vector<1x16xf32>,
        %get3A_1211 = vector.shape_cast %get3A_1210 : vector<1x16xf32> to vector<16xf32>
        %add3A_1212 = arith.addf %add3A_1154, %get3A_1211 : vector<16xf32>
        %add3A_1213 = arith.constant 0 : i32
        %add3A_1214 = arith.addi %add3A_1213, %scan3A_1205 : i32
        %get3A_1215 = arith.index_cast %add3A_1214 : i32 to index
        %get3A_1216 = arith.constant 16 : index
        %get3A_1217 = tpu.vector_load %arg8[%get3A_1215, %get3A_1216] {strides = array<i32>} : memref<50x128xf32, #tpu.memory_space<vmem>>, vector<1x16xf32>,
        %get3A_1218 = vector.shape_cast %get3A_1217 : vector<1x16xf32> to vector<16xf32>
        %add3A_1219 = arith.addf %add3A_1161, %get3A_1218 : vector<16xf32>
        %add3A_1220 = arith.constant 0 : i32
        %add3A_1221 = arith.addi %add3A_1220, %scan3A_1205 : i32
        %get3A_1222 = arith.index_cast %add3A_1221 : i32 to index
        %get3A_1223 = arith.constant 32 : index
        %get3A_1224 = tpu.vector_load %arg8[%get3A_1222, %get3A_1223] {strides = array<i32>} : memref<50x128xf32, #tpu.memory_space<vmem>>, vector<1x16xf32>,
        %get3A_1225 = vector.shape_cast %get3A_1224 : vector<1x16xf32> to vector<16xf32>
        %add3A_1226 = arith.addf %add3A_1168, %get3A_1225 : vector<16xf32>
        %add3A_1227 = arith.constant 0 : i32
        %add3A_1228 = arith.addi %add3A_1227, %scan3A_1205 : i32
        %get3A_1229 = arith.index_cast %add3A_1228 : i32 to index
        %get3A_1230 = arith.constant 48 : index
        %get3A_1231 = tpu.vector_load %arg8[%get3A_1229, %get3A_1230] {strides = array<i32>} : memref<50x128xf32, #tpu.memory_space<vmem>>, vector<1x16xf32>,
        %get3A_1232 = vector.shape_cast %get3A_1231 : vector<1x16xf32> to vector<16xf32>
        %add3A_1233 = arith.addf %add3A_1175, %get3A_1232 : vector<16xf32>
        %add3A_1234 = arith.constant 0 : i32
        %add3A_1235 = arith.addi %add3A_1234, %scan3A_1205 : i32
        %get3A_1236 = arith.index_cast %add3A_1235 : i32 to index
        %get3A_1237 = arith.constant 64 : index
        %get3A_1238 = tpu.vector_load %arg8[%get3A_1236, %get3A_1237] {strides = array<i32>} : memref<50x128xf32, #tpu.memory_space<vmem>>, vector<1x16xf32>,
        %get3A_1239 = vector.shape_cast %get3A_1238 : vector<1x16xf32> to vector<16xf32>
        %add3A_1240 = arith.addf %add3A_1182, %get3A_1239 : vector<16xf32>
        %add3A_1241 = arith.constant 0 : i32
        %add3A_1242 = arith.addi %add3A_1241, %scan3A_1205 : i32
        %get3A_1243 = arith.index_cast %add3A_1242 : i32 to index
        %get3A_1244 = arith.constant 80 : index
        %get3A_1245 = tpu.vector_load %arg8[%get3A_1243, %get3A_1244] {strides = array<i32>} : memref<50x128xf32, #tpu.memory_space<vmem>>, vector<1x16xf32>,
        %get3A_1246 = vector.shape_cast %get3A_1245 : vector<1x16xf32> to vector<16xf32>
        %add3A_1247 = arith.addf %add3A_1189, %get3A_1246 : vector<16xf32>
        %add3A_1248 = arith.constant 0 : i32
        %add3A_1249 = arith.addi %add3A_1248, %scan3A_1205 : i32
        %get3A_1250 = arith.index_cast %add3A_1249 : i32 to index
        %get3A_1251 = arith.constant 96 : index
        %get3A_1252 = tpu.vector_load %arg8[%get3A_1250, %get3A_1251] {strides = array<i32>} : memref<50x128xf32, #tpu.memory_space<vmem>>, vector<1x16xf32>,
        %get3A_1253 = vector.shape_cast %get3A_1252 : vector<1x16xf32> to vector<16xf32>
        %add3A_1254 = arith.addf %add3A_1196, %get3A_1253 : vector<16xf32>
        %add3A_1255 = arith.constant 0 : i32
        %add3A_1256 = arith.addi %add3A_1255, %scan3A_1205 : i32
        %get3A_1257 = arith.index_cast %add3A_1256 : i32 to index
        %get3A_1258 = arith.constant 112 : index
        %get3A_1259 = tpu.vector_load %arg8[%get3A_1257, %get3A_1258] {strides = array<i32>} : memref<50x128xf32, #tpu.memory_space<vmem>>, vector<1x16xf32>,
        %get3A_1260 = vector.shape_cast %get3A_1259 : vector<1x16xf32> to vector<16xf32>
        %add3A_1261 = arith.addf %add3A_1203, %get3A_1260 : vector<16xf32>
        %scan3A_1262 = arith.constant 4 : i32
        %scan3A_1263 = arith.addi %scan3A_1024, %scan3A_1262 : i32
        %add3A_1264 = arith.constant 0 : i32
        %add3A_1265 = arith.addi %add3A_1264, %scan3A_1263 : i32
        %get3A_1266 = arith.index_cast %add3A_1265 : i32 to index
        %get3A_1267 = arith.constant 0 : index
        %get3A_1268 = tpu.vector_load %arg8[%get3A_1266, %get3A_1267] {strides = array<i32>} : memref<50x128xf32, #tpu.memory_space<vmem>>, vector<1x16xf32>,
        %get3A_1269 = vector.shape_cast %get3A_1268 : vector<1x16xf32> to vector<16xf32>
        %add3A_1270 = arith.addf %add3A_1212, %get3A_1269 : vector<16xf32>
        %add3A_1271 = arith.constant 0 : i32
        %add3A_1272 = arith.addi %add3A_1271, %scan3A_1263 : i32
        %get3A_1273 = arith.index_cast %add3A_1272 : i32 to index
        %get3A_1274 = arith.constant 16 : index
        %get3A_1275 = tpu.vector_load %arg8[%get3A_1273, %get3A_1274] {strides = array<i32>} : memref<50x128xf32, #tpu.memory_space<vmem>>, vector<1x16xf32>,
        %get3A_1276 = vector.shape_cast %get3A_1275 : vector<1x16xf32> to vector<16xf32>
        %add3A_1277 = arith.addf %add3A_1219, %get3A_1276 : vector<16xf32>
        %add3A_1278 = arith.constant 0 : i32
        %add3A_1279 = arith.addi %add3A_1278, %scan3A_1263 : i32
        %get3A_1280 = arith.index_cast %add3A_1279 : i32 to index
        %get3A_1281 = arith.constant 32 : index
        %get3A_1282 = tpu.vector_load %arg8[%get3A_1280, %get3A_1281] {strides = array<i32>} : memref<50x128xf32, #tpu.memory_space<vmem>>, vector<1x16xf32>,
        %get3A_1283 = vector.shape_cast %get3A_1282 : vector<1x16xf32> to vector<16xf32>
        %add3A_1284 = arith.addf %add3A_1226, %get3A_1283 : vector<16xf32>
        %add3A_1285 = arith.constant 0 : i32
        %add3A_1286 = arith.addi %add3A_1285, %scan3A_1263 : i32
        %get3A_1287 = arith.index_cast %add3A_1286 : i32 to index
        %get3A_1288 = arith.constant 48 : index
        %get3A_1289 = tpu.vector_load %arg8[%get3A_1287, %get3A_1288] {strides = array<i32>} : memref<50x128xf32, #tpu.memory_space<vmem>>, vector<1x16xf32>,
        %get3A_1290 = vector.shape_cast %get3A_1289 : vector<1x16xf32> to vector<16xf32>
        %add3A_1291 = arith.addf %add3A_1233, %get3A_1290 : vector<16xf32>
        %add3A_1292 = arith.constant 0 : i32
        %add3A_1293 = arith.addi %add3A_1292, %scan3A_1263 : i32
        %get3A_1294 = arith.index_cast %add3A_1293 : i32 to index
        %get3A_1295 = arith.constant 64 : index
        %get3A_1296 = tpu.vector_load %arg8[%get3A_1294, %get3A_1295] {strides = array<i32>} : memref<50x128xf32, #tpu.memory_space<vmem>>, vector<1x16xf32>,
        %get3A_1297 = vector.shape_cast %get3A_1296 : vector<1x16xf32> to vector<16xf32>
        %add3A_1298 = arith.addf %add3A_1240, %get3A_1297 : vector<16xf32>
        %add3A_1299 = arith.constant 0 : i32
        %add3A_1300 = arith.addi %add3A_1299, %scan3A_1263 : i32
        %get3A_1301 = arith.index_cast %add3A_1300 : i32 to index
        %get3A_1302 = arith.constant 80 : index
        %get3A_1303 = tpu.vector_load %arg8[%get3A_1301, %get3A_1302] {strides = array<i32>} : memref<50x128xf32, #tpu.memory_space<vmem>>, vector<1x16xf32>,
        %get3A_1304 = vector.shape_cast %get3A_1303 : vector<1x16xf32> to vector<16xf32>
        %add3A_1305 = arith.addf %add3A_1247, %get3A_1304 : vector<16xf32>
        %add3A_1306 = arith.constant 0 : i32
        %add3A_1307 = arith.addi %add3A_1306, %scan3A_1263 : i32
        %get3A_1308 = arith.index_cast %add3A_1307 : i32 to index
        %get3A_1309 = arith.constant 96 : index
        %get3A_1310 = tpu.vector_load %arg8[%get3A_1308, %get3A_1309] {strides = array<i32>} : memref<50x128xf32, #tpu.memory_space<vmem>>, vector<1x16xf32>,
        %get3A_1311 = vector.shape_cast %get3A_1310 : vector<1x16xf32> to vector<16xf32>
        %add3A_1312 = arith.addf %add3A_1254, %get3A_1311 : vector<16xf32>
        %add3A_1313 = arith.constant 0 : i32
        %add3A_1314 = arith.addi %add3A_1313, %scan3A_1263 : i32
        %get3A_1315 = arith.index_cast %add3A_1314 : i32 to index
        %get3A_1316 = arith.constant 112 : index
        %get3A_1317 = tpu.vector_load %arg8[%get3A_1315, %get3A_1316] {strides = array<i32>} : memref<50x128xf32, #tpu.memory_space<vmem>>, vector<1x16xf32>,
        %get3A_1318 = vector.shape_cast %get3A_1317 : vector<1x16xf32> to vector<16xf32>
        %add3A_1319 = arith.addf %add3A_1261, %get3A_1318 : vector<16xf32>
        scf.yield %add3A_1270, %add3A_1277, %add3A_1284, %add3A_1291, %add3A_1298, %add3A_1305, %add3A_1312, %add3A_1319 : vector<16xf32>, vector<16xf32>, vector<16xf32>, vector<16xf32>, vector<16xf32>, vector<16xf32>, vector<16xf32>, vector<16xf32>
      }
      %scan3A_261 = arith.constant 50 : i32
      %mul3A_262 = arith.constant 1 : i32
      %mul3A_263 = arith.muli %add3A_239, %mul3A_262 : i32
      %add3A_264 = arith.constant 0 : i32
      %add3A_265 = arith.addi %mul3A_263, %add3A_264 : i32
      %swap3A_266 = arith.index_cast %add3A_265 : i32 to index
      %swap3A_267 = arith.constant 0 : index
      %swap3A_268 = tpu.vector_load %arg6[%swap3A_266, %swap3A_267] {strides = array<i32>} : memref<128x128xf32, #tpu.memory_space<vmem>>, vector<1x16xf32>,
      %swap3A_269 = vector.shape_cast %swap3A_268 : vector<1x16xf32> to vector<16xf32>
      %swap3A_270 = vector.shape_cast %scan3A_260#0 : vector<16xf32> to vector<1x16xf32>
      tpu.vector_store %arg6[%swap3A_266, %swap3A_267], %swap3A_270 {strides = array<i32>} : memref<128x128xf32, #tpu.memory_space<vmem>>, vector<1x16xf32>,
      %mul3A_271 = arith.constant 1 : i32
      %mul3A_272 = arith.muli %add3A_239, %mul3A_271 : i32
      %add3A_273 = arith.constant 0 : i32
      %add3A_274 = arith.addi %mul3A_272, %add3A_273 : i32
      %swap3A_275 = arith.index_cast %add3A_274 : i32 to index
      %swap3A_276 = arith.constant 16 : index
      %swap3A_277 = tpu.vector_load %arg6[%swap3A_275, %swap3A_276] {strides = array<i32>} : memref<128x128xf32, #tpu.memory_space<vmem>>, vector<1x16xf32>,
      %swap3A_278 = vector.shape_cast %swap3A_277 : vector<1x16xf32> to vector<16xf32>
      %swap3A_279 = vector.shape_cast %scan3A_260#1 : vector<16xf32> to vector<1x16xf32>
      tpu.vector_store %arg6[%swap3A_275, %swap3A_276], %swap3A_279 {strides = array<i32>} : memref<128x128xf32, #tpu.memory_space<vmem>>, vector<1x16xf32>,
      %mul3A_280 = arith.constant 1 : i32
      %mul3A_281 = arith.muli %add3A_239, %mul3A_280 : i32
      %add3A_282 = arith.constant 0 : i32
      %add3A_283 = arith.addi %mul3A_281, %add3A_282 : i32
      %swap3A_284 = arith.index_cast %add3A_283 : i32 to index
      %swap3A_285 = arith.constant 32 : index
      %swap3A_286 = tpu.vector_load %arg6[%swap3A_284, %swap3A_285] {strides = array<i32>} : memref<128x128xf32, #tpu.memory_space<vmem>>, vector<1x16xf32>,
      %swap3A_287 = vector.shape_cast %swap3A_286 : vector<1x16xf32> to vector<16xf32>
      %swap3A_288 = vector.shape_cast %scan3A_260#2 : vector<16xf32> to vector<1x16xf32>
      tpu.vector_store %arg6[%swap3A_284, %swap3A_285], %swap3A_288 {strides = array<i32>} : memref<128x128xf32, #tpu.memory_space<vmem>>, vector<1x16xf32>,
      %mul3A_289 = arith.constant 1 : i32
      %mul3A_290 = arith.muli %add3A_239, %mul3A_289 : i32
      %add3A_291 = arith.constant 0 : i32
      %add3A_292 = arith.addi %mul3A_290, %add3A_291 : i32
      %swap3A_293 = arith.index_cast %add3A_292 : i32 to index
      %swap3A_294 = arith.constant 48 : index
      %swap3A_295 = tpu.vector_load %arg6[%swap3A_293, %swap3A_294] {strides = array<i32>} : memref<128x128xf32, #tpu.memory_space<vmem>>, vector<1x16xf32>,
      %swap3A_296 = vector.shape_cast %swap3A_295 : vector<1x16xf32> to vector<16xf32>
      %swap3A_297 = vector.shape_cast %scan3A_260#3 : vector<16xf32> to vector<1x16xf32>
      tpu.vector_store %arg6[%swap3A_293, %swap3A_294], %swap3A_297 {strides = array<i32>} : memref<128x128xf32, #tpu.memory_space<vmem>>, vector<1x16xf32>,
      %mul3A_298 = arith.constant 1 : i32
      %mul3A_299 = arith.muli %add3A_239, %mul3A_298 : i32
      %add3A_300 = arith.constant 0 : i32
      %add3A_301 = arith.addi %mul3A_299, %add3A_300 : i32
      %swap3A_302 = arith.index_cast %add3A_301 : i32 to index
      %swap3A_303 = arith.constant 64 : index
      %swap3A_304 = tpu.vector_load %arg6[%swap3A_302, %swap3A_303] {strides = array<i32>} : memref<128x128xf32, #tpu.memory_space<vmem>>, vector<1x16xf32>,
      %swap3A_305 = vector.shape_cast %swap3A_304 : vector<1x16xf32> to vector<16xf32>
      %swap3A_306 = vector.shape_cast %scan3A_260#4 : vector<16xf32> to vector<1x16xf32>
      tpu.vector_store %arg6[%swap3A_302, %swap3A_303], %swap3A_306 {strides = array<i32>} : memref<128x128xf32, #tpu.memory_space<vmem>>, vector<1x16xf32>,
      %mul3A_307 = arith.constant 1 : i32
      %mul3A_308 = arith.muli %add3A_239, %mul3A_307 : i32
      %add3A_309 = arith.constant 0 : i32
      %add3A_310 = arith.addi %mul3A_308, %add3A_309 : i32
      %swap3A_311 = arith.index_cast %add3A_310 : i32 to index
      %swap3A_312 = arith.constant 80 : index
      %swap3A_313 = tpu.vector_load %arg6[%swap3A_311, %swap3A_312] {strides = array<i32>} : memref<128x128xf32, #tpu.memory_space<vmem>>, vector<1x16xf32>,
      %swap3A_314 = vector.shape_cast %swap3A_313 : vector<1x16xf32> to vector<16xf32>
      %swap3A_315 = vector.shape_cast %scan3A_260#5 : vector<16xf32> to vector<1x16xf32>
      tpu.vector_store %arg6[%swap3A_311, %swap3A_312], %swap3A_315 {strides = array<i32>} : memref<128x128xf32, #tpu.memory_space<vmem>>, vector<1x16xf32>,
      %mul3A_316 = arith.constant 1 : i32
      %mul3A_317 = arith.muli %add3A_239, %mul3A_316 : i32
      %add3A_318 = arith.constant 0 : i32
      %add3A_319 = arith.addi %mul3A_317, %add3A_318 : i32
      %swap3A_320 = arith.index_cast %add3A_319 : i32 to index
      %swap3A_321 = arith.constant 96 : index
      %swap3A_322 = tpu.vector_load %arg6[%swap3A_320, %swap3A_321] {strides = array<i32>} : memref<128x128xf32, #tpu.memory_space<vmem>>, vector<1x16xf32>,
      %swap3A_323 = vector.shape_cast %swap3A_322 : vector<1x16xf32> to vector<16xf32>
      %swap3A_324 = vector.shape_cast %scan3A_260#6 : vector<16xf32> to vector<1x16xf32>
      tpu.vector_store %arg6[%swap3A_320, %swap3A_321], %swap3A_324 {strides = array<i32>} : memref<128x128xf32, #tpu.memory_space<vmem>>, vector<1x16xf32>,
      %mul3A_325 = arith.constant 1 : i32
      %mul3A_326 = arith.muli %add3A_239, %mul3A_325 : i32
      %add3A_327 = arith.constant 0 : i32
      %add3A_328 = arith.addi %mul3A_326, %add3A_327 : i32
      %swap3A_329 = arith.index_cast %add3A_328 : i32 to index
      %swap3A_330 = arith.constant 112 : index
      %swap3A_331 = tpu.vector_load %arg6[%swap3A_329, %swap3A_330] {strides = array<i32>} : memref<128x128xf32, #tpu.memory_space<vmem>>, vector<1x16xf32>,
      %swap3A_332 = vector.shape_cast %swap3A_331 : vector<1x16xf32> to vector<16xf32>
      %swap3A_333 = vector.shape_cast %scan3A_260#7 : vector<16xf32> to vector<1x16xf32>
      tpu.vector_store %arg6[%swap3A_329, %swap3A_330], %swap3A_333 {strides = array<i32>} : memref<128x128xf32, #tpu.memory_space<vmem>>, vector<1x16xf32>,
      %add3A_334 = arith.constant 2 : i32
      %add3A_335 = arith.addi %mul3A_105, %add3A_334 : i32
      %add3A_336 = arith.constant 6 : i32
      %add3A_337 = arith.addi %add3A_335, %add3A_336 : i32
      %min3A_338 = arith.constant 127 : i32
      %min3A_339 = arith.minsi %add3A_337, %min3A_338 : i32
      %dma_start3A_340 = arith.constant 0 : i32
      %dma_start3A_341 = tpu.memref_slice %arg5[%min3A_339, %dma_start3A_340] : memref<128x50xi32, #tpu.memory_space<vmem>> -> memref<1x50xi32, #tpu.memory_space<vmem>>
      %dma_start3A_342 = tpu.memref_squeeze %dma_start3A_341 : memref<1x50xi32, #tpu.memory_space<vmem>> -> memref<50xi32, #tpu.memory_space<vmem>>
      %dma_start3A_343 = arith.constant 0 : i32
      %dma_start3A_344 = arith.constant 0 : i32
      %dma_start3A_345 = tpu.memref_slice %arg3[%dma_start3A_343, %dma_start3A_344] : memref<100000x128xf32, #tpu.memory_space<hbm>> -> memref<100000x128xf32, #tpu.memory_space<hbm>>
      tpu.enqueue_indirect_dma source(%dma_start3A_345 : memref<100000x128xf32, #tpu.memory_space<hbm>>) target(%arg7 : memref<50x128xf32, #tpu.memory_space<vmem>>) offsets(%dma_start3A_342 : memref<50xi32, #tpu.memory_space<vmem>>) semaphore(%arg15 : memref<!tpu.dma_semaphore, #tpu.memory_space<semaphore_mem>>)
      %dma_wait3A_346 = arith.constant 0 : i32
      %dma_wait3A_347 = arith.constant 0 : i32
      %dma_wait3A_348 = tpu.memref_slice %arg5[%dma_wait3A_346, %dma_wait3A_347] : memref<128x50xi32, #tpu.memory_space<vmem>> -> memref<1x50xi32, #tpu.memory_space<vmem>>
      %dma_wait3A_349 = tpu.memref_squeeze %dma_wait3A_348 : memref<1x50xi32, #tpu.memory_space<vmem>> -> memref<50xi32, #tpu.memory_space<vmem>>
      %dma_wait3A_350 = arith.constant 0 : i32
      %dma_wait3A_351 = arith.constant 0 : i32
      %dma_wait3A_352 = tpu.memref_slice %arg3[%dma_wait3A_350, %dma_wait3A_351] : memref<100000x128xf32, #tpu.memory_space<hbm>> -> memref<100000x128xf32, #tpu.memory_space<hbm>>
      tpu.wait_indirect_dma semaphore(%arg17 : memref<!tpu.dma_semaphore, #tpu.memory_space<semaphore_mem>>) src(%dma_wait3A_352 : memref<100000x128xf32, #tpu.memory_space<hbm>>) dst(%arg9 : memref<50x128xf32, #tpu.memory_space<vmem>>)
      %add3A_353 = arith.constant 2 : i32
      %add3A_354 = arith.addi %mul3A_105, %add3A_353 : i32
      %broadcast_in_dim3A_355 = arith.constant 0.000000e+00 : f32
      %broadcast_in_dim3A_356 = vector.broadcast %broadcast_in_dim3A_355 : f32 to vector<16xf32>
      %broadcast_in_dim3A_357 = arith.constant 0.000000e+00 : f32
      %broadcast_in_dim3A_358 = vector.broadcast %broadcast_in_dim3A_357 : f32 to vector<16xf32>
      %broadcast_in_dim3A_359 = arith.constant 0.000000e+00 : f32
      %broadcast_in_dim3A_360 = vector.broadcast %broadcast_in_dim3A_359 : f32 to vector<16xf32>
      %broadcast_in_dim3A_361 = arith.constant 0.000000e+00 : f32
      %broadcast_in_dim3A_362 = vector.broadcast %broadcast_in_dim3A_361 : f32 to vector<16xf32>
      %broadcast_in_dim3A_363 = arith.constant 0.000000e+00 : f32
      %broadcast_in_dim3A_364 = vector.broadcast %broadcast_in_dim3A_363 : f32 to vector<16xf32>
      %broadcast_in_dim3A_365 = arith.constant 0.000000e+00 : f32
      %broadcast_in_dim3A_366 = vector.broadcast %broadcast_in_dim3A_365 : f32 to vector<16xf32>
      %broadcast_in_dim3A_367 = arith.constant 0.000000e+00 : f32
      %broadcast_in_dim3A_368 = vector.broadcast %broadcast_in_dim3A_367 : f32 to vector<16xf32>
      %broadcast_in_dim3A_369 = arith.constant 0.000000e+00 : f32
      %broadcast_in_dim3A_370 = vector.broadcast %broadcast_in_dim3A_369 : f32 to vector<16xf32>
      %scan3A_371 = arith.constant 0 : i32
      %scan3A_372 = arith.constant 50 : i32
      %scan3A_373 = arith.addi %scan3A_371, %scan3A_372 : i32
      %scan3A_374 = arith.constant 5 : i32
      %scan3A_375:8 = scf.for %scan3A_1024 = %scan3A_371 to %scan3A_373 step %scan3A_374 iter_args(%scan3A_1025 = %broadcast_in_dim3A_356, %scan3A_1026 = %broadcast_in_dim3A_358, %scan3A_1027 = %broadcast_in_dim3A_360, %scan3A_1028 = %broadcast_in_dim3A_362, %scan3A_1029 = %broadcast_in_dim3A_364, %scan3A_1030 = %broadcast_in_dim3A_366, %scan3A_1031 = %broadcast_in_dim3A_368, %scan3A_1032 = %broadcast_in_dim3A_370) -> (vector<16xf32>, vector<16xf32>, vector<16xf32>, vector<16xf32>, vector<16xf32>, vector<16xf32>, vector<16xf32>, vector<16xf32>)  : i32 {
        %add3A_1033 = arith.constant 0 : i32
        %add3A_1034 = arith.addi %add3A_1033, %scan3A_1024 : i32
        %get3A = arith.index_cast %add3A_1034 : i32 to index
        %get3A_1035 = arith.constant 0 : index
        %get3A_1036 = tpu.vector_load %arg9[%get3A, %get3A_1035] {strides = array<i32>} : memref<50x128xf32, #tpu.memory_space<vmem>>, vector<1x16xf32>,
        %get3A_1037 = vector.shape_cast %get3A_1036 : vector<1x16xf32> to vector<16xf32>
        %add3A_1038 = arith.addf %scan3A_1025, %get3A_1037 : vector<16xf32>
        %add3A_1039 = arith.constant 0 : i32
        %add3A_1040 = arith.addi %add3A_1039, %scan3A_1024 : i32
        %get3A_1041 = arith.index_cast %add3A_1040 : i32 to index
        %get3A_1042 = arith.constant 16 : index
        %get3A_1043 = tpu.vector_load %arg9[%get3A_1041, %get3A_1042] {strides = array<i32>} : memref<50x128xf32, #tpu.memory_space<vmem>>, vector<1x16xf32>,
        %get3A_1044 = vector.shape_cast %get3A_1043 : vector<1x16xf32> to vector<16xf32>
        %add3A_1045 = arith.addf %scan3A_1026, %get3A_1044 : vector<16xf32>
        %add3A_1046 = arith.constant 0 : i32
        %add3A_1047 = arith.addi %add3A_1046, %scan3A_1024 : i32
        %get3A_1048 = arith.index_cast %add3A_1047 : i32 to index
        %get3A_1049 = arith.constant 32 : index
        %get3A_1050 = tpu.vector_load %arg9[%get3A_1048, %get3A_1049] {strides = array<i32>} : memref<50x128xf32, #tpu.memory_space<vmem>>, vector<1x16xf32>,
        %get3A_1051 = vector.shape_cast %get3A_1050 : vector<1x16xf32> to vector<16xf32>
        %add3A_1052 = arith.addf %scan3A_1027, %get3A_1051 : vector<16xf32>
        %add3A_1053 = arith.constant 0 : i32
        %add3A_1054 = arith.addi %add3A_1053, %scan3A_1024 : i32
        %get3A_1055 = arith.index_cast %add3A_1054 : i32 to index
        %get3A_1056 = arith.constant 48 : index
        %get3A_1057 = tpu.vector_load %arg9[%get3A_1055, %get3A_1056] {strides = array<i32>} : memref<50x128xf32, #tpu.memory_space<vmem>>, vector<1x16xf32>,
        %get3A_1058 = vector.shape_cast %get3A_1057 : vector<1x16xf32> to vector<16xf32>
        %add3A_1059 = arith.addf %scan3A_1028, %get3A_1058 : vector<16xf32>
        %add3A_1060 = arith.constant 0 : i32
        %add3A_1061 = arith.addi %add3A_1060, %scan3A_1024 : i32
        %get3A_1062 = arith.index_cast %add3A_1061 : i32 to index
        %get3A_1063 = arith.constant 64 : index
        %get3A_1064 = tpu.vector_load %arg9[%get3A_1062, %get3A_1063] {strides = array<i32>} : memref<50x128xf32, #tpu.memory_space<vmem>>, vector<1x16xf32>,
        %get3A_1065 = vector.shape_cast %get3A_1064 : vector<1x16xf32> to vector<16xf32>
        %add3A_1066 = arith.addf %scan3A_1029, %get3A_1065 : vector<16xf32>
        %add3A_1067 = arith.constant 0 : i32
        %add3A_1068 = arith.addi %add3A_1067, %scan3A_1024 : i32
        %get3A_1069 = arith.index_cast %add3A_1068 : i32 to index
        %get3A_1070 = arith.constant 80 : index
        %get3A_1071 = tpu.vector_load %arg9[%get3A_1069, %get3A_1070] {strides = array<i32>} : memref<50x128xf32, #tpu.memory_space<vmem>>, vector<1x16xf32>,
        %get3A_1072 = vector.shape_cast %get3A_1071 : vector<1x16xf32> to vector<16xf32>
        %add3A_1073 = arith.addf %scan3A_1030, %get3A_1072 : vector<16xf32>
        %add3A_1074 = arith.constant 0 : i32
        %add3A_1075 = arith.addi %add3A_1074, %scan3A_1024 : i32
        %get3A_1076 = arith.index_cast %add3A_1075 : i32 to index
        %get3A_1077 = arith.constant 96 : index
        %get3A_1078 = tpu.vector_load %arg9[%get3A_1076, %get3A_1077] {strides = array<i32>} : memref<50x128xf32, #tpu.memory_space<vmem>>, vector<1x16xf32>,
        %get3A_1079 = vector.shape_cast %get3A_1078 : vector<1x16xf32> to vector<16xf32>
        %add3A_1080 = arith.addf %scan3A_1031, %get3A_1079 : vector<16xf32>
        %add3A_1081 = arith.constant 0 : i32
        %add3A_1082 = arith.addi %add3A_1081, %scan3A_1024 : i32
        %get3A_1083 = arith.index_cast %add3A_1082 : i32 to index
        %get3A_1084 = arith.constant 112 : index
        %get3A_1085 = tpu.vector_load %arg9[%get3A_1083, %get3A_1084] {strides = array<i32>} : memref<50x128xf32, #tpu.memory_space<vmem>>, vector<1x16xf32>,
        %get3A_1086 = vector.shape_cast %get3A_1085 : vector<1x16xf32> to vector<16xf32>
        %add3A_1087 = arith.addf %scan3A_1032, %get3A_1086 : vector<16xf32>
        %scan3A_1088 = arith.constant 1 : i32
        %scan3A_1089 = arith.addi %scan3A_1024, %scan3A_1088 : i32
        %add3A_1090 = arith.constant 0 : i32
        %add3A_1091 = arith.addi %add3A_1090, %scan3A_1089 : i32
        %get3A_1092 = arith.index_cast %add3A_1091 : i32 to index
        %get3A_1093 = arith.constant 0 : index
        %get3A_1094 = tpu.vector_load %arg9[%get3A_1092, %get3A_1093] {strides = array<i32>} : memref<50x128xf32, #tpu.memory_space<vmem>>, vector<1x16xf32>,
        %get3A_1095 = vector.shape_cast %get3A_1094 : vector<1x16xf32> to vector<16xf32>
        %add3A_1096 = arith.addf %add3A_1038, %get3A_1095 : vector<16xf32>
        %add3A_1097 = arith.constant 0 : i32
        %add3A_1098 = arith.addi %add3A_1097, %scan3A_1089 : i32
        %get3A_1099 = arith.index_cast %add3A_1098 : i32 to index
        %get3A_1100 = arith.constant 16 : index
        %get3A_1101 = tpu.vector_load %arg9[%get3A_1099, %get3A_1100] {strides = array<i32>} : memref<50x128xf32, #tpu.memory_space<vmem>>, vector<1x16xf32>,
        %get3A_1102 = vector.shape_cast %get3A_1101 : vector<1x16xf32> to vector<16xf32>
        %add3A_1103 = arith.addf %add3A_1045, %get3A_1102 : vector<16xf32>
        %add3A_1104 = arith.constant 0 : i32
        %add3A_1105 = arith.addi %add3A_1104, %scan3A_1089 : i32
        %get3A_1106 = arith.index_cast %add3A_1105 : i32 to index
        %get3A_1107 = arith.constant 32 : index
        %get3A_1108 = tpu.vector_load %arg9[%get3A_1106, %get3A_1107] {strides = array<i32>} : memref<50x128xf32, #tpu.memory_space<vmem>>, vector<1x16xf32>,
        %get3A_1109 = vector.shape_cast %get3A_1108 : vector<1x16xf32> to vector<16xf32>
        %add3A_1110 = arith.addf %add3A_1052, %get3A_1109 : vector<16xf32>
        %add3A_1111 = arith.constant 0 : i32
        %add3A_1112 = arith.addi %add3A_1111, %scan3A_1089 : i32
        %get3A_1113 = arith.index_cast %add3A_1112 : i32 to index
        %get3A_1114 = arith.constant 48 : index
        %get3A_1115 = tpu.vector_load %arg9[%get3A_1113, %get3A_1114] {strides = array<i32>} : memref<50x128xf32, #tpu.memory_space<vmem>>, vector<1x16xf32>,
        %get3A_1116 = vector.shape_cast %get3A_1115 : vector<1x16xf32> to vector<16xf32>
        %add3A_1117 = arith.addf %add3A_1059, %get3A_1116 : vector<16xf32>
        %add3A_1118 = arith.constant 0 : i32
        %add3A_1119 = arith.addi %add3A_1118, %scan3A_1089 : i32
        %get3A_1120 = arith.index_cast %add3A_1119 : i32 to index
        %get3A_1121 = arith.constant 64 : index
        %get3A_1122 = tpu.vector_load %arg9[%get3A_1120, %get3A_1121] {strides = array<i32>} : memref<50x128xf32, #tpu.memory_space<vmem>>, vector<1x16xf32>,
        %get3A_1123 = vector.shape_cast %get3A_1122 : vector<1x16xf32> to vector<16xf32>
        %add3A_1124 = arith.addf %add3A_1066, %get3A_1123 : vector<16xf32>
        %add3A_1125 = arith.constant 0 : i32
        %add3A_1126 = arith.addi %add3A_1125, %scan3A_1089 : i32
        %get3A_1127 = arith.index_cast %add3A_1126 : i32 to index
        %get3A_1128 = arith.constant 80 : index
        %get3A_1129 = tpu.vector_load %arg9[%get3A_1127, %get3A_1128] {strides = array<i32>} : memref<50x128xf32, #tpu.memory_space<vmem>>, vector<1x16xf32>,
        %get3A_1130 = vector.shape_cast %get3A_1129 : vector<1x16xf32> to vector<16xf32>
        %add3A_1131 = arith.addf %add3A_1073, %get3A_1130 : vector<16xf32>
        %add3A_1132 = arith.constant 0 : i32
        %add3A_1133 = arith.addi %add3A_1132, %scan3A_1089 : i32
        %get3A_1134 = arith.index_cast %add3A_1133 : i32 to index
        %get3A_1135 = arith.constant 96 : index
        %get3A_1136 = tpu.vector_load %arg9[%get3A_1134, %get3A_1135] {strides = array<i32>} : memref<50x128xf32, #tpu.memory_space<vmem>>, vector<1x16xf32>,
        %get3A_1137 = vector.shape_cast %get3A_1136 : vector<1x16xf32> to vector<16xf32>
        %add3A_1138 = arith.addf %add3A_1080, %get3A_1137 : vector<16xf32>
        %add3A_1139 = arith.constant 0 : i32
        %add3A_1140 = arith.addi %add3A_1139, %scan3A_1089 : i32
        %get3A_1141 = arith.index_cast %add3A_1140 : i32 to index
        %get3A_1142 = arith.constant 112 : index
        %get3A_1143 = tpu.vector_load %arg9[%get3A_1141, %get3A_1142] {strides = array<i32>} : memref<50x128xf32, #tpu.memory_space<vmem>>, vector<1x16xf32>,
        %get3A_1144 = vector.shape_cast %get3A_1143 : vector<1x16xf32> to vector<16xf32>
        %add3A_1145 = arith.addf %add3A_1087, %get3A_1144 : vector<16xf32>
        %scan3A_1146 = arith.constant 2 : i32
        %scan3A_1147 = arith.addi %scan3A_1024, %scan3A_1146 : i32
        %add3A_1148 = arith.constant 0 : i32
        %add3A_1149 = arith.addi %add3A_1148, %scan3A_1147 : i32
        %get3A_1150 = arith.index_cast %add3A_1149 : i32 to index
        %get3A_1151 = arith.constant 0 : index
        %get3A_1152 = tpu.vector_load %arg9[%get3A_1150, %get3A_1151] {strides = array<i32>} : memref<50x128xf32, #tpu.memory_space<vmem>>, vector<1x16xf32>,
        %get3A_1153 = vector.shape_cast %get3A_1152 : vector<1x16xf32> to vector<16xf32>
        %add3A_1154 = arith.addf %add3A_1096, %get3A_1153 : vector<16xf32>
        %add3A_1155 = arith.constant 0 : i32
        %add3A_1156 = arith.addi %add3A_1155, %scan3A_1147 : i32
        %get3A_1157 = arith.index_cast %add3A_1156 : i32 to index
        %get3A_1158 = arith.constant 16 : index
        %get3A_1159 = tpu.vector_load %arg9[%get3A_1157, %get3A_1158] {strides = array<i32>} : memref<50x128xf32, #tpu.memory_space<vmem>>, vector<1x16xf32>,
        %get3A_1160 = vector.shape_cast %get3A_1159 : vector<1x16xf32> to vector<16xf32>
        %add3A_1161 = arith.addf %add3A_1103, %get3A_1160 : vector<16xf32>
        %add3A_1162 = arith.constant 0 : i32
        %add3A_1163 = arith.addi %add3A_1162, %scan3A_1147 : i32
        %get3A_1164 = arith.index_cast %add3A_1163 : i32 to index
        %get3A_1165 = arith.constant 32 : index
        %get3A_1166 = tpu.vector_load %arg9[%get3A_1164, %get3A_1165] {strides = array<i32>} : memref<50x128xf32, #tpu.memory_space<vmem>>, vector<1x16xf32>,
        %get3A_1167 = vector.shape_cast %get3A_1166 : vector<1x16xf32> to vector<16xf32>
        %add3A_1168 = arith.addf %add3A_1110, %get3A_1167 : vector<16xf32>
        %add3A_1169 = arith.constant 0 : i32
        %add3A_1170 = arith.addi %add3A_1169, %scan3A_1147 : i32
        %get3A_1171 = arith.index_cast %add3A_1170 : i32 to index
        %get3A_1172 = arith.constant 48 : index
        %get3A_1173 = tpu.vector_load %arg9[%get3A_1171, %get3A_1172] {strides = array<i32>} : memref<50x128xf32, #tpu.memory_space<vmem>>, vector<1x16xf32>,
        %get3A_1174 = vector.shape_cast %get3A_1173 : vector<1x16xf32> to vector<16xf32>
        %add3A_1175 = arith.addf %add3A_1117, %get3A_1174 : vector<16xf32>
        %add3A_1176 = arith.constant 0 : i32
        %add3A_1177 = arith.addi %add3A_1176, %scan3A_1147 : i32
        %get3A_1178 = arith.index_cast %add3A_1177 : i32 to index
        %get3A_1179 = arith.constant 64 : index
        %get3A_1180 = tpu.vector_load %arg9[%get3A_1178, %get3A_1179] {strides = array<i32>} : memref<50x128xf32, #tpu.memory_space<vmem>>, vector<1x16xf32>,
        %get3A_1181 = vector.shape_cast %get3A_1180 : vector<1x16xf32> to vector<16xf32>
        %add3A_1182 = arith.addf %add3A_1124, %get3A_1181 : vector<16xf32>
        %add3A_1183 = arith.constant 0 : i32
        %add3A_1184 = arith.addi %add3A_1183, %scan3A_1147 : i32
        %get3A_1185 = arith.index_cast %add3A_1184 : i32 to index
        %get3A_1186 = arith.constant 80 : index
        %get3A_1187 = tpu.vector_load %arg9[%get3A_1185, %get3A_1186] {strides = array<i32>} : memref<50x128xf32, #tpu.memory_space<vmem>>, vector<1x16xf32>,
        %get3A_1188 = vector.shape_cast %get3A_1187 : vector<1x16xf32> to vector<16xf32>
        %add3A_1189 = arith.addf %add3A_1131, %get3A_1188 : vector<16xf32>
        %add3A_1190 = arith.constant 0 : i32
        %add3A_1191 = arith.addi %add3A_1190, %scan3A_1147 : i32
        %get3A_1192 = arith.index_cast %add3A_1191 : i32 to index
        %get3A_1193 = arith.constant 96 : index
        %get3A_1194 = tpu.vector_load %arg9[%get3A_1192, %get3A_1193] {strides = array<i32>} : memref<50x128xf32, #tpu.memory_space<vmem>>, vector<1x16xf32>,
        %get3A_1195 = vector.shape_cast %get3A_1194 : vector<1x16xf32> to vector<16xf32>
        %add3A_1196 = arith.addf %add3A_1138, %get3A_1195 : vector<16xf32>
        %add3A_1197 = arith.constant 0 : i32
        %add3A_1198 = arith.addi %add3A_1197, %scan3A_1147 : i32
        %get3A_1199 = arith.index_cast %add3A_1198 : i32 to index
        %get3A_1200 = arith.constant 112 : index
        %get3A_1201 = tpu.vector_load %arg9[%get3A_1199, %get3A_1200] {strides = array<i32>} : memref<50x128xf32, #tpu.memory_space<vmem>>, vector<1x16xf32>,
        %get3A_1202 = vector.shape_cast %get3A_1201 : vector<1x16xf32> to vector<16xf32>
        %add3A_1203 = arith.addf %add3A_1145, %get3A_1202 : vector<16xf32>
        %scan3A_1204 = arith.constant 3 : i32
        %scan3A_1205 = arith.addi %scan3A_1024, %scan3A_1204 : i32
        %add3A_1206 = arith.constant 0 : i32
        %add3A_1207 = arith.addi %add3A_1206, %scan3A_1205 : i32
        %get3A_1208 = arith.index_cast %add3A_1207 : i32 to index
        %get3A_1209 = arith.constant 0 : index
        %get3A_1210 = tpu.vector_load %arg9[%get3A_1208, %get3A_1209] {strides = array<i32>} : memref<50x128xf32, #tpu.memory_space<vmem>>, vector<1x16xf32>,
        %get3A_1211 = vector.shape_cast %get3A_1210 : vector<1x16xf32> to vector<16xf32>
        %add3A_1212 = arith.addf %add3A_1154, %get3A_1211 : vector<16xf32>
        %add3A_1213 = arith.constant 0 : i32
        %add3A_1214 = arith.addi %add3A_1213, %scan3A_1205 : i32
        %get3A_1215 = arith.index_cast %add3A_1214 : i32 to index
        %get3A_1216 = arith.constant 16 : index
        %get3A_1217 = tpu.vector_load %arg9[%get3A_1215, %get3A_1216] {strides = array<i32>} : memref<50x128xf32, #tpu.memory_space<vmem>>, vector<1x16xf32>,
        %get3A_1218 = vector.shape_cast %get3A_1217 : vector<1x16xf32> to vector<16xf32>
        %add3A_1219 = arith.addf %add3A_1161, %get3A_1218 : vector<16xf32>
        %add3A_1220 = arith.constant 0 : i32
        %add3A_1221 = arith.addi %add3A_1220, %scan3A_1205 : i32
        %get3A_1222 = arith.index_cast %add3A_1221 : i32 to index
        %get3A_1223 = arith.constant 32 : index
        %get3A_1224 = tpu.vector_load %arg9[%get3A_1222, %get3A_1223] {strides = array<i32>} : memref<50x128xf32, #tpu.memory_space<vmem>>, vector<1x16xf32>,
        %get3A_1225 = vector.shape_cast %get3A_1224 : vector<1x16xf32> to vector<16xf32>
        %add3A_1226 = arith.addf %add3A_1168, %get3A_1225 : vector<16xf32>
        %add3A_1227 = arith.constant 0 : i32
        %add3A_1228 = arith.addi %add3A_1227, %scan3A_1205 : i32
        %get3A_1229 = arith.index_cast %add3A_1228 : i32 to index
        %get3A_1230 = arith.constant 48 : index
        %get3A_1231 = tpu.vector_load %arg9[%get3A_1229, %get3A_1230] {strides = array<i32>} : memref<50x128xf32, #tpu.memory_space<vmem>>, vector<1x16xf32>,
        %get3A_1232 = vector.shape_cast %get3A_1231 : vector<1x16xf32> to vector<16xf32>
        %add3A_1233 = arith.addf %add3A_1175, %get3A_1232 : vector<16xf32>
        %add3A_1234 = arith.constant 0 : i32
        %add3A_1235 = arith.addi %add3A_1234, %scan3A_1205 : i32
        %get3A_1236 = arith.index_cast %add3A_1235 : i32 to index
        %get3A_1237 = arith.constant 64 : index
        %get3A_1238 = tpu.vector_load %arg9[%get3A_1236, %get3A_1237] {strides = array<i32>} : memref<50x128xf32, #tpu.memory_space<vmem>>, vector<1x16xf32>,
        %get3A_1239 = vector.shape_cast %get3A_1238 : vector<1x16xf32> to vector<16xf32>
        %add3A_1240 = arith.addf %add3A_1182, %get3A_1239 : vector<16xf32>
        %add3A_1241 = arith.constant 0 : i32
        %add3A_1242 = arith.addi %add3A_1241, %scan3A_1205 : i32
        %get3A_1243 = arith.index_cast %add3A_1242 : i32 to index
        %get3A_1244 = arith.constant 80 : index
        %get3A_1245 = tpu.vector_load %arg9[%get3A_1243, %get3A_1244] {strides = array<i32>} : memref<50x128xf32, #tpu.memory_space<vmem>>, vector<1x16xf32>,
        %get3A_1246 = vector.shape_cast %get3A_1245 : vector<1x16xf32> to vector<16xf32>
        %add3A_1247 = arith.addf %add3A_1189, %get3A_1246 : vector<16xf32>
        %add3A_1248 = arith.constant 0 : i32
        %add3A_1249 = arith.addi %add3A_1248, %scan3A_1205 : i32
        %get3A_1250 = arith.index_cast %add3A_1249 : i32 to index
        %get3A_1251 = arith.constant 96 : index
        %get3A_1252 = tpu.vector_load %arg9[%get3A_1250, %get3A_1251] {strides = array<i32>} : memref<50x128xf32, #tpu.memory_space<vmem>>, vector<1x16xf32>,
        %get3A_1253 = vector.shape_cast %get3A_1252 : vector<1x16xf32> to vector<16xf32>
        %add3A_1254 = arith.addf %add3A_1196, %get3A_1253 : vector<16xf32>
        %add3A_1255 = arith.constant 0 : i32
        %add3A_1256 = arith.addi %add3A_1255, %scan3A_1205 : i32
        %get3A_1257 = arith.index_cast %add3A_1256 : i32 to index
        %get3A_1258 = arith.constant 112 : index
        %get3A_1259 = tpu.vector_load %arg9[%get3A_1257, %get3A_1258] {strides = array<i32>} : memref<50x128xf32, #tpu.memory_space<vmem>>, vector<1x16xf32>,
        %get3A_1260 = vector.shape_cast %get3A_1259 : vector<1x16xf32> to vector<16xf32>
        %add3A_1261 = arith.addf %add3A_1203, %get3A_1260 : vector<16xf32>
        %scan3A_1262 = arith.constant 4 : i32
        %scan3A_1263 = arith.addi %scan3A_1024, %scan3A_1262 : i32
        %add3A_1264 = arith.constant 0 : i32
        %add3A_1265 = arith.addi %add3A_1264, %scan3A_1263 : i32
        %get3A_1266 = arith.index_cast %add3A_1265 : i32 to index
        %get3A_1267 = arith.constant 0 : index
        %get3A_1268 = tpu.vector_load %arg9[%get3A_1266, %get3A_1267] {strides = array<i32>} : memref<50x128xf32, #tpu.memory_space<vmem>>, vector<1x16xf32>,
        %get3A_1269 = vector.shape_cast %get3A_1268 : vector<1x16xf32> to vector<16xf32>
        %add3A_1270 = arith.addf %add3A_1212, %get3A_1269 : vector<16xf32>
        %add3A_1271 = arith.constant 0 : i32
        %add3A_1272 = arith.addi %add3A_1271, %scan3A_1263 : i32
        %get3A_1273 = arith.index_cast %add3A_1272 : i32 to index
        %get3A_1274 = arith.constant 16 : index
        %get3A_1275 = tpu.vector_load %arg9[%get3A_1273, %get3A_1274] {strides = array<i32>} : memref<50x128xf32, #tpu.memory_space<vmem>>, vector<1x16xf32>,
        %get3A_1276 = vector.shape_cast %get3A_1275 : vector<1x16xf32> to vector<16xf32>
        %add3A_1277 = arith.addf %add3A_1219, %get3A_1276 : vector<16xf32>
        %add3A_1278 = arith.constant 0 : i32
        %add3A_1279 = arith.addi %add3A_1278, %scan3A_1263 : i32
        %get3A_1280 = arith.index_cast %add3A_1279 : i32 to index
        %get3A_1281 = arith.constant 32 : index
        %get3A_1282 = tpu.vector_load %arg9[%get3A_1280, %get3A_1281] {strides = array<i32>} : memref<50x128xf32, #tpu.memory_space<vmem>>, vector<1x16xf32>,
        %get3A_1283 = vector.shape_cast %get3A_1282 : vector<1x16xf32> to vector<16xf32>
        %add3A_1284 = arith.addf %add3A_1226, %get3A_1283 : vector<16xf32>
        %add3A_1285 = arith.constant 0 : i32
        %add3A_1286 = arith.addi %add3A_1285, %scan3A_1263 : i32
        %get3A_1287 = arith.index_cast %add3A_1286 : i32 to index
        %get3A_1288 = arith.constant 48 : index
        %get3A_1289 = tpu.vector_load %arg9[%get3A_1287, %get3A_1288] {strides = array<i32>} : memref<50x128xf32, #tpu.memory_space<vmem>>, vector<1x16xf32>,
        %get3A_1290 = vector.shape_cast %get3A_1289 : vector<1x16xf32> to vector<16xf32>
        %add3A_1291 = arith.addf %add3A_1233, %get3A_1290 : vector<16xf32>
        %add3A_1292 = arith.constant 0 : i32
        %add3A_1293 = arith.addi %add3A_1292, %scan3A_1263 : i32
        %get3A_1294 = arith.index_cast %add3A_1293 : i32 to index
        %get3A_1295 = arith.constant 64 : index
        %get3A_1296 = tpu.vector_load %arg9[%get3A_1294, %get3A_1295] {strides = array<i32>} : memref<50x128xf32, #tpu.memory_space<vmem>>, vector<1x16xf32>,
        %get3A_1297 = vector.shape_cast %get3A_1296 : vector<1x16xf32> to vector<16xf32>
        %add3A_1298 = arith.addf %add3A_1240, %get3A_1297 : vector<16xf32>
        %add3A_1299 = arith.constant 0 : i32
        %add3A_1300 = arith.addi %add3A_1299, %scan3A_1263 : i32
        %get3A_1301 = arith.index_cast %add3A_1300 : i32 to index
        %get3A_1302 = arith.constant 80 : index
        %get3A_1303 = tpu.vector_load %arg9[%get3A_1301, %get3A_1302] {strides = array<i32>} : memref<50x128xf32, #tpu.memory_space<vmem>>, vector<1x16xf32>,
        %get3A_1304 = vector.shape_cast %get3A_1303 : vector<1x16xf32> to vector<16xf32>
        %add3A_1305 = arith.addf %add3A_1247, %get3A_1304 : vector<16xf32>
        %add3A_1306 = arith.constant 0 : i32
        %add3A_1307 = arith.addi %add3A_1306, %scan3A_1263 : i32
        %get3A_1308 = arith.index_cast %add3A_1307 : i32 to index
        %get3A_1309 = arith.constant 96 : index
        %get3A_1310 = tpu.vector_load %arg9[%get3A_1308, %get3A_1309] {strides = array<i32>} : memref<50x128xf32, #tpu.memory_space<vmem>>, vector<1x16xf32>,
        %get3A_1311 = vector.shape_cast %get3A_1310 : vector<1x16xf32> to vector<16xf32>
        %add3A_1312 = arith.addf %add3A_1254, %get3A_1311 : vector<16xf32>
        %add3A_1313 = arith.constant 0 : i32
        %add3A_1314 = arith.addi %add3A_1313, %scan3A_1263 : i32
        %get3A_1315 = arith.index_cast %add3A_1314 : i32 to index
        %get3A_1316 = arith.constant 112 : index
        %get3A_1317 = tpu.vector_load %arg9[%get3A_1315, %get3A_1316] {strides = array<i32>} : memref<50x128xf32, #tpu.memory_space<vmem>>, vector<1x16xf32>,
        %get3A_1318 = vector.shape_cast %get3A_1317 : vector<1x16xf32> to vector<16xf32>
        %add3A_1319 = arith.addf %add3A_1261, %get3A_1318 : vector<16xf32>
        scf.yield %add3A_1270, %add3A_1277, %add3A_1284, %add3A_1291, %add3A_1298, %add3A_1305, %add3A_1312, %add3A_1319 : vector<16xf32>, vector<16xf32>, vector<16xf32>, vector<16xf32>, vector<16xf32>, vector<16xf32>, vector<16xf32>, vector<16xf32>
      }
      %scan3A_376 = arith.constant 50 : i32
      %mul3A_377 = arith.constant 1 : i32
      %mul3A_378 = arith.muli %add3A_354, %mul3A_377 : i32
      %add3A_379 = arith.constant 0 : i32
      %add3A_380 = arith.addi %mul3A_378, %add3A_379 : i32
      %swap3A_381 = arith.index_cast %add3A_380 : i32 to index
      %swap3A_382 = arith.constant 0 : index
      %swap3A_383 = tpu.vector_load %arg6[%swap3A_381, %swap3A_382] {strides = array<i32>} : memref<128x128xf32, #tpu.memory_space<vmem>>, vector<1x16xf32>,
      %swap3A_384 = vector.shape_cast %swap3A_383 : vector<1x16xf32> to vector<16xf32>
      %swap3A_385 = vector.shape_cast %scan3A_375#0 : vector<16xf32> to vector<1x16xf32>
      tpu.vector_store %arg6[%swap3A_381, %swap3A_382], %swap3A_385 {strides = array<i32>} : memref<128x128xf32, #tpu.memory_space<vmem>>, vector<1x16xf32>,
      %mul3A_386 = arith.constant 1 : i32
      %mul3A_387 = arith.muli %add3A_354, %mul3A_386 : i32
      %add3A_388 = arith.constant 0 : i32
      %add3A_389 = arith.addi %mul3A_387, %add3A_388 : i32
      %swap3A_390 = arith.index_cast %add3A_389 : i32 to index
      %swap3A_391 = arith.constant 16 : index
      %swap3A_392 = tpu.vector_load %arg6[%swap3A_390, %swap3A_391] {strides = array<i32>} : memref<128x128xf32, #tpu.memory_space<vmem>>, vector<1x16xf32>,
      %swap3A_393 = vector.shape_cast %swap3A_392 : vector<1x16xf32> to vector<16xf32>
      %swap3A_394 = vector.shape_cast %scan3A_375#1 : vector<16xf32> to vector<1x16xf32>
      tpu.vector_store %arg6[%swap3A_390, %swap3A_391], %swap3A_394 {strides = array<i32>} : memref<128x128xf32, #tpu.memory_space<vmem>>, vector<1x16xf32>,
      %mul3A_395 = arith.constant 1 : i32
      %mul3A_396 = arith.muli %add3A_354, %mul3A_395 : i32
      %add3A_397 = arith.constant 0 : i32
      %add3A_398 = arith.addi %mul3A_396, %add3A_397 : i32
      %swap3A_399 = arith.index_cast %add3A_398 : i32 to index
      %swap3A_400 = arith.constant 32 : index
      %swap3A_401 = tpu.vector_load %arg6[%swap3A_399, %swap3A_400] {strides = array<i32>} : memref<128x128xf32, #tpu.memory_space<vmem>>, vector<1x16xf32>,
      %swap3A_402 = vector.shape_cast %swap3A_401 : vector<1x16xf32> to vector<16xf32>
      %swap3A_403 = vector.shape_cast %scan3A_375#2 : vector<16xf32> to vector<1x16xf32>
      tpu.vector_store %arg6[%swap3A_399, %swap3A_400], %swap3A_403 {strides = array<i32>} : memref<128x128xf32, #tpu.memory_space<vmem>>, vector<1x16xf32>,
      %mul3A_404 = arith.constant 1 : i32
      %mul3A_405 = arith.muli %add3A_354, %mul3A_404 : i32
      %add3A_406 = arith.constant 0 : i32
      %add3A_407 = arith.addi %mul3A_405, %add3A_406 : i32
      %swap3A_408 = arith.index_cast %add3A_407 : i32 to index
      %swap3A_409 = arith.constant 48 : index
      %swap3A_410 = tpu.vector_load %arg6[%swap3A_408, %swap3A_409] {strides = array<i32>} : memref<128x128xf32, #tpu.memory_space<vmem>>, vector<1x16xf32>,
      %swap3A_411 = vector.shape_cast %swap3A_410 : vector<1x16xf32> to vector<16xf32>
      %swap3A_412 = vector.shape_cast %scan3A_375#3 : vector<16xf32> to vector<1x16xf32>
      tpu.vector_store %arg6[%swap3A_408, %swap3A_409], %swap3A_412 {strides = array<i32>} : memref<128x128xf32, #tpu.memory_space<vmem>>, vector<1x16xf32>,
      %mul3A_413 = arith.constant 1 : i32
      %mul3A_414 = arith.muli %add3A_354, %mul3A_413 : i32
      %add3A_415 = arith.constant 0 : i32
      %add3A_416 = arith.addi %mul3A_414, %add3A_415 : i32
      %swap3A_417 = arith.index_cast %add3A_416 : i32 to index
      %swap3A_418 = arith.constant 64 : index
      %swap3A_419 = tpu.vector_load %arg6[%swap3A_417, %swap3A_418] {strides = array<i32>} : memref<128x128xf32, #tpu.memory_space<vmem>>, vector<1x16xf32>,
      %swap3A_420 = vector.shape_cast %swap3A_419 : vector<1x16xf32> to vector<16xf32>
      %swap3A_421 = vector.shape_cast %scan3A_375#4 : vector<16xf32> to vector<1x16xf32>
      tpu.vector_store %arg6[%swap3A_417, %swap3A_418], %swap3A_421 {strides = array<i32>} : memref<128x128xf32, #tpu.memory_space<vmem>>, vector<1x16xf32>,
      %mul3A_422 = arith.constant 1 : i32
      %mul3A_423 = arith.muli %add3A_354, %mul3A_422 : i32
      %add3A_424 = arith.constant 0 : i32
      %add3A_425 = arith.addi %mul3A_423, %add3A_424 : i32
      %swap3A_426 = arith.index_cast %add3A_425 : i32 to index
      %swap3A_427 = arith.constant 80 : index
      %swap3A_428 = tpu.vector_load %arg6[%swap3A_426, %swap3A_427] {strides = array<i32>} : memref<128x128xf32, #tpu.memory_space<vmem>>, vector<1x16xf32>,
      %swap3A_429 = vector.shape_cast %swap3A_428 : vector<1x16xf32> to vector<16xf32>
      %swap3A_430 = vector.shape_cast %scan3A_375#5 : vector<16xf32> to vector<1x16xf32>
      tpu.vector_store %arg6[%swap3A_426, %swap3A_427], %swap3A_430 {strides = array<i32>} : memref<128x128xf32, #tpu.memory_space<vmem>>, vector<1x16xf32>,
      %mul3A_431 = arith.constant 1 : i32
      %mul3A_432 = arith.muli %add3A_354, %mul3A_431 : i32
      %add3A_433 = arith.constant 0 : i32
      %add3A_434 = arith.addi %mul3A_432, %add3A_433 : i32
      %swap3A_435 = arith.index_cast %add3A_434 : i32 to index
      %swap3A_436 = arith.constant 96 : index
      %swap3A_437 = tpu.vector_load %arg6[%swap3A_435, %swap3A_436] {strides = array<i32>} : memref<128x128xf32, #tpu.memory_space<vmem>>, vector<1x16xf32>,
      %swap3A_438 = vector.shape_cast %swap3A_437 : vector<1x16xf32> to vector<16xf32>
      %swap3A_439 = vector.shape_cast %scan3A_375#6 : vector<16xf32> to vector<1x16xf32>
      tpu.vector_store %arg6[%swap3A_435, %swap3A_436], %swap3A_439 {strides = array<i32>} : memref<128x128xf32, #tpu.memory_space<vmem>>, vector<1x16xf32>,
      %mul3A_440 = arith.constant 1 : i32
      %mul3A_441 = arith.muli %add3A_354, %mul3A_440 : i32
      %add3A_442 = arith.constant 0 : i32
      %add3A_443 = arith.addi %mul3A_441, %add3A_442 : i32
      %swap3A_444 = arith.index_cast %add3A_443 : i32 to index
      %swap3A_445 = arith.constant 112 : index
      %swap3A_446 = tpu.vector_load %arg6[%swap3A_444, %swap3A_445] {strides = array<i32>} : memref<128x128xf32, #tpu.memory_space<vmem>>, vector<1x16xf32>,
      %swap3A_447 = vector.shape_cast %swap3A_446 : vector<1x16xf32> to vector<16xf32>
      %swap3A_448 = vector.shape_cast %scan3A_375#7 : vector<16xf32> to vector<1x16xf32>
      tpu.vector_store %arg6[%swap3A_444, %swap3A_445], %swap3A_448 {strides = array<i32>} : memref<128x128xf32, #tpu.memory_space<vmem>>, vector<1x16xf32>,
      %add3A_449 = arith.constant 3 : i32
      %add3A_450 = arith.addi %mul3A_105, %add3A_449 : i32
      %add3A_451 = arith.constant 6 : i32
      %add3A_452 = arith.addi %add3A_450, %add3A_451 : i32
      %min3A_453 = arith.constant 127 : i32
      %min3A_454 = arith.minsi %add3A_452, %min3A_453 : i32
      %dma_start3A_455 = arith.constant 0 : i32
      %dma_start3A_456 = tpu.memref_slice %arg5[%min3A_454, %dma_start3A_455] : memref<128x50xi32, #tpu.memory_space<vmem>> -> memref<1x50xi32, #tpu.memory_space<vmem>>
      %dma_start3A_457 = tpu.memref_squeeze %dma_start3A_456 : memref<1x50xi32, #tpu.memory_space<vmem>> -> memref<50xi32, #tpu.memory_space<vmem>>
      %dma_start3A_458 = arith.constant 0 : i32
      %dma_start3A_459 = arith.constant 0 : i32
      %dma_start3A_460 = tpu.memref_slice %arg3[%dma_start3A_458, %dma_start3A_459] : memref<100000x128xf32, #tpu.memory_space<hbm>> -> memref<100000x128xf32, #tpu.memory_space<hbm>>
      tpu.enqueue_indirect_dma source(%dma_start3A_460 : memref<100000x128xf32, #tpu.memory_space<hbm>>) target(%arg8 : memref<50x128xf32, #tpu.memory_space<vmem>>) offsets(%dma_start3A_457 : memref<50xi32, #tpu.memory_space<vmem>>) semaphore(%arg16 : memref<!tpu.dma_semaphore, #tpu.memory_space<semaphore_mem>>)
      %dma_wait3A_461 = arith.constant 0 : i32
      %dma_wait3A_462 = arith.constant 0 : i32
      %dma_wait3A_463 = tpu.memref_slice %arg5[%dma_wait3A_461, %dma_wait3A_462] : memref<128x50xi32, #tpu.memory_space<vmem>> -> memref<1x50xi32, #tpu.memory_space<vmem>>
      %dma_wait3A_464 = tpu.memref_squeeze %dma_wait3A_463 : memref<1x50xi32, #tpu.memory_space<vmem>> -> memref<50xi32, #tpu.memory_space<vmem>>
      %dma_wait3A_465 = arith.constant 0 : i32
      %dma_wait3A_466 = arith.constant 0 : i32
      %dma_wait3A_467 = tpu.memref_slice %arg3[%dma_wait3A_465, %dma_wait3A_466] : memref<100000x128xf32, #tpu.memory_space<hbm>> -> memref<100000x128xf32, #tpu.memory_space<hbm>>
      tpu.wait_indirect_dma semaphore(%arg18 : memref<!tpu.dma_semaphore, #tpu.memory_space<semaphore_mem>>) src(%dma_wait3A_467 : memref<100000x128xf32, #tpu.memory_space<hbm>>) dst(%arg10 : memref<50x128xf32, #tpu.memory_space<vmem>>)
      %add3A_468 = arith.constant 3 : i32
      %add3A_469 = arith.addi %mul3A_105, %add3A_468 : i32
      %broadcast_in_dim3A_470 = arith.constant 0.000000e+00 : f32
      %broadcast_in_dim3A_471 = vector.broadcast %broadcast_in_dim3A_470 : f32 to vector<16xf32>
      %broadcast_in_dim3A_472 = arith.constant 0.000000e+00 : f32
      %broadcast_in_dim3A_473 = vector.broadcast %broadcast_in_dim3A_472 : f32 to vector<16xf32>
      %broadcast_in_dim3A_474 = arith.constant 0.000000e+00 : f32
      %broadcast_in_dim3A_475 = vector.broadcast %broadcast_in_dim3A_474 : f32 to vector<16xf32>
      %broadcast_in_dim3A_476 = arith.constant 0.000000e+00 : f32
      %broadcast_in_dim3A_477 = vector.broadcast %broadcast_in_dim3A_476 : f32 to vector<16xf32>
      %broadcast_in_dim3A_478 = arith.constant 0.000000e+00 : f32
      %broadcast_in_dim3A_479 = vector.broadcast %broadcast_in_dim3A_478 : f32 to vector<16xf32>
      %broadcast_in_dim3A_480 = arith.constant 0.000000e+00 : f32
      %broadcast_in_dim3A_481 = vector.broadcast %broadcast_in_dim3A_480 : f32 to vector<16xf32>
      %broadcast_in_dim3A_482 = arith.constant 0.000000e+00 : f32
      %broadcast_in_dim3A_483 = vector.broadcast %broadcast_in_dim3A_482 : f32 to vector<16xf32>
      %broadcast_in_dim3A_484 = arith.constant 0.000000e+00 : f32
      %broadcast_in_dim3A_485 = vector.broadcast %broadcast_in_dim3A_484 : f32 to vector<16xf32>
      %scan3A_486 = arith.constant 0 : i32
      %scan3A_487 = arith.constant 50 : i32
      %scan3A_488 = arith.addi %scan3A_486, %scan3A_487 : i32
      %scan3A_489 = arith.constant 5 : i32
      %scan3A_490:8 = scf.for %scan3A_1024 = %scan3A_486 to %scan3A_488 step %scan3A_489 iter_args(%scan3A_1025 = %broadcast_in_dim3A_471, %scan3A_1026 = %broadcast_in_dim3A_473, %scan3A_1027 = %broadcast_in_dim3A_475, %scan3A_1028 = %broadcast_in_dim3A_477, %scan3A_1029 = %broadcast_in_dim3A_479, %scan3A_1030 = %broadcast_in_dim3A_481, %scan3A_1031 = %broadcast_in_dim3A_483, %scan3A_1032 = %broadcast_in_dim3A_485) -> (vector<16xf32>, vector<16xf32>, vector<16xf32>, vector<16xf32>, vector<16xf32>, vector<16xf32>, vector<16xf32>, vector<16xf32>)  : i32 {
        %add3A_1033 = arith.constant 0 : i32
        %add3A_1034 = arith.addi %add3A_1033, %scan3A_1024 : i32
        %get3A = arith.index_cast %add3A_1034 : i32 to index
        %get3A_1035 = arith.constant 0 : index
        %get3A_1036 = tpu.vector_load %arg10[%get3A, %get3A_1035] {strides = array<i32>} : memref<50x128xf32, #tpu.memory_space<vmem>>, vector<1x16xf32>,
        %get3A_1037 = vector.shape_cast %get3A_1036 : vector<1x16xf32> to vector<16xf32>
        %add3A_1038 = arith.addf %scan3A_1025, %get3A_1037 : vector<16xf32>
        %add3A_1039 = arith.constant 0 : i32
        %add3A_1040 = arith.addi %add3A_1039, %scan3A_1024 : i32
        %get3A_1041 = arith.index_cast %add3A_1040 : i32 to index
        %get3A_1042 = arith.constant 16 : index
        %get3A_1043 = tpu.vector_load %arg10[%get3A_1041, %get3A_1042] {strides = array<i32>} : memref<50x128xf32, #tpu.memory_space<vmem>>, vector<1x16xf32>,
        %get3A_1044 = vector.shape_cast %get3A_1043 : vector<1x16xf32> to vector<16xf32>
        %add3A_1045 = arith.addf %scan3A_1026, %get3A_1044 : vector<16xf32>
        %add3A_1046 = arith.constant 0 : i32
        %add3A_1047 = arith.addi %add3A_1046, %scan3A_1024 : i32
        %get3A_1048 = arith.index_cast %add3A_1047 : i32 to index
        %get3A_1049 = arith.constant 32 : index
        %get3A_1050 = tpu.vector_load %arg10[%get3A_1048, %get3A_1049] {strides = array<i32>} : memref<50x128xf32, #tpu.memory_space<vmem>>, vector<1x16xf32>,
        %get3A_1051 = vector.shape_cast %get3A_1050 : vector<1x16xf32> to vector<16xf32>
        %add3A_1052 = arith.addf %scan3A_1027, %get3A_1051 : vector<16xf32>
        %add3A_1053 = arith.constant 0 : i32
        %add3A_1054 = arith.addi %add3A_1053, %scan3A_1024 : i32
        %get3A_1055 = arith.index_cast %add3A_1054 : i32 to index
        %get3A_1056 = arith.constant 48 : index
        %get3A_1057 = tpu.vector_load %arg10[%get3A_1055, %get3A_1056] {strides = array<i32>} : memref<50x128xf32, #tpu.memory_space<vmem>>, vector<1x16xf32>,
        %get3A_1058 = vector.shape_cast %get3A_1057 : vector<1x16xf32> to vector<16xf32>
        %add3A_1059 = arith.addf %scan3A_1028, %get3A_1058 : vector<16xf32>
        %add3A_1060 = arith.constant 0 : i32
        %add3A_1061 = arith.addi %add3A_1060, %scan3A_1024 : i32
        %get3A_1062 = arith.index_cast %add3A_1061 : i32 to index
        %get3A_1063 = arith.constant 64 : index
        %get3A_1064 = tpu.vector_load %arg10[%get3A_1062, %get3A_1063] {strides = array<i32>} : memref<50x128xf32, #tpu.memory_space<vmem>>, vector<1x16xf32>,
        %get3A_1065 = vector.shape_cast %get3A_1064 : vector<1x16xf32> to vector<16xf32>
        %add3A_1066 = arith.addf %scan3A_1029, %get3A_1065 : vector<16xf32>
        %add3A_1067 = arith.constant 0 : i32
        %add3A_1068 = arith.addi %add3A_1067, %scan3A_1024 : i32
        %get3A_1069 = arith.index_cast %add3A_1068 : i32 to index
        %get3A_1070 = arith.constant 80 : index
        %get3A_1071 = tpu.vector_load %arg10[%get3A_1069, %get3A_1070] {strides = array<i32>} : memref<50x128xf32, #tpu.memory_space<vmem>>, vector<1x16xf32>,
        %get3A_1072 = vector.shape_cast %get3A_1071 : vector<1x16xf32> to vector<16xf32>
        %add3A_1073 = arith.addf %scan3A_1030, %get3A_1072 : vector<16xf32>
        %add3A_1074 = arith.constant 0 : i32
        %add3A_1075 = arith.addi %add3A_1074, %scan3A_1024 : i32
        %get3A_1076 = arith.index_cast %add3A_1075 : i32 to index
        %get3A_1077 = arith.constant 96 : index
        %get3A_1078 = tpu.vector_load %arg10[%get3A_1076, %get3A_1077] {strides = array<i32>} : memref<50x128xf32, #tpu.memory_space<vmem>>, vector<1x16xf32>,
        %get3A_1079 = vector.shape_cast %get3A_1078 : vector<1x16xf32> to vector<16xf32>
        %add3A_1080 = arith.addf %scan3A_1031, %get3A_1079 : vector<16xf32>
        %add3A_1081 = arith.constant 0 : i32
        %add3A_1082 = arith.addi %add3A_1081, %scan3A_1024 : i32
        %get3A_1083 = arith.index_cast %add3A_1082 : i32 to index
        %get3A_1084 = arith.constant 112 : index
        %get3A_1085 = tpu.vector_load %arg10[%get3A_1083, %get3A_1084] {strides = array<i32>} : memref<50x128xf32, #tpu.memory_space<vmem>>, vector<1x16xf32>,
        %get3A_1086 = vector.shape_cast %get3A_1085 : vector<1x16xf32> to vector<16xf32>
        %add3A_1087 = arith.addf %scan3A_1032, %get3A_1086 : vector<16xf32>
        %scan3A_1088 = arith.constant 1 : i32
        %scan3A_1089 = arith.addi %scan3A_1024, %scan3A_1088 : i32
        %add3A_1090 = arith.constant 0 : i32
        %add3A_1091 = arith.addi %add3A_1090, %scan3A_1089 : i32
        %get3A_1092 = arith.index_cast %add3A_1091 : i32 to index
        %get3A_1093 = arith.constant 0 : index
        %get3A_1094 = tpu.vector_load %arg10[%get3A_1092, %get3A_1093] {strides = array<i32>} : memref<50x128xf32, #tpu.memory_space<vmem>>, vector<1x16xf32>,
        %get3A_1095 = vector.shape_cast %get3A_1094 : vector<1x16xf32> to vector<16xf32>
        %add3A_1096 = arith.addf %add3A_1038, %get3A_1095 : vector<16xf32>
        %add3A_1097 = arith.constant 0 : i32
        %add3A_1098 = arith.addi %add3A_1097, %scan3A_1089 : i32
        %get3A_1099 = arith.index_cast %add3A_1098 : i32 to index
        %get3A_1100 = arith.constant 16 : index
        %get3A_1101 = tpu.vector_load %arg10[%get3A_1099, %get3A_1100] {strides = array<i32>} : memref<50x128xf32, #tpu.memory_space<vmem>>, vector<1x16xf32>,
        %get3A_1102 = vector.shape_cast %get3A_1101 : vector<1x16xf32> to vector<16xf32>
        %add3A_1103 = arith.addf %add3A_1045, %get3A_1102 : vector<16xf32>
        %add3A_1104 = arith.constant 0 : i32
        %add3A_1105 = arith.addi %add3A_1104, %scan3A_1089 : i32
        %get3A_1106 = arith.index_cast %add3A_1105 : i32 to index
        %get3A_1107 = arith.constant 32 : index
        %get3A_1108 = tpu.vector_load %arg10[%get3A_1106, %get3A_1107] {strides = array<i32>} : memref<50x128xf32, #tpu.memory_space<vmem>>, vector<1x16xf32>,
        %get3A_1109 = vector.shape_cast %get3A_1108 : vector<1x16xf32> to vector<16xf32>
        %add3A_1110 = arith.addf %add3A_1052, %get3A_1109 : vector<16xf32>
        %add3A_1111 = arith.constant 0 : i32
        %add3A_1112 = arith.addi %add3A_1111, %scan3A_1089 : i32
        %get3A_1113 = arith.index_cast %add3A_1112 : i32 to index
        %get3A_1114 = arith.constant 48 : index
        %get3A_1115 = tpu.vector_load %arg10[%get3A_1113, %get3A_1114] {strides = array<i32>} : memref<50x128xf32, #tpu.memory_space<vmem>>, vector<1x16xf32>,
        %get3A_1116 = vector.shape_cast %get3A_1115 : vector<1x16xf32> to vector<16xf32>
        %add3A_1117 = arith.addf %add3A_1059, %get3A_1116 : vector<16xf32>
        %add3A_1118 = arith.constant 0 : i32
        %add3A_1119 = arith.addi %add3A_1118, %scan3A_1089 : i32
        %get3A_1120 = arith.index_cast %add3A_1119 : i32 to index
        %get3A_1121 = arith.constant 64 : index
        %get3A_1122 = tpu.vector_load %arg10[%get3A_1120, %get3A_1121] {strides = array<i32>} : memref<50x128xf32, #tpu.memory_space<vmem>>, vector<1x16xf32>,
        %get3A_1123 = vector.shape_cast %get3A_1122 : vector<1x16xf32> to vector<16xf32>
        %add3A_1124 = arith.addf %add3A_1066, %get3A_1123 : vector<16xf32>
        %add3A_1125 = arith.constant 0 : i32
        %add3A_1126 = arith.addi %add3A_1125, %scan3A_1089 : i32
        %get3A_1127 = arith.index_cast %add3A_1126 : i32 to index
        %get3A_1128 = arith.constant 80 : index
        %get3A_1129 = tpu.vector_load %arg10[%get3A_1127, %get3A_1128] {strides = array<i32>} : memref<50x128xf32, #tpu.memory_space<vmem>>, vector<1x16xf32>,
        %get3A_1130 = vector.shape_cast %get3A_1129 : vector<1x16xf32> to vector<16xf32>
        %add3A_1131 = arith.addf %add3A_1073, %get3A_1130 : vector<16xf32>
        %add3A_1132 = arith.constant 0 : i32
        %add3A_1133 = arith.addi %add3A_1132, %scan3A_1089 : i32
        %get3A_1134 = arith.index_cast %add3A_1133 : i32 to index
        %get3A_1135 = arith.constant 96 : index
        %get3A_1136 = tpu.vector_load %arg10[%get3A_1134, %get3A_1135] {strides = array<i32>} : memref<50x128xf32, #tpu.memory_space<vmem>>, vector<1x16xf32>,
        %get3A_1137 = vector.shape_cast %get3A_1136 : vector<1x16xf32> to vector<16xf32>
        %add3A_1138 = arith.addf %add3A_1080, %get3A_1137 : vector<16xf32>
        %add3A_1139 = arith.constant 0 : i32
        %add3A_1140 = arith.addi %add3A_1139, %scan3A_1089 : i32
        %get3A_1141 = arith.index_cast %add3A_1140 : i32 to index
        %get3A_1142 = arith.constant 112 : index
        %get3A_1143 = tpu.vector_load %arg10[%get3A_1141, %get3A_1142] {strides = array<i32>} : memref<50x128xf32, #tpu.memory_space<vmem>>, vector<1x16xf32>,
        %get3A_1144 = vector.shape_cast %get3A_1143 : vector<1x16xf32> to vector<16xf32>
        %add3A_1145 = arith.addf %add3A_1087, %get3A_1144 : vector<16xf32>
        %scan3A_1146 = arith.constant 2 : i32
        %scan3A_1147 = arith.addi %scan3A_1024, %scan3A_1146 : i32
        %add3A_1148 = arith.constant 0 : i32
        %add3A_1149 = arith.addi %add3A_1148, %scan3A_1147 : i32
        %get3A_1150 = arith.index_cast %add3A_1149 : i32 to index
        %get3A_1151 = arith.constant 0 : index
        %get3A_1152 = tpu.vector_load %arg10[%get3A_1150, %get3A_1151] {strides = array<i32>} : memref<50x128xf32, #tpu.memory_space<vmem>>, vector<1x16xf32>,
        %get3A_1153 = vector.shape_cast %get3A_1152 : vector<1x16xf32> to vector<16xf32>
        %add3A_1154 = arith.addf %add3A_1096, %get3A_1153 : vector<16xf32>
        %add3A_1155 = arith.constant 0 : i32
        %add3A_1156 = arith.addi %add3A_1155, %scan3A_1147 : i32
        %get3A_1157 = arith.index_cast %add3A_1156 : i32 to index
        %get3A_1158 = arith.constant 16 : index
        %get3A_1159 = tpu.vector_load %arg10[%get3A_1157, %get3A_1158] {strides = array<i32>} : memref<50x128xf32, #tpu.memory_space<vmem>>, vector<1x16xf32>,
        %get3A_1160 = vector.shape_cast %get3A_1159 : vector<1x16xf32> to vector<16xf32>
        %add3A_1161 = arith.addf %add3A_1103, %get3A_1160 : vector<16xf32>
        %add3A_1162 = arith.constant 0 : i32
        %add3A_1163 = arith.addi %add3A_1162, %scan3A_1147 : i32
        %get3A_1164 = arith.index_cast %add3A_1163 : i32 to index
        %get3A_1165 = arith.constant 32 : index
        %get3A_1166 = tpu.vector_load %arg10[%get3A_1164, %get3A_1165] {strides = array<i32>} : memref<50x128xf32, #tpu.memory_space<vmem>>, vector<1x16xf32>,
        %get3A_1167 = vector.shape_cast %get3A_1166 : vector<1x16xf32> to vector<16xf32>
        %add3A_1168 = arith.addf %add3A_1110, %get3A_1167 : vector<16xf32>
        %add3A_1169 = arith.constant 0 : i32
        %add3A_1170 = arith.addi %add3A_1169, %scan3A_1147 : i32
        %get3A_1171 = arith.index_cast %add3A_1170 : i32 to index
        %get3A_1172 = arith.constant 48 : index
        %get3A_1173 = tpu.vector_load %arg10[%get3A_1171, %get3A_1172] {strides = array<i32>} : memref<50x128xf32, #tpu.memory_space<vmem>>, vector<1x16xf32>,
        %get3A_1174 = vector.shape_cast %get3A_1173 : vector<1x16xf32> to vector<16xf32>
        %add3A_1175 = arith.addf %add3A_1117, %get3A_1174 : vector<16xf32>
        %add3A_1176 = arith.constant 0 : i32
        %add3A_1177 = arith.addi %add3A_1176, %scan3A_1147 : i32
        %get3A_1178 = arith.index_cast %add3A_1177 : i32 to index
        %get3A_1179 = arith.constant 64 : index
        %get3A_1180 = tpu.vector_load %arg10[%get3A_1178, %get3A_1179] {strides = array<i32>} : memref<50x128xf32, #tpu.memory_space<vmem>>, vector<1x16xf32>,
        %get3A_1181 = vector.shape_cast %get3A_1180 : vector<1x16xf32> to vector<16xf32>
        %add3A_1182 = arith.addf %add3A_1124, %get3A_1181 : vector<16xf32>
        %add3A_1183 = arith.constant 0 : i32
        %add3A_1184 = arith.addi %add3A_1183, %scan3A_1147 : i32
        %get3A_1185 = arith.index_cast %add3A_1184 : i32 to index
        %get3A_1186 = arith.constant 80 : index
        %get3A_1187 = tpu.vector_load %arg10[%get3A_1185, %get3A_1186] {strides = array<i32>} : memref<50x128xf32, #tpu.memory_space<vmem>>, vector<1x16xf32>,
        %get3A_1188 = vector.shape_cast %get3A_1187 : vector<1x16xf32> to vector<16xf32>
        %add3A_1189 = arith.addf %add3A_1131, %get3A_1188 : vector<16xf32>
        %add3A_1190 = arith.constant 0 : i32
        %add3A_1191 = arith.addi %add3A_1190, %scan3A_1147 : i32
        %get3A_1192 = arith.index_cast %add3A_1191 : i32 to index
        %get3A_1193 = arith.constant 96 : index
        %get3A_1194 = tpu.vector_load %arg10[%get3A_1192, %get3A_1193] {strides = array<i32>} : memref<50x128xf32, #tpu.memory_space<vmem>>, vector<1x16xf32>,
        %get3A_1195 = vector.shape_cast %get3A_1194 : vector<1x16xf32> to vector<16xf32>
        %add3A_1196 = arith.addf %add3A_1138, %get3A_1195 : vector<16xf32>
        %add3A_1197 = arith.constant 0 : i32
        %add3A_1198 = arith.addi %add3A_1197, %scan3A_1147 : i32
        %get3A_1199 = arith.index_cast %add3A_1198 : i32 to index
        %get3A_1200 = arith.constant 112 : index
        %get3A_1201 = tpu.vector_load %arg10[%get3A_1199, %get3A_1200] {strides = array<i32>} : memref<50x128xf32, #tpu.memory_space<vmem>>, vector<1x16xf32>,
        %get3A_1202 = vector.shape_cast %get3A_1201 : vector<1x16xf32> to vector<16xf32>
        %add3A_1203 = arith.addf %add3A_1145, %get3A_1202 : vector<16xf32>
        %scan3A_1204 = arith.constant 3 : i32
        %scan3A_1205 = arith.addi %scan3A_1024, %scan3A_1204 : i32
        %add3A_1206 = arith.constant 0 : i32
        %add3A_1207 = arith.addi %add3A_1206, %scan3A_1205 : i32
        %get3A_1208 = arith.index_cast %add3A_1207 : i32 to index
        %get3A_1209 = arith.constant 0 : index
        %get3A_1210 = tpu.vector_load %arg10[%get3A_1208, %get3A_1209] {strides = array<i32>} : memref<50x128xf32, #tpu.memory_space<vmem>>, vector<1x16xf32>,
        %get3A_1211 = vector.shape_cast %get3A_1210 : vector<1x16xf32> to vector<16xf32>
        %add3A_1212 = arith.addf %add3A_1154, %get3A_1211 : vector<16xf32>
        %add3A_1213 = arith.constant 0 : i32
        %add3A_1214 = arith.addi %add3A_1213, %scan3A_1205 : i32
        %get3A_1215 = arith.index_cast %add3A_1214 : i32 to index
        %get3A_1216 = arith.constant 16 : index
        %get3A_1217 = tpu.vector_load %arg10[%get3A_1215, %get3A_1216] {strides = array<i32>} : memref<50x128xf32, #tpu.memory_space<vmem>>, vector<1x16xf32>,
        %get3A_1218 = vector.shape_cast %get3A_1217 : vector<1x16xf32> to vector<16xf32>
        %add3A_1219 = arith.addf %add3A_1161, %get3A_1218 : vector<16xf32>
        %add3A_1220 = arith.constant 0 : i32
        %add3A_1221 = arith.addi %add3A_1220, %scan3A_1205 : i32
        %get3A_1222 = arith.index_cast %add3A_1221 : i32 to index
        %get3A_1223 = arith.constant 32 : index
        %get3A_1224 = tpu.vector_load %arg10[%get3A_1222, %get3A_1223] {strides = array<i32>} : memref<50x128xf32, #tpu.memory_space<vmem>>, vector<1x16xf32>,
        %get3A_1225 = vector.shape_cast %get3A_1224 : vector<1x16xf32> to vector<16xf32>
        %add3A_1226 = arith.addf %add3A_1168, %get3A_1225 : vector<16xf32>
        %add3A_1227 = arith.constant 0 : i32
        %add3A_1228 = arith.addi %add3A_1227, %scan3A_1205 : i32
        %get3A_1229 = arith.index_cast %add3A_1228 : i32 to index
        %get3A_1230 = arith.constant 48 : index
        %get3A_1231 = tpu.vector_load %arg10[%get3A_1229, %get3A_1230] {strides = array<i32>} : memref<50x128xf32, #tpu.memory_space<vmem>>, vector<1x16xf32>,
        %get3A_1232 = vector.shape_cast %get3A_1231 : vector<1x16xf32> to vector<16xf32>
        %add3A_1233 = arith.addf %add3A_1175, %get3A_1232 : vector<16xf32>
        %add3A_1234 = arith.constant 0 : i32
        %add3A_1235 = arith.addi %add3A_1234, %scan3A_1205 : i32
        %get3A_1236 = arith.index_cast %add3A_1235 : i32 to index
        %get3A_1237 = arith.constant 64 : index
        %get3A_1238 = tpu.vector_load %arg10[%get3A_1236, %get3A_1237] {strides = array<i32>} : memref<50x128xf32, #tpu.memory_space<vmem>>, vector<1x16xf32>,
        %get3A_1239 = vector.shape_cast %get3A_1238 : vector<1x16xf32> to vector<16xf32>
        %add3A_1240 = arith.addf %add3A_1182, %get3A_1239 : vector<16xf32>
        %add3A_1241 = arith.constant 0 : i32
        %add3A_1242 = arith.addi %add3A_1241, %scan3A_1205 : i32
        %get3A_1243 = arith.index_cast %add3A_1242 : i32 to index
        %get3A_1244 = arith.constant 80 : index
        %get3A_1245 = tpu.vector_load %arg10[%get3A_1243, %get3A_1244] {strides = array<i32>} : memref<50x128xf32, #tpu.memory_space<vmem>>, vector<1x16xf32>,
        %get3A_1246 = vector.shape_cast %get3A_1245 : vector<1x16xf32> to vector<16xf32>
        %add3A_1247 = arith.addf %add3A_1189, %get3A_1246 : vector<16xf32>
        %add3A_1248 = arith.constant 0 : i32
        %add3A_1249 = arith.addi %add3A_1248, %scan3A_1205 : i32
        %get3A_1250 = arith.index_cast %add3A_1249 : i32 to index
        %get3A_1251 = arith.constant 96 : index
        %get3A_1252 = tpu.vector_load %arg10[%get3A_1250, %get3A_1251] {strides = array<i32>} : memref<50x128xf32, #tpu.memory_space<vmem>>, vector<1x16xf32>,
        %get3A_1253 = vector.shape_cast %get3A_1252 : vector<1x16xf32> to vector<16xf32>
        %add3A_1254 = arith.addf %add3A_1196, %get3A_1253 : vector<16xf32>
        %add3A_1255 = arith.constant 0 : i32
        %add3A_1256 = arith.addi %add3A_1255, %scan3A_1205 : i32
        %get3A_1257 = arith.index_cast %add3A_1256 : i32 to index
        %get3A_1258 = arith.constant 112 : index
        %get3A_1259 = tpu.vector_load %arg10[%get3A_1257, %get3A_1258] {strides = array<i32>} : memref<50x128xf32, #tpu.memory_space<vmem>>, vector<1x16xf32>,
        %get3A_1260 = vector.shape_cast %get3A_1259 : vector<1x16xf32> to vector<16xf32>
        %add3A_1261 = arith.addf %add3A_1203, %get3A_1260 : vector<16xf32>
        %scan3A_1262 = arith.constant 4 : i32
        %scan3A_1263 = arith.addi %scan3A_1024, %scan3A_1262 : i32
        %add3A_1264 = arith.constant 0 : i32
        %add3A_1265 = arith.addi %add3A_1264, %scan3A_1263 : i32
        %get3A_1266 = arith.index_cast %add3A_1265 : i32 to index
        %get3A_1267 = arith.constant 0 : index
        %get3A_1268 = tpu.vector_load %arg10[%get3A_1266, %get3A_1267] {strides = array<i32>} : memref<50x128xf32, #tpu.memory_space<vmem>>, vector<1x16xf32>,
        %get3A_1269 = vector.shape_cast %get3A_1268 : vector<1x16xf32> to vector<16xf32>
        %add3A_1270 = arith.addf %add3A_1212, %get3A_1269 : vector<16xf32>
        %add3A_1271 = arith.constant 0 : i32
        %add3A_1272 = arith.addi %add3A_1271, %scan3A_1263 : i32
        %get3A_1273 = arith.index_cast %add3A_1272 : i32 to index
        %get3A_1274 = arith.constant 16 : index
        %get3A_1275 = tpu.vector_load %arg10[%get3A_1273, %get3A_1274] {strides = array<i32>} : memref<50x128xf32, #tpu.memory_space<vmem>>, vector<1x16xf32>,
        %get3A_1276 = vector.shape_cast %get3A_1275 : vector<1x16xf32> to vector<16xf32>
        %add3A_1277 = arith.addf %add3A_1219, %get3A_1276 : vector<16xf32>
        %add3A_1278 = arith.constant 0 : i32
        %add3A_1279 = arith.addi %add3A_1278, %scan3A_1263 : i32
        %get3A_1280 = arith.index_cast %add3A_1279 : i32 to index
        %get3A_1281 = arith.constant 32 : index
        %get3A_1282 = tpu.vector_load %arg10[%get3A_1280, %get3A_1281] {strides = array<i32>} : memref<50x128xf32, #tpu.memory_space<vmem>>, vector<1x16xf32>,
        %get3A_1283 = vector.shape_cast %get3A_1282 : vector<1x16xf32> to vector<16xf32>
        %add3A_1284 = arith.addf %add3A_1226, %get3A_1283 : vector<16xf32>
        %add3A_1285 = arith.constant 0 : i32
        %add3A_1286 = arith.addi %add3A_1285, %scan3A_1263 : i32
        %get3A_1287 = arith.index_cast %add3A_1286 : i32 to index
        %get3A_1288 = arith.constant 48 : index
        %get3A_1289 = tpu.vector_load %arg10[%get3A_1287, %get3A_1288] {strides = array<i32>} : memref<50x128xf32, #tpu.memory_space<vmem>>, vector<1x16xf32>,
        %get3A_1290 = vector.shape_cast %get3A_1289 : vector<1x16xf32> to vector<16xf32>
        %add3A_1291 = arith.addf %add3A_1233, %get3A_1290 : vector<16xf32>
        %add3A_1292 = arith.constant 0 : i32
        %add3A_1293 = arith.addi %add3A_1292, %scan3A_1263 : i32
        %get3A_1294 = arith.index_cast %add3A_1293 : i32 to index
        %get3A_1295 = arith.constant 64 : index
        %get3A_1296 = tpu.vector_load %arg10[%get3A_1294, %get3A_1295] {strides = array<i32>} : memref<50x128xf32, #tpu.memory_space<vmem>>, vector<1x16xf32>,
        %get3A_1297 = vector.shape_cast %get3A_1296 : vector<1x16xf32> to vector<16xf32>
        %add3A_1298 = arith.addf %add3A_1240, %get3A_1297 : vector<16xf32>
        %add3A_1299 = arith.constant 0 : i32
        %add3A_1300 = arith.addi %add3A_1299, %scan3A_1263 : i32
        %get3A_1301 = arith.index_cast %add3A_1300 : i32 to index
        %get3A_1302 = arith.constant 80 : index
        %get3A_1303 = tpu.vector_load %arg10[%get3A_1301, %get3A_1302] {strides = array<i32>} : memref<50x128xf32, #tpu.memory_space<vmem>>, vector<1x16xf32>,
        %get3A_1304 = vector.shape_cast %get3A_1303 : vector<1x16xf32> to vector<16xf32>
        %add3A_1305 = arith.addf %add3A_1247, %get3A_1304 : vector<16xf32>
        %add3A_1306 = arith.constant 0 : i32
        %add3A_1307 = arith.addi %add3A_1306, %scan3A_1263 : i32
        %get3A_1308 = arith.index_cast %add3A_1307 : i32 to index
        %get3A_1309 = arith.constant 96 : index
        %get3A_1310 = tpu.vector_load %arg10[%get3A_1308, %get3A_1309] {strides = array<i32>} : memref<50x128xf32, #tpu.memory_space<vmem>>, vector<1x16xf32>,
        %get3A_1311 = vector.shape_cast %get3A_1310 : vector<1x16xf32> to vector<16xf32>
        %add3A_1312 = arith.addf %add3A_1254, %get3A_1311 : vector<16xf32>
        %add3A_1313 = arith.constant 0 : i32
        %add3A_1314 = arith.addi %add3A_1313, %scan3A_1263 : i32
        %get3A_1315 = arith.index_cast %add3A_1314 : i32 to index
        %get3A_1316 = arith.constant 112 : index
        %get3A_1317 = tpu.vector_load %arg10[%get3A_1315, %get3A_1316] {strides = array<i32>} : memref<50x128xf32, #tpu.memory_space<vmem>>, vector<1x16xf32>,
        %get3A_1318 = vector.shape_cast %get3A_1317 : vector<1x16xf32> to vector<16xf32>
        %add3A_1319 = arith.addf %add3A_1261, %get3A_1318 : vector<16xf32>
        scf.yield %add3A_1270, %add3A_1277, %add3A_1284, %add3A_1291, %add3A_1298, %add3A_1305, %add3A_1312, %add3A_1319 : vector<16xf32>, vector<16xf32>, vector<16xf32>, vector<16xf32>, vector<16xf32>, vector<16xf32>, vector<16xf32>, vector<16xf32>
      }
      %scan3A_491 = arith.constant 50 : i32
      %mul3A_492 = arith.constant 1 : i32
      %mul3A_493 = arith.muli %add3A_469, %mul3A_492 : i32
      %add3A_494 = arith.constant 0 : i32
      %add3A_495 = arith.addi %mul3A_493, %add3A_494 : i32
      %swap3A_496 = arith.index_cast %add3A_495 : i32 to index
      %swap3A_497 = arith.constant 0 : index
      %swap3A_498 = tpu.vector_load %arg6[%swap3A_496, %swap3A_497] {strides = array<i32>} : memref<128x128xf32, #tpu.memory_space<vmem>>, vector<1x16xf32>,
      %swap3A_499 = vector.shape_cast %swap3A_498 : vector<1x16xf32> to vector<16xf32>
      %swap3A_500 = vector.shape_cast %scan3A_490#0 : vector<16xf32> to vector<1x16xf32>
      tpu.vector_store %arg6[%swap3A_496, %swap3A_497], %swap3A_500 {strides = array<i32>} : memref<128x128xf32, #tpu.memory_space<vmem>>, vector<1x16xf32>,
      %mul3A_501 = arith.constant 1 : i32
      %mul3A_502 = arith.muli %add3A_469, %mul3A_501 : i32
      %add3A_503 = arith.constant 0 : i32
      %add3A_504 = arith.addi %mul3A_502, %add3A_503 : i32
      %swap3A_505 = arith.index_cast %add3A_504 : i32 to index
      %swap3A_506 = arith.constant 16 : index
      %swap3A_507 = tpu.vector_load %arg6[%swap3A_505, %swap3A_506] {strides = array<i32>} : memref<128x128xf32, #tpu.memory_space<vmem>>, vector<1x16xf32>,
      %swap3A_508 = vector.shape_cast %swap3A_507 : vector<1x16xf32> to vector<16xf32>
      %swap3A_509 = vector.shape_cast %scan3A_490#1 : vector<16xf32> to vector<1x16xf32>
      tpu.vector_store %arg6[%swap3A_505, %swap3A_506], %swap3A_509 {strides = array<i32>} : memref<128x128xf32, #tpu.memory_space<vmem>>, vector<1x16xf32>,
      %mul3A_510 = arith.constant 1 : i32
      %mul3A_511 = arith.muli %add3A_469, %mul3A_510 : i32
      %add3A_512 = arith.constant 0 : i32
      %add3A_513 = arith.addi %mul3A_511, %add3A_512 : i32
      %swap3A_514 = arith.index_cast %add3A_513 : i32 to index
      %swap3A_515 = arith.constant 32 : index
      %swap3A_516 = tpu.vector_load %arg6[%swap3A_514, %swap3A_515] {strides = array<i32>} : memref<128x128xf32, #tpu.memory_space<vmem>>, vector<1x16xf32>,
      %swap3A_517 = vector.shape_cast %swap3A_516 : vector<1x16xf32> to vector<16xf32>
      %swap3A_518 = vector.shape_cast %scan3A_490#2 : vector<16xf32> to vector<1x16xf32>
      tpu.vector_store %arg6[%swap3A_514, %swap3A_515], %swap3A_518 {strides = array<i32>} : memref<128x128xf32, #tpu.memory_space<vmem>>, vector<1x16xf32>,
      %mul3A_519 = arith.constant 1 : i32
      %mul3A_520 = arith.muli %add3A_469, %mul3A_519 : i32
      %add3A_521 = arith.constant 0 : i32
      %add3A_522 = arith.addi %mul3A_520, %add3A_521 : i32
      %swap3A_523 = arith.index_cast %add3A_522 : i32 to index
      %swap3A_524 = arith.constant 48 : index
      %swap3A_525 = tpu.vector_load %arg6[%swap3A_523, %swap3A_524] {strides = array<i32>} : memref<128x128xf32, #tpu.memory_space<vmem>>, vector<1x16xf32>,
      %swap3A_526 = vector.shape_cast %swap3A_525 : vector<1x16xf32> to vector<16xf32>
      %swap3A_527 = vector.shape_cast %scan3A_490#3 : vector<16xf32> to vector<1x16xf32>
      tpu.vector_store %arg6[%swap3A_523, %swap3A_524], %swap3A_527 {strides = array<i32>} : memref<128x128xf32, #tpu.memory_space<vmem>>, vector<1x16xf32>,
      %mul3A_528 = arith.constant 1 : i32
      %mul3A_529 = arith.muli %add3A_469, %mul3A_528 : i32
      %add3A_530 = arith.constant 0 : i32
      %add3A_531 = arith.addi %mul3A_529, %add3A_530 : i32
      %swap3A_532 = arith.index_cast %add3A_531 : i32 to index
      %swap3A_533 = arith.constant 64 : index
      %swap3A_534 = tpu.vector_load %arg6[%swap3A_532, %swap3A_533] {strides = array<i32>} : memref<128x128xf32, #tpu.memory_space<vmem>>, vector<1x16xf32>,
      %swap3A_535 = vector.shape_cast %swap3A_534 : vector<1x16xf32> to vector<16xf32>
      %swap3A_536 = vector.shape_cast %scan3A_490#4 : vector<16xf32> to vector<1x16xf32>
      tpu.vector_store %arg6[%swap3A_532, %swap3A_533], %swap3A_536 {strides = array<i32>} : memref<128x128xf32, #tpu.memory_space<vmem>>, vector<1x16xf32>,
      %mul3A_537 = arith.constant 1 : i32
      %mul3A_538 = arith.muli %add3A_469, %mul3A_537 : i32
      %add3A_539 = arith.constant 0 : i32
      %add3A_540 = arith.addi %mul3A_538, %add3A_539 : i32
      %swap3A_541 = arith.index_cast %add3A_540 : i32 to index
      %swap3A_542 = arith.constant 80 : index
      %swap3A_543 = tpu.vector_load %arg6[%swap3A_541, %swap3A_542] {strides = array<i32>} : memref<128x128xf32, #tpu.memory_space<vmem>>, vector<1x16xf32>,
      %swap3A_544 = vector.shape_cast %swap3A_543 : vector<1x16xf32> to vector<16xf32>
      %swap3A_545 = vector.shape_cast %scan3A_490#5 : vector<16xf32> to vector<1x16xf32>
      tpu.vector_store %arg6[%swap3A_541, %swap3A_542], %swap3A_545 {strides = array<i32>} : memref<128x128xf32, #tpu.memory_space<vmem>>, vector<1x16xf32>,
      %mul3A_546 = arith.constant 1 : i32
      %mul3A_547 = arith.muli %add3A_469, %mul3A_546 : i32
      %add3A_548 = arith.constant 0 : i32
      %add3A_549 = arith.addi %mul3A_547, %add3A_548 : i32
      %swap3A_550 = arith.index_cast %add3A_549 : i32 to index
      %swap3A_551 = arith.constant 96 : index
      %swap3A_552 = tpu.vector_load %arg6[%swap3A_550, %swap3A_551] {strides = array<i32>} : memref<128x128xf32, #tpu.memory_space<vmem>>, vector<1x16xf32>,
      %swap3A_553 = vector.shape_cast %swap3A_552 : vector<1x16xf32> to vector<16xf32>
      %swap3A_554 = vector.shape_cast %scan3A_490#6 : vector<16xf32> to vector<1x16xf32>
      tpu.vector_store %arg6[%swap3A_550, %swap3A_551], %swap3A_554 {strides = array<i32>} : memref<128x128xf32, #tpu.memory_space<vmem>>, vector<1x16xf32>,
      %mul3A_555 = arith.constant 1 : i32
      %mul3A_556 = arith.muli %add3A_469, %mul3A_555 : i32
      %add3A_557 = arith.constant 0 : i32
      %add3A_558 = arith.addi %mul3A_556, %add3A_557 : i32
      %swap3A_559 = arith.index_cast %add3A_558 : i32 to index
      %swap3A_560 = arith.constant 112 : index
      %swap3A_561 = tpu.vector_load %arg6[%swap3A_559, %swap3A_560] {strides = array<i32>} : memref<128x128xf32, #tpu.memory_space<vmem>>, vector<1x16xf32>,
      %swap3A_562 = vector.shape_cast %swap3A_561 : vector<1x16xf32> to vector<16xf32>
      %swap3A_563 = vector.shape_cast %scan3A_490#7 : vector<16xf32> to vector<1x16xf32>
      tpu.vector_store %arg6[%swap3A_559, %swap3A_560], %swap3A_563 {strides = array<i32>} : memref<128x128xf32, #tpu.memory_space<vmem>>, vector<1x16xf32>,
      %add3A_564 = arith.constant 4 : i32
      %add3A_565 = arith.addi %mul3A_105, %add3A_564 : i32
      %add3A_566 = arith.constant 6 : i32
      %add3A_567 = arith.addi %add3A_565, %add3A_566 : i32
      %min3A_568 = arith.constant 127 : i32
      %min3A_569 = arith.minsi %add3A_567, %min3A_568 : i32
      %dma_start3A_570 = arith.constant 0 : i32
      %dma_start3A_571 = tpu.memref_slice %arg5[%min3A_569, %dma_start3A_570] : memref<128x50xi32, #tpu.memory_space<vmem>> -> memref<1x50xi32, #tpu.memory_space<vmem>>
      %dma_start3A_572 = tpu.memref_squeeze %dma_start3A_571 : memref<1x50xi32, #tpu.memory_space<vmem>> -> memref<50xi32, #tpu.memory_space<vmem>>
      %dma_start3A_573 = arith.constant 0 : i32
      %dma_start3A_574 = arith.constant 0 : i32
      %dma_start3A_575 = tpu.memref_slice %arg3[%dma_start3A_573, %dma_start3A_574] : memref<100000x128xf32, #tpu.memory_space<hbm>> -> memref<100000x128xf32, #tpu.memory_space<hbm>>
      tpu.enqueue_indirect_dma source(%dma_start3A_575 : memref<100000x128xf32, #tpu.memory_space<hbm>>) target(%arg9 : memref<50x128xf32, #tpu.memory_space<vmem>>) offsets(%dma_start3A_572 : memref<50xi32, #tpu.memory_space<vmem>>) semaphore(%arg17 : memref<!tpu.dma_semaphore, #tpu.memory_space<semaphore_mem>>)
      %dma_wait3A_576 = arith.constant 0 : i32
      %dma_wait3A_577 = arith.constant 0 : i32
      %dma_wait3A_578 = tpu.memref_slice %arg5[%dma_wait3A_576, %dma_wait3A_577] : memref<128x50xi32, #tpu.memory_space<vmem>> -> memref<1x50xi32, #tpu.memory_space<vmem>>
      %dma_wait3A_579 = tpu.memref_squeeze %dma_wait3A_578 : memref<1x50xi32, #tpu.memory_space<vmem>> -> memref<50xi32, #tpu.memory_space<vmem>>
      %dma_wait3A_580 = arith.constant 0 : i32
      %dma_wait3A_581 = arith.constant 0 : i32
      %dma_wait3A_582 = tpu.memref_slice %arg3[%dma_wait3A_580, %dma_wait3A_581] : memref<100000x128xf32, #tpu.memory_space<hbm>> -> memref<100000x128xf32, #tpu.memory_space<hbm>>
      tpu.wait_indirect_dma semaphore(%arg19 : memref<!tpu.dma_semaphore, #tpu.memory_space<semaphore_mem>>) src(%dma_wait3A_582 : memref<100000x128xf32, #tpu.memory_space<hbm>>) dst(%arg11 : memref<50x128xf32, #tpu.memory_space<vmem>>)
      %add3A_583 = arith.constant 4 : i32
      %add3A_584 = arith.addi %mul3A_105, %add3A_583 : i32
      %broadcast_in_dim3A_585 = arith.constant 0.000000e+00 : f32
      %broadcast_in_dim3A_586 = vector.broadcast %broadcast_in_dim3A_585 : f32 to vector<16xf32>
      %broadcast_in_dim3A_587 = arith.constant 0.000000e+00 : f32
      %broadcast_in_dim3A_588 = vector.broadcast %broadcast_in_dim3A_587 : f32 to vector<16xf32>
      %broadcast_in_dim3A_589 = arith.constant 0.000000e+00 : f32
      %broadcast_in_dim3A_590 = vector.broadcast %broadcast_in_dim3A_589 : f32 to vector<16xf32>
      %broadcast_in_dim3A_591 = arith.constant 0.000000e+00 : f32
      %broadcast_in_dim3A_592 = vector.broadcast %broadcast_in_dim3A_591 : f32 to vector<16xf32>
      %broadcast_in_dim3A_593 = arith.constant 0.000000e+00 : f32
      %broadcast_in_dim3A_594 = vector.broadcast %broadcast_in_dim3A_593 : f32 to vector<16xf32>
      %broadcast_in_dim3A_595 = arith.constant 0.000000e+00 : f32
      %broadcast_in_dim3A_596 = vector.broadcast %broadcast_in_dim3A_595 : f32 to vector<16xf32>
      %broadcast_in_dim3A_597 = arith.constant 0.000000e+00 : f32
      %broadcast_in_dim3A_598 = vector.broadcast %broadcast_in_dim3A_597 : f32 to vector<16xf32>
      %broadcast_in_dim3A_599 = arith.constant 0.000000e+00 : f32
      %broadcast_in_dim3A_600 = vector.broadcast %broadcast_in_dim3A_599 : f32 to vector<16xf32>
      %scan3A_601 = arith.constant 0 : i32
      %scan3A_602 = arith.constant 50 : i32
      %scan3A_603 = arith.addi %scan3A_601, %scan3A_602 : i32
      %scan3A_604 = arith.constant 5 : i32
      %scan3A_605:8 = scf.for %scan3A_1024 = %scan3A_601 to %scan3A_603 step %scan3A_604 iter_args(%scan3A_1025 = %broadcast_in_dim3A_586, %scan3A_1026 = %broadcast_in_dim3A_588, %scan3A_1027 = %broadcast_in_dim3A_590, %scan3A_1028 = %broadcast_in_dim3A_592, %scan3A_1029 = %broadcast_in_dim3A_594, %scan3A_1030 = %broadcast_in_dim3A_596, %scan3A_1031 = %broadcast_in_dim3A_598, %scan3A_1032 = %broadcast_in_dim3A_600) -> (vector<16xf32>, vector<16xf32>, vector<16xf32>, vector<16xf32>, vector<16xf32>, vector<16xf32>, vector<16xf32>, vector<16xf32>)  : i32 {
        %add3A_1033 = arith.constant 0 : i32
        %add3A_1034 = arith.addi %add3A_1033, %scan3A_1024 : i32
        %get3A = arith.index_cast %add3A_1034 : i32 to index
        %get3A_1035 = arith.constant 0 : index
        %get3A_1036 = tpu.vector_load %arg11[%get3A, %get3A_1035] {strides = array<i32>} : memref<50x128xf32, #tpu.memory_space<vmem>>, vector<1x16xf32>,
        %get3A_1037 = vector.shape_cast %get3A_1036 : vector<1x16xf32> to vector<16xf32>
        %add3A_1038 = arith.addf %scan3A_1025, %get3A_1037 : vector<16xf32>
        %add3A_1039 = arith.constant 0 : i32
        %add3A_1040 = arith.addi %add3A_1039, %scan3A_1024 : i32
        %get3A_1041 = arith.index_cast %add3A_1040 : i32 to index
        %get3A_1042 = arith.constant 16 : index
        %get3A_1043 = tpu.vector_load %arg11[%get3A_1041, %get3A_1042] {strides = array<i32>} : memref<50x128xf32, #tpu.memory_space<vmem>>, vector<1x16xf32>,
        %get3A_1044 = vector.shape_cast %get3A_1043 : vector<1x16xf32> to vector<16xf32>
        %add3A_1045 = arith.addf %scan3A_1026, %get3A_1044 : vector<16xf32>
        %add3A_1046 = arith.constant 0 : i32
        %add3A_1047 = arith.addi %add3A_1046, %scan3A_1024 : i32
        %get3A_1048 = arith.index_cast %add3A_1047 : i32 to index
        %get3A_1049 = arith.constant 32 : index
        %get3A_1050 = tpu.vector_load %arg11[%get3A_1048, %get3A_1049] {strides = array<i32>} : memref<50x128xf32, #tpu.memory_space<vmem>>, vector<1x16xf32>,
        %get3A_1051 = vector.shape_cast %get3A_1050 : vector<1x16xf32> to vector<16xf32>
        %add3A_1052 = arith.addf %scan3A_1027, %get3A_1051 : vector<16xf32>
        %add3A_1053 = arith.constant 0 : i32
        %add3A_1054 = arith.addi %add3A_1053, %scan3A_1024 : i32
        %get3A_1055 = arith.index_cast %add3A_1054 : i32 to index
        %get3A_1056 = arith.constant 48 : index
        %get3A_1057 = tpu.vector_load %arg11[%get3A_1055, %get3A_1056] {strides = array<i32>} : memref<50x128xf32, #tpu.memory_space<vmem>>, vector<1x16xf32>,
        %get3A_1058 = vector.shape_cast %get3A_1057 : vector<1x16xf32> to vector<16xf32>
        %add3A_1059 = arith.addf %scan3A_1028, %get3A_1058 : vector<16xf32>
        %add3A_1060 = arith.constant 0 : i32
        %add3A_1061 = arith.addi %add3A_1060, %scan3A_1024 : i32
        %get3A_1062 = arith.index_cast %add3A_1061 : i32 to index
        %get3A_1063 = arith.constant 64 : index
        %get3A_1064 = tpu.vector_load %arg11[%get3A_1062, %get3A_1063] {strides = array<i32>} : memref<50x128xf32, #tpu.memory_space<vmem>>, vector<1x16xf32>,
        %get3A_1065 = vector.shape_cast %get3A_1064 : vector<1x16xf32> to vector<16xf32>
        %add3A_1066 = arith.addf %scan3A_1029, %get3A_1065 : vector<16xf32>
        %add3A_1067 = arith.constant 0 : i32
        %add3A_1068 = arith.addi %add3A_1067, %scan3A_1024 : i32
        %get3A_1069 = arith.index_cast %add3A_1068 : i32 to index
        %get3A_1070 = arith.constant 80 : index
        %get3A_1071 = tpu.vector_load %arg11[%get3A_1069, %get3A_1070] {strides = array<i32>} : memref<50x128xf32, #tpu.memory_space<vmem>>, vector<1x16xf32>,
        %get3A_1072 = vector.shape_cast %get3A_1071 : vector<1x16xf32> to vector<16xf32>
        %add3A_1073 = arith.addf %scan3A_1030, %get3A_1072 : vector<16xf32>
        %add3A_1074 = arith.constant 0 : i32
        %add3A_1075 = arith.addi %add3A_1074, %scan3A_1024 : i32
        %get3A_1076 = arith.index_cast %add3A_1075 : i32 to index
        %get3A_1077 = arith.constant 96 : index
        %get3A_1078 = tpu.vector_load %arg11[%get3A_1076, %get3A_1077] {strides = array<i32>} : memref<50x128xf32, #tpu.memory_space<vmem>>, vector<1x16xf32>,
        %get3A_1079 = vector.shape_cast %get3A_1078 : vector<1x16xf32> to vector<16xf32>
        %add3A_1080 = arith.addf %scan3A_1031, %get3A_1079 : vector<16xf32>
        %add3A_1081 = arith.constant 0 : i32
        %add3A_1082 = arith.addi %add3A_1081, %scan3A_1024 : i32
        %get3A_1083 = arith.index_cast %add3A_1082 : i32 to index
        %get3A_1084 = arith.constant 112 : index
        %get3A_1085 = tpu.vector_load %arg11[%get3A_1083, %get3A_1084] {strides = array<i32>} : memref<50x128xf32, #tpu.memory_space<vmem>>, vector<1x16xf32>,
        %get3A_1086 = vector.shape_cast %get3A_1085 : vector<1x16xf32> to vector<16xf32>
        %add3A_1087 = arith.addf %scan3A_1032, %get3A_1086 : vector<16xf32>
        %scan3A_1088 = arith.constant 1 : i32
        %scan3A_1089 = arith.addi %scan3A_1024, %scan3A_1088 : i32
        %add3A_1090 = arith.constant 0 : i32
        %add3A_1091 = arith.addi %add3A_1090, %scan3A_1089 : i32
        %get3A_1092 = arith.index_cast %add3A_1091 : i32 to index
        %get3A_1093 = arith.constant 0 : index
        %get3A_1094 = tpu.vector_load %arg11[%get3A_1092, %get3A_1093] {strides = array<i32>} : memref<50x128xf32, #tpu.memory_space<vmem>>, vector<1x16xf32>,
        %get3A_1095 = vector.shape_cast %get3A_1094 : vector<1x16xf32> to vector<16xf32>
        %add3A_1096 = arith.addf %add3A_1038, %get3A_1095 : vector<16xf32>
        %add3A_1097 = arith.constant 0 : i32
        %add3A_1098 = arith.addi %add3A_1097, %scan3A_1089 : i32
        %get3A_1099 = arith.index_cast %add3A_1098 : i32 to index
        %get3A_1100 = arith.constant 16 : index
        %get3A_1101 = tpu.vector_load %arg11[%get3A_1099, %get3A_1100] {strides = array<i32>} : memref<50x128xf32, #tpu.memory_space<vmem>>, vector<1x16xf32>,
        %get3A_1102 = vector.shape_cast %get3A_1101 : vector<1x16xf32> to vector<16xf32>
        %add3A_1103 = arith.addf %add3A_1045, %get3A_1102 : vector<16xf32>
        %add3A_1104 = arith.constant 0 : i32
        %add3A_1105 = arith.addi %add3A_1104, %scan3A_1089 : i32
        %get3A_1106 = arith.index_cast %add3A_1105 : i32 to index
        %get3A_1107 = arith.constant 32 : index
        %get3A_1108 = tpu.vector_load %arg11[%get3A_1106, %get3A_1107] {strides = array<i32>} : memref<50x128xf32, #tpu.memory_space<vmem>>, vector<1x16xf32>,
        %get3A_1109 = vector.shape_cast %get3A_1108 : vector<1x16xf32> to vector<16xf32>
        %add3A_1110 = arith.addf %add3A_1052, %get3A_1109 : vector<16xf32>
        %add3A_1111 = arith.constant 0 : i32
        %add3A_1112 = arith.addi %add3A_1111, %scan3A_1089 : i32
        %get3A_1113 = arith.index_cast %add3A_1112 : i32 to index
        %get3A_1114 = arith.constant 48 : index
        %get3A_1115 = tpu.vector_load %arg11[%get3A_1113, %get3A_1114] {strides = array<i32>} : memref<50x128xf32, #tpu.memory_space<vmem>>, vector<1x16xf32>,
        %get3A_1116 = vector.shape_cast %get3A_1115 : vector<1x16xf32> to vector<16xf32>
        %add3A_1117 = arith.addf %add3A_1059, %get3A_1116 : vector<16xf32>
        %add3A_1118 = arith.constant 0 : i32
        %add3A_1119 = arith.addi %add3A_1118, %scan3A_1089 : i32
        %get3A_1120 = arith.index_cast %add3A_1119 : i32 to index
        %get3A_1121 = arith.constant 64 : index
        %get3A_1122 = tpu.vector_load %arg11[%get3A_1120, %get3A_1121] {strides = array<i32>} : memref<50x128xf32, #tpu.memory_space<vmem>>, vector<1x16xf32>,
        %get3A_1123 = vector.shape_cast %get3A_1122 : vector<1x16xf32> to vector<16xf32>
        %add3A_1124 = arith.addf %add3A_1066, %get3A_1123 : vector<16xf32>
        %add3A_1125 = arith.constant 0 : i32
        %add3A_1126 = arith.addi %add3A_1125, %scan3A_1089 : i32
        %get3A_1127 = arith.index_cast %add3A_1126 : i32 to index
        %get3A_1128 = arith.constant 80 : index
        %get3A_1129 = tpu.vector_load %arg11[%get3A_1127, %get3A_1128] {strides = array<i32>} : memref<50x128xf32, #tpu.memory_space<vmem>>, vector<1x16xf32>,
        %get3A_1130 = vector.shape_cast %get3A_1129 : vector<1x16xf32> to vector<16xf32>
        %add3A_1131 = arith.addf %add3A_1073, %get3A_1130 : vector<16xf32>
        %add3A_1132 = arith.constant 0 : i32
        %add3A_1133 = arith.addi %add3A_1132, %scan3A_1089 : i32
        %get3A_1134 = arith.index_cast %add3A_1133 : i32 to index
        %get3A_1135 = arith.constant 96 : index
        %get3A_1136 = tpu.vector_load %arg11[%get3A_1134, %get3A_1135] {strides = array<i32>} : memref<50x128xf32, #tpu.memory_space<vmem>>, vector<1x16xf32>,
        %get3A_1137 = vector.shape_cast %get3A_1136 : vector<1x16xf32> to vector<16xf32>
        %add3A_1138 = arith.addf %add3A_1080, %get3A_1137 : vector<16xf32>
        %add3A_1139 = arith.constant 0 : i32
        %add3A_1140 = arith.addi %add3A_1139, %scan3A_1089 : i32
        %get3A_1141 = arith.index_cast %add3A_1140 : i32 to index
        %get3A_1142 = arith.constant 112 : index
        %get3A_1143 = tpu.vector_load %arg11[%get3A_1141, %get3A_1142] {strides = array<i32>} : memref<50x128xf32, #tpu.memory_space<vmem>>, vector<1x16xf32>,
        %get3A_1144 = vector.shape_cast %get3A_1143 : vector<1x16xf32> to vector<16xf32>
        %add3A_1145 = arith.addf %add3A_1087, %get3A_1144 : vector<16xf32>
        %scan3A_1146 = arith.constant 2 : i32
        %scan3A_1147 = arith.addi %scan3A_1024, %scan3A_1146 : i32
        %add3A_1148 = arith.constant 0 : i32
        %add3A_1149 = arith.addi %add3A_1148, %scan3A_1147 : i32
        %get3A_1150 = arith.index_cast %add3A_1149 : i32 to index
        %get3A_1151 = arith.constant 0 : index
        %get3A_1152 = tpu.vector_load %arg11[%get3A_1150, %get3A_1151] {strides = array<i32>} : memref<50x128xf32, #tpu.memory_space<vmem>>, vector<1x16xf32>,
        %get3A_1153 = vector.shape_cast %get3A_1152 : vector<1x16xf32> to vector<16xf32>
        %add3A_1154 = arith.addf %add3A_1096, %get3A_1153 : vector<16xf32>
        %add3A_1155 = arith.constant 0 : i32
        %add3A_1156 = arith.addi %add3A_1155, %scan3A_1147 : i32
        %get3A_1157 = arith.index_cast %add3A_1156 : i32 to index
        %get3A_1158 = arith.constant 16 : index
        %get3A_1159 = tpu.vector_load %arg11[%get3A_1157, %get3A_1158] {strides = array<i32>} : memref<50x128xf32, #tpu.memory_space<vmem>>, vector<1x16xf32>,
        %get3A_1160 = vector.shape_cast %get3A_1159 : vector<1x16xf32> to vector<16xf32>
        %add3A_1161 = arith.addf %add3A_1103, %get3A_1160 : vector<16xf32>
        %add3A_1162 = arith.constant 0 : i32
        %add3A_1163 = arith.addi %add3A_1162, %scan3A_1147 : i32
        %get3A_1164 = arith.index_cast %add3A_1163 : i32 to index
        %get3A_1165 = arith.constant 32 : index
        %get3A_1166 = tpu.vector_load %arg11[%get3A_1164, %get3A_1165] {strides = array<i32>} : memref<50x128xf32, #tpu.memory_space<vmem>>, vector<1x16xf32>,
        %get3A_1167 = vector.shape_cast %get3A_1166 : vector<1x16xf32> to vector<16xf32>
        %add3A_1168 = arith.addf %add3A_1110, %get3A_1167 : vector<16xf32>
        %add3A_1169 = arith.constant 0 : i32
        %add3A_1170 = arith.addi %add3A_1169, %scan3A_1147 : i32
        %get3A_1171 = arith.index_cast %add3A_1170 : i32 to index
        %get3A_1172 = arith.constant 48 : index
        %get3A_1173 = tpu.vector_load %arg11[%get3A_1171, %get3A_1172] {strides = array<i32>} : memref<50x128xf32, #tpu.memory_space<vmem>>, vector<1x16xf32>,
        %get3A_1174 = vector.shape_cast %get3A_1173 : vector<1x16xf32> to vector<16xf32>
        %add3A_1175 = arith.addf %add3A_1117, %get3A_1174 : vector<16xf32>
        %add3A_1176 = arith.constant 0 : i32
        %add3A_1177 = arith.addi %add3A_1176, %scan3A_1147 : i32
        %get3A_1178 = arith.index_cast %add3A_1177 : i32 to index
        %get3A_1179 = arith.constant 64 : index
        %get3A_1180 = tpu.vector_load %arg11[%get3A_1178, %get3A_1179] {strides = array<i32>} : memref<50x128xf32, #tpu.memory_space<vmem>>, vector<1x16xf32>,
        %get3A_1181 = vector.shape_cast %get3A_1180 : vector<1x16xf32> to vector<16xf32>
        %add3A_1182 = arith.addf %add3A_1124, %get3A_1181 : vector<16xf32>
        %add3A_1183 = arith.constant 0 : i32
        %add3A_1184 = arith.addi %add3A_1183, %scan3A_1147 : i32
        %get3A_1185 = arith.index_cast %add3A_1184 : i32 to index
        %get3A_1186 = arith.constant 80 : index
        %get3A_1187 = tpu.vector_load %arg11[%get3A_1185, %get3A_1186] {strides = array<i32>} : memref<50x128xf32, #tpu.memory_space<vmem>>, vector<1x16xf32>,
        %get3A_1188 = vector.shape_cast %get3A_1187 : vector<1x16xf32> to vector<16xf32>
        %add3A_1189 = arith.addf %add3A_1131, %get3A_1188 : vector<16xf32>
        %add3A_1190 = arith.constant 0 : i32
        %add3A_1191 = arith.addi %add3A_1190, %scan3A_1147 : i32
        %get3A_1192 = arith.index_cast %add3A_1191 : i32 to index
        %get3A_1193 = arith.constant 96 : index
        %get3A_1194 = tpu.vector_load %arg11[%get3A_1192, %get3A_1193] {strides = array<i32>} : memref<50x128xf32, #tpu.memory_space<vmem>>, vector<1x16xf32>,
        %get3A_1195 = vector.shape_cast %get3A_1194 : vector<1x16xf32> to vector<16xf32>
        %add3A_1196 = arith.addf %add3A_1138, %get3A_1195 : vector<16xf32>
        %add3A_1197 = arith.constant 0 : i32
        %add3A_1198 = arith.addi %add3A_1197, %scan3A_1147 : i32
        %get3A_1199 = arith.index_cast %add3A_1198 : i32 to index
        %get3A_1200 = arith.constant 112 : index
        %get3A_1201 = tpu.vector_load %arg11[%get3A_1199, %get3A_1200] {strides = array<i32>} : memref<50x128xf32, #tpu.memory_space<vmem>>, vector<1x16xf32>,
        %get3A_1202 = vector.shape_cast %get3A_1201 : vector<1x16xf32> to vector<16xf32>
        %add3A_1203 = arith.addf %add3A_1145, %get3A_1202 : vector<16xf32>
        %scan3A_1204 = arith.constant 3 : i32
        %scan3A_1205 = arith.addi %scan3A_1024, %scan3A_1204 : i32
        %add3A_1206 = arith.constant 0 : i32
        %add3A_1207 = arith.addi %add3A_1206, %scan3A_1205 : i32
        %get3A_1208 = arith.index_cast %add3A_1207 : i32 to index
        %get3A_1209 = arith.constant 0 : index
        %get3A_1210 = tpu.vector_load %arg11[%get3A_1208, %get3A_1209] {strides = array<i32>} : memref<50x128xf32, #tpu.memory_space<vmem>>, vector<1x16xf32>,
        %get3A_1211 = vector.shape_cast %get3A_1210 : vector<1x16xf32> to vector<16xf32>
        %add3A_1212 = arith.addf %add3A_1154, %get3A_1211 : vector<16xf32>
        %add3A_1213 = arith.constant 0 : i32
        %add3A_1214 = arith.addi %add3A_1213, %scan3A_1205 : i32
        %get3A_1215 = arith.index_cast %add3A_1214 : i32 to index
        %get3A_1216 = arith.constant 16 : index
        %get3A_1217 = tpu.vector_load %arg11[%get3A_1215, %get3A_1216] {strides = array<i32>} : memref<50x128xf32, #tpu.memory_space<vmem>>, vector<1x16xf32>,
        %get3A_1218 = vector.shape_cast %get3A_1217 : vector<1x16xf32> to vector<16xf32>
        %add3A_1219 = arith.addf %add3A_1161, %get3A_1218 : vector<16xf32>
        %add3A_1220 = arith.constant 0 : i32
        %add3A_1221 = arith.addi %add3A_1220, %scan3A_1205 : i32
        %get3A_1222 = arith.index_cast %add3A_1221 : i32 to index
        %get3A_1223 = arith.constant 32 : index
        %get3A_1224 = tpu.vector_load %arg11[%get3A_1222, %get3A_1223] {strides = array<i32>} : memref<50x128xf32, #tpu.memory_space<vmem>>, vector<1x16xf32>,
        %get3A_1225 = vector.shape_cast %get3A_1224 : vector<1x16xf32> to vector<16xf32>
        %add3A_1226 = arith.addf %add3A_1168, %get3A_1225 : vector<16xf32>
        %add3A_1227 = arith.constant 0 : i32
        %add3A_1228 = arith.addi %add3A_1227, %scan3A_1205 : i32
        %get3A_1229 = arith.index_cast %add3A_1228 : i32 to index
        %get3A_1230 = arith.constant 48 : index
        %get3A_1231 = tpu.vector_load %arg11[%get3A_1229, %get3A_1230] {strides = array<i32>} : memref<50x128xf32, #tpu.memory_space<vmem>>, vector<1x16xf32>,
        %get3A_1232 = vector.shape_cast %get3A_1231 : vector<1x16xf32> to vector<16xf32>
        %add3A_1233 = arith.addf %add3A_1175, %get3A_1232 : vector<16xf32>
        %add3A_1234 = arith.constant 0 : i32
        %add3A_1235 = arith.addi %add3A_1234, %scan3A_1205 : i32
        %get3A_1236 = arith.index_cast %add3A_1235 : i32 to index
        %get3A_1237 = arith.constant 64 : index
        %get3A_1238 = tpu.vector_load %arg11[%get3A_1236, %get3A_1237] {strides = array<i32>} : memref<50x128xf32, #tpu.memory_space<vmem>>, vector<1x16xf32>,
        %get3A_1239 = vector.shape_cast %get3A_1238 : vector<1x16xf32> to vector<16xf32>
        %add3A_1240 = arith.addf %add3A_1182, %get3A_1239 : vector<16xf32>
        %add3A_1241 = arith.constant 0 : i32
        %add3A_1242 = arith.addi %add3A_1241, %scan3A_1205 : i32
        %get3A_1243 = arith.index_cast %add3A_1242 : i32 to index
        %get3A_1244 = arith.constant 80 : index
        %get3A_1245 = tpu.vector_load %arg11[%get3A_1243, %get3A_1244] {strides = array<i32>} : memref<50x128xf32, #tpu.memory_space<vmem>>, vector<1x16xf32>,
        %get3A_1246 = vector.shape_cast %get3A_1245 : vector<1x16xf32> to vector<16xf32>
        %add3A_1247 = arith.addf %add3A_1189, %get3A_1246 : vector<16xf32>
        %add3A_1248 = arith.constant 0 : i32
        %add3A_1249 = arith.addi %add3A_1248, %scan3A_1205 : i32
        %get3A_1250 = arith.index_cast %add3A_1249 : i32 to index
        %get3A_1251 = arith.constant 96 : index
        %get3A_1252 = tpu.vector_load %arg11[%get3A_1250, %get3A_1251] {strides = array<i32>} : memref<50x128xf32, #tpu.memory_space<vmem>>, vector<1x16xf32>,
        %get3A_1253 = vector.shape_cast %get3A_1252 : vector<1x16xf32> to vector<16xf32>
        %add3A_1254 = arith.addf %add3A_1196, %get3A_1253 : vector<16xf32>
        %add3A_1255 = arith.constant 0 : i32
        %add3A_1256 = arith.addi %add3A_1255, %scan3A_1205 : i32
        %get3A_1257 = arith.index_cast %add3A_1256 : i32 to index
        %get3A_1258 = arith.constant 112 : index
        %get3A_1259 = tpu.vector_load %arg11[%get3A_1257, %get3A_1258] {strides = array<i32>} : memref<50x128xf32, #tpu.memory_space<vmem>>, vector<1x16xf32>,
        %get3A_1260 = vector.shape_cast %get3A_1259 : vector<1x16xf32> to vector<16xf32>
        %add3A_1261 = arith.addf %add3A_1203, %get3A_1260 : vector<16xf32>
        %scan3A_1262 = arith.constant 4 : i32
        %scan3A_1263 = arith.addi %scan3A_1024, %scan3A_1262 : i32
        %add3A_1264 = arith.constant 0 : i32
        %add3A_1265 = arith.addi %add3A_1264, %scan3A_1263 : i32
        %get3A_1266 = arith.index_cast %add3A_1265 : i32 to index
        %get3A_1267 = arith.constant 0 : index
        %get3A_1268 = tpu.vector_load %arg11[%get3A_1266, %get3A_1267] {strides = array<i32>} : memref<50x128xf32, #tpu.memory_space<vmem>>, vector<1x16xf32>,
        %get3A_1269 = vector.shape_cast %get3A_1268 : vector<1x16xf32> to vector<16xf32>
        %add3A_1270 = arith.addf %add3A_1212, %get3A_1269 : vector<16xf32>
        %add3A_1271 = arith.constant 0 : i32
        %add3A_1272 = arith.addi %add3A_1271, %scan3A_1263 : i32
        %get3A_1273 = arith.index_cast %add3A_1272 : i32 to index
        %get3A_1274 = arith.constant 16 : index
        %get3A_1275 = tpu.vector_load %arg11[%get3A_1273, %get3A_1274] {strides = array<i32>} : memref<50x128xf32, #tpu.memory_space<vmem>>, vector<1x16xf32>,
        %get3A_1276 = vector.shape_cast %get3A_1275 : vector<1x16xf32> to vector<16xf32>
        %add3A_1277 = arith.addf %add3A_1219, %get3A_1276 : vector<16xf32>
        %add3A_1278 = arith.constant 0 : i32
        %add3A_1279 = arith.addi %add3A_1278, %scan3A_1263 : i32
        %get3A_1280 = arith.index_cast %add3A_1279 : i32 to index
        %get3A_1281 = arith.constant 32 : index
        %get3A_1282 = tpu.vector_load %arg11[%get3A_1280, %get3A_1281] {strides = array<i32>} : memref<50x128xf32, #tpu.memory_space<vmem>>, vector<1x16xf32>,
        %get3A_1283 = vector.shape_cast %get3A_1282 : vector<1x16xf32> to vector<16xf32>
        %add3A_1284 = arith.addf %add3A_1226, %get3A_1283 : vector<16xf32>
        %add3A_1285 = arith.constant 0 : i32
        %add3A_1286 = arith.addi %add3A_1285, %scan3A_1263 : i32
        %get3A_1287 = arith.index_cast %add3A_1286 : i32 to index
        %get3A_1288 = arith.constant 48 : index
        %get3A_1289 = tpu.vector_load %arg11[%get3A_1287, %get3A_1288] {strides = array<i32>} : memref<50x128xf32, #tpu.memory_space<vmem>>, vector<1x16xf32>,
        %get3A_1290 = vector.shape_cast %get3A_1289 : vector<1x16xf32> to vector<16xf32>
        %add3A_1291 = arith.addf %add3A_1233, %get3A_1290 : vector<16xf32>
        %add3A_1292 = arith.constant 0 : i32
        %add3A_1293 = arith.addi %add3A_1292, %scan3A_1263 : i32
        %get3A_1294 = arith.index_cast %add3A_1293 : i32 to index
        %get3A_1295 = arith.constant 64 : index
        %get3A_1296 = tpu.vector_load %arg11[%get3A_1294, %get3A_1295] {strides = array<i32>} : memref<50x128xf32, #tpu.memory_space<vmem>>, vector<1x16xf32>,
        %get3A_1297 = vector.shape_cast %get3A_1296 : vector<1x16xf32> to vector<16xf32>
        %add3A_1298 = arith.addf %add3A_1240, %get3A_1297 : vector<16xf32>
        %add3A_1299 = arith.constant 0 : i32
        %add3A_1300 = arith.addi %add3A_1299, %scan3A_1263 : i32
        %get3A_1301 = arith.index_cast %add3A_1300 : i32 to index
        %get3A_1302 = arith.constant 80 : index
        %get3A_1303 = tpu.vector_load %arg11[%get3A_1301, %get3A_1302] {strides = array<i32>} : memref<50x128xf32, #tpu.memory_space<vmem>>, vector<1x16xf32>,
        %get3A_1304 = vector.shape_cast %get3A_1303 : vector<1x16xf32> to vector<16xf32>
        %add3A_1305 = arith.addf %add3A_1247, %get3A_1304 : vector<16xf32>
        %add3A_1306 = arith.constant 0 : i32
        %add3A_1307 = arith.addi %add3A_1306, %scan3A_1263 : i32
        %get3A_1308 = arith.index_cast %add3A_1307 : i32 to index
        %get3A_1309 = arith.constant 96 : index
        %get3A_1310 = tpu.vector_load %arg11[%get3A_1308, %get3A_1309] {strides = array<i32>} : memref<50x128xf32, #tpu.memory_space<vmem>>, vector<1x16xf32>,
        %get3A_1311 = vector.shape_cast %get3A_1310 : vector<1x16xf32> to vector<16xf32>
        %add3A_1312 = arith.addf %add3A_1254, %get3A_1311 : vector<16xf32>
        %add3A_1313 = arith.constant 0 : i32
        %add3A_1314 = arith.addi %add3A_1313, %scan3A_1263 : i32
        %get3A_1315 = arith.index_cast %add3A_1314 : i32 to index
        %get3A_1316 = arith.constant 112 : index
        %get3A_1317 = tpu.vector_load %arg11[%get3A_1315, %get3A_1316] {strides = array<i32>} : memref<50x128xf32, #tpu.memory_space<vmem>>, vector<1x16xf32>,
        %get3A_1318 = vector.shape_cast %get3A_1317 : vector<1x16xf32> to vector<16xf32>
        %add3A_1319 = arith.addf %add3A_1261, %get3A_1318 : vector<16xf32>
        scf.yield %add3A_1270, %add3A_1277, %add3A_1284, %add3A_1291, %add3A_1298, %add3A_1305, %add3A_1312, %add3A_1319 : vector<16xf32>, vector<16xf32>, vector<16xf32>, vector<16xf32>, vector<16xf32>, vector<16xf32>, vector<16xf32>, vector<16xf32>
      }
      %scan3A_606 = arith.constant 50 : i32
      %mul3A_607 = arith.constant 1 : i32
      %mul3A_608 = arith.muli %add3A_584, %mul3A_607 : i32
      %add3A_609 = arith.constant 0 : i32
      %add3A_610 = arith.addi %mul3A_608, %add3A_609 : i32
      %swap3A_611 = arith.index_cast %add3A_610 : i32 to index
      %swap3A_612 = arith.constant 0 : index
      %swap3A_613 = tpu.vector_load %arg6[%swap3A_611, %swap3A_612] {strides = array<i32>} : memref<128x128xf32, #tpu.memory_space<vmem>>, vector<1x16xf32>,
      %swap3A_614 = vector.shape_cast %swap3A_613 : vector<1x16xf32> to vector<16xf32>
      %swap3A_615 = vector.shape_cast %scan3A_605#0 : vector<16xf32> to vector<1x16xf32>
      tpu.vector_store %arg6[%swap3A_611, %swap3A_612], %swap3A_615 {strides = array<i32>} : memref<128x128xf32, #tpu.memory_space<vmem>>, vector<1x16xf32>,
      %mul3A_616 = arith.constant 1 : i32
      %mul3A_617 = arith.muli %add3A_584, %mul3A_616 : i32
      %add3A_618 = arith.constant 0 : i32
      %add3A_619 = arith.addi %mul3A_617, %add3A_618 : i32
      %swap3A_620 = arith.index_cast %add3A_619 : i32 to index
      %swap3A_621 = arith.constant 16 : index
      %swap3A_622 = tpu.vector_load %arg6[%swap3A_620, %swap3A_621] {strides = array<i32>} : memref<128x128xf32, #tpu.memory_space<vmem>>, vector<1x16xf32>,
      %swap3A_623 = vector.shape_cast %swap3A_622 : vector<1x16xf32> to vector<16xf32>
      %swap3A_624 = vector.shape_cast %scan3A_605#1 : vector<16xf32> to vector<1x16xf32>
      tpu.vector_store %arg6[%swap3A_620, %swap3A_621], %swap3A_624 {strides = array<i32>} : memref<128x128xf32, #tpu.memory_space<vmem>>, vector<1x16xf32>,
      %mul3A_625 = arith.constant 1 : i32
      %mul3A_626 = arith.muli %add3A_584, %mul3A_625 : i32
      %add3A_627 = arith.constant 0 : i32
      %add3A_628 = arith.addi %mul3A_626, %add3A_627 : i32
      %swap3A_629 = arith.index_cast %add3A_628 : i32 to index
      %swap3A_630 = arith.constant 32 : index
      %swap3A_631 = tpu.vector_load %arg6[%swap3A_629, %swap3A_630] {strides = array<i32>} : memref<128x128xf32, #tpu.memory_space<vmem>>, vector<1x16xf32>,
      %swap3A_632 = vector.shape_cast %swap3A_631 : vector<1x16xf32> to vector<16xf32>
      %swap3A_633 = vector.shape_cast %scan3A_605#2 : vector<16xf32> to vector<1x16xf32>
      tpu.vector_store %arg6[%swap3A_629, %swap3A_630], %swap3A_633 {strides = array<i32>} : memref<128x128xf32, #tpu.memory_space<vmem>>, vector<1x16xf32>,
      %mul3A_634 = arith.constant 1 : i32
      %mul3A_635 = arith.muli %add3A_584, %mul3A_634 : i32
      %add3A_636 = arith.constant 0 : i32
      %add3A_637 = arith.addi %mul3A_635, %add3A_636 : i32
      %swap3A_638 = arith.index_cast %add3A_637 : i32 to index
      %swap3A_639 = arith.constant 48 : index
      %swap3A_640 = tpu.vector_load %arg6[%swap3A_638, %swap3A_639] {strides = array<i32>} : memref<128x128xf32, #tpu.memory_space<vmem>>, vector<1x16xf32>,
      %swap3A_641 = vector.shape_cast %swap3A_640 : vector<1x16xf32> to vector<16xf32>
      %swap3A_642 = vector.shape_cast %scan3A_605#3 : vector<16xf32> to vector<1x16xf32>
      tpu.vector_store %arg6[%swap3A_638, %swap3A_639], %swap3A_642 {strides = array<i32>} : memref<128x128xf32, #tpu.memory_space<vmem>>, vector<1x16xf32>,
      %mul3A_643 = arith.constant 1 : i32
      %mul3A_644 = arith.muli %add3A_584, %mul3A_643 : i32
      %add3A_645 = arith.constant 0 : i32
      %add3A_646 = arith.addi %mul3A_644, %add3A_645 : i32
      %swap3A_647 = arith.index_cast %add3A_646 : i32 to index
      %swap3A_648 = arith.constant 64 : index
      %swap3A_649 = tpu.vector_load %arg6[%swap3A_647, %swap3A_648] {strides = array<i32>} : memref<128x128xf32, #tpu.memory_space<vmem>>, vector<1x16xf32>,
      %swap3A_650 = vector.shape_cast %swap3A_649 : vector<1x16xf32> to vector<16xf32>
      %swap3A_651 = vector.shape_cast %scan3A_605#4 : vector<16xf32> to vector<1x16xf32>
      tpu.vector_store %arg6[%swap3A_647, %swap3A_648], %swap3A_651 {strides = array<i32>} : memref<128x128xf32, #tpu.memory_space<vmem>>, vector<1x16xf32>,
      %mul3A_652 = arith.constant 1 : i32
      %mul3A_653 = arith.muli %add3A_584, %mul3A_652 : i32
      %add3A_654 = arith.constant 0 : i32
      %add3A_655 = arith.addi %mul3A_653, %add3A_654 : i32
      %swap3A_656 = arith.index_cast %add3A_655 : i32 to index
      %swap3A_657 = arith.constant 80 : index
      %swap3A_658 = tpu.vector_load %arg6[%swap3A_656, %swap3A_657] {strides = array<i32>} : memref<128x128xf32, #tpu.memory_space<vmem>>, vector<1x16xf32>,
      %swap3A_659 = vector.shape_cast %swap3A_658 : vector<1x16xf32> to vector<16xf32>
      %swap3A_660 = vector.shape_cast %scan3A_605#5 : vector<16xf32> to vector<1x16xf32>
      tpu.vector_store %arg6[%swap3A_656, %swap3A_657], %swap3A_660 {strides = array<i32>} : memref<128x128xf32, #tpu.memory_space<vmem>>, vector<1x16xf32>,
      %mul3A_661 = arith.constant 1 : i32
      %mul3A_662 = arith.muli %add3A_584, %mul3A_661 : i32
      %add3A_663 = arith.constant 0 : i32
      %add3A_664 = arith.addi %mul3A_662, %add3A_663 : i32
      %swap3A_665 = arith.index_cast %add3A_664 : i32 to index
      %swap3A_666 = arith.constant 96 : index
      %swap3A_667 = tpu.vector_load %arg6[%swap3A_665, %swap3A_666] {strides = array<i32>} : memref<128x128xf32, #tpu.memory_space<vmem>>, vector<1x16xf32>,
      %swap3A_668 = vector.shape_cast %swap3A_667 : vector<1x16xf32> to vector<16xf32>
      %swap3A_669 = vector.shape_cast %scan3A_605#6 : vector<16xf32> to vector<1x16xf32>
      tpu.vector_store %arg6[%swap3A_665, %swap3A_666], %swap3A_669 {strides = array<i32>} : memref<128x128xf32, #tpu.memory_space<vmem>>, vector<1x16xf32>,
      %mul3A_670 = arith.constant 1 : i32
      %mul3A_671 = arith.muli %add3A_584, %mul3A_670 : i32
      %add3A_672 = arith.constant 0 : i32
      %add3A_673 = arith.addi %mul3A_671, %add3A_672 : i32
      %swap3A_674 = arith.index_cast %add3A_673 : i32 to index
      %swap3A_675 = arith.constant 112 : index
      %swap3A_676 = tpu.vector_load %arg6[%swap3A_674, %swap3A_675] {strides = array<i32>} : memref<128x128xf32, #tpu.memory_space<vmem>>, vector<1x16xf32>,
      %swap3A_677 = vector.shape_cast %swap3A_676 : vector<1x16xf32> to vector<16xf32>
      %swap3A_678 = vector.shape_cast %scan3A_605#7 : vector<16xf32> to vector<1x16xf32>
      tpu.vector_store %arg6[%swap3A_674, %swap3A_675], %swap3A_678 {strides = array<i32>} : memref<128x128xf32, #tpu.memory_space<vmem>>, vector<1x16xf32>,
      %add3A_679 = arith.constant 5 : i32
      %add3A_680 = arith.addi %mul3A_105, %add3A_679 : i32
      %add3A_681 = arith.constant 6 : i32
      %add3A_682 = arith.addi %add3A_680, %add3A_681 : i32
      %min3A_683 = arith.constant 127 : i32
      %min3A_684 = arith.minsi %add3A_682, %min3A_683 : i32
      %dma_start3A_685 = arith.constant 0 : i32
      %dma_start3A_686 = tpu.memref_slice %arg5[%min3A_684, %dma_start3A_685] : memref<128x50xi32, #tpu.memory_space<vmem>> -> memref<1x50xi32, #tpu.memory_space<vmem>>
      %dma_start3A_687 = tpu.memref_squeeze %dma_start3A_686 : memref<1x50xi32, #tpu.memory_space<vmem>> -> memref<50xi32, #tpu.memory_space<vmem>>
      %dma_start3A_688 = arith.constant 0 : i32
      %dma_start3A_689 = arith.constant 0 : i32
      %dma_start3A_690 = tpu.memref_slice %arg3[%dma_start3A_688, %dma_start3A_689] : memref<100000x128xf32, #tpu.memory_space<hbm>> -> memref<100000x128xf32, #tpu.memory_space<hbm>>
      tpu.enqueue_indirect_dma source(%dma_start3A_690 : memref<100000x128xf32, #tpu.memory_space<hbm>>) target(%arg10 : memref<50x128xf32, #tpu.memory_space<vmem>>) offsets(%dma_start3A_687 : memref<50xi32, #tpu.memory_space<vmem>>) semaphore(%arg18 : memref<!tpu.dma_semaphore, #tpu.memory_space<semaphore_mem>>)
      %dma_wait3A_691 = arith.constant 0 : i32
      %dma_wait3A_692 = arith.constant 0 : i32
      %dma_wait3A_693 = tpu.memref_slice %arg5[%dma_wait3A_691, %dma_wait3A_692] : memref<128x50xi32, #tpu.memory_space<vmem>> -> memref<1x50xi32, #tpu.memory_space<vmem>>
      %dma_wait3A_694 = tpu.memref_squeeze %dma_wait3A_693 : memref<1x50xi32, #tpu.memory_space<vmem>> -> memref<50xi32, #tpu.memory_space<vmem>>
      %dma_wait3A_695 = arith.constant 0 : i32
      %dma_wait3A_696 = arith.constant 0 : i32
      %dma_wait3A_697 = tpu.memref_slice %arg3[%dma_wait3A_695, %dma_wait3A_696] : memref<100000x128xf32, #tpu.memory_space<hbm>> -> memref<100000x128xf32, #tpu.memory_space<hbm>>
      tpu.wait_indirect_dma semaphore(%arg20 : memref<!tpu.dma_semaphore, #tpu.memory_space<semaphore_mem>>) src(%dma_wait3A_697 : memref<100000x128xf32, #tpu.memory_space<hbm>>) dst(%arg12 : memref<50x128xf32, #tpu.memory_space<vmem>>)
      %add3A_698 = arith.constant 5 : i32
      %add3A_699 = arith.addi %mul3A_105, %add3A_698 : i32
      %broadcast_in_dim3A_700 = arith.constant 0.000000e+00 : f32
      %broadcast_in_dim3A_701 = vector.broadcast %broadcast_in_dim3A_700 : f32 to vector<16xf32>
      %broadcast_in_dim3A_702 = arith.constant 0.000000e+00 : f32
      %broadcast_in_dim3A_703 = vector.broadcast %broadcast_in_dim3A_702 : f32 to vector<16xf32>
      %broadcast_in_dim3A_704 = arith.constant 0.000000e+00 : f32
      %broadcast_in_dim3A_705 = vector.broadcast %broadcast_in_dim3A_704 : f32 to vector<16xf32>
      %broadcast_in_dim3A_706 = arith.constant 0.000000e+00 : f32
      %broadcast_in_dim3A_707 = vector.broadcast %broadcast_in_dim3A_706 : f32 to vector<16xf32>
      %broadcast_in_dim3A_708 = arith.constant 0.000000e+00 : f32
      %broadcast_in_dim3A_709 = vector.broadcast %broadcast_in_dim3A_708 : f32 to vector<16xf32>
      %broadcast_in_dim3A_710 = arith.constant 0.000000e+00 : f32
      %broadcast_in_dim3A_711 = vector.broadcast %broadcast_in_dim3A_710 : f32 to vector<16xf32>
      %broadcast_in_dim3A_712 = arith.constant 0.000000e+00 : f32
      %broadcast_in_dim3A_713 = vector.broadcast %broadcast_in_dim3A_712 : f32 to vector<16xf32>
      %broadcast_in_dim3A_714 = arith.constant 0.000000e+00 : f32
      %broadcast_in_dim3A_715 = vector.broadcast %broadcast_in_dim3A_714 : f32 to vector<16xf32>
      %scan3A_716 = arith.constant 0 : i32
      %scan3A_717 = arith.constant 50 : i32
      %scan3A_718 = arith.addi %scan3A_716, %scan3A_717 : i32
      %scan3A_719 = arith.constant 5 : i32
      %scan3A_720:8 = scf.for %scan3A_1024 = %scan3A_716 to %scan3A_718 step %scan3A_719 iter_args(%scan3A_1025 = %broadcast_in_dim3A_701, %scan3A_1026 = %broadcast_in_dim3A_703, %scan3A_1027 = %broadcast_in_dim3A_705, %scan3A_1028 = %broadcast_in_dim3A_707, %scan3A_1029 = %broadcast_in_dim3A_709, %scan3A_1030 = %broadcast_in_dim3A_711, %scan3A_1031 = %broadcast_in_dim3A_713, %scan3A_1032 = %broadcast_in_dim3A_715) -> (vector<16xf32>, vector<16xf32>, vector<16xf32>, vector<16xf32>, vector<16xf32>, vector<16xf32>, vector<16xf32>, vector<16xf32>)  : i32 {
        %add3A_1033 = arith.constant 0 : i32
        %add3A_1034 = arith.addi %add3A_1033, %scan3A_1024 : i32
        %get3A = arith.index_cast %add3A_1034 : i32 to index
        %get3A_1035 = arith.constant 0 : index
        %get3A_1036 = tpu.vector_load %arg12[%get3A, %get3A_1035] {strides = array<i32>} : memref<50x128xf32, #tpu.memory_space<vmem>>, vector<1x16xf32>,
        %get3A_1037 = vector.shape_cast %get3A_1036 : vector<1x16xf32> to vector<16xf32>
        %add3A_1038 = arith.addf %scan3A_1025, %get3A_1037 : vector<16xf32>
        %add3A_1039 = arith.constant 0 : i32
        %add3A_1040 = arith.addi %add3A_1039, %scan3A_1024 : i32
        %get3A_1041 = arith.index_cast %add3A_1040 : i32 to index
        %get3A_1042 = arith.constant 16 : index
        %get3A_1043 = tpu.vector_load %arg12[%get3A_1041, %get3A_1042] {strides = array<i32>} : memref<50x128xf32, #tpu.memory_space<vmem>>, vector<1x16xf32>,
        %get3A_1044 = vector.shape_cast %get3A_1043 : vector<1x16xf32> to vector<16xf32>
        %add3A_1045 = arith.addf %scan3A_1026, %get3A_1044 : vector<16xf32>
        %add3A_1046 = arith.constant 0 : i32
        %add3A_1047 = arith.addi %add3A_1046, %scan3A_1024 : i32
        %get3A_1048 = arith.index_cast %add3A_1047 : i32 to index
        %get3A_1049 = arith.constant 32 : index
        %get3A_1050 = tpu.vector_load %arg12[%get3A_1048, %get3A_1049] {strides = array<i32>} : memref<50x128xf32, #tpu.memory_space<vmem>>, vector<1x16xf32>,
        %get3A_1051 = vector.shape_cast %get3A_1050 : vector<1x16xf32> to vector<16xf32>
        %add3A_1052 = arith.addf %scan3A_1027, %get3A_1051 : vector<16xf32>
        %add3A_1053 = arith.constant 0 : i32
        %add3A_1054 = arith.addi %add3A_1053, %scan3A_1024 : i32
        %get3A_1055 = arith.index_cast %add3A_1054 : i32 to index
        %get3A_1056 = arith.constant 48 : index
        %get3A_1057 = tpu.vector_load %arg12[%get3A_1055, %get3A_1056] {strides = array<i32>} : memref<50x128xf32, #tpu.memory_space<vmem>>, vector<1x16xf32>,
        %get3A_1058 = vector.shape_cast %get3A_1057 : vector<1x16xf32> to vector<16xf32>
        %add3A_1059 = arith.addf %scan3A_1028, %get3A_1058 : vector<16xf32>
        %add3A_1060 = arith.constant 0 : i32
        %add3A_1061 = arith.addi %add3A_1060, %scan3A_1024 : i32
        %get3A_1062 = arith.index_cast %add3A_1061 : i32 to index
        %get3A_1063 = arith.constant 64 : index
        %get3A_1064 = tpu.vector_load %arg12[%get3A_1062, %get3A_1063] {strides = array<i32>} : memref<50x128xf32, #tpu.memory_space<vmem>>, vector<1x16xf32>,
        %get3A_1065 = vector.shape_cast %get3A_1064 : vector<1x16xf32> to vector<16xf32>
        %add3A_1066 = arith.addf %scan3A_1029, %get3A_1065 : vector<16xf32>
        %add3A_1067 = arith.constant 0 : i32
        %add3A_1068 = arith.addi %add3A_1067, %scan3A_1024 : i32
        %get3A_1069 = arith.index_cast %add3A_1068 : i32 to index
        %get3A_1070 = arith.constant 80 : index
        %get3A_1071 = tpu.vector_load %arg12[%get3A_1069, %get3A_1070] {strides = array<i32>} : memref<50x128xf32, #tpu.memory_space<vmem>>, vector<1x16xf32>,
        %get3A_1072 = vector.shape_cast %get3A_1071 : vector<1x16xf32> to vector<16xf32>
        %add3A_1073 = arith.addf %scan3A_1030, %get3A_1072 : vector<16xf32>
        %add3A_1074 = arith.constant 0 : i32
        %add3A_1075 = arith.addi %add3A_1074, %scan3A_1024 : i32
        %get3A_1076 = arith.index_cast %add3A_1075 : i32 to index
        %get3A_1077 = arith.constant 96 : index
        %get3A_1078 = tpu.vector_load %arg12[%get3A_1076, %get3A_1077] {strides = array<i32>} : memref<50x128xf32, #tpu.memory_space<vmem>>, vector<1x16xf32>,
        %get3A_1079 = vector.shape_cast %get3A_1078 : vector<1x16xf32> to vector<16xf32>
        %add3A_1080 = arith.addf %scan3A_1031, %get3A_1079 : vector<16xf32>
        %add3A_1081 = arith.constant 0 : i32
        %add3A_1082 = arith.addi %add3A_1081, %scan3A_1024 : i32
        %get3A_1083 = arith.index_cast %add3A_1082 : i32 to index
        %get3A_1084 = arith.constant 112 : index
        %get3A_1085 = tpu.vector_load %arg12[%get3A_1083, %get3A_1084] {strides = array<i32>} : memref<50x128xf32, #tpu.memory_space<vmem>>, vector<1x16xf32>,
        %get3A_1086 = vector.shape_cast %get3A_1085 : vector<1x16xf32> to vector<16xf32>
        %add3A_1087 = arith.addf %scan3A_1032, %get3A_1086 : vector<16xf32>
        %scan3A_1088 = arith.constant 1 : i32
        %scan3A_1089 = arith.addi %scan3A_1024, %scan3A_1088 : i32
        %add3A_1090 = arith.constant 0 : i32
        %add3A_1091 = arith.addi %add3A_1090, %scan3A_1089 : i32
        %get3A_1092 = arith.index_cast %add3A_1091 : i32 to index
        %get3A_1093 = arith.constant 0 : index
        %get3A_1094 = tpu.vector_load %arg12[%get3A_1092, %get3A_1093] {strides = array<i32>} : memref<50x128xf32, #tpu.memory_space<vmem>>, vector<1x16xf32>,
        %get3A_1095 = vector.shape_cast %get3A_1094 : vector<1x16xf32> to vector<16xf32>
        %add3A_1096 = arith.addf %add3A_1038, %get3A_1095 : vector<16xf32>
        %add3A_1097 = arith.constant 0 : i32
        %add3A_1098 = arith.addi %add3A_1097, %scan3A_1089 : i32
        %get3A_1099 = arith.index_cast %add3A_1098 : i32 to index
        %get3A_1100 = arith.constant 16 : index
        %get3A_1101 = tpu.vector_load %arg12[%get3A_1099, %get3A_1100] {strides = array<i32>} : memref<50x128xf32, #tpu.memory_space<vmem>>, vector<1x16xf32>,
        %get3A_1102 = vector.shape_cast %get3A_1101 : vector<1x16xf32> to vector<16xf32>
        %add3A_1103 = arith.addf %add3A_1045, %get3A_1102 : vector<16xf32>
        %add3A_1104 = arith.constant 0 : i32
        %add3A_1105 = arith.addi %add3A_1104, %scan3A_1089 : i32
        %get3A_1106 = arith.index_cast %add3A_1105 : i32 to index
        %get3A_1107 = arith.constant 32 : index
        %get3A_1108 = tpu.vector_load %arg12[%get3A_1106, %get3A_1107] {strides = array<i32>} : memref<50x128xf32, #tpu.memory_space<vmem>>, vector<1x16xf32>,
        %get3A_1109 = vector.shape_cast %get3A_1108 : vector<1x16xf32> to vector<16xf32>
        %add3A_1110 = arith.addf %add3A_1052, %get3A_1109 : vector<16xf32>
        %add3A_1111 = arith.constant 0 : i32
        %add3A_1112 = arith.addi %add3A_1111, %scan3A_1089 : i32
        %get3A_1113 = arith.index_cast %add3A_1112 : i32 to index
        %get3A_1114 = arith.constant 48 : index
        %get3A_1115 = tpu.vector_load %arg12[%get3A_1113, %get3A_1114] {strides = array<i32>} : memref<50x128xf32, #tpu.memory_space<vmem>>, vector<1x16xf32>,
        %get3A_1116 = vector.shape_cast %get3A_1115 : vector<1x16xf32> to vector<16xf32>
        %add3A_1117 = arith.addf %add3A_1059, %get3A_1116 : vector<16xf32>
        %add3A_1118 = arith.constant 0 : i32
        %add3A_1119 = arith.addi %add3A_1118, %scan3A_1089 : i32
        %get3A_1120 = arith.index_cast %add3A_1119 : i32 to index
        %get3A_1121 = arith.constant 64 : index
        %get3A_1122 = tpu.vector_load %arg12[%get3A_1120, %get3A_1121] {strides = array<i32>} : memref<50x128xf32, #tpu.memory_space<vmem>>, vector<1x16xf32>,
        %get3A_1123 = vector.shape_cast %get3A_1122 : vector<1x16xf32> to vector<16xf32>
        %add3A_1124 = arith.addf %add3A_1066, %get3A_1123 : vector<16xf32>
        %add3A_1125 = arith.constant 0 : i32
        %add3A_1126 = arith.addi %add3A_1125, %scan3A_1089 : i32
        %get3A_1127 = arith.index_cast %add3A_1126 : i32 to index
        %get3A_1128 = arith.constant 80 : index
        %get3A_1129 = tpu.vector_load %arg12[%get3A_1127, %get3A_1128] {strides = array<i32>} : memref<50x128xf32, #tpu.memory_space<vmem>>, vector<1x16xf32>,
        %get3A_1130 = vector.shape_cast %get3A_1129 : vector<1x16xf32> to vector<16xf32>
        %add3A_1131 = arith.addf %add3A_1073, %get3A_1130 : vector<16xf32>
        %add3A_1132 = arith.constant 0 : i32
        %add3A_1133 = arith.addi %add3A_1132, %scan3A_1089 : i32
        %get3A_1134 = arith.index_cast %add3A_1133 : i32 to index
        %get3A_1135 = arith.constant 96 : index
        %get3A_1136 = tpu.vector_load %arg12[%get3A_1134, %get3A_1135] {strides = array<i32>} : memref<50x128xf32, #tpu.memory_space<vmem>>, vector<1x16xf32>,
        %get3A_1137 = vector.shape_cast %get3A_1136 : vector<1x16xf32> to vector<16xf32>
        %add3A_1138 = arith.addf %add3A_1080, %get3A_1137 : vector<16xf32>
        %add3A_1139 = arith.constant 0 : i32
        %add3A_1140 = arith.addi %add3A_1139, %scan3A_1089 : i32
        %get3A_1141 = arith.index_cast %add3A_1140 : i32 to index
        %get3A_1142 = arith.constant 112 : index
        %get3A_1143 = tpu.vector_load %arg12[%get3A_1141, %get3A_1142] {strides = array<i32>} : memref<50x128xf32, #tpu.memory_space<vmem>>, vector<1x16xf32>,
        %get3A_1144 = vector.shape_cast %get3A_1143 : vector<1x16xf32> to vector<16xf32>
        %add3A_1145 = arith.addf %add3A_1087, %get3A_1144 : vector<16xf32>
        %scan3A_1146 = arith.constant 2 : i32
        %scan3A_1147 = arith.addi %scan3A_1024, %scan3A_1146 : i32
        %add3A_1148 = arith.constant 0 : i32
        %add3A_1149 = arith.addi %add3A_1148, %scan3A_1147 : i32
        %get3A_1150 = arith.index_cast %add3A_1149 : i32 to index
        %get3A_1151 = arith.constant 0 : index
        %get3A_1152 = tpu.vector_load %arg12[%get3A_1150, %get3A_1151] {strides = array<i32>} : memref<50x128xf32, #tpu.memory_space<vmem>>, vector<1x16xf32>,
        %get3A_1153 = vector.shape_cast %get3A_1152 : vector<1x16xf32> to vector<16xf32>
        %add3A_1154 = arith.addf %add3A_1096, %get3A_1153 : vector<16xf32>
        %add3A_1155 = arith.constant 0 : i32
        %add3A_1156 = arith.addi %add3A_1155, %scan3A_1147 : i32
        %get3A_1157 = arith.index_cast %add3A_1156 : i32 to index
        %get3A_1158 = arith.constant 16 : index
        %get3A_1159 = tpu.vector_load %arg12[%get3A_1157, %get3A_1158] {strides = array<i32>} : memref<50x128xf32, #tpu.memory_space<vmem>>, vector<1x16xf32>,
        %get3A_1160 = vector.shape_cast %get3A_1159 : vector<1x16xf32> to vector<16xf32>
        %add3A_1161 = arith.addf %add3A_1103, %get3A_1160 : vector<16xf32>
        %add3A_1162 = arith.constant 0 : i32
        %add3A_1163 = arith.addi %add3A_1162, %scan3A_1147 : i32
        %get3A_1164 = arith.index_cast %add3A_1163 : i32 to index
        %get3A_1165 = arith.constant 32 : index
        %get3A_1166 = tpu.vector_load %arg12[%get3A_1164, %get3A_1165] {strides = array<i32>} : memref<50x128xf32, #tpu.memory_space<vmem>>, vector<1x16xf32>,
        %get3A_1167 = vector.shape_cast %get3A_1166 : vector<1x16xf32> to vector<16xf32>
        %add3A_1168 = arith.addf %add3A_1110, %get3A_1167 : vector<16xf32>
        %add3A_1169 = arith.constant 0 : i32
        %add3A_1170 = arith.addi %add3A_1169, %scan3A_1147 : i32
        %get3A_1171 = arith.index_cast %add3A_1170 : i32 to index
        %get3A_1172 = arith.constant 48 : index
        %get3A_1173 = tpu.vector_load %arg12[%get3A_1171, %get3A_1172] {strides = array<i32>} : memref<50x128xf32, #tpu.memory_space<vmem>>, vector<1x16xf32>,
        %get3A_1174 = vector.shape_cast %get3A_1173 : vector<1x16xf32> to vector<16xf32>
        %add3A_1175 = arith.addf %add3A_1117, %get3A_1174 : vector<16xf32>
        %add3A_1176 = arith.constant 0 : i32
        %add3A_1177 = arith.addi %add3A_1176, %scan3A_1147 : i32
        %get3A_1178 = arith.index_cast %add3A_1177 : i32 to index
        %get3A_1179 = arith.constant 64 : index
        %get3A_1180 = tpu.vector_load %arg12[%get3A_1178, %get3A_1179] {strides = array<i32>} : memref<50x128xf32, #tpu.memory_space<vmem>>, vector<1x16xf32>,
        %get3A_1181 = vector.shape_cast %get3A_1180 : vector<1x16xf32> to vector<16xf32>
        %add3A_1182 = arith.addf %add3A_1124, %get3A_1181 : vector<16xf32>
        %add3A_1183 = arith.constant 0 : i32
        %add3A_1184 = arith.addi %add3A_1183, %scan3A_1147 : i32
        %get3A_1185 = arith.index_cast %add3A_1184 : i32 to index
        %get3A_1186 = arith.constant 80 : index
        %get3A_1187 = tpu.vector_load %arg12[%get3A_1185, %get3A_1186] {strides = array<i32>} : memref<50x128xf32, #tpu.memory_space<vmem>>, vector<1x16xf32>,
        %get3A_1188 = vector.shape_cast %get3A_1187 : vector<1x16xf32> to vector<16xf32>
        %add3A_1189 = arith.addf %add3A_1131, %get3A_1188 : vector<16xf32>
        %add3A_1190 = arith.constant 0 : i32
        %add3A_1191 = arith.addi %add3A_1190, %scan3A_1147 : i32
        %get3A_1192 = arith.index_cast %add3A_1191 : i32 to index
        %get3A_1193 = arith.constant 96 : index
        %get3A_1194 = tpu.vector_load %arg12[%get3A_1192, %get3A_1193] {strides = array<i32>} : memref<50x128xf32, #tpu.memory_space<vmem>>, vector<1x16xf32>,
        %get3A_1195 = vector.shape_cast %get3A_1194 : vector<1x16xf32> to vector<16xf32>
        %add3A_1196 = arith.addf %add3A_1138, %get3A_1195 : vector<16xf32>
        %add3A_1197 = arith.constant 0 : i32
        %add3A_1198 = arith.addi %add3A_1197, %scan3A_1147 : i32
        %get3A_1199 = arith.index_cast %add3A_1198 : i32 to index
        %get3A_1200 = arith.constant 112 : index
        %get3A_1201 = tpu.vector_load %arg12[%get3A_1199, %get3A_1200] {strides = array<i32>} : memref<50x128xf32, #tpu.memory_space<vmem>>, vector<1x16xf32>,
        %get3A_1202 = vector.shape_cast %get3A_1201 : vector<1x16xf32> to vector<16xf32>
        %add3A_1203 = arith.addf %add3A_1145, %get3A_1202 : vector<16xf32>
        %scan3A_1204 = arith.constant 3 : i32
        %scan3A_1205 = arith.addi %scan3A_1024, %scan3A_1204 : i32
        %add3A_1206 = arith.constant 0 : i32
        %add3A_1207 = arith.addi %add3A_1206, %scan3A_1205 : i32
        %get3A_1208 = arith.index_cast %add3A_1207 : i32 to index
        %get3A_1209 = arith.constant 0 : index
        %get3A_1210 = tpu.vector_load %arg12[%get3A_1208, %get3A_1209] {strides = array<i32>} : memref<50x128xf32, #tpu.memory_space<vmem>>, vector<1x16xf32>,
        %get3A_1211 = vector.shape_cast %get3A_1210 : vector<1x16xf32> to vector<16xf32>
        %add3A_1212 = arith.addf %add3A_1154, %get3A_1211 : vector<16xf32>
        %add3A_1213 = arith.constant 0 : i32
        %add3A_1214 = arith.addi %add3A_1213, %scan3A_1205 : i32
        %get3A_1215 = arith.index_cast %add3A_1214 : i32 to index
        %get3A_1216 = arith.constant 16 : index
        %get3A_1217 = tpu.vector_load %arg12[%get3A_1215, %get3A_1216] {strides = array<i32>} : memref<50x128xf32, #tpu.memory_space<vmem>>, vector<1x16xf32>,
        %get3A_1218 = vector.shape_cast %get3A_1217 : vector<1x16xf32> to vector<16xf32>
        %add3A_1219 = arith.addf %add3A_1161, %get3A_1218 : vector<16xf32>
        %add3A_1220 = arith.constant 0 : i32
        %add3A_1221 = arith.addi %add3A_1220, %scan3A_1205 : i32
        %get3A_1222 = arith.index_cast %add3A_1221 : i32 to index
        %get3A_1223 = arith.constant 32 : index
        %get3A_1224 = tpu.vector_load %arg12[%get3A_1222, %get3A_1223] {strides = array<i32>} : memref<50x128xf32, #tpu.memory_space<vmem>>, vector<1x16xf32>,
        %get3A_1225 = vector.shape_cast %get3A_1224 : vector<1x16xf32> to vector<16xf32>
        %add3A_1226 = arith.addf %add3A_1168, %get3A_1225 : vector<16xf32>
        %add3A_1227 = arith.constant 0 : i32
        %add3A_1228 = arith.addi %add3A_1227, %scan3A_1205 : i32
        %get3A_1229 = arith.index_cast %add3A_1228 : i32 to index
        %get3A_1230 = arith.constant 48 : index
        %get3A_1231 = tpu.vector_load %arg12[%get3A_1229, %get3A_1230] {strides = array<i32>} : memref<50x128xf32, #tpu.memory_space<vmem>>, vector<1x16xf32>,
        %get3A_1232 = vector.shape_cast %get3A_1231 : vector<1x16xf32> to vector<16xf32>
        %add3A_1233 = arith.addf %add3A_1175, %get3A_1232 : vector<16xf32>
        %add3A_1234 = arith.constant 0 : i32
        %add3A_1235 = arith.addi %add3A_1234, %scan3A_1205 : i32
        %get3A_1236 = arith.index_cast %add3A_1235 : i32 to index
        %get3A_1237 = arith.constant 64 : index
        %get3A_1238 = tpu.vector_load %arg12[%get3A_1236, %get3A_1237] {strides = array<i32>} : memref<50x128xf32, #tpu.memory_space<vmem>>, vector<1x16xf32>,
        %get3A_1239 = vector.shape_cast %get3A_1238 : vector<1x16xf32> to vector<16xf32>
        %add3A_1240 = arith.addf %add3A_1182, %get3A_1239 : vector<16xf32>
        %add3A_1241 = arith.constant 0 : i32
        %add3A_1242 = arith.addi %add3A_1241, %scan3A_1205 : i32
        %get3A_1243 = arith.index_cast %add3A_1242 : i32 to index
        %get3A_1244 = arith.constant 80 : index
        %get3A_1245 = tpu.vector_load %arg12[%get3A_1243, %get3A_1244] {strides = array<i32>} : memref<50x128xf32, #tpu.memory_space<vmem>>, vector<1x16xf32>,
        %get3A_1246 = vector.shape_cast %get3A_1245 : vector<1x16xf32> to vector<16xf32>
        %add3A_1247 = arith.addf %add3A_1189, %get3A_1246 : vector<16xf32>
        %add3A_1248 = arith.constant 0 : i32
        %add3A_1249 = arith.addi %add3A_1248, %scan3A_1205 : i32
        %get3A_1250 = arith.index_cast %add3A_1249 : i32 to index
        %get3A_1251 = arith.constant 96 : index
        %get3A_1252 = tpu.vector_load %arg12[%get3A_1250, %get3A_1251] {strides = array<i32>} : memref<50x128xf32, #tpu.memory_space<vmem>>, vector<1x16xf32>,
        %get3A_1253 = vector.shape_cast %get3A_1252 : vector<1x16xf32> to vector<16xf32>
        %add3A_1254 = arith.addf %add3A_1196, %get3A_1253 : vector<16xf32>
        %add3A_1255 = arith.constant 0 : i32
        %add3A_1256 = arith.addi %add3A_1255, %scan3A_1205 : i32
        %get3A_1257 = arith.index_cast %add3A_1256 : i32 to index
        %get3A_1258 = arith.constant 112 : index
        %get3A_1259 = tpu.vector_load %arg12[%get3A_1257, %get3A_1258] {strides = array<i32>} : memref<50x128xf32, #tpu.memory_space<vmem>>, vector<1x16xf32>,
        %get3A_1260 = vector.shape_cast %get3A_1259 : vector<1x16xf32> to vector<16xf32>
        %add3A_1261 = arith.addf %add3A_1203, %get3A_1260 : vector<16xf32>
        %scan3A_1262 = arith.constant 4 : i32
        %scan3A_1263 = arith.addi %scan3A_1024, %scan3A_1262 : i32
        %add3A_1264 = arith.constant 0 : i32
        %add3A_1265 = arith.addi %add3A_1264, %scan3A_1263 : i32
        %get3A_1266 = arith.index_cast %add3A_1265 : i32 to index
        %get3A_1267 = arith.constant 0 : index
        %get3A_1268 = tpu.vector_load %arg12[%get3A_1266, %get3A_1267] {strides = array<i32>} : memref<50x128xf32, #tpu.memory_space<vmem>>, vector<1x16xf32>,
        %get3A_1269 = vector.shape_cast %get3A_1268 : vector<1x16xf32> to vector<16xf32>
        %add3A_1270 = arith.addf %add3A_1212, %get3A_1269 : vector<16xf32>
        %add3A_1271 = arith.constant 0 : i32
        %add3A_1272 = arith.addi %add3A_1271, %scan3A_1263 : i32
        %get3A_1273 = arith.index_cast %add3A_1272 : i32 to index
        %get3A_1274 = arith.constant 16 : index
        %get3A_1275 = tpu.vector_load %arg12[%get3A_1273, %get3A_1274] {strides = array<i32>} : memref<50x128xf32, #tpu.memory_space<vmem>>, vector<1x16xf32>,
        %get3A_1276 = vector.shape_cast %get3A_1275 : vector<1x16xf32> to vector<16xf32>
        %add3A_1277 = arith.addf %add3A_1219, %get3A_1276 : vector<16xf32>
        %add3A_1278 = arith.constant 0 : i32
        %add3A_1279 = arith.addi %add3A_1278, %scan3A_1263 : i32
        %get3A_1280 = arith.index_cast %add3A_1279 : i32 to index
        %get3A_1281 = arith.constant 32 : index
        %get3A_1282 = tpu.vector_load %arg12[%get3A_1280, %get3A_1281] {strides = array<i32>} : memref<50x128xf32, #tpu.memory_space<vmem>>, vector<1x16xf32>,
        %get3A_1283 = vector.shape_cast %get3A_1282 : vector<1x16xf32> to vector<16xf32>
        %add3A_1284 = arith.addf %add3A_1226, %get3A_1283 : vector<16xf32>
        %add3A_1285 = arith.constant 0 : i32
        %add3A_1286 = arith.addi %add3A_1285, %scan3A_1263 : i32
        %get3A_1287 = arith.index_cast %add3A_1286 : i32 to index
        %get3A_1288 = arith.constant 48 : index
        %get3A_1289 = tpu.vector_load %arg12[%get3A_1287, %get3A_1288] {strides = array<i32>} : memref<50x128xf32, #tpu.memory_space<vmem>>, vector<1x16xf32>,
        %get3A_1290 = vector.shape_cast %get3A_1289 : vector<1x16xf32> to vector<16xf32>
        %add3A_1291 = arith.addf %add3A_1233, %get3A_1290 : vector<16xf32>
        %add3A_1292 = arith.constant 0 : i32
        %add3A_1293 = arith.addi %add3A_1292, %scan3A_1263 : i32
        %get3A_1294 = arith.index_cast %add3A_1293 : i32 to index
        %get3A_1295 = arith.constant 64 : index
        %get3A_1296 = tpu.vector_load %arg12[%get3A_1294, %get3A_1295] {strides = array<i32>} : memref<50x128xf32, #tpu.memory_space<vmem>>, vector<1x16xf32>,
        %get3A_1297 = vector.shape_cast %get3A_1296 : vector<1x16xf32> to vector<16xf32>
        %add3A_1298 = arith.addf %add3A_1240, %get3A_1297 : vector<16xf32>
        %add3A_1299 = arith.constant 0 : i32
        %add3A_1300 = arith.addi %add3A_1299, %scan3A_1263 : i32
        %get3A_1301 = arith.index_cast %add3A_1300 : i32 to index
        %get3A_1302 = arith.constant 80 : index
        %get3A_1303 = tpu.vector_load %arg12[%get3A_1301, %get3A_1302] {strides = array<i32>} : memref<50x128xf32, #tpu.memory_space<vmem>>, vector<1x16xf32>,
        %get3A_1304 = vector.shape_cast %get3A_1303 : vector<1x16xf32> to vector<16xf32>
        %add3A_1305 = arith.addf %add3A_1247, %get3A_1304 : vector<16xf32>
        %add3A_1306 = arith.constant 0 : i32
        %add3A_1307 = arith.addi %add3A_1306, %scan3A_1263 : i32
        %get3A_1308 = arith.index_cast %add3A_1307 : i32 to index
        %get3A_1309 = arith.constant 96 : index
        %get3A_1310 = tpu.vector_load %arg12[%get3A_1308, %get3A_1309] {strides = array<i32>} : memref<50x128xf32, #tpu.memory_space<vmem>>, vector<1x16xf32>,
        %get3A_1311 = vector.shape_cast %get3A_1310 : vector<1x16xf32> to vector<16xf32>
        %add3A_1312 = arith.addf %add3A_1254, %get3A_1311 : vector<16xf32>
        %add3A_1313 = arith.constant 0 : i32
        %add3A_1314 = arith.addi %add3A_1313, %scan3A_1263 : i32
        %get3A_1315 = arith.index_cast %add3A_1314 : i32 to index
        %get3A_1316 = arith.constant 112 : index
        %get3A_1317 = tpu.vector_load %arg12[%get3A_1315, %get3A_1316] {strides = array<i32>} : memref<50x128xf32, #tpu.memory_space<vmem>>, vector<1x16xf32>,
        %get3A_1318 = vector.shape_cast %get3A_1317 : vector<1x16xf32> to vector<16xf32>
        %add3A_1319 = arith.addf %add3A_1261, %get3A_1318 : vector<16xf32>
        scf.yield %add3A_1270, %add3A_1277, %add3A_1284, %add3A_1291, %add3A_1298, %add3A_1305, %add3A_1312, %add3A_1319 : vector<16xf32>, vector<16xf32>, vector<16xf32>, vector<16xf32>, vector<16xf32>, vector<16xf32>, vector<16xf32>, vector<16xf32>
      }
      %scan3A_721 = arith.constant 50 : i32
      %mul3A_722 = arith.constant 1 : i32
      %mul3A_723 = arith.muli %add3A_699, %mul3A_722 : i32
      %add3A_724 = arith.constant 0 : i32
      %add3A_725 = arith.addi %mul3A_723, %add3A_724 : i32
      %swap3A_726 = arith.index_cast %add3A_725 : i32 to index
      %swap3A_727 = arith.constant 0 : index
      %swap3A_728 = tpu.vector_load %arg6[%swap3A_726, %swap3A_727] {strides = array<i32>} : memref<128x128xf32, #tpu.memory_space<vmem>>, vector<1x16xf32>,
      %swap3A_729 = vector.shape_cast %swap3A_728 : vector<1x16xf32> to vector<16xf32>
      %swap3A_730 = vector.shape_cast %scan3A_720#0 : vector<16xf32> to vector<1x16xf32>
      tpu.vector_store %arg6[%swap3A_726, %swap3A_727], %swap3A_730 {strides = array<i32>} : memref<128x128xf32, #tpu.memory_space<vmem>>, vector<1x16xf32>,
      %mul3A_731 = arith.constant 1 : i32
      %mul3A_732 = arith.muli %add3A_699, %mul3A_731 : i32
      %add3A_733 = arith.constant 0 : i32
      %add3A_734 = arith.addi %mul3A_732, %add3A_733 : i32
      %swap3A_735 = arith.index_cast %add3A_734 : i32 to index
      %swap3A_736 = arith.constant 16 : index
      %swap3A_737 = tpu.vector_load %arg6[%swap3A_735, %swap3A_736] {strides = array<i32>} : memref<128x128xf32, #tpu.memory_space<vmem>>, vector<1x16xf32>,
      %swap3A_738 = vector.shape_cast %swap3A_737 : vector<1x16xf32> to vector<16xf32>
      %swap3A_739 = vector.shape_cast %scan3A_720#1 : vector<16xf32> to vector<1x16xf32>
      tpu.vector_store %arg6[%swap3A_735, %swap3A_736], %swap3A_739 {strides = array<i32>} : memref<128x128xf32, #tpu.memory_space<vmem>>, vector<1x16xf32>,
      %mul3A_740 = arith.constant 1 : i32
      %mul3A_741 = arith.muli %add3A_699, %mul3A_740 : i32
      %add3A_742 = arith.constant 0 : i32
      %add3A_743 = arith.addi %mul3A_741, %add3A_742 : i32
      %swap3A_744 = arith.index_cast %add3A_743 : i32 to index
      %swap3A_745 = arith.constant 32 : index
      %swap3A_746 = tpu.vector_load %arg6[%swap3A_744, %swap3A_745] {strides = array<i32>} : memref<128x128xf32, #tpu.memory_space<vmem>>, vector<1x16xf32>,
      %swap3A_747 = vector.shape_cast %swap3A_746 : vector<1x16xf32> to vector<16xf32>
      %swap3A_748 = vector.shape_cast %scan3A_720#2 : vector<16xf32> to vector<1x16xf32>
      tpu.vector_store %arg6[%swap3A_744, %swap3A_745], %swap3A_748 {strides = array<i32>} : memref<128x128xf32, #tpu.memory_space<vmem>>, vector<1x16xf32>,
      %mul3A_749 = arith.constant 1 : i32
      %mul3A_750 = arith.muli %add3A_699, %mul3A_749 : i32
      %add3A_751 = arith.constant 0 : i32
      %add3A_752 = arith.addi %mul3A_750, %add3A_751 : i32
      %swap3A_753 = arith.index_cast %add3A_752 : i32 to index
      %swap3A_754 = arith.constant 48 : index
      %swap3A_755 = tpu.vector_load %arg6[%swap3A_753, %swap3A_754] {strides = array<i32>} : memref<128x128xf32, #tpu.memory_space<vmem>>, vector<1x16xf32>,
      %swap3A_756 = vector.shape_cast %swap3A_755 : vector<1x16xf32> to vector<16xf32>
      %swap3A_757 = vector.shape_cast %scan3A_720#3 : vector<16xf32> to vector<1x16xf32>
      tpu.vector_store %arg6[%swap3A_753, %swap3A_754], %swap3A_757 {strides = array<i32>} : memref<128x128xf32, #tpu.memory_space<vmem>>, vector<1x16xf32>,
      %mul3A_758 = arith.constant 1 : i32
      %mul3A_759 = arith.muli %add3A_699, %mul3A_758 : i32
      %add3A_760 = arith.constant 0 : i32
      %add3A_761 = arith.addi %mul3A_759, %add3A_760 : i32
      %swap3A_762 = arith.index_cast %add3A_761 : i32 to index
      %swap3A_763 = arith.constant 64 : index
      %swap3A_764 = tpu.vector_load %arg6[%swap3A_762, %swap3A_763] {strides = array<i32>} : memref<128x128xf32, #tpu.memory_space<vmem>>, vector<1x16xf32>,
      %swap3A_765 = vector.shape_cast %swap3A_764 : vector<1x16xf32> to vector<16xf32>
      %swap3A_766 = vector.shape_cast %scan3A_720#4 : vector<16xf32> to vector<1x16xf32>
      tpu.vector_store %arg6[%swap3A_762, %swap3A_763], %swap3A_766 {strides = array<i32>} : memref<128x128xf32, #tpu.memory_space<vmem>>, vector<1x16xf32>,
      %mul3A_767 = arith.constant 1 : i32
      %mul3A_768 = arith.muli %add3A_699, %mul3A_767 : i32
      %add3A_769 = arith.constant 0 : i32
      %add3A_770 = arith.addi %mul3A_768, %add3A_769 : i32
      %swap3A_771 = arith.index_cast %add3A_770 : i32 to index
      %swap3A_772 = arith.constant 80 : index
      %swap3A_773 = tpu.vector_load %arg6[%swap3A_771, %swap3A_772] {strides = array<i32>} : memref<128x128xf32, #tpu.memory_space<vmem>>, vector<1x16xf32>,
      %swap3A_774 = vector.shape_cast %swap3A_773 : vector<1x16xf32> to vector<16xf32>
      %swap3A_775 = vector.shape_cast %scan3A_720#5 : vector<16xf32> to vector<1x16xf32>
      tpu.vector_store %arg6[%swap3A_771, %swap3A_772], %swap3A_775 {strides = array<i32>} : memref<128x128xf32, #tpu.memory_space<vmem>>, vector<1x16xf32>,
      %mul3A_776 = arith.constant 1 : i32
      %mul3A_777 = arith.muli %add3A_699, %mul3A_776 : i32
      %add3A_778 = arith.constant 0 : i32
      %add3A_779 = arith.addi %mul3A_777, %add3A_778 : i32
      %swap3A_780 = arith.index_cast %add3A_779 : i32 to index
      %swap3A_781 = arith.constant 96 : index
      %swap3A_782 = tpu.vector_load %arg6[%swap3A_780, %swap3A_781] {strides = array<i32>} : memref<128x128xf32, #tpu.memory_space<vmem>>, vector<1x16xf32>,
      %swap3A_783 = vector.shape_cast %swap3A_782 : vector<1x16xf32> to vector<16xf32>
      %swap3A_784 = vector.shape_cast %scan3A_720#6 : vector<16xf32> to vector<1x16xf32>
      tpu.vector_store %arg6[%swap3A_780, %swap3A_781], %swap3A_784 {strides = array<i32>} : memref<128x128xf32, #tpu.memory_space<vmem>>, vector<1x16xf32>,
      %mul3A_785 = arith.constant 1 : i32
      %mul3A_786 = arith.muli %add3A_699, %mul3A_785 : i32
      %add3A_787 = arith.constant 0 : i32
      %add3A_788 = arith.addi %mul3A_786, %add3A_787 : i32
      %swap3A_789 = arith.index_cast %add3A_788 : i32 to index
      %swap3A_790 = arith.constant 112 : index
      %swap3A_791 = tpu.vector_load %arg6[%swap3A_789, %swap3A_790] {strides = array<i32>} : memref<128x128xf32, #tpu.memory_space<vmem>>, vector<1x16xf32>,
      %swap3A_792 = vector.shape_cast %swap3A_791 : vector<1x16xf32> to vector<16xf32>
      %swap3A_793 = vector.shape_cast %scan3A_720#7 : vector<16xf32> to vector<1x16xf32>
      tpu.vector_store %arg6[%swap3A_789, %swap3A_790], %swap3A_793 {strides = array<i32>} : memref<128x128xf32, #tpu.memory_space<vmem>>, vector<1x16xf32>,
      %add3A_794 = arith.constant 6 : i32
      %add3A_795 = arith.addi %mul3A_105, %add3A_794 : i32
      %add3A_796 = arith.constant 6 : i32
      %add3A_797 = arith.addi %add3A_795, %add3A_796 : i32
      %min3A_798 = arith.constant 127 : i32
      %min3A_799 = arith.minsi %add3A_797, %min3A_798 : i32
      %dma_start3A_800 = arith.constant 0 : i32
      %dma_start3A_801 = tpu.memref_slice %arg5[%min3A_799, %dma_start3A_800] : memref<128x50xi32, #tpu.memory_space<vmem>> -> memref<1x50xi32, #tpu.memory_space<vmem>>
      %dma_start3A_802 = tpu.memref_squeeze %dma_start3A_801 : memref<1x50xi32, #tpu.memory_space<vmem>> -> memref<50xi32, #tpu.memory_space<vmem>>
      %dma_start3A_803 = arith.constant 0 : i32
      %dma_start3A_804 = arith.constant 0 : i32
      %dma_start3A_805 = tpu.memref_slice %arg3[%dma_start3A_803, %dma_start3A_804] : memref<100000x128xf32, #tpu.memory_space<hbm>> -> memref<100000x128xf32, #tpu.memory_space<hbm>>
      tpu.enqueue_indirect_dma source(%dma_start3A_805 : memref<100000x128xf32, #tpu.memory_space<hbm>>) target(%arg11 : memref<50x128xf32, #tpu.memory_space<vmem>>) offsets(%dma_start3A_802 : memref<50xi32, #tpu.memory_space<vmem>>) semaphore(%arg19 : memref<!tpu.dma_semaphore, #tpu.memory_space<semaphore_mem>>)
      %dma_wait3A_806 = arith.constant 0 : i32
      %dma_wait3A_807 = arith.constant 0 : i32
      %dma_wait3A_808 = tpu.memref_slice %arg5[%dma_wait3A_806, %dma_wait3A_807] : memref<128x50xi32, #tpu.memory_space<vmem>> -> memref<1x50xi32, #tpu.memory_space<vmem>>
      %dma_wait3A_809 = tpu.memref_squeeze %dma_wait3A_808 : memref<1x50xi32, #tpu.memory_space<vmem>> -> memref<50xi32, #tpu.memory_space<vmem>>
      %dma_wait3A_810 = arith.constant 0 : i32
      %dma_wait3A_811 = arith.constant 0 : i32
      %dma_wait3A_812 = tpu.memref_slice %arg3[%dma_wait3A_810, %dma_wait3A_811] : memref<100000x128xf32, #tpu.memory_space<hbm>> -> memref<100000x128xf32, #tpu.memory_space<hbm>>
      tpu.wait_indirect_dma semaphore(%arg21 : memref<!tpu.dma_semaphore, #tpu.memory_space<semaphore_mem>>) src(%dma_wait3A_812 : memref<100000x128xf32, #tpu.memory_space<hbm>>) dst(%arg13 : memref<50x128xf32, #tpu.memory_space<vmem>>)
      %add3A_813 = arith.constant 6 : i32
      %add3A_814 = arith.addi %mul3A_105, %add3A_813 : i32
      %broadcast_in_dim3A_815 = arith.constant 0.000000e+00 : f32
      %broadcast_in_dim3A_816 = vector.broadcast %broadcast_in_dim3A_815 : f32 to vector<16xf32>
      %broadcast_in_dim3A_817 = arith.constant 0.000000e+00 : f32
      %broadcast_in_dim3A_818 = vector.broadcast %broadcast_in_dim3A_817 : f32 to vector<16xf32>
      %broadcast_in_dim3A_819 = arith.constant 0.000000e+00 : f32
      %broadcast_in_dim3A_820 = vector.broadcast %broadcast_in_dim3A_819 : f32 to vector<16xf32>
      %broadcast_in_dim3A_821 = arith.constant 0.000000e+00 : f32
      %broadcast_in_dim3A_822 = vector.broadcast %broadcast_in_dim3A_821 : f32 to vector<16xf32>
      %broadcast_in_dim3A_823 = arith.constant 0.000000e+00 : f32
      %broadcast_in_dim3A_824 = vector.broadcast %broadcast_in_dim3A_823 : f32 to vector<16xf32>
      %broadcast_in_dim3A_825 = arith.constant 0.000000e+00 : f32
      %broadcast_in_dim3A_826 = vector.broadcast %broadcast_in_dim3A_825 : f32 to vector<16xf32>
      %broadcast_in_dim3A_827 = arith.constant 0.000000e+00 : f32
      %broadcast_in_dim3A_828 = vector.broadcast %broadcast_in_dim3A_827 : f32 to vector<16xf32>
      %broadcast_in_dim3A_829 = arith.constant 0.000000e+00 : f32
      %broadcast_in_dim3A_830 = vector.broadcast %broadcast_in_dim3A_829 : f32 to vector<16xf32>
      %scan3A_831 = arith.constant 0 : i32
      %scan3A_832 = arith.constant 50 : i32
      %scan3A_833 = arith.addi %scan3A_831, %scan3A_832 : i32
      %scan3A_834 = arith.constant 5 : i32
      %scan3A_835:8 = scf.for %scan3A_1024 = %scan3A_831 to %scan3A_833 step %scan3A_834 iter_args(%scan3A_1025 = %broadcast_in_dim3A_816, %scan3A_1026 = %broadcast_in_dim3A_818, %scan3A_1027 = %broadcast_in_dim3A_820, %scan3A_1028 = %broadcast_in_dim3A_822, %scan3A_1029 = %broadcast_in_dim3A_824, %scan3A_1030 = %broadcast_in_dim3A_826, %scan3A_1031 = %broadcast_in_dim3A_828, %scan3A_1032 = %broadcast_in_dim3A_830) -> (vector<16xf32>, vector<16xf32>, vector<16xf32>, vector<16xf32>, vector<16xf32>, vector<16xf32>, vector<16xf32>, vector<16xf32>)  : i32 {
        %add3A_1033 = arith.constant 0 : i32
        %add3A_1034 = arith.addi %add3A_1033, %scan3A_1024 : i32
        %get3A = arith.index_cast %add3A_1034 : i32 to index
        %get3A_1035 = arith.constant 0 : index
        %get3A_1036 = tpu.vector_load %arg13[%get3A, %get3A_1035] {strides = array<i32>} : memref<50x128xf32, #tpu.memory_space<vmem>>, vector<1x16xf32>,
        %get3A_1037 = vector.shape_cast %get3A_1036 : vector<1x16xf32> to vector<16xf32>
        %add3A_1038 = arith.addf %scan3A_1025, %get3A_1037 : vector<16xf32>
        %add3A_1039 = arith.constant 0 : i32
        %add3A_1040 = arith.addi %add3A_1039, %scan3A_1024 : i32
        %get3A_1041 = arith.index_cast %add3A_1040 : i32 to index
        %get3A_1042 = arith.constant 16 : index
        %get3A_1043 = tpu.vector_load %arg13[%get3A_1041, %get3A_1042] {strides = array<i32>} : memref<50x128xf32, #tpu.memory_space<vmem>>, vector<1x16xf32>,
        %get3A_1044 = vector.shape_cast %get3A_1043 : vector<1x16xf32> to vector<16xf32>
        %add3A_1045 = arith.addf %scan3A_1026, %get3A_1044 : vector<16xf32>
        %add3A_1046 = arith.constant 0 : i32
        %add3A_1047 = arith.addi %add3A_1046, %scan3A_1024 : i32
        %get3A_1048 = arith.index_cast %add3A_1047 : i32 to index
        %get3A_1049 = arith.constant 32 : index
        %get3A_1050 = tpu.vector_load %arg13[%get3A_1048, %get3A_1049] {strides = array<i32>} : memref<50x128xf32, #tpu.memory_space<vmem>>, vector<1x16xf32>,
        %get3A_1051 = vector.shape_cast %get3A_1050 : vector<1x16xf32> to vector<16xf32>
        %add3A_1052 = arith.addf %scan3A_1027, %get3A_1051 : vector<16xf32>
        %add3A_1053 = arith.constant 0 : i32
        %add3A_1054 = arith.addi %add3A_1053, %scan3A_1024 : i32
        %get3A_1055 = arith.index_cast %add3A_1054 : i32 to index
        %get3A_1056 = arith.constant 48 : index
        %get3A_1057 = tpu.vector_load %arg13[%get3A_1055, %get3A_1056] {strides = array<i32>} : memref<50x128xf32, #tpu.memory_space<vmem>>, vector<1x16xf32>,
        %get3A_1058 = vector.shape_cast %get3A_1057 : vector<1x16xf32> to vector<16xf32>
        %add3A_1059 = arith.addf %scan3A_1028, %get3A_1058 : vector<16xf32>
        %add3A_1060 = arith.constant 0 : i32
        %add3A_1061 = arith.addi %add3A_1060, %scan3A_1024 : i32
        %get3A_1062 = arith.index_cast %add3A_1061 : i32 to index
        %get3A_1063 = arith.constant 64 : index
        %get3A_1064 = tpu.vector_load %arg13[%get3A_1062, %get3A_1063] {strides = array<i32>} : memref<50x128xf32, #tpu.memory_space<vmem>>, vector<1x16xf32>,
        %get3A_1065 = vector.shape_cast %get3A_1064 : vector<1x16xf32> to vector<16xf32>
        %add3A_1066 = arith.addf %scan3A_1029, %get3A_1065 : vector<16xf32>
        %add3A_1067 = arith.constant 0 : i32
        %add3A_1068 = arith.addi %add3A_1067, %scan3A_1024 : i32
        %get3A_1069 = arith.index_cast %add3A_1068 : i32 to index
        %get3A_1070 = arith.constant 80 : index
        %get3A_1071 = tpu.vector_load %arg13[%get3A_1069, %get3A_1070] {strides = array<i32>} : memref<50x128xf32, #tpu.memory_space<vmem>>, vector<1x16xf32>,
        %get3A_1072 = vector.shape_cast %get3A_1071 : vector<1x16xf32> to vector<16xf32>
        %add3A_1073 = arith.addf %scan3A_1030, %get3A_1072 : vector<16xf32>
        %add3A_1074 = arith.constant 0 : i32
        %add3A_1075 = arith.addi %add3A_1074, %scan3A_1024 : i32
        %get3A_1076 = arith.index_cast %add3A_1075 : i32 to index
        %get3A_1077 = arith.constant 96 : index
        %get3A_1078 = tpu.vector_load %arg13[%get3A_1076, %get3A_1077] {strides = array<i32>} : memref<50x128xf32, #tpu.memory_space<vmem>>, vector<1x16xf32>,
        %get3A_1079 = vector.shape_cast %get3A_1078 : vector<1x16xf32> to vector<16xf32>
        %add3A_1080 = arith.addf %scan3A_1031, %get3A_1079 : vector<16xf32>
        %add3A_1081 = arith.constant 0 : i32
        %add3A_1082 = arith.addi %add3A_1081, %scan3A_1024 : i32
        %get3A_1083 = arith.index_cast %add3A_1082 : i32 to index
        %get3A_1084 = arith.constant 112 : index
        %get3A_1085 = tpu.vector_load %arg13[%get3A_1083, %get3A_1084] {strides = array<i32>} : memref<50x128xf32, #tpu.memory_space<vmem>>, vector<1x16xf32>,
        %get3A_1086 = vector.shape_cast %get3A_1085 : vector<1x16xf32> to vector<16xf32>
        %add3A_1087 = arith.addf %scan3A_1032, %get3A_1086 : vector<16xf32>
        %scan3A_1088 = arith.constant 1 : i32
        %scan3A_1089 = arith.addi %scan3A_1024, %scan3A_1088 : i32
        %add3A_1090 = arith.constant 0 : i32
        %add3A_1091 = arith.addi %add3A_1090, %scan3A_1089 : i32
        %get3A_1092 = arith.index_cast %add3A_1091 : i32 to index
        %get3A_1093 = arith.constant 0 : index
        %get3A_1094 = tpu.vector_load %arg13[%get3A_1092, %get3A_1093] {strides = array<i32>} : memref<50x128xf32, #tpu.memory_space<vmem>>, vector<1x16xf32>,
        %get3A_1095 = vector.shape_cast %get3A_1094 : vector<1x16xf32> to vector<16xf32>
        %add3A_1096 = arith.addf %add3A_1038, %get3A_1095 : vector<16xf32>
        %add3A_1097 = arith.constant 0 : i32
        %add3A_1098 = arith.addi %add3A_1097, %scan3A_1089 : i32
        %get3A_1099 = arith.index_cast %add3A_1098 : i32 to index
        %get3A_1100 = arith.constant 16 : index
        %get3A_1101 = tpu.vector_load %arg13[%get3A_1099, %get3A_1100] {strides = array<i32>} : memref<50x128xf32, #tpu.memory_space<vmem>>, vector<1x16xf32>,
        %get3A_1102 = vector.shape_cast %get3A_1101 : vector<1x16xf32> to vector<16xf32>
        %add3A_1103 = arith.addf %add3A_1045, %get3A_1102 : vector<16xf32>
        %add3A_1104 = arith.constant 0 : i32
        %add3A_1105 = arith.addi %add3A_1104, %scan3A_1089 : i32
        %get3A_1106 = arith.index_cast %add3A_1105 : i32 to index
        %get3A_1107 = arith.constant 32 : index
        %get3A_1108 = tpu.vector_load %arg13[%get3A_1106, %get3A_1107] {strides = array<i32>} : memref<50x128xf32, #tpu.memory_space<vmem>>, vector<1x16xf32>,
        %get3A_1109 = vector.shape_cast %get3A_1108 : vector<1x16xf32> to vector<16xf32>
        %add3A_1110 = arith.addf %add3A_1052, %get3A_1109 : vector<16xf32>
        %add3A_1111 = arith.constant 0 : i32
        %add3A_1112 = arith.addi %add3A_1111, %scan3A_1089 : i32
        %get3A_1113 = arith.index_cast %add3A_1112 : i32 to index
        %get3A_1114 = arith.constant 48 : index
        %get3A_1115 = tpu.vector_load %arg13[%get3A_1113, %get3A_1114] {strides = array<i32>} : memref<50x128xf32, #tpu.memory_space<vmem>>, vector<1x16xf32>,
        %get3A_1116 = vector.shape_cast %get3A_1115 : vector<1x16xf32> to vector<16xf32>
        %add3A_1117 = arith.addf %add3A_1059, %get3A_1116 : vector<16xf32>
        %add3A_1118 = arith.constant 0 : i32
        %add3A_1119 = arith.addi %add3A_1118, %scan3A_1089 : i32
        %get3A_1120 = arith.index_cast %add3A_1119 : i32 to index
        %get3A_1121 = arith.constant 64 : index
        %get3A_1122 = tpu.vector_load %arg13[%get3A_1120, %get3A_1121] {strides = array<i32>} : memref<50x128xf32, #tpu.memory_space<vmem>>, vector<1x16xf32>,
        %get3A_1123 = vector.shape_cast %get3A_1122 : vector<1x16xf32> to vector<16xf32>
        %add3A_1124 = arith.addf %add3A_1066, %get3A_1123 : vector<16xf32>
        %add3A_1125 = arith.constant 0 : i32
        %add3A_1126 = arith.addi %add3A_1125, %scan3A_1089 : i32
        %get3A_1127 = arith.index_cast %add3A_1126 : i32 to index
        %get3A_1128 = arith.constant 80 : index
        %get3A_1129 = tpu.vector_load %arg13[%get3A_1127, %get3A_1128] {strides = array<i32>} : memref<50x128xf32, #tpu.memory_space<vmem>>, vector<1x16xf32>,
        %get3A_1130 = vector.shape_cast %get3A_1129 : vector<1x16xf32> to vector<16xf32>
        %add3A_1131 = arith.addf %add3A_1073, %get3A_1130 : vector<16xf32>
        %add3A_1132 = arith.constant 0 : i32
        %add3A_1133 = arith.addi %add3A_1132, %scan3A_1089 : i32
        %get3A_1134 = arith.index_cast %add3A_1133 : i32 to index
        %get3A_1135 = arith.constant 96 : index
        %get3A_1136 = tpu.vector_load %arg13[%get3A_1134, %get3A_1135] {strides = array<i32>} : memref<50x128xf32, #tpu.memory_space<vmem>>, vector<1x16xf32>,
        %get3A_1137 = vector.shape_cast %get3A_1136 : vector<1x16xf32> to vector<16xf32>
        %add3A_1138 = arith.addf %add3A_1080, %get3A_1137 : vector<16xf32>
        %add3A_1139 = arith.constant 0 : i32
        %add3A_1140 = arith.addi %add3A_1139, %scan3A_1089 : i32
        %get3A_1141 = arith.index_cast %add3A_1140 : i32 to index
        %get3A_1142 = arith.constant 112 : index
        %get3A_1143 = tpu.vector_load %arg13[%get3A_1141, %get3A_1142] {strides = array<i32>} : memref<50x128xf32, #tpu.memory_space<vmem>>, vector<1x16xf32>,
        %get3A_1144 = vector.shape_cast %get3A_1143 : vector<1x16xf32> to vector<16xf32>
        %add3A_1145 = arith.addf %add3A_1087, %get3A_1144 : vector<16xf32>
        %scan3A_1146 = arith.constant 2 : i32
        %scan3A_1147 = arith.addi %scan3A_1024, %scan3A_1146 : i32
        %add3A_1148 = arith.constant 0 : i32
        %add3A_1149 = arith.addi %add3A_1148, %scan3A_1147 : i32
        %get3A_1150 = arith.index_cast %add3A_1149 : i32 to index
        %get3A_1151 = arith.constant 0 : index
        %get3A_1152 = tpu.vector_load %arg13[%get3A_1150, %get3A_1151] {strides = array<i32>} : memref<50x128xf32, #tpu.memory_space<vmem>>, vector<1x16xf32>,
        %get3A_1153 = vector.shape_cast %get3A_1152 : vector<1x16xf32> to vector<16xf32>
        %add3A_1154 = arith.addf %add3A_1096, %get3A_1153 : vector<16xf32>
        %add3A_1155 = arith.constant 0 : i32
        %add3A_1156 = arith.addi %add3A_1155, %scan3A_1147 : i32
        %get3A_1157 = arith.index_cast %add3A_1156 : i32 to index
        %get3A_1158 = arith.constant 16 : index
        %get3A_1159 = tpu.vector_load %arg13[%get3A_1157, %get3A_1158] {strides = array<i32>} : memref<50x128xf32, #tpu.memory_space<vmem>>, vector<1x16xf32>,
        %get3A_1160 = vector.shape_cast %get3A_1159 : vector<1x16xf32> to vector<16xf32>
        %add3A_1161 = arith.addf %add3A_1103, %get3A_1160 : vector<16xf32>
        %add3A_1162 = arith.constant 0 : i32
        %add3A_1163 = arith.addi %add3A_1162, %scan3A_1147 : i32
        %get3A_1164 = arith.index_cast %add3A_1163 : i32 to index
        %get3A_1165 = arith.constant 32 : index
        %get3A_1166 = tpu.vector_load %arg13[%get3A_1164, %get3A_1165] {strides = array<i32>} : memref<50x128xf32, #tpu.memory_space<vmem>>, vector<1x16xf32>,
        %get3A_1167 = vector.shape_cast %get3A_1166 : vector<1x16xf32> to vector<16xf32>
        %add3A_1168 = arith.addf %add3A_1110, %get3A_1167 : vector<16xf32>
        %add3A_1169 = arith.constant 0 : i32
        %add3A_1170 = arith.addi %add3A_1169, %scan3A_1147 : i32
        %get3A_1171 = arith.index_cast %add3A_1170 : i32 to index
        %get3A_1172 = arith.constant 48 : index
        %get3A_1173 = tpu.vector_load %arg13[%get3A_1171, %get3A_1172] {strides = array<i32>} : memref<50x128xf32, #tpu.memory_space<vmem>>, vector<1x16xf32>,
        %get3A_1174 = vector.shape_cast %get3A_1173 : vector<1x16xf32> to vector<16xf32>
        %add3A_1175 = arith.addf %add3A_1117, %get3A_1174 : vector<16xf32>
        %add3A_1176 = arith.constant 0 : i32
        %add3A_1177 = arith.addi %add3A_1176, %scan3A_1147 : i32
        %get3A_1178 = arith.index_cast %add3A_1177 : i32 to index
        %get3A_1179 = arith.constant 64 : index
        %get3A_1180 = tpu.vector_load %arg13[%get3A_1178, %get3A_1179] {strides = array<i32>} : memref<50x128xf32, #tpu.memory_space<vmem>>, vector<1x16xf32>,
        %get3A_1181 = vector.shape_cast %get3A_1180 : vector<1x16xf32> to vector<16xf32>
        %add3A_1182 = arith.addf %add3A_1124, %get3A_1181 : vector<16xf32>
        %add3A_1183 = arith.constant 0 : i32
        %add3A_1184 = arith.addi %add3A_1183, %scan3A_1147 : i32
        %get3A_1185 = arith.index_cast %add3A_1184 : i32 to index
        %get3A_1186 = arith.constant 80 : index
        %get3A_1187 = tpu.vector_load %arg13[%get3A_1185, %get3A_1186] {strides = array<i32>} : memref<50x128xf32, #tpu.memory_space<vmem>>, vector<1x16xf32>,
        %get3A_1188 = vector.shape_cast %get3A_1187 : vector<1x16xf32> to vector<16xf32>
        %add3A_1189 = arith.addf %add3A_1131, %get3A_1188 : vector<16xf32>
        %add3A_1190 = arith.constant 0 : i32
        %add3A_1191 = arith.addi %add3A_1190, %scan3A_1147 : i32
        %get3A_1192 = arith.index_cast %add3A_1191 : i32 to index
        %get3A_1193 = arith.constant 96 : index
        %get3A_1194 = tpu.vector_load %arg13[%get3A_1192, %get3A_1193] {strides = array<i32>} : memref<50x128xf32, #tpu.memory_space<vmem>>, vector<1x16xf32>,
        %get3A_1195 = vector.shape_cast %get3A_1194 : vector<1x16xf32> to vector<16xf32>
        %add3A_1196 = arith.addf %add3A_1138, %get3A_1195 : vector<16xf32>
        %add3A_1197 = arith.constant 0 : i32
        %add3A_1198 = arith.addi %add3A_1197, %scan3A_1147 : i32
        %get3A_1199 = arith.index_cast %add3A_1198 : i32 to index
        %get3A_1200 = arith.constant 112 : index
        %get3A_1201 = tpu.vector_load %arg13[%get3A_1199, %get3A_1200] {strides = array<i32>} : memref<50x128xf32, #tpu.memory_space<vmem>>, vector<1x16xf32>,
        %get3A_1202 = vector.shape_cast %get3A_1201 : vector<1x16xf32> to vector<16xf32>
        %add3A_1203 = arith.addf %add3A_1145, %get3A_1202 : vector<16xf32>
        %scan3A_1204 = arith.constant 3 : i32
        %scan3A_1205 = arith.addi %scan3A_1024, %scan3A_1204 : i32
        %add3A_1206 = arith.constant 0 : i32
        %add3A_1207 = arith.addi %add3A_1206, %scan3A_1205 : i32
        %get3A_1208 = arith.index_cast %add3A_1207 : i32 to index
        %get3A_1209 = arith.constant 0 : index
        %get3A_1210 = tpu.vector_load %arg13[%get3A_1208, %get3A_1209] {strides = array<i32>} : memref<50x128xf32, #tpu.memory_space<vmem>>, vector<1x16xf32>,
        %get3A_1211 = vector.shape_cast %get3A_1210 : vector<1x16xf32> to vector<16xf32>
        %add3A_1212 = arith.addf %add3A_1154, %get3A_1211 : vector<16xf32>
        %add3A_1213 = arith.constant 0 : i32
        %add3A_1214 = arith.addi %add3A_1213, %scan3A_1205 : i32
        %get3A_1215 = arith.index_cast %add3A_1214 : i32 to index
        %get3A_1216 = arith.constant 16 : index
        %get3A_1217 = tpu.vector_load %arg13[%get3A_1215, %get3A_1216] {strides = array<i32>} : memref<50x128xf32, #tpu.memory_space<vmem>>, vector<1x16xf32>,
        %get3A_1218 = vector.shape_cast %get3A_1217 : vector<1x16xf32> to vector<16xf32>
        %add3A_1219 = arith.addf %add3A_1161, %get3A_1218 : vector<16xf32>
        %add3A_1220 = arith.constant 0 : i32
        %add3A_1221 = arith.addi %add3A_1220, %scan3A_1205 : i32
        %get3A_1222 = arith.index_cast %add3A_1221 : i32 to index
        %get3A_1223 = arith.constant 32 : index
        %get3A_1224 = tpu.vector_load %arg13[%get3A_1222, %get3A_1223] {strides = array<i32>} : memref<50x128xf32, #tpu.memory_space<vmem>>, vector<1x16xf32>,
        %get3A_1225 = vector.shape_cast %get3A_1224 : vector<1x16xf32> to vector<16xf32>
        %add3A_1226 = arith.addf %add3A_1168, %get3A_1225 : vector<16xf32>
        %add3A_1227 = arith.constant 0 : i32
        %add3A_1228 = arith.addi %add3A_1227, %scan3A_1205 : i32
        %get3A_1229 = arith.index_cast %add3A_1228 : i32 to index
        %get3A_1230 = arith.constant 48 : index
        %get3A_1231 = tpu.vector_load %arg13[%get3A_1229, %get3A_1230] {strides = array<i32>} : memref<50x128xf32, #tpu.memory_space<vmem>>, vector<1x16xf32>,
        %get3A_1232 = vector.shape_cast %get3A_1231 : vector<1x16xf32> to vector<16xf32>
        %add3A_1233 = arith.addf %add3A_1175, %get3A_1232 : vector<16xf32>
        %add3A_1234 = arith.constant 0 : i32
        %add3A_1235 = arith.addi %add3A_1234, %scan3A_1205 : i32
        %get3A_1236 = arith.index_cast %add3A_1235 : i32 to index
        %get3A_1237 = arith.constant 64 : index
        %get3A_1238 = tpu.vector_load %arg13[%get3A_1236, %get3A_1237] {strides = array<i32>} : memref<50x128xf32, #tpu.memory_space<vmem>>, vector<1x16xf32>,
        %get3A_1239 = vector.shape_cast %get3A_1238 : vector<1x16xf32> to vector<16xf32>
        %add3A_1240 = arith.addf %add3A_1182, %get3A_1239 : vector<16xf32>
        %add3A_1241 = arith.constant 0 : i32
        %add3A_1242 = arith.addi %add3A_1241, %scan3A_1205 : i32
        %get3A_1243 = arith.index_cast %add3A_1242 : i32 to index
        %get3A_1244 = arith.constant 80 : index
        %get3A_1245 = tpu.vector_load %arg13[%get3A_1243, %get3A_1244] {strides = array<i32>} : memref<50x128xf32, #tpu.memory_space<vmem>>, vector<1x16xf32>,
        %get3A_1246 = vector.shape_cast %get3A_1245 : vector<1x16xf32> to vector<16xf32>
        %add3A_1247 = arith.addf %add3A_1189, %get3A_1246 : vector<16xf32>
        %add3A_1248 = arith.constant 0 : i32
        %add3A_1249 = arith.addi %add3A_1248, %scan3A_1205 : i32
        %get3A_1250 = arith.index_cast %add3A_1249 : i32 to index
        %get3A_1251 = arith.constant 96 : index
        %get3A_1252 = tpu.vector_load %arg13[%get3A_1250, %get3A_1251] {strides = array<i32>} : memref<50x128xf32, #tpu.memory_space<vmem>>, vector<1x16xf32>,
        %get3A_1253 = vector.shape_cast %get3A_1252 : vector<1x16xf32> to vector<16xf32>
        %add3A_1254 = arith.addf %add3A_1196, %get3A_1253 : vector<16xf32>
        %add3A_1255 = arith.constant 0 : i32
        %add3A_1256 = arith.addi %add3A_1255, %scan3A_1205 : i32
        %get3A_1257 = arith.index_cast %add3A_1256 : i32 to index
        %get3A_1258 = arith.constant 112 : index
        %get3A_1259 = tpu.vector_load %arg13[%get3A_1257, %get3A_1258] {strides = array<i32>} : memref<50x128xf32, #tpu.memory_space<vmem>>, vector<1x16xf32>,
        %get3A_1260 = vector.shape_cast %get3A_1259 : vector<1x16xf32> to vector<16xf32>
        %add3A_1261 = arith.addf %add3A_1203, %get3A_1260 : vector<16xf32>
        %scan3A_1262 = arith.constant 4 : i32
        %scan3A_1263 = arith.addi %scan3A_1024, %scan3A_1262 : i32
        %add3A_1264 = arith.constant 0 : i32
        %add3A_1265 = arith.addi %add3A_1264, %scan3A_1263 : i32
        %get3A_1266 = arith.index_cast %add3A_1265 : i32 to index
        %get3A_1267 = arith.constant 0 : index
        %get3A_1268 = tpu.vector_load %arg13[%get3A_1266, %get3A_1267] {strides = array<i32>} : memref<50x128xf32, #tpu.memory_space<vmem>>, vector<1x16xf32>,
        %get3A_1269 = vector.shape_cast %get3A_1268 : vector<1x16xf32> to vector<16xf32>
        %add3A_1270 = arith.addf %add3A_1212, %get3A_1269 : vector<16xf32>
        %add3A_1271 = arith.constant 0 : i32
        %add3A_1272 = arith.addi %add3A_1271, %scan3A_1263 : i32
        %get3A_1273 = arith.index_cast %add3A_1272 : i32 to index
        %get3A_1274 = arith.constant 16 : index
        %get3A_1275 = tpu.vector_load %arg13[%get3A_1273, %get3A_1274] {strides = array<i32>} : memref<50x128xf32, #tpu.memory_space<vmem>>, vector<1x16xf32>,
        %get3A_1276 = vector.shape_cast %get3A_1275 : vector<1x16xf32> to vector<16xf32>
        %add3A_1277 = arith.addf %add3A_1219, %get3A_1276 : vector<16xf32>
        %add3A_1278 = arith.constant 0 : i32
        %add3A_1279 = arith.addi %add3A_1278, %scan3A_1263 : i32
        %get3A_1280 = arith.index_cast %add3A_1279 : i32 to index
        %get3A_1281 = arith.constant 32 : index
        %get3A_1282 = tpu.vector_load %arg13[%get3A_1280, %get3A_1281] {strides = array<i32>} : memref<50x128xf32, #tpu.memory_space<vmem>>, vector<1x16xf32>,
        %get3A_1283 = vector.shape_cast %get3A_1282 : vector<1x16xf32> to vector<16xf32>
        %add3A_1284 = arith.addf %add3A_1226, %get3A_1283 : vector<16xf32>
        %add3A_1285 = arith.constant 0 : i32
        %add3A_1286 = arith.addi %add3A_1285, %scan3A_1263 : i32
        %get3A_1287 = arith.index_cast %add3A_1286 : i32 to index
        %get3A_1288 = arith.constant 48 : index
        %get3A_1289 = tpu.vector_load %arg13[%get3A_1287, %get3A_1288] {strides = array<i32>} : memref<50x128xf32, #tpu.memory_space<vmem>>, vector<1x16xf32>,
        %get3A_1290 = vector.shape_cast %get3A_1289 : vector<1x16xf32> to vector<16xf32>
        %add3A_1291 = arith.addf %add3A_1233, %get3A_1290 : vector<16xf32>
        %add3A_1292 = arith.constant 0 : i32
        %add3A_1293 = arith.addi %add3A_1292, %scan3A_1263 : i32
        %get3A_1294 = arith.index_cast %add3A_1293 : i32 to index
        %get3A_1295 = arith.constant 64 : index
        %get3A_1296 = tpu.vector_load %arg13[%get3A_1294, %get3A_1295] {strides = array<i32>} : memref<50x128xf32, #tpu.memory_space<vmem>>, vector<1x16xf32>,
        %get3A_1297 = vector.shape_cast %get3A_1296 : vector<1x16xf32> to vector<16xf32>
        %add3A_1298 = arith.addf %add3A_1240, %get3A_1297 : vector<16xf32>
        %add3A_1299 = arith.constant 0 : i32
        %add3A_1300 = arith.addi %add3A_1299, %scan3A_1263 : i32
        %get3A_1301 = arith.index_cast %add3A_1300 : i32 to index
        %get3A_1302 = arith.constant 80 : index
        %get3A_1303 = tpu.vector_load %arg13[%get3A_1301, %get3A_1302] {strides = array<i32>} : memref<50x128xf32, #tpu.memory_space<vmem>>, vector<1x16xf32>,
        %get3A_1304 = vector.shape_cast %get3A_1303 : vector<1x16xf32> to vector<16xf32>
        %add3A_1305 = arith.addf %add3A_1247, %get3A_1304 : vector<16xf32>
        %add3A_1306 = arith.constant 0 : i32
        %add3A_1307 = arith.addi %add3A_1306, %scan3A_1263 : i32
        %get3A_1308 = arith.index_cast %add3A_1307 : i32 to index
        %get3A_1309 = arith.constant 96 : index
        %get3A_1310 = tpu.vector_load %arg13[%get3A_1308, %get3A_1309] {strides = array<i32>} : memref<50x128xf32, #tpu.memory_space<vmem>>, vector<1x16xf32>,
        %get3A_1311 = vector.shape_cast %get3A_1310 : vector<1x16xf32> to vector<16xf32>
        %add3A_1312 = arith.addf %add3A_1254, %get3A_1311 : vector<16xf32>
        %add3A_1313 = arith.constant 0 : i32
        %add3A_1314 = arith.addi %add3A_1313, %scan3A_1263 : i32
        %get3A_1315 = arith.index_cast %add3A_1314 : i32 to index
        %get3A_1316 = arith.constant 112 : index
        %get3A_1317 = tpu.vector_load %arg13[%get3A_1315, %get3A_1316] {strides = array<i32>} : memref<50x128xf32, #tpu.memory_space<vmem>>, vector<1x16xf32>,
        %get3A_1318 = vector.shape_cast %get3A_1317 : vector<1x16xf32> to vector<16xf32>
        %add3A_1319 = arith.addf %add3A_1261, %get3A_1318 : vector<16xf32>
        scf.yield %add3A_1270, %add3A_1277, %add3A_1284, %add3A_1291, %add3A_1298, %add3A_1305, %add3A_1312, %add3A_1319 : vector<16xf32>, vector<16xf32>, vector<16xf32>, vector<16xf32>, vector<16xf32>, vector<16xf32>, vector<16xf32>, vector<16xf32>
      }
      %scan3A_836 = arith.constant 50 : i32
      %mul3A_837 = arith.constant 1 : i32
      %mul3A_838 = arith.muli %add3A_814, %mul3A_837 : i32
      %add3A_839 = arith.constant 0 : i32
      %add3A_840 = arith.addi %mul3A_838, %add3A_839 : i32
      %swap3A_841 = arith.index_cast %add3A_840 : i32 to index
      %swap3A_842 = arith.constant 0 : index
      %swap3A_843 = tpu.vector_load %arg6[%swap3A_841, %swap3A_842] {strides = array<i32>} : memref<128x128xf32, #tpu.memory_space<vmem>>, vector<1x16xf32>,
      %swap3A_844 = vector.shape_cast %swap3A_843 : vector<1x16xf32> to vector<16xf32>
      %swap3A_845 = vector.shape_cast %scan3A_835#0 : vector<16xf32> to vector<1x16xf32>
      tpu.vector_store %arg6[%swap3A_841, %swap3A_842], %swap3A_845 {strides = array<i32>} : memref<128x128xf32, #tpu.memory_space<vmem>>, vector<1x16xf32>,
      %mul3A_846 = arith.constant 1 : i32
      %mul3A_847 = arith.muli %add3A_814, %mul3A_846 : i32
      %add3A_848 = arith.constant 0 : i32
      %add3A_849 = arith.addi %mul3A_847, %add3A_848 : i32
      %swap3A_850 = arith.index_cast %add3A_849 : i32 to index
      %swap3A_851 = arith.constant 16 : index
      %swap3A_852 = tpu.vector_load %arg6[%swap3A_850, %swap3A_851] {strides = array<i32>} : memref<128x128xf32, #tpu.memory_space<vmem>>, vector<1x16xf32>,
      %swap3A_853 = vector.shape_cast %swap3A_852 : vector<1x16xf32> to vector<16xf32>
      %swap3A_854 = vector.shape_cast %scan3A_835#1 : vector<16xf32> to vector<1x16xf32>
      tpu.vector_store %arg6[%swap3A_850, %swap3A_851], %swap3A_854 {strides = array<i32>} : memref<128x128xf32, #tpu.memory_space<vmem>>, vector<1x16xf32>,
      %mul3A_855 = arith.constant 1 : i32
      %mul3A_856 = arith.muli %add3A_814, %mul3A_855 : i32
      %add3A_857 = arith.constant 0 : i32
      %add3A_858 = arith.addi %mul3A_856, %add3A_857 : i32
      %swap3A_859 = arith.index_cast %add3A_858 : i32 to index
      %swap3A_860 = arith.constant 32 : index
      %swap3A_861 = tpu.vector_load %arg6[%swap3A_859, %swap3A_860] {strides = array<i32>} : memref<128x128xf32, #tpu.memory_space<vmem>>, vector<1x16xf32>,
      %swap3A_862 = vector.shape_cast %swap3A_861 : vector<1x16xf32> to vector<16xf32>
      %swap3A_863 = vector.shape_cast %scan3A_835#2 : vector<16xf32> to vector<1x16xf32>
      tpu.vector_store %arg6[%swap3A_859, %swap3A_860], %swap3A_863 {strides = array<i32>} : memref<128x128xf32, #tpu.memory_space<vmem>>, vector<1x16xf32>,
      %mul3A_864 = arith.constant 1 : i32
      %mul3A_865 = arith.muli %add3A_814, %mul3A_864 : i32
      %add3A_866 = arith.constant 0 : i32
      %add3A_867 = arith.addi %mul3A_865, %add3A_866 : i32
      %swap3A_868 = arith.index_cast %add3A_867 : i32 to index
      %swap3A_869 = arith.constant 48 : index
      %swap3A_870 = tpu.vector_load %arg6[%swap3A_868, %swap3A_869] {strides = array<i32>} : memref<128x128xf32, #tpu.memory_space<vmem>>, vector<1x16xf32>,
      %swap3A_871 = vector.shape_cast %swap3A_870 : vector<1x16xf32> to vector<16xf32>
      %swap3A_872 = vector.shape_cast %scan3A_835#3 : vector<16xf32> to vector<1x16xf32>
      tpu.vector_store %arg6[%swap3A_868, %swap3A_869], %swap3A_872 {strides = array<i32>} : memref<128x128xf32, #tpu.memory_space<vmem>>, vector<1x16xf32>,
      %mul3A_873 = arith.constant 1 : i32
      %mul3A_874 = arith.muli %add3A_814, %mul3A_873 : i32
      %add3A_875 = arith.constant 0 : i32
      %add3A_876 = arith.addi %mul3A_874, %add3A_875 : i32
      %swap3A_877 = arith.index_cast %add3A_876 : i32 to index
      %swap3A_878 = arith.constant 64 : index
      %swap3A_879 = tpu.vector_load %arg6[%swap3A_877, %swap3A_878] {strides = array<i32>} : memref<128x128xf32, #tpu.memory_space<vmem>>, vector<1x16xf32>,
      %swap3A_880 = vector.shape_cast %swap3A_879 : vector<1x16xf32> to vector<16xf32>
      %swap3A_881 = vector.shape_cast %scan3A_835#4 : vector<16xf32> to vector<1x16xf32>
      tpu.vector_store %arg6[%swap3A_877, %swap3A_878], %swap3A_881 {strides = array<i32>} : memref<128x128xf32, #tpu.memory_space<vmem>>, vector<1x16xf32>,
      %mul3A_882 = arith.constant 1 : i32
      %mul3A_883 = arith.muli %add3A_814, %mul3A_882 : i32
      %add3A_884 = arith.constant 0 : i32
      %add3A_885 = arith.addi %mul3A_883, %add3A_884 : i32
      %swap3A_886 = arith.index_cast %add3A_885 : i32 to index
      %swap3A_887 = arith.constant 80 : index
      %swap3A_888 = tpu.vector_load %arg6[%swap3A_886, %swap3A_887] {strides = array<i32>} : memref<128x128xf32, #tpu.memory_space<vmem>>, vector<1x16xf32>,
      %swap3A_889 = vector.shape_cast %swap3A_888 : vector<1x16xf32> to vector<16xf32>
      %swap3A_890 = vector.shape_cast %scan3A_835#5 : vector<16xf32> to vector<1x16xf32>
      tpu.vector_store %arg6[%swap3A_886, %swap3A_887], %swap3A_890 {strides = array<i32>} : memref<128x128xf32, #tpu.memory_space<vmem>>, vector<1x16xf32>,
      %mul3A_891 = arith.constant 1 : i32
      %mul3A_892 = arith.muli %add3A_814, %mul3A_891 : i32
      %add3A_893 = arith.constant 0 : i32
      %add3A_894 = arith.addi %mul3A_892, %add3A_893 : i32
      %swap3A_895 = arith.index_cast %add3A_894 : i32 to index
      %swap3A_896 = arith.constant 96 : index
      %swap3A_897 = tpu.vector_load %arg6[%swap3A_895, %swap3A_896] {strides = array<i32>} : memref<128x128xf32, #tpu.memory_space<vmem>>, vector<1x16xf32>,
      %swap3A_898 = vector.shape_cast %swap3A_897 : vector<1x16xf32> to vector<16xf32>
      %swap3A_899 = vector.shape_cast %scan3A_835#6 : vector<16xf32> to vector<1x16xf32>
      tpu.vector_store %arg6[%swap3A_895, %swap3A_896], %swap3A_899 {strides = array<i32>} : memref<128x128xf32, #tpu.memory_space<vmem>>, vector<1x16xf32>,
      %mul3A_900 = arith.constant 1 : i32
      %mul3A_901 = arith.muli %add3A_814, %mul3A_900 : i32
      %add3A_902 = arith.constant 0 : i32
      %add3A_903 = arith.addi %mul3A_901, %add3A_902 : i32
      %swap3A_904 = arith.index_cast %add3A_903 : i32 to index
      %swap3A_905 = arith.constant 112 : index
      %swap3A_906 = tpu.vector_load %arg6[%swap3A_904, %swap3A_905] {strides = array<i32>} : memref<128x128xf32, #tpu.memory_space<vmem>>, vector<1x16xf32>,
      %swap3A_907 = vector.shape_cast %swap3A_906 : vector<1x16xf32> to vector<16xf32>
      %swap3A_908 = vector.shape_cast %scan3A_835#7 : vector<16xf32> to vector<1x16xf32>
      tpu.vector_store %arg6[%swap3A_904, %swap3A_905], %swap3A_908 {strides = array<i32>} : memref<128x128xf32, #tpu.memory_space<vmem>>, vector<1x16xf32>,
      %add3A_909 = arith.constant 7 : i32
      %add3A_910 = arith.addi %mul3A_105, %add3A_909 : i32
      %add3A_911 = arith.constant 6 : i32
      %add3A_912 = arith.addi %add3A_910, %add3A_911 : i32
      %min3A_913 = arith.constant 127 : i32
      %min3A_914 = arith.minsi %add3A_912, %min3A_913 : i32
      %dma_start3A_915 = arith.constant 0 : i32
      %dma_start3A_916 = tpu.memref_slice %arg5[%min3A_914, %dma_start3A_915] : memref<128x50xi32, #tpu.memory_space<vmem>> -> memref<1x50xi32, #tpu.memory_space<vmem>>
      %dma_start3A_917 = tpu.memref_squeeze %dma_start3A_916 : memref<1x50xi32, #tpu.memory_space<vmem>> -> memref<50xi32, #tpu.memory_space<vmem>>
      %dma_start3A_918 = arith.constant 0 : i32
      %dma_start3A_919 = arith.constant 0 : i32
      %dma_start3A_920 = tpu.memref_slice %arg3[%dma_start3A_918, %dma_start3A_919] : memref<100000x128xf32, #tpu.memory_space<hbm>> -> memref<100000x128xf32, #tpu.memory_space<hbm>>
      tpu.enqueue_indirect_dma source(%dma_start3A_920 : memref<100000x128xf32, #tpu.memory_space<hbm>>) target(%arg12 : memref<50x128xf32, #tpu.memory_space<vmem>>) offsets(%dma_start3A_917 : memref<50xi32, #tpu.memory_space<vmem>>) semaphore(%arg20 : memref<!tpu.dma_semaphore, #tpu.memory_space<semaphore_mem>>)
      %dma_wait3A_921 = arith.constant 0 : i32
      %dma_wait3A_922 = arith.constant 0 : i32
      %dma_wait3A_923 = tpu.memref_slice %arg5[%dma_wait3A_921, %dma_wait3A_922] : memref<128x50xi32, #tpu.memory_space<vmem>> -> memref<1x50xi32, #tpu.memory_space<vmem>>
      %dma_wait3A_924 = tpu.memref_squeeze %dma_wait3A_923 : memref<1x50xi32, #tpu.memory_space<vmem>> -> memref<50xi32, #tpu.memory_space<vmem>>
      %dma_wait3A_925 = arith.constant 0 : i32
      %dma_wait3A_926 = arith.constant 0 : i32
      %dma_wait3A_927 = tpu.memref_slice %arg3[%dma_wait3A_925, %dma_wait3A_926] : memref<100000x128xf32, #tpu.memory_space<hbm>> -> memref<100000x128xf32, #tpu.memory_space<hbm>>
      tpu.wait_indirect_dma semaphore(%arg22 : memref<!tpu.dma_semaphore, #tpu.memory_space<semaphore_mem>>) src(%dma_wait3A_927 : memref<100000x128xf32, #tpu.memory_space<hbm>>) dst(%arg14 : memref<50x128xf32, #tpu.memory_space<vmem>>)
      %add3A_928 = arith.constant 7 : i32
      %add3A_929 = arith.addi %mul3A_105, %add3A_928 : i32
      %broadcast_in_dim3A_930 = arith.constant 0.000000e+00 : f32
      %broadcast_in_dim3A_931 = vector.broadcast %broadcast_in_dim3A_930 : f32 to vector<16xf32>
      %broadcast_in_dim3A_932 = arith.constant 0.000000e+00 : f32
      %broadcast_in_dim3A_933 = vector.broadcast %broadcast_in_dim3A_932 : f32 to vector<16xf32>
      %broadcast_in_dim3A_934 = arith.constant 0.000000e+00 : f32
      %broadcast_in_dim3A_935 = vector.broadcast %broadcast_in_dim3A_934 : f32 to vector<16xf32>
      %broadcast_in_dim3A_936 = arith.constant 0.000000e+00 : f32
      %broadcast_in_dim3A_937 = vector.broadcast %broadcast_in_dim3A_936 : f32 to vector<16xf32>
      %broadcast_in_dim3A_938 = arith.constant 0.000000e+00 : f32
      %broadcast_in_dim3A_939 = vector.broadcast %broadcast_in_dim3A_938 : f32 to vector<16xf32>
      %broadcast_in_dim3A_940 = arith.constant 0.000000e+00 : f32
      %broadcast_in_dim3A_941 = vector.broadcast %broadcast_in_dim3A_940 : f32 to vector<16xf32>
      %broadcast_in_dim3A_942 = arith.constant 0.000000e+00 : f32
      %broadcast_in_dim3A_943 = vector.broadcast %broadcast_in_dim3A_942 : f32 to vector<16xf32>
      %broadcast_in_dim3A_944 = arith.constant 0.000000e+00 : f32
      %broadcast_in_dim3A_945 = vector.broadcast %broadcast_in_dim3A_944 : f32 to vector<16xf32>
      %scan3A_946 = arith.constant 0 : i32
      %scan3A_947 = arith.constant 50 : i32
      %scan3A_948 = arith.addi %scan3A_946, %scan3A_947 : i32
      %scan3A_949 = arith.constant 5 : i32
      %scan3A_950:8 = scf.for %scan3A_1024 = %scan3A_946 to %scan3A_948 step %scan3A_949 iter_args(%scan3A_1025 = %broadcast_in_dim3A_931, %scan3A_1026 = %broadcast_in_dim3A_933, %scan3A_1027 = %broadcast_in_dim3A_935, %scan3A_1028 = %broadcast_in_dim3A_937, %scan3A_1029 = %broadcast_in_dim3A_939, %scan3A_1030 = %broadcast_in_dim3A_941, %scan3A_1031 = %broadcast_in_dim3A_943, %scan3A_1032 = %broadcast_in_dim3A_945) -> (vector<16xf32>, vector<16xf32>, vector<16xf32>, vector<16xf32>, vector<16xf32>, vector<16xf32>, vector<16xf32>, vector<16xf32>)  : i32 {
        %add3A_1033 = arith.constant 0 : i32
        %add3A_1034 = arith.addi %add3A_1033, %scan3A_1024 : i32
        %get3A = arith.index_cast %add3A_1034 : i32 to index
        %get3A_1035 = arith.constant 0 : index
        %get3A_1036 = tpu.vector_load %arg14[%get3A, %get3A_1035] {strides = array<i32>} : memref<50x128xf32, #tpu.memory_space<vmem>>, vector<1x16xf32>,
        %get3A_1037 = vector.shape_cast %get3A_1036 : vector<1x16xf32> to vector<16xf32>
        %add3A_1038 = arith.addf %scan3A_1025, %get3A_1037 : vector<16xf32>
        %add3A_1039 = arith.constant 0 : i32
        %add3A_1040 = arith.addi %add3A_1039, %scan3A_1024 : i32
        %get3A_1041 = arith.index_cast %add3A_1040 : i32 to index
        %get3A_1042 = arith.constant 16 : index
        %get3A_1043 = tpu.vector_load %arg14[%get3A_1041, %get3A_1042] {strides = array<i32>} : memref<50x128xf32, #tpu.memory_space<vmem>>, vector<1x16xf32>,
        %get3A_1044 = vector.shape_cast %get3A_1043 : vector<1x16xf32> to vector<16xf32>
        %add3A_1045 = arith.addf %scan3A_1026, %get3A_1044 : vector<16xf32>
        %add3A_1046 = arith.constant 0 : i32
        %add3A_1047 = arith.addi %add3A_1046, %scan3A_1024 : i32
        %get3A_1048 = arith.index_cast %add3A_1047 : i32 to index
        %get3A_1049 = arith.constant 32 : index
        %get3A_1050 = tpu.vector_load %arg14[%get3A_1048, %get3A_1049] {strides = array<i32>} : memref<50x128xf32, #tpu.memory_space<vmem>>, vector<1x16xf32>,
        %get3A_1051 = vector.shape_cast %get3A_1050 : vector<1x16xf32> to vector<16xf32>
        %add3A_1052 = arith.addf %scan3A_1027, %get3A_1051 : vector<16xf32>
        %add3A_1053 = arith.constant 0 : i32
        %add3A_1054 = arith.addi %add3A_1053, %scan3A_1024 : i32
        %get3A_1055 = arith.index_cast %add3A_1054 : i32 to index
        %get3A_1056 = arith.constant 48 : index
        %get3A_1057 = tpu.vector_load %arg14[%get3A_1055, %get3A_1056] {strides = array<i32>} : memref<50x128xf32, #tpu.memory_space<vmem>>, vector<1x16xf32>,
        %get3A_1058 = vector.shape_cast %get3A_1057 : vector<1x16xf32> to vector<16xf32>
        %add3A_1059 = arith.addf %scan3A_1028, %get3A_1058 : vector<16xf32>
        %add3A_1060 = arith.constant 0 : i32
        %add3A_1061 = arith.addi %add3A_1060, %scan3A_1024 : i32
        %get3A_1062 = arith.index_cast %add3A_1061 : i32 to index
        %get3A_1063 = arith.constant 64 : index
        %get3A_1064 = tpu.vector_load %arg14[%get3A_1062, %get3A_1063] {strides = array<i32>} : memref<50x128xf32, #tpu.memory_space<vmem>>, vector<1x16xf32>,
        %get3A_1065 = vector.shape_cast %get3A_1064 : vector<1x16xf32> to vector<16xf32>
        %add3A_1066 = arith.addf %scan3A_1029, %get3A_1065 : vector<16xf32>
        %add3A_1067 = arith.constant 0 : i32
        %add3A_1068 = arith.addi %add3A_1067, %scan3A_1024 : i32
        %get3A_1069 = arith.index_cast %add3A_1068 : i32 to index
        %get3A_1070 = arith.constant 80 : index
        %get3A_1071 = tpu.vector_load %arg14[%get3A_1069, %get3A_1070] {strides = array<i32>} : memref<50x128xf32, #tpu.memory_space<vmem>>, vector<1x16xf32>,
        %get3A_1072 = vector.shape_cast %get3A_1071 : vector<1x16xf32> to vector<16xf32>
        %add3A_1073 = arith.addf %scan3A_1030, %get3A_1072 : vector<16xf32>
        %add3A_1074 = arith.constant 0 : i32
        %add3A_1075 = arith.addi %add3A_1074, %scan3A_1024 : i32
        %get3A_1076 = arith.index_cast %add3A_1075 : i32 to index
        %get3A_1077 = arith.constant 96 : index
        %get3A_1078 = tpu.vector_load %arg14[%get3A_1076, %get3A_1077] {strides = array<i32>} : memref<50x128xf32, #tpu.memory_space<vmem>>, vector<1x16xf32>,
        %get3A_1079 = vector.shape_cast %get3A_1078 : vector<1x16xf32> to vector<16xf32>
        %add3A_1080 = arith.addf %scan3A_1031, %get3A_1079 : vector<16xf32>
        %add3A_1081 = arith.constant 0 : i32
        %add3A_1082 = arith.addi %add3A_1081, %scan3A_1024 : i32
        %get3A_1083 = arith.index_cast %add3A_1082 : i32 to index
        %get3A_1084 = arith.constant 112 : index
        %get3A_1085 = tpu.vector_load %arg14[%get3A_1083, %get3A_1084] {strides = array<i32>} : memref<50x128xf32, #tpu.memory_space<vmem>>, vector<1x16xf32>,
        %get3A_1086 = vector.shape_cast %get3A_1085 : vector<1x16xf32> to vector<16xf32>
        %add3A_1087 = arith.addf %scan3A_1032, %get3A_1086 : vector<16xf32>
        %scan3A_1088 = arith.constant 1 : i32
        %scan3A_1089 = arith.addi %scan3A_1024, %scan3A_1088 : i32
        %add3A_1090 = arith.constant 0 : i32
        %add3A_1091 = arith.addi %add3A_1090, %scan3A_1089 : i32
        %get3A_1092 = arith.index_cast %add3A_1091 : i32 to index
        %get3A_1093 = arith.constant 0 : index
        %get3A_1094 = tpu.vector_load %arg14[%get3A_1092, %get3A_1093] {strides = array<i32>} : memref<50x128xf32, #tpu.memory_space<vmem>>, vector<1x16xf32>,
        %get3A_1095 = vector.shape_cast %get3A_1094 : vector<1x16xf32> to vector<16xf32>
        %add3A_1096 = arith.addf %add3A_1038, %get3A_1095 : vector<16xf32>
        %add3A_1097 = arith.constant 0 : i32
        %add3A_1098 = arith.addi %add3A_1097, %scan3A_1089 : i32
        %get3A_1099 = arith.index_cast %add3A_1098 : i32 to index
        %get3A_1100 = arith.constant 16 : index
        %get3A_1101 = tpu.vector_load %arg14[%get3A_1099, %get3A_1100] {strides = array<i32>} : memref<50x128xf32, #tpu.memory_space<vmem>>, vector<1x16xf32>,
        %get3A_1102 = vector.shape_cast %get3A_1101 : vector<1x16xf32> to vector<16xf32>
        %add3A_1103 = arith.addf %add3A_1045, %get3A_1102 : vector<16xf32>
        %add3A_1104 = arith.constant 0 : i32
        %add3A_1105 = arith.addi %add3A_1104, %scan3A_1089 : i32
        %get3A_1106 = arith.index_cast %add3A_1105 : i32 to index
        %get3A_1107 = arith.constant 32 : index
        %get3A_1108 = tpu.vector_load %arg14[%get3A_1106, %get3A_1107] {strides = array<i32>} : memref<50x128xf32, #tpu.memory_space<vmem>>, vector<1x16xf32>,
        %get3A_1109 = vector.shape_cast %get3A_1108 : vector<1x16xf32> to vector<16xf32>
        %add3A_1110 = arith.addf %add3A_1052, %get3A_1109 : vector<16xf32>
        %add3A_1111 = arith.constant 0 : i32
        %add3A_1112 = arith.addi %add3A_1111, %scan3A_1089 : i32
        %get3A_1113 = arith.index_cast %add3A_1112 : i32 to index
        %get3A_1114 = arith.constant 48 : index
        %get3A_1115 = tpu.vector_load %arg14[%get3A_1113, %get3A_1114] {strides = array<i32>} : memref<50x128xf32, #tpu.memory_space<vmem>>, vector<1x16xf32>,
        %get3A_1116 = vector.shape_cast %get3A_1115 : vector<1x16xf32> to vector<16xf32>
        %add3A_1117 = arith.addf %add3A_1059, %get3A_1116 : vector<16xf32>
        %add3A_1118 = arith.constant 0 : i32
        %add3A_1119 = arith.addi %add3A_1118, %scan3A_1089 : i32
        %get3A_1120 = arith.index_cast %add3A_1119 : i32 to index
        %get3A_1121 = arith.constant 64 : index
        %get3A_1122 = tpu.vector_load %arg14[%get3A_1120, %get3A_1121] {strides = array<i32>} : memref<50x128xf32, #tpu.memory_space<vmem>>, vector<1x16xf32>,
        %get3A_1123 = vector.shape_cast %get3A_1122 : vector<1x16xf32> to vector<16xf32>
        %add3A_1124 = arith.addf %add3A_1066, %get3A_1123 : vector<16xf32>
        %add3A_1125 = arith.constant 0 : i32
        %add3A_1126 = arith.addi %add3A_1125, %scan3A_1089 : i32
        %get3A_1127 = arith.index_cast %add3A_1126 : i32 to index
        %get3A_1128 = arith.constant 80 : index
        %get3A_1129 = tpu.vector_load %arg14[%get3A_1127, %get3A_1128] {strides = array<i32>} : memref<50x128xf32, #tpu.memory_space<vmem>>, vector<1x16xf32>,
        %get3A_1130 = vector.shape_cast %get3A_1129 : vector<1x16xf32> to vector<16xf32>
        %add3A_1131 = arith.addf %add3A_1073, %get3A_1130 : vector<16xf32>
        %add3A_1132 = arith.constant 0 : i32
        %add3A_1133 = arith.addi %add3A_1132, %scan3A_1089 : i32
        %get3A_1134 = arith.index_cast %add3A_1133 : i32 to index
        %get3A_1135 = arith.constant 96 : index
        %get3A_1136 = tpu.vector_load %arg14[%get3A_1134, %get3A_1135] {strides = array<i32>} : memref<50x128xf32, #tpu.memory_space<vmem>>, vector<1x16xf32>,
        %get3A_1137 = vector.shape_cast %get3A_1136 : vector<1x16xf32> to vector<16xf32>
        %add3A_1138 = arith.addf %add3A_1080, %get3A_1137 : vector<16xf32>
        %add3A_1139 = arith.constant 0 : i32
        %add3A_1140 = arith.addi %add3A_1139, %scan3A_1089 : i32
        %get3A_1141 = arith.index_cast %add3A_1140 : i32 to index
        %get3A_1142 = arith.constant 112 : index
        %get3A_1143 = tpu.vector_load %arg14[%get3A_1141, %get3A_1142] {strides = array<i32>} : memref<50x128xf32, #tpu.memory_space<vmem>>, vector<1x16xf32>,
        %get3A_1144 = vector.shape_cast %get3A_1143 : vector<1x16xf32> to vector<16xf32>
        %add3A_1145 = arith.addf %add3A_1087, %get3A_1144 : vector<16xf32>
        %scan3A_1146 = arith.constant 2 : i32
        %scan3A_1147 = arith.addi %scan3A_1024, %scan3A_1146 : i32
        %add3A_1148 = arith.constant 0 : i32
        %add3A_1149 = arith.addi %add3A_1148, %scan3A_1147 : i32
        %get3A_1150 = arith.index_cast %add3A_1149 : i32 to index
        %get3A_1151 = arith.constant 0 : index
        %get3A_1152 = tpu.vector_load %arg14[%get3A_1150, %get3A_1151] {strides = array<i32>} : memref<50x128xf32, #tpu.memory_space<vmem>>, vector<1x16xf32>,
        %get3A_1153 = vector.shape_cast %get3A_1152 : vector<1x16xf32> to vector<16xf32>
        %add3A_1154 = arith.addf %add3A_1096, %get3A_1153 : vector<16xf32>
        %add3A_1155 = arith.constant 0 : i32
        %add3A_1156 = arith.addi %add3A_1155, %scan3A_1147 : i32
        %get3A_1157 = arith.index_cast %add3A_1156 : i32 to index
        %get3A_1158 = arith.constant 16 : index
        %get3A_1159 = tpu.vector_load %arg14[%get3A_1157, %get3A_1158] {strides = array<i32>} : memref<50x128xf32, #tpu.memory_space<vmem>>, vector<1x16xf32>,
        %get3A_1160 = vector.shape_cast %get3A_1159 : vector<1x16xf32> to vector<16xf32>
        %add3A_1161 = arith.addf %add3A_1103, %get3A_1160 : vector<16xf32>
        %add3A_1162 = arith.constant 0 : i32
        %add3A_1163 = arith.addi %add3A_1162, %scan3A_1147 : i32
        %get3A_1164 = arith.index_cast %add3A_1163 : i32 to index
        %get3A_1165 = arith.constant 32 : index
        %get3A_1166 = tpu.vector_load %arg14[%get3A_1164, %get3A_1165] {strides = array<i32>} : memref<50x128xf32, #tpu.memory_space<vmem>>, vector<1x16xf32>,
        %get3A_1167 = vector.shape_cast %get3A_1166 : vector<1x16xf32> to vector<16xf32>
        %add3A_1168 = arith.addf %add3A_1110, %get3A_1167 : vector<16xf32>
        %add3A_1169 = arith.constant 0 : i32
        %add3A_1170 = arith.addi %add3A_1169, %scan3A_1147 : i32
        %get3A_1171 = arith.index_cast %add3A_1170 : i32 to index
        %get3A_1172 = arith.constant 48 : index
        %get3A_1173 = tpu.vector_load %arg14[%get3A_1171, %get3A_1172] {strides = array<i32>} : memref<50x128xf32, #tpu.memory_space<vmem>>, vector<1x16xf32>,
        %get3A_1174 = vector.shape_cast %get3A_1173 : vector<1x16xf32> to vector<16xf32>
        %add3A_1175 = arith.addf %add3A_1117, %get3A_1174 : vector<16xf32>
        %add3A_1176 = arith.constant 0 : i32
        %add3A_1177 = arith.addi %add3A_1176, %scan3A_1147 : i32
        %get3A_1178 = arith.index_cast %add3A_1177 : i32 to index
        %get3A_1179 = arith.constant 64 : index
        %get3A_1180 = tpu.vector_load %arg14[%get3A_1178, %get3A_1179] {strides = array<i32>} : memref<50x128xf32, #tpu.memory_space<vmem>>, vector<1x16xf32>,
        %get3A_1181 = vector.shape_cast %get3A_1180 : vector<1x16xf32> to vector<16xf32>
        %add3A_1182 = arith.addf %add3A_1124, %get3A_1181 : vector<16xf32>
        %add3A_1183 = arith.constant 0 : i32
        %add3A_1184 = arith.addi %add3A_1183, %scan3A_1147 : i32
        %get3A_1185 = arith.index_cast %add3A_1184 : i32 to index
        %get3A_1186 = arith.constant 80 : index
        %get3A_1187 = tpu.vector_load %arg14[%get3A_1185, %get3A_1186] {strides = array<i32>} : memref<50x128xf32, #tpu.memory_space<vmem>>, vector<1x16xf32>,
        %get3A_1188 = vector.shape_cast %get3A_1187 : vector<1x16xf32> to vector<16xf32>
        %add3A_1189 = arith.addf %add3A_1131, %get3A_1188 : vector<16xf32>
        %add3A_1190 = arith.constant 0 : i32
        %add3A_1191 = arith.addi %add3A_1190, %scan3A_1147 : i32
        %get3A_1192 = arith.index_cast %add3A_1191 : i32 to index
        %get3A_1193 = arith.constant 96 : index
        %get3A_1194 = tpu.vector_load %arg14[%get3A_1192, %get3A_1193] {strides = array<i32>} : memref<50x128xf32, #tpu.memory_space<vmem>>, vector<1x16xf32>,
        %get3A_1195 = vector.shape_cast %get3A_1194 : vector<1x16xf32> to vector<16xf32>
        %add3A_1196 = arith.addf %add3A_1138, %get3A_1195 : vector<16xf32>
        %add3A_1197 = arith.constant 0 : i32
        %add3A_1198 = arith.addi %add3A_1197, %scan3A_1147 : i32
        %get3A_1199 = arith.index_cast %add3A_1198 : i32 to index
        %get3A_1200 = arith.constant 112 : index
        %get3A_1201 = tpu.vector_load %arg14[%get3A_1199, %get3A_1200] {strides = array<i32>} : memref<50x128xf32, #tpu.memory_space<vmem>>, vector<1x16xf32>,
        %get3A_1202 = vector.shape_cast %get3A_1201 : vector<1x16xf32> to vector<16xf32>
        %add3A_1203 = arith.addf %add3A_1145, %get3A_1202 : vector<16xf32>
        %scan3A_1204 = arith.constant 3 : i32
        %scan3A_1205 = arith.addi %scan3A_1024, %scan3A_1204 : i32
        %add3A_1206 = arith.constant 0 : i32
        %add3A_1207 = arith.addi %add3A_1206, %scan3A_1205 : i32
        %get3A_1208 = arith.index_cast %add3A_1207 : i32 to index
        %get3A_1209 = arith.constant 0 : index
        %get3A_1210 = tpu.vector_load %arg14[%get3A_1208, %get3A_1209] {strides = array<i32>} : memref<50x128xf32, #tpu.memory_space<vmem>>, vector<1x16xf32>,
        %get3A_1211 = vector.shape_cast %get3A_1210 : vector<1x16xf32> to vector<16xf32>
        %add3A_1212 = arith.addf %add3A_1154, %get3A_1211 : vector<16xf32>
        %add3A_1213 = arith.constant 0 : i32
        %add3A_1214 = arith.addi %add3A_1213, %scan3A_1205 : i32
        %get3A_1215 = arith.index_cast %add3A_1214 : i32 to index
        %get3A_1216 = arith.constant 16 : index
        %get3A_1217 = tpu.vector_load %arg14[%get3A_1215, %get3A_1216] {strides = array<i32>} : memref<50x128xf32, #tpu.memory_space<vmem>>, vector<1x16xf32>,
        %get3A_1218 = vector.shape_cast %get3A_1217 : vector<1x16xf32> to vector<16xf32>
        %add3A_1219 = arith.addf %add3A_1161, %get3A_1218 : vector<16xf32>
        %add3A_1220 = arith.constant 0 : i32
        %add3A_1221 = arith.addi %add3A_1220, %scan3A_1205 : i32
        %get3A_1222 = arith.index_cast %add3A_1221 : i32 to index
        %get3A_1223 = arith.constant 32 : index
        %get3A_1224 = tpu.vector_load %arg14[%get3A_1222, %get3A_1223] {strides = array<i32>} : memref<50x128xf32, #tpu.memory_space<vmem>>, vector<1x16xf32>,
        %get3A_1225 = vector.shape_cast %get3A_1224 : vector<1x16xf32> to vector<16xf32>
        %add3A_1226 = arith.addf %add3A_1168, %get3A_1225 : vector<16xf32>
        %add3A_1227 = arith.constant 0 : i32
        %add3A_1228 = arith.addi %add3A_1227, %scan3A_1205 : i32
        %get3A_1229 = arith.index_cast %add3A_1228 : i32 to index
        %get3A_1230 = arith.constant 48 : index
        %get3A_1231 = tpu.vector_load %arg14[%get3A_1229, %get3A_1230] {strides = array<i32>} : memref<50x128xf32, #tpu.memory_space<vmem>>, vector<1x16xf32>,
        %get3A_1232 = vector.shape_cast %get3A_1231 : vector<1x16xf32> to vector<16xf32>
        %add3A_1233 = arith.addf %add3A_1175, %get3A_1232 : vector<16xf32>
        %add3A_1234 = arith.constant 0 : i32
        %add3A_1235 = arith.addi %add3A_1234, %scan3A_1205 : i32
        %get3A_1236 = arith.index_cast %add3A_1235 : i32 to index
        %get3A_1237 = arith.constant 64 : index
        %get3A_1238 = tpu.vector_load %arg14[%get3A_1236, %get3A_1237] {strides = array<i32>} : memref<50x128xf32, #tpu.memory_space<vmem>>, vector<1x16xf32>,
        %get3A_1239 = vector.shape_cast %get3A_1238 : vector<1x16xf32> to vector<16xf32>
        %add3A_1240 = arith.addf %add3A_1182, %get3A_1239 : vector<16xf32>
        %add3A_1241 = arith.constant 0 : i32
        %add3A_1242 = arith.addi %add3A_1241, %scan3A_1205 : i32
        %get3A_1243 = arith.index_cast %add3A_1242 : i32 to index
        %get3A_1244 = arith.constant 80 : index
        %get3A_1245 = tpu.vector_load %arg14[%get3A_1243, %get3A_1244] {strides = array<i32>} : memref<50x128xf32, #tpu.memory_space<vmem>>, vector<1x16xf32>,
        %get3A_1246 = vector.shape_cast %get3A_1245 : vector<1x16xf32> to vector<16xf32>
        %add3A_1247 = arith.addf %add3A_1189, %get3A_1246 : vector<16xf32>
        %add3A_1248 = arith.constant 0 : i32
        %add3A_1249 = arith.addi %add3A_1248, %scan3A_1205 : i32
        %get3A_1250 = arith.index_cast %add3A_1249 : i32 to index
        %get3A_1251 = arith.constant 96 : index
        %get3A_1252 = tpu.vector_load %arg14[%get3A_1250, %get3A_1251] {strides = array<i32>} : memref<50x128xf32, #tpu.memory_space<vmem>>, vector<1x16xf32>,
        %get3A_1253 = vector.shape_cast %get3A_1252 : vector<1x16xf32> to vector<16xf32>
        %add3A_1254 = arith.addf %add3A_1196, %get3A_1253 : vector<16xf32>
        %add3A_1255 = arith.constant 0 : i32
        %add3A_1256 = arith.addi %add3A_1255, %scan3A_1205 : i32
        %get3A_1257 = arith.index_cast %add3A_1256 : i32 to index
        %get3A_1258 = arith.constant 112 : index
        %get3A_1259 = tpu.vector_load %arg14[%get3A_1257, %get3A_1258] {strides = array<i32>} : memref<50x128xf32, #tpu.memory_space<vmem>>, vector<1x16xf32>,
        %get3A_1260 = vector.shape_cast %get3A_1259 : vector<1x16xf32> to vector<16xf32>
        %add3A_1261 = arith.addf %add3A_1203, %get3A_1260 : vector<16xf32>
        %scan3A_1262 = arith.constant 4 : i32
        %scan3A_1263 = arith.addi %scan3A_1024, %scan3A_1262 : i32
        %add3A_1264 = arith.constant 0 : i32
        %add3A_1265 = arith.addi %add3A_1264, %scan3A_1263 : i32
        %get3A_1266 = arith.index_cast %add3A_1265 : i32 to index
        %get3A_1267 = arith.constant 0 : index
        %get3A_1268 = tpu.vector_load %arg14[%get3A_1266, %get3A_1267] {strides = array<i32>} : memref<50x128xf32, #tpu.memory_space<vmem>>, vector<1x16xf32>,
        %get3A_1269 = vector.shape_cast %get3A_1268 : vector<1x16xf32> to vector<16xf32>
        %add3A_1270 = arith.addf %add3A_1212, %get3A_1269 : vector<16xf32>
        %add3A_1271 = arith.constant 0 : i32
        %add3A_1272 = arith.addi %add3A_1271, %scan3A_1263 : i32
        %get3A_1273 = arith.index_cast %add3A_1272 : i32 to index
        %get3A_1274 = arith.constant 16 : index
        %get3A_1275 = tpu.vector_load %arg14[%get3A_1273, %get3A_1274] {strides = array<i32>} : memref<50x128xf32, #tpu.memory_space<vmem>>, vector<1x16xf32>,
        %get3A_1276 = vector.shape_cast %get3A_1275 : vector<1x16xf32> to vector<16xf32>
        %add3A_1277 = arith.addf %add3A_1219, %get3A_1276 : vector<16xf32>
        %add3A_1278 = arith.constant 0 : i32
        %add3A_1279 = arith.addi %add3A_1278, %scan3A_1263 : i32
        %get3A_1280 = arith.index_cast %add3A_1279 : i32 to index
        %get3A_1281 = arith.constant 32 : index
        %get3A_1282 = tpu.vector_load %arg14[%get3A_1280, %get3A_1281] {strides = array<i32>} : memref<50x128xf32, #tpu.memory_space<vmem>>, vector<1x16xf32>,
        %get3A_1283 = vector.shape_cast %get3A_1282 : vector<1x16xf32> to vector<16xf32>
        %add3A_1284 = arith.addf %add3A_1226, %get3A_1283 : vector<16xf32>
        %add3A_1285 = arith.constant 0 : i32
        %add3A_1286 = arith.addi %add3A_1285, %scan3A_1263 : i32
        %get3A_1287 = arith.index_cast %add3A_1286 : i32 to index
        %get3A_1288 = arith.constant 48 : index
        %get3A_1289 = tpu.vector_load %arg14[%get3A_1287, %get3A_1288] {strides = array<i32>} : memref<50x128xf32, #tpu.memory_space<vmem>>, vector<1x16xf32>,
        %get3A_1290 = vector.shape_cast %get3A_1289 : vector<1x16xf32> to vector<16xf32>
        %add3A_1291 = arith.addf %add3A_1233, %get3A_1290 : vector<16xf32>
        %add3A_1292 = arith.constant 0 : i32
        %add3A_1293 = arith.addi %add3A_1292, %scan3A_1263 : i32
        %get3A_1294 = arith.index_cast %add3A_1293 : i32 to index
        %get3A_1295 = arith.constant 64 : index
        %get3A_1296 = tpu.vector_load %arg14[%get3A_1294, %get3A_1295] {strides = array<i32>} : memref<50x128xf32, #tpu.memory_space<vmem>>, vector<1x16xf32>,
        %get3A_1297 = vector.shape_cast %get3A_1296 : vector<1x16xf32> to vector<16xf32>
        %add3A_1298 = arith.addf %add3A_1240, %get3A_1297 : vector<16xf32>
        %add3A_1299 = arith.constant 0 : i32
        %add3A_1300 = arith.addi %add3A_1299, %scan3A_1263 : i32
        %get3A_1301 = arith.index_cast %add3A_1300 : i32 to index
        %get3A_1302 = arith.constant 80 : index
        %get3A_1303 = tpu.vector_load %arg14[%get3A_1301, %get3A_1302] {strides = array<i32>} : memref<50x128xf32, #tpu.memory_space<vmem>>, vector<1x16xf32>,
        %get3A_1304 = vector.shape_cast %get3A_1303 : vector<1x16xf32> to vector<16xf32>
        %add3A_1305 = arith.addf %add3A_1247, %get3A_1304 : vector<16xf32>
        %add3A_1306 = arith.constant 0 : i32
        %add3A_1307 = arith.addi %add3A_1306, %scan3A_1263 : i32
        %get3A_1308 = arith.index_cast %add3A_1307 : i32 to index
        %get3A_1309 = arith.constant 96 : index
        %get3A_1310 = tpu.vector_load %arg14[%get3A_1308, %get3A_1309] {strides = array<i32>} : memref<50x128xf32, #tpu.memory_space<vmem>>, vector<1x16xf32>,
        %get3A_1311 = vector.shape_cast %get3A_1310 : vector<1x16xf32> to vector<16xf32>
        %add3A_1312 = arith.addf %add3A_1254, %get3A_1311 : vector<16xf32>
        %add3A_1313 = arith.constant 0 : i32
        %add3A_1314 = arith.addi %add3A_1313, %scan3A_1263 : i32
        %get3A_1315 = arith.index_cast %add3A_1314 : i32 to index
        %get3A_1316 = arith.constant 112 : index
        %get3A_1317 = tpu.vector_load %arg14[%get3A_1315, %get3A_1316] {strides = array<i32>} : memref<50x128xf32, #tpu.memory_space<vmem>>, vector<1x16xf32>,
        %get3A_1318 = vector.shape_cast %get3A_1317 : vector<1x16xf32> to vector<16xf32>
        %add3A_1319 = arith.addf %add3A_1261, %get3A_1318 : vector<16xf32>
        scf.yield %add3A_1270, %add3A_1277, %add3A_1284, %add3A_1291, %add3A_1298, %add3A_1305, %add3A_1312, %add3A_1319 : vector<16xf32>, vector<16xf32>, vector<16xf32>, vector<16xf32>, vector<16xf32>, vector<16xf32>, vector<16xf32>, vector<16xf32>
      }
      %scan3A_951 = arith.constant 50 : i32
      %mul3A_952 = arith.constant 1 : i32
      %mul3A_953 = arith.muli %add3A_929, %mul3A_952 : i32
      %add3A_954 = arith.constant 0 : i32
      %add3A_955 = arith.addi %mul3A_953, %add3A_954 : i32
      %swap3A_956 = arith.index_cast %add3A_955 : i32 to index
      %swap3A_957 = arith.constant 0 : index
      %swap3A_958 = tpu.vector_load %arg6[%swap3A_956, %swap3A_957] {strides = array<i32>} : memref<128x128xf32, #tpu.memory_space<vmem>>, vector<1x16xf32>,
      %swap3A_959 = vector.shape_cast %swap3A_958 : vector<1x16xf32> to vector<16xf32>
      %swap3A_960 = vector.shape_cast %scan3A_950#0 : vector<16xf32> to vector<1x16xf32>
      tpu.vector_store %arg6[%swap3A_956, %swap3A_957], %swap3A_960 {strides = array<i32>} : memref<128x128xf32, #tpu.memory_space<vmem>>, vector<1x16xf32>,
      %mul3A_961 = arith.constant 1 : i32
      %mul3A_962 = arith.muli %add3A_929, %mul3A_961 : i32
      %add3A_963 = arith.constant 0 : i32
      %add3A_964 = arith.addi %mul3A_962, %add3A_963 : i32
      %swap3A_965 = arith.index_cast %add3A_964 : i32 to index
      %swap3A_966 = arith.constant 16 : index
      %swap3A_967 = tpu.vector_load %arg6[%swap3A_965, %swap3A_966] {strides = array<i32>} : memref<128x128xf32, #tpu.memory_space<vmem>>, vector<1x16xf32>,
      %swap3A_968 = vector.shape_cast %swap3A_967 : vector<1x16xf32> to vector<16xf32>
      %swap3A_969 = vector.shape_cast %scan3A_950#1 : vector<16xf32> to vector<1x16xf32>
      tpu.vector_store %arg6[%swap3A_965, %swap3A_966], %swap3A_969 {strides = array<i32>} : memref<128x128xf32, #tpu.memory_space<vmem>>, vector<1x16xf32>,
      %mul3A_970 = arith.constant 1 : i32
      %mul3A_971 = arith.muli %add3A_929, %mul3A_970 : i32
      %add3A_972 = arith.constant 0 : i32
      %add3A_973 = arith.addi %mul3A_971, %add3A_972 : i32
      %swap3A_974 = arith.index_cast %add3A_973 : i32 to index
      %swap3A_975 = arith.constant 32 : index
      %swap3A_976 = tpu.vector_load %arg6[%swap3A_974, %swap3A_975] {strides = array<i32>} : memref<128x128xf32, #tpu.memory_space<vmem>>, vector<1x16xf32>,
      %swap3A_977 = vector.shape_cast %swap3A_976 : vector<1x16xf32> to vector<16xf32>
      %swap3A_978 = vector.shape_cast %scan3A_950#2 : vector<16xf32> to vector<1x16xf32>
      tpu.vector_store %arg6[%swap3A_974, %swap3A_975], %swap3A_978 {strides = array<i32>} : memref<128x128xf32, #tpu.memory_space<vmem>>, vector<1x16xf32>,
      %mul3A_979 = arith.constant 1 : i32
      %mul3A_980 = arith.muli %add3A_929, %mul3A_979 : i32
      %add3A_981 = arith.constant 0 : i32
      %add3A_982 = arith.addi %mul3A_980, %add3A_981 : i32
      %swap3A_983 = arith.index_cast %add3A_982 : i32 to index
      %swap3A_984 = arith.constant 48 : index
      %swap3A_985 = tpu.vector_load %arg6[%swap3A_983, %swap3A_984] {strides = array<i32>} : memref<128x128xf32, #tpu.memory_space<vmem>>, vector<1x16xf32>,
      %swap3A_986 = vector.shape_cast %swap3A_985 : vector<1x16xf32> to vector<16xf32>
      %swap3A_987 = vector.shape_cast %scan3A_950#3 : vector<16xf32> to vector<1x16xf32>
      tpu.vector_store %arg6[%swap3A_983, %swap3A_984], %swap3A_987 {strides = array<i32>} : memref<128x128xf32, #tpu.memory_space<vmem>>, vector<1x16xf32>,
      %mul3A_988 = arith.constant 1 : i32
      %mul3A_989 = arith.muli %add3A_929, %mul3A_988 : i32
      %add3A_990 = arith.constant 0 : i32
      %add3A_991 = arith.addi %mul3A_989, %add3A_990 : i32
      %swap3A_992 = arith.index_cast %add3A_991 : i32 to index
      %swap3A_993 = arith.constant 64 : index
      %swap3A_994 = tpu.vector_load %arg6[%swap3A_992, %swap3A_993] {strides = array<i32>} : memref<128x128xf32, #tpu.memory_space<vmem>>, vector<1x16xf32>,
      %swap3A_995 = vector.shape_cast %swap3A_994 : vector<1x16xf32> to vector<16xf32>
      %swap3A_996 = vector.shape_cast %scan3A_950#4 : vector<16xf32> to vector<1x16xf32>
      tpu.vector_store %arg6[%swap3A_992, %swap3A_993], %swap3A_996 {strides = array<i32>} : memref<128x128xf32, #tpu.memory_space<vmem>>, vector<1x16xf32>,
      %mul3A_997 = arith.constant 1 : i32
      %mul3A_998 = arith.muli %add3A_929, %mul3A_997 : i32
      %add3A_999 = arith.constant 0 : i32
      %add3A_1000 = arith.addi %mul3A_998, %add3A_999 : i32
      %swap3A_1001 = arith.index_cast %add3A_1000 : i32 to index
      %swap3A_1002 = arith.constant 80 : index
      %swap3A_1003 = tpu.vector_load %arg6[%swap3A_1001, %swap3A_1002] {strides = array<i32>} : memref<128x128xf32, #tpu.memory_space<vmem>>, vector<1x16xf32>,
      %swap3A_1004 = vector.shape_cast %swap3A_1003 : vector<1x16xf32> to vector<16xf32>
      %swap3A_1005 = vector.shape_cast %scan3A_950#5 : vector<16xf32> to vector<1x16xf32>
      tpu.vector_store %arg6[%swap3A_1001, %swap3A_1002], %swap3A_1005 {strides = array<i32>} : memref<128x128xf32, #tpu.memory_space<vmem>>, vector<1x16xf32>,
      %mul3A_1006 = arith.constant 1 : i32
      %mul3A_1007 = arith.muli %add3A_929, %mul3A_1006 : i32
      %add3A_1008 = arith.constant 0 : i32
      %add3A_1009 = arith.addi %mul3A_1007, %add3A_1008 : i32
      %swap3A_1010 = arith.index_cast %add3A_1009 : i32 to index
      %swap3A_1011 = arith.constant 96 : index
      %swap3A_1012 = tpu.vector_load %arg6[%swap3A_1010, %swap3A_1011] {strides = array<i32>} : memref<128x128xf32, #tpu.memory_space<vmem>>, vector<1x16xf32>,
      %swap3A_1013 = vector.shape_cast %swap3A_1012 : vector<1x16xf32> to vector<16xf32>
      %swap3A_1014 = vector.shape_cast %scan3A_950#6 : vector<16xf32> to vector<1x16xf32>
      tpu.vector_store %arg6[%swap3A_1010, %swap3A_1011], %swap3A_1014 {strides = array<i32>} : memref<128x128xf32, #tpu.memory_space<vmem>>, vector<1x16xf32>,
      %mul3A_1015 = arith.constant 1 : i32
      %mul3A_1016 = arith.muli %add3A_929, %mul3A_1015 : i32
      %add3A_1017 = arith.constant 0 : i32
      %add3A_1018 = arith.addi %mul3A_1016, %add3A_1017 : i32
      %swap3A_1019 = arith.index_cast %add3A_1018 : i32 to index
      %swap3A_1020 = arith.constant 112 : index
      %swap3A_1021 = tpu.vector_load %arg6[%swap3A_1019, %swap3A_1020] {strides = array<i32>} : memref<128x128xf32, #tpu.memory_space<vmem>>, vector<1x16xf32>,
      %swap3A_1022 = vector.shape_cast %swap3A_1021 : vector<1x16xf32> to vector<16xf32>
      %swap3A_1023 = vector.shape_cast %scan3A_950#7 : vector<16xf32> to vector<1x16xf32>
      tpu.vector_store %arg6[%swap3A_1019, %swap3A_1020], %swap3A_1023 {strides = array<i32>} : memref<128x128xf32, #tpu.memory_space<vmem>>, vector<1x16xf32>,
    }
    %scan3A_59 = arith.constant 16 : i32
    %dma_wait3A = arith.constant 0 : i32
    %dma_wait3A_60 = arith.constant 0 : i32
    %dma_wait3A_61 = tpu.memref_slice %arg5[%dma_wait3A, %dma_wait3A_60] : memref<128x50xi32, #tpu.memory_space<vmem>> -> memref<1x50xi32, #tpu.memory_space<vmem>>
    %dma_wait3A_62 = tpu.memref_squeeze %dma_wait3A_61 : memref<1x50xi32, #tpu.memory_space<vmem>> -> memref<50xi32, #tpu.memory_space<vmem>>
    %dma_wait3A_63 = arith.constant 0 : i32
    %dma_wait3A_64 = arith.constant 0 : i32
    %dma_wait3A_65 = tpu.memref_slice %arg3[%dma_wait3A_63, %dma_wait3A_64] : memref<100000x128xf32, #tpu.memory_space<hbm>> -> memref<100000x128xf32, #tpu.memory_space<hbm>>
    tpu.wait_indirect_dma semaphore(%arg15 : memref<!tpu.dma_semaphore, #tpu.memory_space<semaphore_mem>>) src(%dma_wait3A_65 : memref<100000x128xf32, #tpu.memory_space<hbm>>) dst(%arg7 : memref<50x128xf32, #tpu.memory_space<vmem>>)
    %dma_wait3A_66 = arith.constant 0 : i32
    %dma_wait3A_67 = arith.constant 0 : i32
    %dma_wait3A_68 = tpu.memref_slice %arg5[%dma_wait3A_66, %dma_wait3A_67] : memref<128x50xi32, #tpu.memory_space<vmem>> -> memref<1x50xi32, #tpu.memory_space<vmem>>
    %dma_wait3A_69 = tpu.memref_squeeze %dma_wait3A_68 : memref<1x50xi32, #tpu.memory_space<vmem>> -> memref<50xi32, #tpu.memory_space<vmem>>
    %dma_wait3A_70 = arith.constant 0 : i32
    %dma_wait3A_71 = arith.constant 0 : i32
    %dma_wait3A_72 = tpu.memref_slice %arg3[%dma_wait3A_70, %dma_wait3A_71] : memref<100000x128xf32, #tpu.memory_space<hbm>> -> memref<100000x128xf32, #tpu.memory_space<hbm>>
    tpu.wait_indirect_dma semaphore(%arg16 : memref<!tpu.dma_semaphore, #tpu.memory_space<semaphore_mem>>) src(%dma_wait3A_72 : memref<100000x128xf32, #tpu.memory_space<hbm>>) dst(%arg8 : memref<50x128xf32, #tpu.memory_space<vmem>>)
    %dma_wait3A_73 = arith.constant 0 : i32
    %dma_wait3A_74 = arith.constant 0 : i32
    %dma_wait3A_75 = tpu.memref_slice %arg5[%dma_wait3A_73, %dma_wait3A_74] : memref<128x50xi32, #tpu.memory_space<vmem>> -> memref<1x50xi32, #tpu.memory_space<vmem>>
    %dma_wait3A_76 = tpu.memref_squeeze %dma_wait3A_75 : memref<1x50xi32, #tpu.memory_space<vmem>> -> memref<50xi32, #tpu.memory_space<vmem>>
    %dma_wait3A_77 = arith.constant 0 : i32
    %dma_wait3A_78 = arith.constant 0 : i32
    %dma_wait3A_79 = tpu.memref_slice %arg3[%dma_wait3A_77, %dma_wait3A_78] : memref<100000x128xf32, #tpu.memory_space<hbm>> -> memref<100000x128xf32, #tpu.memory_space<hbm>>
    tpu.wait_indirect_dma semaphore(%arg17 : memref<!tpu.dma_semaphore, #tpu.memory_space<semaphore_mem>>) src(%dma_wait3A_79 : memref<100000x128xf32, #tpu.memory_space<hbm>>) dst(%arg9 : memref<50x128xf32, #tpu.memory_space<vmem>>)
    %dma_wait3A_80 = arith.constant 0 : i32
    %dma_wait3A_81 = arith.constant 0 : i32
    %dma_wait3A_82 = tpu.memref_slice %arg5[%dma_wait3A_80, %dma_wait3A_81] : memref<128x50xi32, #tpu.memory_space<vmem>> -> memref<1x50xi32, #tpu.memory_space<vmem>>
    %dma_wait3A_83 = tpu.memref_squeeze %dma_wait3A_82 : memref<1x50xi32, #tpu.memory_space<vmem>> -> memref<50xi32, #tpu.memory_space<vmem>>
    %dma_wait3A_84 = arith.constant 0 : i32
    %dma_wait3A_85 = arith.constant 0 : i32
    %dma_wait3A_86 = tpu.memref_slice %arg3[%dma_wait3A_84, %dma_wait3A_85] : memref<100000x128xf32, #tpu.memory_space<hbm>> -> memref<100000x128xf32, #tpu.memory_space<hbm>>
    tpu.wait_indirect_dma semaphore(%arg18 : memref<!tpu.dma_semaphore, #tpu.memory_space<semaphore_mem>>) src(%dma_wait3A_86 : memref<100000x128xf32, #tpu.memory_space<hbm>>) dst(%arg10 : memref<50x128xf32, #tpu.memory_space<vmem>>)
    %dma_wait3A_87 = arith.constant 0 : i32
    %dma_wait3A_88 = arith.constant 0 : i32
    %dma_wait3A_89 = tpu.memref_slice %arg5[%dma_wait3A_87, %dma_wait3A_88] : memref<128x50xi32, #tpu.memory_space<vmem>> -> memref<1x50xi32, #tpu.memory_space<vmem>>
    %dma_wait3A_90 = tpu.memref_squeeze %dma_wait3A_89 : memref<1x50xi32, #tpu.memory_space<vmem>> -> memref<50xi32, #tpu.memory_space<vmem>>
    %dma_wait3A_91 = arith.constant 0 : i32
    %dma_wait3A_92 = arith.constant 0 : i32
    %dma_wait3A_93 = tpu.memref_slice %arg3[%dma_wait3A_91, %dma_wait3A_92] : memref<100000x128xf32, #tpu.memory_space<hbm>> -> memref<100000x128xf32, #tpu.memory_space<hbm>>
    tpu.wait_indirect_dma semaphore(%arg19 : memref<!tpu.dma_semaphore, #tpu.memory_space<semaphore_mem>>) src(%dma_wait3A_93 : memref<100000x128xf32, #tpu.memory_space<hbm>>) dst(%arg11 : memref<50x128xf32, #tpu.memory_space<vmem>>)
    %dma_wait3A_94 = arith.constant 0 : i32
    %dma_wait3A_95 = arith.constant 0 : i32
    %dma_wait3A_96 = tpu.memref_slice %arg5[%dma_wait3A_94, %dma_wait3A_95] : memref<128x50xi32, #tpu.memory_space<vmem>> -> memref<1x50xi32, #tpu.memory_space<vmem>>
    %dma_wait3A_97 = tpu.memref_squeeze %dma_wait3A_96 : memref<1x50xi32, #tpu.memory_space<vmem>> -> memref<50xi32, #tpu.memory_space<vmem>>
    %dma_wait3A_98 = arith.constant 0 : i32
    %dma_wait3A_99 = arith.constant 0 : i32
    %dma_wait3A_100 = tpu.memref_slice %arg3[%dma_wait3A_98, %dma_wait3A_99] : memref<100000x128xf32, #tpu.memory_space<hbm>> -> memref<100000x128xf32, #tpu.memory_space<hbm>>
    tpu.wait_indirect_dma semaphore(%arg20 : memref<!tpu.dma_semaphore, #tpu.memory_space<semaphore_mem>>) src(%dma_wait3A_100 : memref<100000x128xf32, #tpu.memory_space<hbm>>) dst(%arg12 : memref<50x128xf32, #tpu.memory_space<vmem>>)
    %mul3A_101 = arith.constant 128 : i32
    %mul3A_102 = arith.muli %add3A, %mul3A_101 : i32
    "tpu.region"() ({
      %run_scoped3A = tpu.sem_alloc : memref<!tpu.dma_semaphore, #tpu.memory_space<semaphore_mem>>
      %dma_start3A_103 = arith.constant 0 : i32
      %dma_start3A_104 = tpu.memref_slice %arg4[%mul3A_102, %dma_start3A_103] : memref<4096x128xf32, #tpu.memory_space<hbm>> -> memref<128x128xf32, #tpu.memory_space<hbm>>
      %dma_start3A_105 = arith.constant 0 : i32
      %dma_start3A_106 = tpu.memref_slice %arg4[%mul3A_102, %dma_start3A_105] : memref<4096x128xf32, #tpu.memory_space<hbm>> -> memref<128x128xf32, #tpu.memory_space<hbm>>
      tpu.enqueue_dma source(%arg6 : memref<128x128xf32, #tpu.memory_space<vmem>>) target(%dma_start3A_106 : memref<128x128xf32, #tpu.memory_space<hbm>>) target_semaphore(%run_scoped3A : memref<!tpu.dma_semaphore, #tpu.memory_space<semaphore_mem>>)
      %dma_wait3A_107 = arith.constant 0 : i32
      %dma_wait3A_108 = tpu.memref_slice %arg4[%mul3A_102, %dma_wait3A_107] : memref<4096x128xf32, #tpu.memory_space<hbm>> -> memref<128x128xf32, #tpu.memory_space<hbm>>
      %dma_wait3A_109 = arith.constant 0 : i32
      %dma_wait3A_110 = tpu.memref_slice %arg4[%mul3A_102, %dma_wait3A_109] : memref<4096x128xf32, #tpu.memory_space<hbm>> -> memref<128x128xf32, #tpu.memory_space<hbm>>
      tpu.wait_dma2 semaphore(%run_scoped3A : memref<!tpu.dma_semaphore, #tpu.memory_space<semaphore_mem>>) src(%arg6 : memref<128x128xf32, #tpu.memory_space<vmem>>) dst(%dma_wait3A_110 : memref<128x128xf32, #tpu.memory_space<hbm>>)
      tpu.yield
    }) : () -> ()
    return
  }
}

module attributes {stable_mosaic.version = 14 : i64} {
  func.func @_mlp_body(%arg0: memref<4096x128xf32, #tpu.memory_space<vmem>>, %arg1: memref<512x128xf32, #tpu.memory_space<vmem>>, %arg2: memref<1x512xf32, #tpu.memory_space<vmem>>, %arg3: memref<256x512xf32, #tpu.memory_space<vmem>>, %arg4: memref<1x256xf32, #tpu.memory_space<vmem>>, %arg5: memref<4096x256xf32, #tpu.memory_space<vmem>>) attributes {dimension_semantics = [], scalar_prefetch = 0 : i64, scratch_operands = 0 : i64, tpu.core_type = #tpu.core_type<tc>} {
    %get3A = arith.constant 0 : index
    %get3A_0 = arith.constant 0 : index
    %get3A_1 = vector.load %arg0[%get3A, %get3A_0] : memref<4096x128xf32, #tpu.memory_space<vmem>>, vector<4096x128xf32>
    %mul3A = arith.constant 2.000000e-02 : f32
    %mul3A_2 = vector.broadcast %mul3A : f32 to vector<4096x128xf32>
    %mul3A_3 = arith.mulf %get3A_1, %mul3A_2 : vector<4096x128xf32>
    %get3A_4 = arith.constant 0 : index
    %get3A_5 = arith.constant 0 : index
    %get3A_6 = vector.load %arg1[%get3A_4, %get3A_5] : memref<512x128xf32, #tpu.memory_space<vmem>>, vector<512x128xf32>
    %dot_general3A = arith.constant dense<0.000000e+00> : vector<4096x512xf32>
    %dot_general3A_7 = tpu.matmul %mul3A_3, %get3A_6, %dot_general3A {dimension_numbers = #tpu.dot_dimension_numbers<[1], [1], [0], [0], [0, 0, 1, 0], [], []>, transpose_lhs_hint = false} : vector<4096x128xf32>, vector<512x128xf32>, vector<4096x512xf32> -> vector<4096x512xf32>
    %get3A_8 = arith.constant 0 : index
    %get3A_9 = arith.constant 0 : index
    %get3A_10 = vector.load %arg2[%get3A_8, %get3A_9] : memref<1x512xf32, #tpu.memory_space<vmem>>, vector<1x512xf32>
    %add3A = vector.broadcast %get3A_10 : vector<1x512xf32> to vector<4096x512xf32>
    %add3A_11 = arith.addf %dot_general3A_7, %add3A : vector<4096x512xf32>
    %get3A_12 = arith.constant 0 : index
    %get3A_13 = arith.constant 0 : index
    %get3A_14 = vector.load %arg3[%get3A_12, %get3A_13] : memref<256x512xf32, #tpu.memory_space<vmem>>, vector<256x512xf32>
    %dot_general3A_15 = arith.constant dense<0.000000e+00> : vector<4096x256xf32>
    %dot_general3A_16 = tpu.matmul %add3A_11, %get3A_14, %dot_general3A_15 {dimension_numbers = #tpu.dot_dimension_numbers<[1], [1], [0], [0], [0, 0, 1, 0], [], []>, transpose_lhs_hint = false} : vector<4096x512xf32>, vector<256x512xf32>, vector<4096x256xf32> -> vector<4096x256xf32>
    %get3A_17 = arith.constant 0 : index
    %get3A_18 = arith.constant 0 : index
    %get3A_19 = vector.load %arg4[%get3A_17, %get3A_18] : memref<1x256xf32, #tpu.memory_space<vmem>>, vector<1x256xf32>
    %add3A_20 = vector.broadcast %get3A_19 : vector<1x256xf32> to vector<4096x256xf32>
    %add3A_21 = arith.addf %dot_general3A_16, %add3A_20 : vector<4096x256xf32>
    %swap3A = arith.constant 0 : index
    %swap3A_22 = arith.constant 0 : index
    %swap3A_23 = vector.load %arg5[%swap3A, %swap3A_22] : memref<4096x256xf32, #tpu.memory_space<vmem>>, vector<4096x256xf32>
    tpu.vector_store %arg5[%swap3A, %swap3A_22], %add3A_21 {strides = array<i32>} : memref<4096x256xf32, #tpu.memory_space<vmem>>, vector<4096x256xf32>,
    return
  }
}

</mosaic_0001>

<sc_bundles>
// kernel: kernel.4.cloned.1.call-start
scs
__scs_entry_jumppad:
0x0: {  	(pc) =	sbr.rel $0x88, $3  }
0x1: {  	(tag) =	ssettag $0x0;
	lr =	simm.s32 $0x1  }
0x2: {  	[smem:$0x3F9B] =	sst lr;
	_ =	strace $0xD0000000  }
0x3: {  	_ = 	snop  }
0x4: {  	_ = 	snop  }
0x5: {  	_ = 	snop  }
0x6: {  	_ = 	snop  }
0x7: {  	_ = 	snop  }
__scs_overlays_trampoline_lowered:
0x8: {  	[smem:$0x3FAA] =	sst s0  }
0x9: {  	[smem:$0x3FAB] =	sst s1  }
0xa: {  	[smem:$0x3FAC] =	sst s2  }
0xb: {  	[smem:$0x3FAD] =	sst s3  }
0xc: {  	[smem:$0x3FAE] =	sst s4  }
0xd: {  	[smem:$0x3FAF] =	sst s5  }
0xe: {  	[smem:$0x3FB0] =	sst s6  }
0xf: {  	[smem:$0x3FB1] =	sst s7  }
0x10: {  	[smem:$0x3FB2] =	sst s8  }
0x11: {  	[smem:$0x3FB3] =	sst s9;
	s0 =	simm.s32 @!p0 $0x0  }
0x12: {  	s1 =	sld [smem:$0x3F99];
	s0 =	simm.s32 @p0 $0x1  }
0x13: {  	[smem:$0x3FB4] =	sst s0;
	s0 =	simm.s32 @!p1 $0x0  }
0x14: {  	s2 =	sld [smem:$0x3F98];
	s0 =	simm.s32 @p1 $0x1  }
0x15: {  	[smem:$0x3FB5] =	sst s0;
	s0 =	simm.s32 @!p2 $0x0  }
0x16: {  	s3 =	sld [smem:$0x3FDB];
	s0 =	simm.s32 @p2 $0x1  }
0x17: {  	s4 =	simm.s32 $0x1BF5;
	[smem:$0x3FB7] =	sst s0  }
0x18: {  	s0 =	sld [smem:$0x3F9A];
	_ =	swait.ge [sflag:s4], $0x0  }
0x19: {  	s7 =	sld [smem:$0x3F9B]  }
0x1a: {  	s8 =	sadd.s32 $0xFFFFE003, lr  }
0x1b: {  	s9 =	sadd.s32 $0xFFFFFEF7, lr;
	s5 =	simm.s32 $0xFFFFFFFF;
	p2 =	slt.u32 s8, $0xFFFFF086  }
0x1c: {  	p1 =	slt.u32 s9, $0xF7A;
	s5 =	simm.s32 @!p2 $0x0  }
0x1d: {  	s5 =	simm.s32 @p1 $0x1;
	p0 =	seq.s32 s7, s2  }
0x1e: {  	s7 =	smul.u32 @!p0 $0xF7A, s2;
	p2 =	seq.s32 @!p0 s5, $0x0  }
0x1f: {  	s9 =	smul.u32 $0xF7A, s1;
	s8 =	simm.s32 @!p0 $0x1BF5;
	p2 =	por !p2, p0  }
0x20: {  	[sflag:s8] =	ssyncset.s32 @!p0 $0xFFFFF086;
	s6 =	sadd.s32 @!p0 s3, s7;
	s7 =	simm.s32 @!p0 $0x108  }
0x21: {  	s3 =	sadd.s32 s3, s9;
	s6 =	sadd.s32 @!p0 $0x88, s6;
	s7 =	simm.s32 @p2 $0x1082  }
0x22: {  	[simem:s7], [sflag:s8] =	dma.local @!p0 [hbm:s6], $0xF7A  }
0x23: {  	s9 =	sor.u32 $0xD0000000, s2;
	s6 =	simm.s32 $0x108;
	_ =	swait.ge @!p0 [sflag:s8], $0x0  }
0x24: {  	s3 =	sadd.s32 $0x88, s3;
	s6 =	simm.s32 @!p1 $0x1082;
	[sflag:s4] =	ssyncset.s32 $0xFFFFF086  }
0x25: {  	[simem:s6], [sflag:s4] =	dma.local [hbm:s3], $0xF7A  }
0x26: {  	[smem:$0x3F9B] =	sst s1;
	(tag) =	ssettag s2;
	_ =	strace s9  }
0x27: {  	s1 =	sld [smem:$0x3FAB]  }
0x28: {  	s2 =	sld [smem:$0x3FAC]  }
0x29: {  	s4 =	sld [smem:$0x3FAE]  }
0x2a: {  	p0 =	seq.s32 s5, $0x0;
	s5 =	sld [smem:$0x3FAF]  }
0x2b: {  	s6 =	sld [smem:$0x3FB0]  }
0x2c: {  	s7 =	sld [smem:$0x3FB1]  }
0x2d: {  	s3 =	simm.s32 $0x108;
	s8 =	sld [smem:$0x3FB2]  }
0x2e: {  	s3 =	simm.s32 @!p0 $0x1082;
	s9 =	sld [smem:$0x3FB3]  }
0x2f: {  	lr =	sadd.s32 s0, s3;
	s0 =	sld [smem:$0x3FAA]  }
0x30: {  	s3 =	sld [smem:$0x3FAD]  }
0x31: {  	[smem:$0x3FB6] =	sst s10  }
0x32: {  	s10 =	sld [smem:$0x3FB4];
	_ =	sdelay $0x3  }
0x33: {  	p0 =	seq.s32 s10, $0x1;
	s10 =	sld [smem:$0x3FB6];
	_ =	sdelay $0x3  }
0x34: {  	[smem:$0x3FB6] =	sst s10  }
0x35: {  	s10 =	sld [smem:$0x3FB5];
	_ =	sdelay $0x3  }
0x36: {  	p1 =	seq.s32 s10, $0x1;
	s10 =	sld [smem:$0x3FB6];
	_ =	sdelay $0x3  }
0x37: {  	[smem:$0x3FB6] =	sst s10  }
0x38: {  	s10 =	sld [smem:$0x3FB7]  }
0x39: {  	_ = 	snop;
	(pc) =	sbr.ind lr, $3  }
0x3a: {  	_ = 	snop  }
0x3b: {  	_ = 	snop  }
0x3c: {  	p2 =	seq.s32 s10, $0x1;
	s10 =	sld [smem:$0x3FB6]  }
0x3d: {  	_ =	shalt  }
0x3e: {  	_ =	shalt  }
0x3f: {  	_ =	shalt  }
0x40: {  	_ =	shalt  }
0x41: {  	_ =	shalt  }
0x42: {  	_ =	shalt  }
0x43: {  	_ =	shalt  }
0x44: {  	_ =	shalt  }
0x45: {  	_ =	shalt  }
0x46: {  	_ =	shalt  }
0x47: {  	_ =	shalt  }
0x48: {  	_ =	shalt  }
0x49: {  	_ =	shalt  }
0x4a: {  	_ =	shalt  }
0x4b: {  	_ =	shalt  }
0x4c: {  	_ =	shalt  }
0x4d: {  	_ =	shalt  }
0x4e: {  	_ =	shalt  }
0x4f: {  	_ =	shalt  }
0x50: {  	_ =	shalt  }
0x51: {  	_ =	shalt  }
0x52: {  	_ =	shalt  }
0x53: {  	_ =	shalt  }
0x54: {  	_ =	shalt  }
0x55: {  	_ =	shalt  }
0x56: {  	_ =	shalt  }
0x57: {  	_ =	shalt  }
0x58: {  	_ =	shalt  }
0x59: {  	_ =	shalt  }
0x5a: {  	_ =	shalt  }
0x5b: {  	_ =	shalt  }
0x5c: {  	_ =	shalt  }
0x5d: {  	_ =	shalt  }
0x5e: {  	_ =	shalt  }
0x5f: {  	_ =	shalt  }
0x60: {  	_ =	shalt  }
0x61: {  	_ =	shalt  }
0x62: {  	_ =	shalt  }
0x63: {  	_ =	shalt  }
0x64: {  	_ =	shalt  }
0x65: {  	_ =	shalt  }
0x66: {  	_ =	shalt  }
0x67: {  	_ =	shalt  }
0x68: {  	_ =	shalt  }
0x69: {  	_ =	shalt  }
0x6a: {  	_ =	shalt  }
0x6b: {  	_ =	shalt  }
0x6c: {  	_ =	shalt  }
0x6d: {  	_ =	shalt  }
0x6e: {  	_ =	shalt  }
0x6f: {  	_ =	shalt  }
0x70: {  	_ =	shalt  }
0x71: {  	_ =	shalt  }
0x72: {  	_ =	shalt  }
0x73: {  	_ =	shalt  }
0x74: {  	_ =	shalt  }
0x75: {  	_ =	shalt  }
0x76: {  	_ =	shalt  }
0x77: {  	_ =	shalt  }
0x78: {  	_ =	shalt  }
0x79: {  	_ =	shalt  }
0x7a: {  	_ =	shalt  }
0x7b: {  	_ =	shalt  }
0x7c: {  	_ =	shalt  }
0x7d: {  	_ =	shalt  }
0x7e: {  	_ =	shalt  }
0x7f: {  	_ =	shalt  }
0x80: {  	_ =	shalt  }
0x81: {  	_ =	shalt  }
0x82: {  	_ =	shalt  }
0x83: {  	_ =	shalt  }
0x84: {  	_ =	shalt  }
0x85: {  	_ =	shalt  }
0x86: {  	_ =	shalt  }
0x87: {  	_ =	shalt  }
.Lfunc_end0:
.L_simem_size_0:
called_computation_lowered:
.L_overlay_start_0:
0x88: {  	s2 =	sld [smem:$0x3FD9]  }
0x89: {  	s3 =	sld [smem:$0x3FFE];
	_ =	sdelay $0x1  }
0x8a: {  	s1 =	srdreg.scid  }
0x8b: {  	s0 =	sand.u32 $0x1, s1  }
0x8c: {  	s17 =	sshll.u32 s0, $0xA;
	s2 =	sadd.s32 s3, s2  }
0x8d: {  	s2 =	sadd.s32 s2, s17  }
0x8e: {  	[smem:$0x3FC2] =	sst s2  }
0x8f: {  	_ = 	snop  }
0x90: {  	s2 =	sld [smem:$0x3FC8]  }
0x91: {  	s18 =	sld [smem:$0x3FD0];
	(tm) =	ssettm $0x1  }
0x92: {  	s4 =	sld [smem:$0x3FFB];
	_ =	sdelay $0x3  }
0x93: {  	_ =	strace s4  }
0x94: {  	s4 =	sld [smem:$0x3FFC];
	_ =	sdelay $0x3  }
0x95: {  	_ =	strace s4  }
0x96: {  	s4 =	sld [smem:$0x3FFD];
	_ =	sdelay $0x3  }
0x97: {  	_ =	strace s4  }
0x98: {  	_ =	strace $0x8FFFFFFF  }
0x99: {  	s19 =	sld [smem:$0x3FDB];
	_ =	sdelay $0x1  }
0x9a: {  	s5 =	simm.s32 $_scs_section_size  }
0x9b: {  	s6 =	simm.s32 $_size__tile_overlayer_lowered;
	s7 =	simm.s32 $_tile_overlayer_lowered  }
0x9c: {  	s22 =	simm.s32 $0x1BFF;
	s21 =	sshll.u32 s7, $0x1;
	s4 =	sadd.s32 s5, s19  }
0x9d: {  	s8 =	simm.s32 $0x0;
	s20 =	sshll.u32 s6, $0x1;
	s6 =	sadd.s32 s21, s4  }
0x9e: {  	[timem:s8], [sflag:s22] =	dma.local [hbm:s6], s20  }
0x9f: {  	_ =	swait.ge [sflag:s22], s20  }
0xa0: {  	s5 =	ssub.s32 $0x0, s20;
	[sflag:s22] =	ssyncset.done $0x0  }
0xa1: {  	[sflag:s22] =	ssyncadd.s32 s5;
	_ =	sdelay $0x1  }
0xa2: {  	s23 =	simm.s32 $0x1B8B  }
0xa3: {  	_ =	swait.ge [sflag:s23], $0x1  }
0xa4: {  	[sflag:s23] =	ssyncset.done $0x0  }
0xa5: {  	s25 =	simm.s32 $0x1B8E;
	s24 =	sld [smem:$0x3FFE];
	[sflag:s23] =	ssyncadd.s32 $0xFFFFFFFF  }
0xa6: {  	s26 =	simm.s32 $execute0_lowered;
	[smem:$0x3FD2] =	sst s25  }
0xa7: {  	s6 =	sshll.u32 s26, $0x1;
	_ =	strace $0x80000046;
	[dreg:$0x1] =	wrdreg $0xFFFFFFFF  }
0xa8: {  	s28 =	simm.s32 $_size_execute0_lowered;
	s4 =	sadd.s32 s4, s6;
	[dreg:$0x0] =	wrdreg $0x0  }
0xa9: {  	s6 =	sshll.u32 s28, $0x1;
	[dreg:$0x2] =	wrdreg s4  }
0xaa: {  	[dreg:$0x3] =	wrdreg s6  }
0xab: {  	[dreg:$0x4] =	wrdreg $0xC0  }
0xac: {  	_ =	task [dreg:s8], $0x5FFFF  }
0xad: {  	[dreg:$0x1] =	wrdreg $0xFFFFFFFF  }
0xae: {  	[dreg:$0x0] =	wrdreg $0x60  }
0xaf: {  	[dreg:$0x2] =	wrdreg s18  }
0xb0: {  	[dreg:$0x3] =	wrdreg s2  }
0xb1: {  	[dreg:$0x4] =	wrdreg s24  }
0xb2: {  	[dreg:$0x5] =	wrdreg $0x9  }
0xb3: {  	_ =	task.clear_ibuf [dreg:s8], $0x6FFFF;
	_ =	strace $0x90000046  }
0xb4: {  	s29 =	simm.s32 $0x9;
	_ =	strace $0x80000048  }
0xb5: {  	_ =	swait.ge [sflag:s29], $0x1  }
0xb6: {  	[sflag:s29] =	ssyncadd.s32 $0xFFFFFFFF  }
0xb7: {  	_ =	strace $0x90000048  }
0xb8: {  	_ =	sfence  }
0xb9: {  	s30 =	sld [smem:$0x0];
	_ =	sdelay $0x2  }
0xba: {  	s31 =	sshll.u32 s1, $0xD;
	s1 =	sshrl.u32 s1, $0x2  }
0xbb: {  	s3 =	sand.u32 $0x4000, s31;
	s1 =	sadd.s32 s1, s30  }
0xbc: {  	s0 =	sor.u32 s3, s0;
	s1 =	sshll.u32 s1, $0x11  }
0xbd: {  	s0 =	sor.u32 s1, s0  }
0xbe: {  	s0 =	sadd.s32 $0x8F2B, s0  }
0xbf: {  	[sflag:s0] =	ssyncadd.remote.s32 $0x1  }
0xc0: {  	_ =	sfence.sel $0xFFFF  }
0xc1: {  	[dreg:$0x0] =	wrdreg $0xFFFFFFFF;
	(pc) =	sbr.abs _section_cstart, $3  }
0xc2: {  	[dreg:$0x1] =	wrdreg $0xFFFFFFFF  }
0xc3: {  	_ =	task.clear_ibuf [dreg:s8], $0x2FFFF;
	_ =	strace $0x9FFFFFFF  }
0xc4: {  	(tm) =	ssettm $0x7FFFFFFF  }
0xc5: {  	_ =	shalt  }
tec
execute0_lowered:
.L_overlay_start_1:
0x0: {  	(tag) =	ssettag $0x1  }
0x1: {  	s0 =	rddreg [dreg:$0x0]  }
0x2: {  	s1 =	rddreg [dreg:$0x1]  }
0x3: {  	s2 =	rddreg [dreg:$0x2];
	s3 =	simm.s32 $0x0;
	s4 =	srdreg.scid  }
0x4: {  	s5 =	stileid.u32;
	s7 =	simm.s32 $0x9;
	s8 =	simm.s32 $0x32  }
0x5: {  	s9 =	simm.s32 $0x8000;
	s11 =	simm.s32 $0x9C00;
	s13 =	simm.s32 $0xB800  }
0x6: {  	s15 =	simm.s32 $0xD400;
	s17 =	simm.s32 $0xF000;
	s19 =	simm.s32 $0x10C00  }
0x7: {  	s20 =	simm.s32 $0x12800;
	s21 =	simm.s32 $0x1;
	s22 =	simm.s32 $0x14400  }
0x8: {  	s23 =	simm.s32 $0x2;
	s24 =	simm.s32 $0x3;
	s25 =	simm.s32 $0x4  }
0x9: {  	s26 =	simm.s32 $0x5;
	s28 =	simm.s32 $0x6;
	s29 =	simm.s32 $0x7  }
0xa: {  	s30 =	simm.s32 $0x8;
	[smem:$0x7FF] =	sst s3;
	s4 =	sand.u32 $0x1, s4  }
0xb: {  	s5 =	sshll.u32 s5, $0xC;
	s6 =	sshll.u32 s4, $0xB;
	s4 =	ssub.s32 $0x2, s4  }
0xc: {  	_ =	strace $0x80000047;
	s5 =	sor.u32 s6, s5;
	s31 =	sshrl.u32 s4, $0x1  }
0xd: {  	s2 =	sadd.s32 s5, s2;
	s6 =	ssub.s32 s4, s31;
	s4 =	sadd.s32 s0, s5  }
0xe: {  	s0 =	simm.s32 $0x0;
	s5 =	sadd.s32 $0xE00, s2;
	s6 =	smax.u32 s6, $0x1  }
.LBB2_1:
0xf: {  	[tilespmem:s3], [sflag:$0x9] =	stream.linear.gather [hbm4b:s4+s3], $0x4000, $0x38;
	[tilespmem:$0x16000] =	vst v63  }
0x10: {  	_ =	swait.ge [sflag:s7], $0x4000  }
0x11: {  	[sflag:s7] =	ssyncset.done $0x0  }
0x12: {  	[sflag:s7] =	ssyncadd.s32 $0xFFFFC000  }
0x13: {  	[tilespmem:s9], [sflag:$0x1] =	stream.indirect.gather [hbm4b:s1+s8], $0x80, s3, s8, $0xb8;
	[tilespmem:$0x16000] =	vst v63  }
0x14: {  	s2 =	simm.s32 $0x80  }
0x15: {  	[tilespmem:s11], [sflag:$0x2] =	stream.indirect.gather [hbm4b:s1+s8], $0x80, s2, s8, $0xb8;
	[tilespmem:$0x16000] =	vst v63  }
0x16: {  	s14 =	simm.s32 $0x100  }
0x17: {  	[tilespmem:s13], [sflag:$0x3] =	stream.indirect.gather [hbm4b:s1+s8], $0x80, s14, s8, $0xb8;
	[tilespmem:$0x16000] =	vst v63  }
0x18: {  	s16 =	simm.s32 $0x180  }
0x19: {  	[tilespmem:s15], [sflag:$0x4] =	stream.indirect.gather [hbm4b:s1+s8], $0x80, s16, s8, $0xb8;
	[tilespmem:$0x16000] =	vst v63  }
0x1a: {  	s18 =	simm.s32 $0x200  }
0x1b: {  	[tilespmem:s17], [sflag:$0x5] =	stream.indirect.gather [hbm4b:s1+s8], $0x80, s18, s8, $0xb8;
	[tilespmem:$0x16000] =	vst v63  }
0x1c: {  	s31 =	simm.s32 $0x280;
	s2 =	simm.s32 $0x0  }
0x1d: {  	[tilespmem:s19], [sflag:$0x6] =	stream.indirect.gather [hbm4b:s1+s8], $0x80, s31, s8, $0xb8;
	[tilespmem:$0x16000] =	vst v63  }
.LBB2_2:
0x1e: {  	s12 =	sshll.u32 s2, $0xC  }
0x1f: {  	s10 =	sor.u32 $0xC00, s12  }
0x20: {  	s10 =	sshra.s32 s10, $0x2  }
0x21: {  	[tilespmem:s20], [sflag:$0x7] =	stream.indirect.gather [hbm4b:s1+s8], $0x80, s10, s8, $0xb8;
	[tilespmem:$0x16000] =	vst v63  }
0x22: {  	_ =	swait.ge [sflag:s21], $0x1900  }
0x23: {  	[sflag:s21] =	ssyncset.done $0x0  }
0x24: {  	s18 =	simm.s32 $0x8140;
	[sflag:s21] =	ssyncadd.s32 $0xFFFFE700  }
0x25: {  	v4 =	vld [tilespmem:s18+$0xC0]  }
0x26: {  	v5 =	vld [tilespmem:s18+$0xD0]  }
0x27: {  	v9 =	vld [tilespmem:s18+$0xE0]  }
0x28: {  	v10 =	vld [tilespmem:s18+$0xF0]  }
0x29: {  	v0 =	vld [tilespmem:s18+$0x100]  }
0x2a: {  	v1 =	vld [tilespmem:s18+$0x110]  }
0x2b: {  	v6 =	vld [tilespmem:s18+$0x40]  }
0x2c: {  	v7 =	vld [tilespmem:s18+$0x50]  }
0x2d: {  	v8 =	vld [tilespmem:s18+$0x60]  }
0x2e: {  	v11 =	vld [tilespmem:s18+$0x70]  }
0x2f: {  	v3 =	vld [tilespmem:s18+$0x80]  }
0x30: {  	v2 =	vld [tilespmem:s18+$0x90]  }
0x31: {  	v12 =	vld [tilespmem:s18+$0xFFFFFFC0]  }
0x32: {  	v13 =	vld [tilespmem:s18+$0xFFFFFFD0]  }
0x33: {  	v14 =	vld [tilespmem:s18+$0xFFFFFFE0]  }
0x34: {  	v15 =	vld [tilespmem:s18+$0xFFFFFFF0]  }
0x35: {  	v16 =	vld [tilespmem:s18+$0xFFFFFF40]  }
0x36: {  	v17 =	vld [tilespmem:s18+$0xFFFFFF50]  }
0x37: {  	v18 =	vld [tilespmem:s18+$0xFFFFFEC0]  }
0x38: {  	v19 =	vld [tilespmem:s18+$0xFFFFFED0]  }
0x39: {  	v20 =	vld [tilespmem:s18+$0xFFFFFEE0]  }
0x3a: {  	v21 =	vld [tilespmem:s18+$0xFFFFFEF0]  }
0x3b: {  	v22 =	vld [tilespmem:s18+$0xFFFFFF60]  }
0x3c: {  	v23 =	vld [tilespmem:s18+$0xFFFFFF70]  }
0x3d: {  	v24 =	vimm.f32 $0.0e+00;
	v25 =	vld [tilespmem:s18+$0x0]  }
0x3e: {  	v26 =	vld [tilespmem:s18+$0x10];
	v18 =	vadd.f32 v18, v24;
	v19 =	vadd.f32 v19, v24  }
0x3f: {  	v27 =	vld [tilespmem:s18+$0xFFFFFF80];
	v20 =	vadd.f32 v20, v24;
	v21 =	vadd.f32 v21, v24  }
0x40: {  	v62 =	vld [tilespmem:s18+$0xFFFFFF10];
	v16 =	vadd.f32 v16, v18;
	v17 =	vadd.f32 v17, v19  }
0x41: {  	v63 =	vld [tilespmem:s18+$0xFFFFFFB0];
	v20 =	vadd.f32 v22, v20;
	v21 =	vadd.f32 v23, v21  }
0x42: {  	v19 =	vld [tilespmem:s18+$0xFFFFFF00];
	v12 =	vadd.f32 v12, v16;
	v13 =	vadd.f32 v13, v17  }
0x43: {  	v16 =	vld [tilespmem:s18+$0xFFFFFF20];
	v14 =	vadd.f32 v14, v20;
	v15 =	vadd.f32 v15, v21  }
0x44: {  	v17 =	vld [tilespmem:s18+$0xFFFFFF30];
	v6 =	vadd.f32 v6, v12;
	v12 =	vadd.f32 v7, v13  }
0x45: {  	v18 =	vld [tilespmem:s18+$0xFFFFFF90];
	v14 =	vadd.f32 v8, v14;
	v11 =	vadd.f32 v11, v15  }
0x46: {  	v13 =	vld [tilespmem:s18+$0xFFFFFFA0];
	v7 =	vadd.f32 v4, v6;
	v6 =	vadd.f32 v5, v12  }
0x47: {  	v8 =	vld [tilespmem:s18+$0x20];
	v5 =	vadd.f32 v9, v14;
	v4 =	vadd.f32 v10, v11  }
0x48: {  	v10 =	vadd.f32 v19, v24;
	v12 =	vadd.f32 v62, v24;
	v11 =	vld [tilespmem:s18+$0x30]  }
0x49: {  	v9 =	vld [tilespmem:s18+$0xA0];
	v14 =	vadd.f32 v16, v24;
	v16 =	vadd.f32 v17, v24  }
0x4a: {  	v17 =	vadd.f32 v27, v10;
	v18 =	vadd.f32 v18, v12;
	v12 =	vld [tilespmem:s18+$0xB0]  }
0x4b: {  	v10 =	vld [tilespmem:s18+$0x120];
	v15 =	vadd.f32 v13, v14;
	v14 =	vadd.f32 v63, v16  }
0x4c: {  	s14 =	sshll.u32 s2, $0x3;
	s16 =	simm.s32 $0x0;
	v13 =	vld [tilespmem:s18+$0x130];
	s18 =	simm.s32 $0x83C0;
	v17 =	vadd.f32 v25, v17;
	v16 =	vadd.f32 v26, v18  }
.LBB2_3:
0x4d: {  	v18 =	vld [tilespmem:s18+$0xC0];
	v8 =	vadd.f32 v8, v15;
	v11 =	vadd.f32 v11, v14  }
0x4e: {  	v14 =	vld [tilespmem:s18+$0xD0];
	v3 =	vadd.f32 v3, v17;
	v2 =	vadd.f32 v2, v16  }
0x4f: {  	v15 =	vld [tilespmem:s18+$0xE0];
	v8 =	vadd.f32 v9, v8;
	v9 =	vadd.f32 v12, v11  }
0x50: {  	v11 =	vld [tilespmem:s18+$0xF0];
	v12 =	vadd.f32 v0, v3;
	v16 =	vadd.f32 v1, v2  }
0x51: {  	v0 =	vld [tilespmem:s18+$0x100];
	v10 =	vadd.f32 v10, v8;
	v9 =	vadd.f32 v13, v9  }
0x52: {  	v1 =	vld [tilespmem:s18+$0x110]  }
0x53: {  	v8 =	vld [tilespmem:s18+$0x40]  }
0x54: {  	v13 =	vld [tilespmem:s18+$0x50]  }
0x55: {  	v17 =	vld [tilespmem:s18+$0x60]  }
0x56: {  	v19 =	vld [tilespmem:s18+$0x70]  }
0x57: {  	v3 =	vld [tilespmem:s18+$0x80]  }
0x58: {  	v2 =	vld [tilespmem:s18+$0x90]  }
0x59: {  	v20 =	vld [tilespmem:s18+$0xFFFFFFC0]  }
0x5a: {  	v21 =	vld [tilespmem:s18+$0xFFFFFFD0]  }
0x5b: {  	v22 =	vld [tilespmem:s18+$0xFFFFFFE0]  }
0x5c: {  	v23 =	vld [tilespmem:s18+$0xFFFFFFF0]  }
0x5d: {  	v24 =	vld [tilespmem:s18+$0xFFFFFF40]  }
0x5e: {  	v25 =	vld [tilespmem:s18+$0xFFFFFF50]  }
0x5f: {  	v26 =	vld [tilespmem:s18+$0xFFFFFEC0]  }
0x60: {  	v27 =	vld [tilespmem:s18+$0xFFFFFED0]  }
0x61: {  	v28 =	vld [tilespmem:s18+$0xFFFFFEE0]  }
0x62: {  	v29 =	vld [tilespmem:s18+$0xFFFFFEF0]  }
0x63: {  	v30 =	vld [tilespmem:s18+$0xFFFFFF60]  }
0x64: {  	v31 =	vld [tilespmem:s18+$0xFFFFFF70]  }
0x65: {  	v32 =	vld [tilespmem:s18+$0x0]  }
0x66: {  	v7 =	vadd.f32 v26, v7;
	v6 =	vadd.f32 v27, v6;
	v26 =	vld [tilespmem:s18+$0x10]  }
0x67: {  	v5 =	vadd.f32 v28, v5;
	v4 =	vadd.f32 v29, v4;
	v27 =	vld [tilespmem:s18+$0xFFFFFF80]  }
0x68: {  	v7 =	vadd.f32 v24, v7;
	v6 =	vadd.f32 v25, v6;
	v24 =	vld [tilespmem:s18+$0xFFFFFF90]  }
0x69: {  	v5 =	vadd.f32 v30, v5;
	v25 =	vld [tilespmem:s18+$0xFFFFFF00];
	v4 =	vadd.f32 v31, v4  }
0x6a: {  	v7 =	vadd.f32 v20, v7;
	v6 =	vadd.f32 v21, v6;
	v28 =	vld [tilespmem:s18+$0xFFFFFF10]  }
0x6b: {  	v5 =	vadd.f32 v22, v5;
	v20 =	vld [tilespmem:s18+$0xFFFFFF20];
	v4 =	vadd.f32 v23, v4  }
0x6c: {  	s16 =	sadd.s32 $0x5, s16;
	v7 =	vadd.f32 v8, v7;
	v6 =	vadd.f32 v13, v6;
	v21 =	vld [tilespmem:s18+$0xFFFFFF30]  }
0x6d: {  	p0 =	slt.u32 s16, $0x2D;
	v5 =	vadd.f32 v17, v5;
	v13 =	vld [tilespmem:s18+$0xFFFFFFA0];
	v4 =	vadd.f32 v19, v4  }
0x6e: {  	v7 =	vadd.f32 v18, v7;
	v6 =	vadd.f32 v14, v6;
	v17 =	vld [tilespmem:s18+$0xFFFFFFB0]  }
0x6f: {  	v5 =	vadd.f32 v15, v5;
	v8 =	vld [tilespmem:s18+$0x20];
	v4 =	vadd.f32 v11, v4  }
.Ltmp0:
0x70: {  	v12 =	vadd.f32 v25, v12;
	v14 =	vadd.f32 v28, v16;
	v11 =	vld [tilespmem:s18+$0x30];
	(pc) =	sbr.rel @p0 .LBB2_3-.Ltmp0, $4  }
0x71: {  	v10 =	vadd.f32 v20, v10;
	v16 =	vadd.f32 v21, v9;
	v9 =	vld [tilespmem:s18+$0xA0]  }
0x72: {  	v18 =	vadd.f32 v27, v12;
	v19 =	vadd.f32 v24, v14;
	v12 =	vld [tilespmem:s18+$0xB0]  }
0x73: {  	v15 =	vadd.f32 v13, v10;
	v14 =	vadd.f32 v17, v16;
	v10 =	vld [tilespmem:s18+$0x120]  }
0x74: {  	v17 =	vadd.f32 v32, v18;
	v16 =	vadd.f32 v26, v19;
	v13 =	vld [tilespmem:s18+$0x130];
	s18 =	sadd.s32 $0x280, s18  }
0x75: {  	s16 =	sshra.s32 s12, $0x2  }
0x76: {  	v8 =	vadd.f32 v8, v15;
	v3 =	vadd.f32 v3, v17;
	[tilespmem:s16+$0x4000] =	vst v7  }
0x77: {  	v7 =	vadd.f32 v11, v14;
	v2 =	vadd.f32 v2, v16;
	[tilespmem:s16+$0x4010] =	vst v6  }
0x78: {  	[tilespmem:s16+$0x4020] =	vst v5;
	v6 =	vadd.f32 v9, v8;
	v0 =	vadd.f32 v0, v3  }
0x79: {  	[tilespmem:s16+$0x4030] =	vst v4;
	v3 =	vadd.f32 v12, v7;
	v1 =	vadd.f32 v1, v2  }
0x7a: {  	v2 =	vadd.f32 v10, v6;
	[tilespmem:s16+$0x4040] =	vst v0  }
0x7b: {  	v0 =	vadd.f32 v13, v3;
	[tilespmem:s16+$0x4050] =	vst v1  }
0x7c: {  	s18 =	sor.u32 $0xE00, s12;
	[tilespmem:s16+$0x4060] =	vst v2  }
0x7d: {  	s12 =	sshra.s32 s18, $0x2;
	[tilespmem:s16+$0x4070] =	vst v0  }
0x7e: {  	[tilespmem:s22], [sflag:$0x8] =	stream.indirect.gather [hbm4b:s1+s8], $0x80, s12, s8, $0xb8;
	[tilespmem:$0x16000] =	vst v63  }
0x7f: {  	_ =	swait.ge [sflag:s23], $0x1900  }
0x80: {  	[sflag:s23] =	ssyncset.done $0x0  }
0x81: {  	s31 =	simm.s32 $0x9D40;
	[sflag:s23] =	ssyncadd.s32 $0xFFFFE700  }
0x82: {  	v4 =	vld [tilespmem:s31+$0xC0]  }
0x83: {  	v5 =	vld [tilespmem:s31+$0xD0]  }
0x84: {  	v9 =	vld [tilespmem:s31+$0xE0]  }
0x85: {  	v10 =	vld [tilespmem:s31+$0xF0]  }
0x86: {  	v0 =	vld [tilespmem:s31+$0x100]  }
0x87: {  	v1 =	vld [tilespmem:s31+$0x110]  }
0x88: {  	v6 =	vld [tilespmem:s31+$0x40]  }
0x89: {  	v7 =	vld [tilespmem:s31+$0x50]  }
0x8a: {  	v8 =	vld [tilespmem:s31+$0x60]  }
0x8b: {  	v11 =	vld [tilespmem:s31+$0x70]  }
0x8c: {  	v3 =	vld [tilespmem:s31+$0x80]  }
0x8d: {  	v2 =	vld [tilespmem:s31+$0x90]  }
0x8e: {  	v12 =	vld [tilespmem:s31+$0xFFFFFFC0]  }
0x8f: {  	v13 =	vld [tilespmem:s31+$0xFFFFFFD0]  }
0x90: {  	v14 =	vld [tilespmem:s31+$0xFFFFFFE0]  }
0x91: {  	v15 =	vld [tilespmem:s31+$0xFFFFFFF0]  }
0x92: {  	v16 =	vld [tilespmem:s31+$0xFFFFFF40]  }
0x93: {  	v17 =	vld [tilespmem:s31+$0xFFFFFF50]  }
0x94: {  	v18 =	vld [tilespmem:s31+$0xFFFFFEC0]  }
0x95: {  	v19 =	vld [tilespmem:s31+$0xFFFFFED0]  }
0x96: {  	v20 =	vld [tilespmem:s31+$0xFFFFFEE0]  }
0x97: {  	v21 =	vld [tilespmem:s31+$0xFFFFFEF0]  }
0x98: {  	v22 =	vld [tilespmem:s31+$0xFFFFFF60]  }
0x99: {  	v23 =	vld [tilespmem:s31+$0xFFFFFF70]  }
0x9a: {  	v24 =	vimm.f32 $0.0e+00;
	v25 =	vld [tilespmem:s31+$0x0]  }
0x9b: {  	v26 =	vld [tilespmem:s31+$0x10];
	v18 =	vadd.f32 v18, v24;
	v19 =	vadd.f32 v19, v24  }
0x9c: {  	v27 =	vld [tilespmem:s31+$0xFFFFFF80];
	v20 =	vadd.f32 v20, v24;
	v21 =	vadd.f32 v21, v24  }
0x9d: {  	v62 =	vld [tilespmem:s31+$0xFFFFFF10];
	v16 =	vadd.f32 v16, v18;
	v17 =	vadd.f32 v17, v19  }
0x9e: {  	v63 =	vld [tilespmem:s31+$0xFFFFFFB0];
	v20 =	vadd.f32 v22, v20;
	v21 =	vadd.f32 v23, v21  }
0x9f: {  	v19 =	vld [tilespmem:s31+$0xFFFFFF00];
	v12 =	vadd.f32 v12, v16;
	v13 =	vadd.f32 v13, v17  }
0xa0: {  	v16 =	vld [tilespmem:s31+$0xFFFFFF20];
	v14 =	vadd.f32 v14, v20;
	v15 =	vadd.f32 v15, v21  }
0xa1: {  	v17 =	vld [tilespmem:s31+$0xFFFFFF30];
	v6 =	vadd.f32 v6, v12;
	v12 =	vadd.f32 v7, v13  }
0xa2: {  	v18 =	vld [tilespmem:s31+$0xFFFFFF90];
	v14 =	vadd.f32 v8, v14;
	v11 =	vadd.f32 v11, v15  }
0xa3: {  	v13 =	vld [tilespmem:s31+$0xFFFFFFA0];
	v7 =	vadd.f32 v4, v6;
	v6 =	vadd.f32 v5, v12  }
0xa4: {  	v8 =	vld [tilespmem:s31+$0x20];
	v5 =	vadd.f32 v9, v14;
	v4 =	vadd.f32 v10, v11  }
0xa5: {  	v10 =	vadd.f32 v19, v24;
	v12 =	vadd.f32 v62, v24;
	v11 =	vld [tilespmem:s31+$0x30]  }
0xa6: {  	v9 =	vld [tilespmem:s31+$0xA0];
	v14 =	vadd.f32 v16, v24;
	v16 =	vadd.f32 v17, v24  }
0xa7: {  	v17 =	vadd.f32 v27, v10;
	v18 =	vadd.f32 v18, v12;
	v12 =	vld [tilespmem:s31+$0xB0]  }
0xa8: {  	v10 =	vld [tilespmem:s31+$0x120];
	v15 =	vadd.f32 v13, v14;
	v14 =	vadd.f32 v63, v16  }
0xa9: {  	s18 =	simm.s32 $0x0;
	v13 =	vld [tilespmem:s31+$0x130];
	s31 =	simm.s32 $0x9FC0;
	v17 =	vadd.f32 v25, v17;
	v16 =	vadd.f32 v26, v18  }
.LBB2_5:
0xaa: {  	v18 =	vld [tilespmem:s31+$0xC0];
	v8 =	vadd.f32 v8, v15;
	v11 =	vadd.f32 v11, v14  }
0xab: {  	v14 =	vld [tilespmem:s31+$0xD0];
	v3 =	vadd.f32 v3, v17;
	v2 =	vadd.f32 v2, v16  }
0xac: {  	v15 =	vld [tilespmem:s31+$0xE0];
	v8 =	vadd.f32 v9, v8;
	v9 =	vadd.f32 v12, v11  }
0xad: {  	v11 =	vld [tilespmem:s31+$0xF0];
	v12 =	vadd.f32 v0, v3;
	v16 =	vadd.f32 v1, v2  }
0xae: {  	v0 =	vld [tilespmem:s31+$0x100];
	v10 =	vadd.f32 v10, v8;
	v9 =	vadd.f32 v13, v9  }
0xaf: {  	v1 =	vld [tilespmem:s31+$0x110]  }
0xb0: {  	v8 =	vld [tilespmem:s31+$0x40]  }
0xb1: {  	v13 =	vld [tilespmem:s31+$0x50]  }
0xb2: {  	v17 =	vld [tilespmem:s31+$0x60]  }
0xb3: {  	v19 =	vld [tilespmem:s31+$0x70]  }
0xb4: {  	v3 =	vld [tilespmem:s31+$0x80]  }
0xb5: {  	v2 =	vld [tilespmem:s31+$0x90]  }
0xb6: {  	v20 =	vld [tilespmem:s31+$0xFFFFFFC0]  }
0xb7: {  	v21 =	vld [tilespmem:s31+$0xFFFFFFD0]  }
0xb8: {  	v22 =	vld [tilespmem:s31+$0xFFFFFFE0]  }
0xb9: {  	v23 =	vld [tilespmem:s31+$0xFFFFFFF0]  }
0xba: {  	v24 =	vld [tilespmem:s31+$0xFFFFFF40]  }
0xbb: {  	v25 =	vld [tilespmem:s31+$0xFFFFFF50]  }
0xbc: {  	v26 =	vld [tilespmem:s31+$0xFFFFFEC0]  }
0xbd: {  	v27 =	vld [tilespmem:s31+$0xFFFFFED0]  }
0xbe: {  	v28 =	vld [tilespmem:s31+$0xFFFFFEE0]  }
0xbf: {  	v29 =	vld [tilespmem:s31+$0xFFFFFEF0]  }
0xc0: {  	v30 =	vld [tilespmem:s31+$0xFFFFFF60]  }
0xc1: {  	v31 =	vld [tilespmem:s31+$0xFFFFFF70]  }
0xc2: {  	v32 =	vld [tilespmem:s31+$0x0]  }
0xc3: {  	v7 =	vadd.f32 v26, v7;
	v6 =	vadd.f32 v27, v6;
	v26 =	vld [tilespmem:s31+$0x10]  }
0xc4: {  	v5 =	vadd.f32 v28, v5;
	v4 =	vadd.f32 v29, v4;
	v27 =	vld [tilespmem:s31+$0xFFFFFF80]  }
0xc5: {  	v7 =	vadd.f32 v24, v7;
	v6 =	vadd.f32 v25, v6;
	v24 =	vld [tilespmem:s31+$0xFFFFFF90]  }
0xc6: {  	v5 =	vadd.f32 v30, v5;
	v25 =	vld [tilespmem:s31+$0xFFFFFF00];
	v4 =	vadd.f32 v31, v4  }
0xc7: {  	v7 =	vadd.f32 v20, v7;
	v6 =	vadd.f32 v21, v6;
	v28 =	vld [tilespmem:s31+$0xFFFFFF10]  }
0xc8: {  	v5 =	vadd.f32 v22, v5;
	v20 =	vld [tilespmem:s31+$0xFFFFFF20];
	v4 =	vadd.f32 v23, v4  }
0xc9: {  	s18 =	sadd.s32 $0x5, s18;
	v7 =	vadd.f32 v8, v7;
	v6 =	vadd.f32 v13, v6;
	v21 =	vld [tilespmem:s31+$0xFFFFFF30]  }
0xca: {  	p0 =	slt.u32 s18, $0x2D;
	v5 =	vadd.f32 v17, v5;
	v13 =	vld [tilespmem:s31+$0xFFFFFFA0];
	v4 =	vadd.f32 v19, v4  }
0xcb: {  	v7 =	vadd.f32 v18, v7;
	v6 =	vadd.f32 v14, v6;
	v17 =	vld [tilespmem:s31+$0xFFFFFFB0]  }
0xcc: {  	v5 =	vadd.f32 v15, v5;
	v8 =	vld [tilespmem:s31+$0x20];
	v4 =	vadd.f32 v11, v4  }
.Ltmp1:
0xcd: {  	v12 =	vadd.f32 v25, v12;
	v14 =	vadd.f32 v28, v16;
	v11 =	vld [tilespmem:s31+$0x30];
	(pc) =	sbr.rel @p0 .LBB2_5-.Ltmp1, $4  }
0xce: {  	v10 =	vadd.f32 v20, v10;
	v16 =	vadd.f32 v21, v9;
	v9 =	vld [tilespmem:s31+$0xA0]  }
0xcf: {  	v18 =	vadd.f32 v27, v12;
	v19 =	vadd.f32 v24, v14;
	v12 =	vld [tilespmem:s31+$0xB0]  }
0xd0: {  	v15 =	vadd.f32 v13, v10;
	v14 =	vadd.f32 v17, v16;
	v10 =	vld [tilespmem:s31+$0x120]  }
0xd1: {  	v17 =	vadd.f32 v32, v18;
	v16 =	vadd.f32 v26, v19;
	v13 =	vld [tilespmem:s31+$0x130];
	s31 =	sadd.s32 $0x280, s31  }
0xd2: {  	_ = 	snop  }
0xd3: {  	v8 =	vadd.f32 v8, v15;
	[tilespmem:s16+$0x4080] =	vst v7;
	v3 =	vadd.f32 v3, v17  }
0xd4: {  	v7 =	vadd.f32 v11, v14;
	[tilespmem:s16+$0x4090] =	vst v6;
	v2 =	vadd.f32 v2, v16  }
0xd5: {  	[tilespmem:s16+$0x40A0] =	vst v5;
	v6 =	vadd.f32 v9, v8;
	v0 =	vadd.f32 v0, v3  }
0xd6: {  	[tilespmem:s16+$0x40B0] =	vst v4;
	v3 =	vadd.f32 v12, v7;
	v1 =	vadd.f32 v1, v2  }
0xd7: {  	v2 =	vadd.f32 v10, v6;
	[tilespmem:s16+$0x40C0] =	vst v0  }
0xd8: {  	s18 =	smin.u32 s14, $0x77;
	v0 =	vadd.f32 v13, v3;
	[tilespmem:s16+$0x40D0] =	vst v1  }
0xd9: {  	s18 =	sshll.u32 s18, $0x7;
	[tilespmem:s16+$0x40E0] =	vst v2  }
0xda: {  	s18 =	sadd.s32 $0x400, s18;
	[tilespmem:s16+$0x40F0] =	vst v0  }
0xdb: {  	[tilespmem:s9], [sflag:$0x1] =	stream.indirect.gather [hbm4b:s1+s8], $0x80, s18, s8, $0xb8;
	[tilespmem:$0x16000] =	vst v63  }
0xdc: {  	_ =	swait.ge [sflag:s24], $0x1900  }
0xdd: {  	[sflag:s24] =	ssyncset.done $0x0  }
0xde: {  	s31 =	simm.s32 $0xB940;
	[sflag:s24] =	ssyncadd.s32 $0xFFFFE700  }
0xdf: {  	v4 =	vld [tilespmem:s31+$0xC0]  }
0xe0: {  	v5 =	vld [tilespmem:s31+$0xD0]  }
0xe1: {  	v9 =	vld [tilespmem:s31+$0xE0]  }
0xe2: {  	v10 =	vld [tilespmem:s31+$0xF0]  }
0xe3: {  	v0 =	vld [tilespmem:s31+$0x100]  }
0xe4: {  	v1 =	vld [tilespmem:s31+$0x110]  }
0xe5: {  	v6 =	vld [tilespmem:s31+$0x40]  }
0xe6: {  	v7 =	vld [tilespmem:s31+$0x50]  }
0xe7: {  	v8 =	vld [tilespmem:s31+$0x60]  }
0xe8: {  	v11 =	vld [tilespmem:s31+$0x70]  }
0xe9: {  	v3 =	vld [tilespmem:s31+$0x80]  }
0xea: {  	v2 =	vld [tilespmem:s31+$0x90]  }
0xeb: {  	v12 =	vld [tilespmem:s31+$0xFFFFFFC0]  }
0xec: {  	v13 =	vld [tilespmem:s31+$0xFFFFFFD0]  }
0xed: {  	v14 =	vld [tilespmem:s31+$0xFFFFFFE0]  }
0xee: {  	v15 =	vld [tilespmem:s31+$0xFFFFFFF0]  }
0xef: {  	v16 =	vld [tilespmem:s31+$0xFFFFFF40]  }
0xf0: {  	v17 =	vld [tilespmem:s31+$0xFFFFFF50]  }
0xf1: {  	v18 =	vld [tilespmem:s31+$0xFFFFFEC0]  }
0xf2: {  	v19 =	vld [tilespmem:s31+$0xFFFFFED0]  }
0xf3: {  	v20 =	vld [tilespmem:s31+$0xFFFFFEE0]  }
0xf4: {  	v21 =	vld [tilespmem:s31+$0xFFFFFEF0]  }
0xf5: {  	v22 =	vld [tilespmem:s31+$0xFFFFFF60]  }
0xf6: {  	v23 =	vld [tilespmem:s31+$0xFFFFFF70]  }
0xf7: {  	v24 =	vimm.f32 $0.0e+00;
	v25 =	vld [tilespmem:s31+$0x0]  }
0xf8: {  	v26 =	vld [tilespmem:s31+$0x10];
	v18 =	vadd.f32 v18, v24;
	v19 =	vadd.f32 v19, v24  }
0xf9: {  	v27 =	vld [tilespmem:s31+$0xFFFFFF80];
	v20 =	vadd.f32 v20, v24;
	v21 =	vadd.f32 v21, v24  }
0xfa: {  	v62 =	vld [tilespmem:s31+$0xFFFFFF10];
	v16 =	vadd.f32 v16, v18;
	v17 =	vadd.f32 v17, v19  }
0xfb: {  	v63 =	vld [tilespmem:s31+$0xFFFFFFB0];
	v20 =	vadd.f32 v22, v20;
	v21 =	vadd.f32 v23, v21  }
0xfc: {  	v19 =	vld [tilespmem:s31+$0xFFFFFF00];
	v12 =	vadd.f32 v12, v16;
	v13 =	vadd.f32 v13, v17  }
0xfd: {  	v16 =	vld [tilespmem:s31+$0xFFFFFF20];
	v14 =	vadd.f32 v14, v20;
	v15 =	vadd.f32 v15, v21  }
0xfe: {  	v17 =	vld [tilespmem:s31+$0xFFFFFF30];
	v6 =	vadd.f32 v6, v12;
	v12 =	vadd.f32 v7, v13  }
0xff: {  	v18 =	vld [tilespmem:s31+$0xFFFFFF90];
	v14 =	vadd.f32 v8, v14;
	v11 =	vadd.f32 v11, v15  }
0x100: {  	v13 =	vld [tilespmem:s31+$0xFFFFFFA0];
	v7 =	vadd.f32 v4, v6;
	v6 =	vadd.f32 v5, v12  }
0x101: {  	v8 =	vld [tilespmem:s31+$0x20];
	v5 =	vadd.f32 v9, v14;
	v4 =	vadd.f32 v10, v11  }
0x102: {  	v10 =	vadd.f32 v19, v24;
	v12 =	vadd.f32 v62, v24;
	v11 =	vld [tilespmem:s31+$0x30]  }
0x103: {  	v9 =	vld [tilespmem:s31+$0xA0];
	v14 =	vadd.f32 v16, v24;
	v16 =	vadd.f32 v17, v24  }
0x104: {  	v17 =	vadd.f32 v27, v10;
	v18 =	vadd.f32 v18, v12;
	v12 =	vld [tilespmem:s31+$0xB0]  }
0x105: {  	v10 =	vld [tilespmem:s31+$0x120];
	v15 =	vadd.f32 v13, v14;
	v14 =	vadd.f32 v63, v16  }
0x106: {  	s18 =	simm.s32 $0x0;
	v13 =	vld [tilespmem:s31+$0x130];
	s31 =	simm.s32 $0xBBC0;
	v17 =	vadd.f32 v25, v17;
	v16 =	vadd.f32 v26, v18  }
.LBB2_7:
0x107: {  	v18 =	vld [tilespmem:s31+$0xC0];
	v8 =	vadd.f32 v8, v15;
	v11 =	vadd.f32 v11, v14  }
0x108: {  	v14 =	vld [tilespmem:s31+$0xD0];
	v3 =	vadd.f32 v3, v17;
	v2 =	vadd.f32 v2, v16  }
0x109: {  	v15 =	vld [tilespmem:s31+$0xE0];
	v8 =	vadd.f32 v9, v8;
	v9 =	vadd.f32 v12, v11  }
0x10a: {  	v11 =	vld [tilespmem:s31+$0xF0];
	v12 =	vadd.f32 v0, v3;
	v16 =	vadd.f32 v1, v2  }
0x10b: {  	v0 =	vld [tilespmem:s31+$0x100];
	v10 =	vadd.f32 v10, v8;
	v9 =	vadd.f32 v13, v9  }
0x10c: {  	v1 =	vld [tilespmem:s31+$0x110]  }
0x10d: {  	v8 =	vld [tilespmem:s31+$0x40]  }
0x10e: {  	v13 =	vld [tilespmem:s31+$0x50]  }
0x10f: {  	v17 =	vld [tilespmem:s31+$0x60]  }
0x110: {  	v19 =	vld [tilespmem:s31+$0x70]  }
0x111: {  	v3 =	vld [tilespmem:s31+$0x80]  }
0x112: {  	v2 =	vld [tilespmem:s31+$0x90]  }
0x113: {  	v20 =	vld [tilespmem:s31+$0xFFFFFFC0]  }
0x114: {  	v21 =	vld [tilespmem:s31+$0xFFFFFFD0]  }
0x115: {  	v22 =	vld [tilespmem:s31+$0xFFFFFFE0]  }
0x116: {  	v23 =	vld [tilespmem:s31+$0xFFFFFFF0]  }
0x117: {  	v24 =	vld [tilespmem:s31+$0xFFFFFF40]  }
0x118: {  	v25 =	vld [tilespmem:s31+$0xFFFFFF50]  }
0x119: {  	v26 =	vld [tilespmem:s31+$0xFFFFFEC0]  }
0x11a: {  	v27 =	vld [tilespmem:s31+$0xFFFFFED0]  }
0x11b: {  	v28 =	vld [tilespmem:s31+$0xFFFFFEE0]  }
0x11c: {  	v29 =	vld [tilespmem:s31+$0xFFFFFEF0]  }
0x11d: {  	v30 =	vld [tilespmem:s31+$0xFFFFFF60]  }
0x11e: {  	v31 =	vld [tilespmem:s31+$0xFFFFFF70]  }
0x11f: {  	v32 =	vld [tilespmem:s31+$0x0]  }
0x120: {  	v7 =	vadd.f32 v26, v7;
	v6 =	vadd.f32 v27, v6;
	v26 =	vld [tilespmem:s31+$0x10]  }
0x121: {  	v5 =	vadd.f32 v28, v5;
	v4 =	vadd.f32 v29, v4;
	v27 =	vld [tilespmem:s31+$0xFFFFFF80]  }
0x122: {  	v7 =	vadd.f32 v24, v7;
	v6 =	vadd.f32 v25, v6;
	v24 =	vld [tilespmem:s31+$0xFFFFFF90]  }
0x123: {  	v5 =	vadd.f32 v30, v5;
	v25 =	vld [tilespmem:s31+$0xFFFFFF00];
	v4 =	vadd.f32 v31, v4  }
0x124: {  	v7 =	vadd.f32 v20, v7;
	v6 =	vadd.f32 v21, v6;
	v28 =	vld [tilespmem:s31+$0xFFFFFF10]  }
0x125: {  	v5 =	vadd.f32 v22, v5;
	v20 =	vld [tilespmem:s31+$0xFFFFFF20];
	v4 =	vadd.f32 v23, v4  }
0x126: {  	s18 =	sadd.s32 $0x5, s18;
	v7 =	vadd.f32 v8, v7;
	v6 =	vadd.f32 v13, v6;
	v21 =	vld [tilespmem:s31+$0xFFFFFF30]  }
0x127: {  	p0 =	slt.u32 s18, $0x2D;
	v5 =	vadd.f32 v17, v5;
	v13 =	vld [tilespmem:s31+$0xFFFFFFA0];
	v4 =	vadd.f32 v19, v4  }
0x128: {  	v7 =	vadd.f32 v18, v7;
	v6 =	vadd.f32 v14, v6;
	v17 =	vld [tilespmem:s31+$0xFFFFFFB0]  }
0x129: {  	v5 =	vadd.f32 v15, v5;
	v8 =	vld [tilespmem:s31+$0x20];
	v4 =	vadd.f32 v11, v4  }
.Ltmp2:
0x12a: {  	v12 =	vadd.f32 v25, v12;
	v14 =	vadd.f32 v28, v16;
	v11 =	vld [tilespmem:s31+$0x30];
	(pc) =	sbr.rel @p0 .LBB2_7-.Ltmp2, $4  }
0x12b: {  	v10 =	vadd.f32 v20, v10;
	v16 =	vadd.f32 v21, v9;
	v9 =	vld [tilespmem:s31+$0xA0]  }
0x12c: {  	v18 =	vadd.f32 v27, v12;
	v19 =	vadd.f32 v24, v14;
	v12 =	vld [tilespmem:s31+$0xB0]  }
0x12d: {  	v15 =	vadd.f32 v13, v10;
	v14 =	vadd.f32 v17, v16;
	v10 =	vld [tilespmem:s31+$0x120]  }
0x12e: {  	v17 =	vadd.f32 v32, v18;
	v16 =	vadd.f32 v26, v19;
	v13 =	vld [tilespmem:s31+$0x130];
	s31 =	sadd.s32 $0x280, s31  }
0x12f: {  	_ = 	snop  }
0x130: {  	v8 =	vadd.f32 v8, v15;
	[tilespmem:s16+$0x4100] =	vst v7;
	v3 =	vadd.f32 v3, v17  }
0x131: {  	v7 =	vadd.f32 v11, v14;
	[tilespmem:s16+$0x4110] =	vst v6;
	v2 =	vadd.f32 v2, v16  }
0x132: {  	[tilespmem:s16+$0x4120] =	vst v5;
	v6 =	vadd.f32 v9, v8;
	v0 =	vadd.f32 v0, v3  }
0x133: {  	[tilespmem:s16+$0x4130] =	vst v4;
	v3 =	vadd.f32 v12, v7;
	v1 =	vadd.f32 v1, v2  }
0x134: {  	v2 =	vadd.f32 v10, v6;
	[tilespmem:s16+$0x4140] =	vst v0  }
0x135: {  	s18 =	smin.u32 s14, $0x76;
	v0 =	vadd.f32 v13, v3;
	[tilespmem:s16+$0x4150] =	vst v1  }
0x136: {  	s18 =	sshll.u32 s18, $0x7;
	[tilespmem:s16+$0x4160] =	vst v2  }
0x137: {  	s18 =	sadd.s32 $0x480, s18;
	[tilespmem:s16+$0x4170] =	vst v0  }
0x138: {  	[tilespmem:s11], [sflag:$0x2] =	stream.indirect.gather [hbm4b:s1+s8], $0x80, s18, s8, $0xb8;
	[tilespmem:$0x16000] =	vst v63  }
0x139: {  	_ =	swait.ge [sflag:s25], $0x1900  }
0x13a: {  	[sflag:s25] =	ssyncset.done $0x0  }
0x13b: {  	s31 =	simm.s32 $0xD540;
	[sflag:s25] =	ssyncadd.s32 $0xFFFFE700  }
0x13c: {  	v4 =	vld [tilespmem:s31+$0xC0]  }
0x13d: {  	v5 =	vld [tilespmem:s31+$0xD0]  }
0x13e: {  	v9 =	vld [tilespmem:s31+$0xE0]  }
0x13f: {  	v10 =	vld [tilespmem:s31+$0xF0]  }
0x140: {  	v0 =	vld [tilespmem:s31+$0x100]  }
0x141: {  	v1 =	vld [tilespmem:s31+$0x110]  }
0x142: {  	v6 =	vld [tilespmem:s31+$0x40]  }
0x143: {  	v7 =	vld [tilespmem:s31+$0x50]  }
0x144: {  	v8 =	vld [tilespmem:s31+$0x60]  }
0x145: {  	v11 =	vld [tilespmem:s31+$0x70]  }
0x146: {  	v3 =	vld [tilespmem:s31+$0x80]  }
0x147: {  	v2 =	vld [tilespmem:s31+$0x90]  }
0x148: {  	v12 =	vld [tilespmem:s31+$0xFFFFFFC0]  }
0x149: {  	v13 =	vld [tilespmem:s31+$0xFFFFFFD0]  }
0x14a: {  	v14 =	vld [tilespmem:s31+$0xFFFFFFE0]  }
0x14b: {  	v15 =	vld [tilespmem:s31+$0xFFFFFFF0]  }
0x14c: {  	v16 =	vld [tilespmem:s31+$0xFFFFFF40]  }
0x14d: {  	v17 =	vld [tilespmem:s31+$0xFFFFFF50]  }
0x14e: {  	v18 =	vld [tilespmem:s31+$0xFFFFFEC0]  }
0x14f: {  	v19 =	vld [tilespmem:s31+$0xFFFFFED0]  }
0x150: {  	v20 =	vld [tilespmem:s31+$0xFFFFFEE0]  }
0x151: {  	v21 =	vld [tilespmem:s31+$0xFFFFFEF0]  }
0x152: {  	v22 =	vld [tilespmem:s31+$0xFFFFFF60]  }
0x153: {  	v23 =	vld [tilespmem:s31+$0xFFFFFF70]  }
0x154: {  	v24 =	vimm.f32 $0.0e+00;
	v25 =	vld [tilespmem:s31+$0x0]  }
0x155: {  	v26 =	vld [tilespmem:s31+$0x10];
	v18 =	vadd.f32 v18, v24;
	v19 =	vadd.f32 v19, v24  }
0x156: {  	v27 =	vld [tilespmem:s31+$0xFFFFFF80];
	v20 =	vadd.f32 v20, v24;
	v21 =	vadd.f32 v21, v24  }
0x157: {  	v62 =	vld [tilespmem:s31+$0xFFFFFF10];
	v16 =	vadd.f32 v16, v18;
	v17 =	vadd.f32 v17, v19  }
0x158: {  	v63 =	vld [tilespmem:s31+$0xFFFFFFB0];
	v20 =	vadd.f32 v22, v20;
	v21 =	vadd.f32 v23, v21  }
0x159: {  	v19 =	vld [tilespmem:s31+$0xFFFFFF00];
	v12 =	vadd.f32 v12, v16;
	v13 =	vadd.f32 v13, v17  }
0x15a: {  	v16 =	vld [tilespmem:s31+$0xFFFFFF20];
	v14 =	vadd.f32 v14, v20;
	v15 =	vadd.f32 v15, v21  }
0x15b: {  	v17 =	vld [tilespmem:s31+$0xFFFFFF30];
	v6 =	vadd.f32 v6, v12;
	v12 =	vadd.f32 v7, v13  }
0x15c: {  	v18 =	vld [tilespmem:s31+$0xFFFFFF90];
	v14 =	vadd.f32 v8, v14;
	v11 =	vadd.f32 v11, v15  }
0x15d: {  	v13 =	vld [tilespmem:s31+$0xFFFFFFA0];
	v7 =	vadd.f32 v4, v6;
	v6 =	vadd.f32 v5, v12  }
0x15e: {  	v8 =	vld [tilespmem:s31+$0x20];
	v5 =	vadd.f32 v9, v14;
	v4 =	vadd.f32 v10, v11  }
0x15f: {  	v10 =	vadd.f32 v19, v24;
	v12 =	vadd.f32 v62, v24;
	v11 =	vld [tilespmem:s31+$0x30]  }
0x160: {  	v9 =	vld [tilespmem:s31+$0xA0];
	v14 =	vadd.f32 v16, v24;
	v16 =	vadd.f32 v17, v24  }
0x161: {  	v17 =	vadd.f32 v27, v10;
	v18 =	vadd.f32 v18, v12;
	v12 =	vld [tilespmem:s31+$0xB0]  }
0x162: {  	v10 =	vld [tilespmem:s31+$0x120];
	v15 =	vadd.f32 v13, v14;
	v14 =	vadd.f32 v63, v16  }
0x163: {  	s18 =	simm.s32 $0x0;
	v13 =	vld [tilespmem:s31+$0x130];
	s31 =	simm.s32 $0xD7C0;
	v17 =	vadd.f32 v25, v17;
	v16 =	vadd.f32 v26, v18  }
.LBB2_9:
0x164: {  	v18 =	vld [tilespmem:s31+$0xC0];
	v8 =	vadd.f32 v8, v15;
	v11 =	vadd.f32 v11, v14  }
0x165: {  	v14 =	vld [tilespmem:s31+$0xD0];
	v3 =	vadd.f32 v3, v17;
	v2 =	vadd.f32 v2, v16  }
0x166: {  	v15 =	vld [tilespmem:s31+$0xE0];
	v8 =	vadd.f32 v9, v8;
	v9 =	vadd.f32 v12, v11  }
0x167: {  	v11 =	vld [tilespmem:s31+$0xF0];
	v12 =	vadd.f32 v0, v3;
	v16 =	vadd.f32 v1, v2  }
0x168: {  	v0 =	vld [tilespmem:s31+$0x100];
	v10 =	vadd.f32 v10, v8;
	v9 =	vadd.f32 v13, v9  }
0x169: {  	v1 =	vld [tilespmem:s31+$0x110]  }
0x16a: {  	v8 =	vld [tilespmem:s31+$0x40]  }
0x16b: {  	v13 =	vld [tilespmem:s31+$0x50]  }
0x16c: {  	v17 =	vld [tilespmem:s31+$0x60]  }
0x16d: {  	v19 =	vld [tilespmem:s31+$0x70]  }
0x16e: {  	v3 =	vld [tilespmem:s31+$0x80]  }
0x16f: {  	v2 =	vld [tilespmem:s31+$0x90]  }
0x170: {  	v20 =	vld [tilespmem:s31+$0xFFFFFFC0]  }
0x171: {  	v21 =	vld [tilespmem:s31+$0xFFFFFFD0]  }
0x172: {  	v22 =	vld [tilespmem:s31+$0xFFFFFFE0]  }
0x173: {  	v23 =	vld [tilespmem:s31+$0xFFFFFFF0]  }
0x174: {  	v24 =	vld [tilespmem:s31+$0xFFFFFF40]  }
0x175: {  	v25 =	vld [tilespmem:s31+$0xFFFFFF50]  }
0x176: {  	v26 =	vld [tilespmem:s31+$0xFFFFFEC0]  }
0x177: {  	v27 =	vld [tilespmem:s31+$0xFFFFFED0]  }
0x178: {  	v28 =	vld [tilespmem:s31+$0xFFFFFEE0]  }
0x179: {  	v29 =	vld [tilespmem:s31+$0xFFFFFEF0]  }
0x17a: {  	v30 =	vld [tilespmem:s31+$0xFFFFFF60]  }
0x17b: {  	v31 =	vld [tilespmem:s31+$0xFFFFFF70]  }
0x17c: {  	v32 =	vld [tilespmem:s31+$0x0]  }
0x17d: {  	v7 =	vadd.f32 v26, v7;
	v6 =	vadd.f32 v27, v6;
	v26 =	vld [tilespmem:s31+$0x10]  }
0x17e: {  	v5 =	vadd.f32 v28, v5;
	v4 =	vadd.f32 v29, v4;
	v27 =	vld [tilespmem:s31+$0xFFFFFF80]  }
0x17f: {  	v7 =	vadd.f32 v24, v7;
	v6 =	vadd.f32 v25, v6;
	v24 =	vld [tilespmem:s31+$0xFFFFFF90]  }
0x180: {  	v5 =	vadd.f32 v30, v5;
	v25 =	vld [tilespmem:s31+$0xFFFFFF00];
	v4 =	vadd.f32 v31, v4  }
0x181: {  	v7 =	vadd.f32 v20, v7;
	v6 =	vadd.f32 v21, v6;
	v28 =	vld [tilespmem:s31+$0xFFFFFF10]  }
0x182: {  	v5 =	vadd.f32 v22, v5;
	v20 =	vld [tilespmem:s31+$0xFFFFFF20];
	v4 =	vadd.f32 v23, v4  }
0x183: {  	s18 =	sadd.s32 $0x5, s18;
	v7 =	vadd.f32 v8, v7;
	v6 =	vadd.f32 v13, v6;
	v21 =	vld [tilespmem:s31+$0xFFFFFF30]  }
0x184: {  	p0 =	slt.u32 s18, $0x2D;
	v5 =	vadd.f32 v17, v5;
	v13 =	vld [tilespmem:s31+$0xFFFFFFA0];
	v4 =	vadd.f32 v19, v4  }
0x185: {  	v7 =	vadd.f32 v18, v7;
	v6 =	vadd.f32 v14, v6;
	v17 =	vld [tilespmem:s31+$0xFFFFFFB0]  }
0x186: {  	v5 =	vadd.f32 v15, v5;
	v8 =	vld [tilespmem:s31+$0x20];
	v4 =	vadd.f32 v11, v4  }
.Ltmp3:
0x187: {  	v12 =	vadd.f32 v25, v12;
	v14 =	vadd.f32 v28, v16;
	v11 =	vld [tilespmem:s31+$0x30];
	(pc) =	sbr.rel @p0 .LBB2_9-.Ltmp3, $4  }
0x188: {  	v10 =	vadd.f32 v20, v10;
	v16 =	vadd.f32 v21, v9;
	v9 =	vld [tilespmem:s31+$0xA0]  }
0x189: {  	v18 =	vadd.f32 v27, v12;
	v19 =	vadd.f32 v24, v14;
	v12 =	vld [tilespmem:s31+$0xB0]  }
0x18a: {  	v15 =	vadd.f32 v13, v10;
	v14 =	vadd.f32 v17, v16;
	v10 =	vld [tilespmem:s31+$0x120]  }
0x18b: {  	v17 =	vadd.f32 v32, v18;
	v16 =	vadd.f32 v26, v19;
	v13 =	vld [tilespmem:s31+$0x130];
	s31 =	sadd.s32 $0x280, s31  }
0x18c: {  	_ = 	snop  }
0x18d: {  	v8 =	vadd.f32 v8, v15;
	[tilespmem:s16+$0x4180] =	vst v7;
	v3 =	vadd.f32 v3, v17  }
0x18e: {  	v7 =	vadd.f32 v11, v14;
	[tilespmem:s16+$0x4190] =	vst v6;
	v2 =	vadd.f32 v2, v16  }
0x18f: {  	[tilespmem:s16+$0x41A0] =	vst v5;
	v6 =	vadd.f32 v9, v8;
	v0 =	vadd.f32 v0, v3  }
0x190: {  	[tilespmem:s16+$0x41B0] =	vst v4;
	v3 =	vadd.f32 v12, v7;
	v1 =	vadd.f32 v1, v2  }
0x191: {  	v2 =	vadd.f32 v10, v6;
	[tilespmem:s16+$0x41C0] =	vst v0  }
0x192: {  	s18 =	smin.u32 s14, $0x75;
	v0 =	vadd.f32 v13, v3;
	[tilespmem:s16+$0x41D0] =	vst v1  }
0x193: {  	s18 =	sshll.u32 s18, $0x7;
	[tilespmem:s16+$0x41E0] =	vst v2  }
0x194: {  	s18 =	sadd.s32 $0x500, s18;
	[tilespmem:s16+$0x41F0] =	vst v0  }
0x195: {  	[tilespmem:s13], [sflag:$0x3] =	stream.indirect.gather [hbm4b:s1+s8], $0x80, s18, s8, $0xb8;
	[tilespmem:$0x16000] =	vst v63  }
0x196: {  	_ =	swait.ge [sflag:s26], $0x1900  }
0x197: {  	[sflag:s26] =	ssyncset.done $0x0  }
0x198: {  	s31 =	simm.s32 $0xF140;
	[sflag:s26] =	ssyncadd.s32 $0xFFFFE700  }
0x199: {  	v4 =	vld [tilespmem:s31+$0xC0]  }
0x19a: {  	v5 =	vld [tilespmem:s31+$0xD0]  }
0x19b: {  	v9 =	vld [tilespmem:s31+$0xE0]  }
0x19c: {  	v10 =	vld [tilespmem:s31+$0xF0]  }
0x19d: {  	v0 =	vld [tilespmem:s31+$0x100]  }
0x19e: {  	v1 =	vld [tilespmem:s31+$0x110]  }
0x19f: {  	v6 =	vld [tilespmem:s31+$0x40]  }
0x1a0: {  	v7 =	vld [tilespmem:s31+$0x50]  }
0x1a1: {  	v8 =	vld [tilespmem:s31+$0x60]  }
0x1a2: {  	v11 =	vld [tilespmem:s31+$0x70]  }
0x1a3: {  	v3 =	vld [tilespmem:s31+$0x80]  }
0x1a4: {  	v2 =	vld [tilespmem:s31+$0x90]  }
0x1a5: {  	v12 =	vld [tilespmem:s31+$0xFFFFFFC0]  }
0x1a6: {  	v13 =	vld [tilespmem:s31+$0xFFFFFFD0]  }
0x1a7: {  	v14 =	vld [tilespmem:s31+$0xFFFFFFE0]  }
0x1a8: {  	v15 =	vld [tilespmem:s31+$0xFFFFFFF0]  }
0x1a9: {  	v16 =	vld [tilespmem:s31+$0xFFFFFF40]  }
0x1aa: {  	v17 =	vld [tilespmem:s31+$0xFFFFFF50]  }
0x1ab: {  	v18 =	vld [tilespmem:s31+$0xFFFFFEC0]  }
0x1ac: {  	v19 =	vld [tilespmem:s31+$0xFFFFFED0]  }
0x1ad: {  	v20 =	vld [tilespmem:s31+$0xFFFFFEE0]  }
0x1ae: {  	v21 =	vld [tilespmem:s31+$0xFFFFFEF0]  }
0x1af: {  	v22 =	vld [tilespmem:s31+$0xFFFFFF60]  }
0x1b0: {  	v23 =	vld [tilespmem:s31+$0xFFFFFF70]  }
0x1b1: {  	v24 =	vimm.f32 $0.0e+00;
	v25 =	vld [tilespmem:s31+$0x0]  }
0x1b2: {  	v26 =	vld [tilespmem:s31+$0x10];
	v18 =	vadd.f32 v18, v24;
	v19 =	vadd.f32 v19, v24  }
0x1b3: {  	v27 =	vld [tilespmem:s31+$0xFFFFFF80];
	v20 =	vadd.f32 v20, v24;
	v21 =	vadd.f32 v21, v24  }
0x1b4: {  	v62 =	vld [tilespmem:s31+$0xFFFFFF10];
	v16 =	vadd.f32 v16, v18;
	v17 =	vadd.f32 v17, v19  }
0x1b5: {  	v63 =	vld [tilespmem:s31+$0xFFFFFFB0];
	v20 =	vadd.f32 v22, v20;
	v21 =	vadd.f32 v23, v21  }
0x1b6: {  	v19 =	vld [tilespmem:s31+$0xFFFFFF00];
	v12 =	vadd.f32 v12, v16;
	v13 =	vadd.f32 v13, v17  }
0x1b7: {  	v16 =	vld [tilespmem:s31+$0xFFFFFF20];
	v14 =	vadd.f32 v14, v20;
	v15 =	vadd.f32 v15, v21  }
0x1b8: {  	v17 =	vld [tilespmem:s31+$0xFFFFFF30];
	v6 =	vadd.f32 v6, v12;
	v12 =	vadd.f32 v7, v13  }
0x1b9: {  	v18 =	vld [tilespmem:s31+$0xFFFFFF90];
	v14 =	vadd.f32 v8, v14;
	v11 =	vadd.f32 v11, v15  }
0x1ba: {  	v13 =	vld [tilespmem:s31+$0xFFFFFFA0];
	v7 =	vadd.f32 v4, v6;
	v6 =	vadd.f32 v5, v12  }
0x1bb: {  	v8 =	vld [tilespmem:s31+$0x20];
	v5 =	vadd.f32 v9, v14;
	v4 =	vadd.f32 v10, v11  }
0x1bc: {  	v10 =	vadd.f32 v19, v24;
	v12 =	vadd.f32 v62, v24;
	v11 =	vld [tilespmem:s31+$0x30]  }
0x1bd: {  	v9 =	vld [tilespmem:s31+$0xA0];
	v14 =	vadd.f32 v16, v24;
	v16 =	vadd.f32 v17, v24  }
0x1be: {  	v17 =	vadd.f32 v27, v10;
	v18 =	vadd.f32 v18, v12;
	v12 =	vld [tilespmem:s31+$0xB0]  }
0x1bf: {  	v10 =	vld [tilespmem:s31+$0x120];
	v15 =	vadd.f32 v13, v14;
	v14 =	vadd.f32 v63, v16  }
0x1c0: {  	s18 =	simm.s32 $0x0;
	v13 =	vld [tilespmem:s31+$0x130];
	s31 =	simm.s32 $0xF3C0;
	v17 =	vadd.f32 v25, v17;
	v16 =	vadd.f32 v26, v18  }
.LBB2_11:
0x1c1: {  	v18 =	vld [tilespmem:s31+$0xC0];
	v8 =	vadd.f32 v8, v15;
	v11 =	vadd.f32 v11, v14  }
0x1c2: {  	v14 =	vld [tilespmem:s31+$0xD0];
	v3 =	vadd.f32 v3, v17;
	v2 =	vadd.f32 v2, v16  }
0x1c3: {  	v15 =	vld [tilespmem:s31+$0xE0];
	v8 =	vadd.f32 v9, v8;
	v9 =	vadd.f32 v12, v11  }
0x1c4: {  	v11 =	vld [tilespmem:s31+$0xF0];
	v12 =	vadd.f32 v0, v3;
	v16 =	vadd.f32 v1, v2  }
0x1c5: {  	v0 =	vld [tilespmem:s31+$0x100];
	v10 =	vadd.f32 v10, v8;
	v9 =	vadd.f32 v13, v9  }
0x1c6: {  	v1 =	vld [tilespmem:s31+$0x110]  }
0x1c7: {  	v8 =	vld [tilespmem:s31+$0x40]  }
0x1c8: {  	v13 =	vld [tilespmem:s31+$0x50]  }
0x1c9: {  	v17 =	vld [tilespmem:s31+$0x60]  }
0x1ca: {  	v19 =	vld [tilespmem:s31+$0x70]  }
0x1cb: {  	v3 =	vld [tilespmem:s31+$0x80]  }
0x1cc: {  	v2 =	vld [tilespmem:s31+$0x90]  }
0x1cd: {  	v20 =	vld [tilespmem:s31+$0xFFFFFFC0]  }
0x1ce: {  	v21 =	vld [tilespmem:s31+$0xFFFFFFD0]  }
0x1cf: {  	v22 =	vld [tilespmem:s31+$0xFFFFFFE0]  }
0x1d0: {  	v23 =	vld [tilespmem:s31+$0xFFFFFFF0]  }
0x1d1: {  	v24 =	vld [tilespmem:s31+$0xFFFFFF40]  }
0x1d2: {  	v25 =	vld [tilespmem:s31+$0xFFFFFF50]  }
0x1d3: {  	v26 =	vld [tilespmem:s31+$0xFFFFFEC0]  }
0x1d4: {  	v27 =	vld [tilespmem:s31+$0xFFFFFED0]  }
0x1d5: {  	v28 =	vld [tilespmem:s31+$0xFFFFFEE0]  }
0x1d6: {  	v29 =	vld [tilespmem:s31+$0xFFFFFEF0]  }
0x1d7: {  	v30 =	vld [tilespmem:s31+$0xFFFFFF60]  }
0x1d8: {  	v31 =	vld [tilespmem:s31+$0xFFFFFF70]  }
0x1d9: {  	v32 =	vld [tilespmem:s31+$0x0]  }
0x1da: {  	v7 =	vadd.f32 v26, v7;
	v6 =	vadd.f32 v27, v6;
	v26 =	vld [tilespmem:s31+$0x10]  }
0x1db: {  	v5 =	vadd.f32 v28, v5;
	v4 =	vadd.f32 v29, v4;
	v27 =	vld [tilespmem:s31+$0xFFFFFF80]  }
0x1dc: {  	v7 =	vadd.f32 v24, v7;
	v6 =	vadd.f32 v25, v6;
	v24 =	vld [tilespmem:s31+$0xFFFFFF90]  }
0x1dd: {  	v5 =	vadd.f32 v30, v5;
	v25 =	vld [tilespmem:s31+$0xFFFFFF00];
	v4 =	vadd.f32 v31, v4  }
0x1de: {  	v7 =	vadd.f32 v20, v7;
	v6 =	vadd.f32 v21, v6;
	v28 =	vld [tilespmem:s31+$0xFFFFFF10]  }
0x1df: {  	v5 =	vadd.f32 v22, v5;
	v20 =	vld [tilespmem:s31+$0xFFFFFF20];
	v4 =	vadd.f32 v23, v4  }
0x1e0: {  	s18 =	sadd.s32 $0x5, s18;
	v7 =	vadd.f32 v8, v7;
	v6 =	vadd.f32 v13, v6;
	v21 =	vld [tilespmem:s31+$0xFFFFFF30]  }
0x1e1: {  	p0 =	slt.u32 s18, $0x2D;
	v5 =	vadd.f32 v17, v5;
	v13 =	vld [tilespmem:s31+$0xFFFFFFA0];
	v4 =	vadd.f32 v19, v4  }
0x1e2: {  	v7 =	vadd.f32 v18, v7;
	v6 =	vadd.f32 v14, v6;
	v17 =	vld [tilespmem:s31+$0xFFFFFFB0]  }
0x1e3: {  	v5 =	vadd.f32 v15, v5;
	v8 =	vld [tilespmem:s31+$0x20];
	v4 =	vadd.f32 v11, v4  }
.Ltmp4:
0x1e4: {  	v12 =	vadd.f32 v25, v12;
	v14 =	vadd.f32 v28, v16;
	v11 =	vld [tilespmem:s31+$0x30];
	(pc) =	sbr.rel @p0 .LBB2_11-.Ltmp4, $4  }
0x1e5: {  	v10 =	vadd.f32 v20, v10;
	v16 =	vadd.f32 v21, v9;
	v9 =	vld [tilespmem:s31+$0xA0]  }
0x1e6: {  	v18 =	vadd.f32 v27, v12;
	v19 =	vadd.f32 v24, v14;
	v12 =	vld [tilespmem:s31+$0xB0]  }
0x1e7: {  	v15 =	vadd.f32 v13, v10;
	v14 =	vadd.f32 v17, v16;
	v10 =	vld [tilespmem:s31+$0x120]  }
0x1e8: {  	v17 =	vadd.f32 v32, v18;
	v16 =	vadd.f32 v26, v19;
	v13 =	vld [tilespmem:s31+$0x130];
	s31 =	sadd.s32 $0x280, s31  }
0x1e9: {  	_ = 	snop  }
0x1ea: {  	v8 =	vadd.f32 v8, v15;
	[tilespmem:s16+$0x4200] =	vst v7;
	v3 =	vadd.f32 v3, v17  }
0x1eb: {  	v7 =	vadd.f32 v11, v14;
	[tilespmem:s16+$0x4210] =	vst v6;
	v2 =	vadd.f32 v2, v16  }
0x1ec: {  	[tilespmem:s16+$0x4220] =	vst v5;
	v6 =	vadd.f32 v9, v8;
	v0 =	vadd.f32 v0, v3  }
0x1ed: {  	[tilespmem:s16+$0x4230] =	vst v4;
	v3 =	vadd.f32 v12, v7;
	v1 =	vadd.f32 v1, v2  }
0x1ee: {  	v2 =	vadd.f32 v10, v6;
	[tilespmem:s16+$0x4240] =	vst v0  }
0x1ef: {  	s18 =	smin.u32 s14, $0x74;
	v0 =	vadd.f32 v13, v3;
	[tilespmem:s16+$0x4250] =	vst v1  }
0x1f0: {  	s18 =	sshll.u32 s18, $0x7;
	[tilespmem:s16+$0x4260] =	vst v2  }
0x1f1: {  	s18 =	sadd.s32 $0x580, s18;
	[tilespmem:s16+$0x4270] =	vst v0  }
0x1f2: {  	[tilespmem:s15], [sflag:$0x4] =	stream.indirect.gather [hbm4b:s1+s8], $0x80, s18, s8, $0xb8;
	[tilespmem:$0x16000] =	vst v63  }
0x1f3: {  	_ =	swait.ge [sflag:s28], $0x1900  }
0x1f4: {  	[sflag:s28] =	ssyncset.done $0x0  }
0x1f5: {  	s31 =	simm.s32 $0x10D40;
	[sflag:s28] =	ssyncadd.s32 $0xFFFFE700  }
0x1f6: {  	v4 =	vld [tilespmem:s31+$0xC0]  }
0x1f7: {  	v5 =	vld [tilespmem:s31+$0xD0]  }
0x1f8: {  	v9 =	vld [tilespmem:s31+$0xE0]  }
0x1f9: {  	v10 =	vld [tilespmem:s31+$0xF0]  }
0x1fa: {  	v0 =	vld [tilespmem:s31+$0x100]  }
0x1fb: {  	v1 =	vld [tilespmem:s31+$0x110]  }
0x1fc: {  	v6 =	vld [tilespmem:s31+$0x40]  }
0x1fd: {  	v7 =	vld [tilespmem:s31+$0x50]  }
0x1fe: {  	v8 =	vld [tilespmem:s31+$0x60]  }
0x1ff: {  	v11 =	vld [tilespmem:s31+$0x70]  }
0x200: {  	v3 =	vld [tilespmem:s31+$0x80]  }
0x201: {  	v2 =	vld [tilespmem:s31+$0x90]  }
0x202: {  	v12 =	vld [tilespmem:s31+$0xFFFFFFC0]  }
0x203: {  	v13 =	vld [tilespmem:s31+$0xFFFFFFD0]  }
0x204: {  	v14 =	vld [tilespmem:s31+$0xFFFFFFE0]  }
0x205: {  	v15 =	vld [tilespmem:s31+$0xFFFFFFF0]  }
0x206: {  	v16 =	vld [tilespmem:s31+$0xFFFFFF40]  }
0x207: {  	v17 =	vld [tilespmem:s31+$0xFFFFFF50]  }
0x208: {  	v18 =	vld [tilespmem:s31+$0xFFFFFEC0]  }
0x209: {  	v19 =	vld [tilespmem:s31+$0xFFFFFED0]  }
0x20a: {  	v20 =	vld [tilespmem:s31+$0xFFFFFEE0]  }
0x20b: {  	v21 =	vld [tilespmem:s31+$0xFFFFFEF0]  }
0x20c: {  	v22 =	vld [tilespmem:s31+$0xFFFFFF60]  }
0x20d: {  	v23 =	vld [tilespmem:s31+$0xFFFFFF70]  }
0x20e: {  	v24 =	vimm.f32 $0.0e+00;
	v25 =	vld [tilespmem:s31+$0x0]  }
0x20f: {  	v26 =	vld [tilespmem:s31+$0x10];
	v18 =	vadd.f32 v18, v24;
	v19 =	vadd.f32 v19, v24  }
0x210: {  	v27 =	vld [tilespmem:s31+$0xFFFFFF80];
	v20 =	vadd.f32 v20, v24;
	v21 =	vadd.f32 v21, v24  }
0x211: {  	v62 =	vld [tilespmem:s31+$0xFFFFFF10];
	v16 =	vadd.f32 v16, v18;
	v17 =	vadd.f32 v17, v19  }
0x212: {  	v63 =	vld [tilespmem:s31+$0xFFFFFFB0];
	v20 =	vadd.f32 v22, v20;
	v21 =	vadd.f32 v23, v21  }
0x213: {  	v19 =	vld [tilespmem:s31+$0xFFFFFF00];
	v12 =	vadd.f32 v12, v16;
	v13 =	vadd.f32 v13, v17  }
0x214: {  	v16 =	vld [tilespmem:s31+$0xFFFFFF20];
	v14 =	vadd.f32 v14, v20;
	v15 =	vadd.f32 v15, v21  }
0x215: {  	v17 =	vld [tilespmem:s31+$0xFFFFFF30];
	v6 =	vadd.f32 v6, v12;
	v12 =	vadd.f32 v7, v13  }
0x216: {  	v18 =	vld [tilespmem:s31+$0xFFFFFF90];
	v14 =	vadd.f32 v8, v14;
	v11 =	vadd.f32 v11, v15  }
0x217: {  	v13 =	vld [tilespmem:s31+$0xFFFFFFA0];
	v7 =	vadd.f32 v4, v6;
	v6 =	vadd.f32 v5, v12  }
0x218: {  	v8 =	vld [tilespmem:s31+$0x20];
	v5 =	vadd.f32 v9, v14;
	v4 =	vadd.f32 v10, v11  }
0x219: {  	v10 =	vadd.f32 v19, v24;
	v12 =	vadd.f32 v62, v24;
	v11 =	vld [tilespmem:s31+$0x30]  }
0x21a: {  	v9 =	vld [tilespmem:s31+$0xA0];
	v14 =	vadd.f32 v16, v24;
	v16 =	vadd.f32 v17, v24  }
0x21b: {  	v17 =	vadd.f32 v27, v10;
	v18 =	vadd.f32 v18, v12;
	v12 =	vld [tilespmem:s31+$0xB0]  }
0x21c: {  	v10 =	vld [tilespmem:s31+$0x120];
	v15 =	vadd.f32 v13, v14;
	v14 =	vadd.f32 v63, v16  }
0x21d: {  	s18 =	simm.s32 $0x0;
	v13 =	vld [tilespmem:s31+$0x130];
	s31 =	simm.s32 $0x10FC0;
	v17 =	vadd.f32 v25, v17;
	v16 =	vadd.f32 v26, v18  }
.LBB2_13:
0x21e: {  	v18 =	vld [tilespmem:s31+$0xC0];
	v8 =	vadd.f32 v8, v15;
	v11 =	vadd.f32 v11, v14  }
0x21f: {  	v14 =	vld [tilespmem:s31+$0xD0];
	v3 =	vadd.f32 v3, v17;
	v2 =	vadd.f32 v2, v16  }
0x220: {  	v15 =	vld [tilespmem:s31+$0xE0];
	v8 =	vadd.f32 v9, v8;
	v9 =	vadd.f32 v12, v11  }
0x221: {  	v11 =	vld [tilespmem:s31+$0xF0];
	v12 =	vadd.f32 v0, v3;
	v16 =	vadd.f32 v1, v2  }
0x222: {  	v0 =	vld [tilespmem:s31+$0x100];
	v10 =	vadd.f32 v10, v8;
	v9 =	vadd.f32 v13, v9  }
0x223: {  	v1 =	vld [tilespmem:s31+$0x110]  }
0x224: {  	v8 =	vld [tilespmem:s31+$0x40]  }
0x225: {  	v13 =	vld [tilespmem:s31+$0x50]  }
0x226: {  	v17 =	vld [tilespmem:s31+$0x60]  }
0x227: {  	v19 =	vld [tilespmem:s31+$0x70]  }
0x228: {  	v3 =	vld [tilespmem:s31+$0x80]  }
0x229: {  	v2 =	vld [tilespmem:s31+$0x90]  }
0x22a: {  	v20 =	vld [tilespmem:s31+$0xFFFFFFC0]  }
0x22b: {  	v21 =	vld [tilespmem:s31+$0xFFFFFFD0]  }
0x22c: {  	v22 =	vld [tilespmem:s31+$0xFFFFFFE0]  }
0x22d: {  	v23 =	vld [tilespmem:s31+$0xFFFFFFF0]  }
0x22e: {  	v24 =	vld [tilespmem:s31+$0xFFFFFF40]  }
0x22f: {  	v25 =	vld [tilespmem:s31+$0xFFFFFF50]  }
0x230: {  	v26 =	vld [tilespmem:s31+$0xFFFFFEC0]  }
0x231: {  	v27 =	vld [tilespmem:s31+$0xFFFFFED0]  }
0x232: {  	v28 =	vld [tilespmem:s31+$0xFFFFFEE0]  }
0x233: {  	v29 =	vld [tilespmem:s31+$0xFFFFFEF0]  }
0x234: {  	v30 =	vld [tilespmem:s31+$0xFFFFFF60]  }
0x235: {  	v31 =	vld [tilespmem:s31+$0xFFFFFF70]  }
0x236: {  	v32 =	vld [tilespmem:s31+$0x0]  }
0x237: {  	v7 =	vadd.f32 v26, v7;
	v6 =	vadd.f32 v27, v6;
	v26 =	vld [tilespmem:s31+$0x10]  }
0x238: {  	v5 =	vadd.f32 v28, v5;
	v4 =	vadd.f32 v29, v4;
	v27 =	vld [tilespmem:s31+$0xFFFFFF80]  }
0x239: {  	v7 =	vadd.f32 v24, v7;
	v6 =	vadd.f32 v25, v6;
	v24 =	vld [tilespmem:s31+$0xFFFFFF90]  }
0x23a: {  	v5 =	vadd.f32 v30, v5;
	v25 =	vld [tilespmem:s31+$0xFFFFFF00];
	v4 =	vadd.f32 v31, v4  }
0x23b: {  	v7 =	vadd.f32 v20, v7;
	v6 =	vadd.f32 v21, v6;
	v28 =	vld [tilespmem:s31+$0xFFFFFF10]  }
0x23c: {  	v5 =	vadd.f32 v22, v5;
	v20 =	vld [tilespmem:s31+$0xFFFFFF20];
	v4 =	vadd.f32 v23, v4  }
0x23d: {  	s18 =	sadd.s32 $0x5, s18;
	v7 =	vadd.f32 v8, v7;
	v6 =	vadd.f32 v13, v6;
	v21 =	vld [tilespmem:s31+$0xFFFFFF30]  }
0x23e: {  	p0 =	slt.u32 s18, $0x2D;
	v5 =	vadd.f32 v17, v5;
	v13 =	vld [tilespmem:s31+$0xFFFFFFA0];
	v4 =	vadd.f32 v19, v4  }
0x23f: {  	v7 =	vadd.f32 v18, v7;
	v6 =	vadd.f32 v14, v6;
	v17 =	vld [tilespmem:s31+$0xFFFFFFB0]  }
0x240: {  	v5 =	vadd.f32 v15, v5;
	v8 =	vld [tilespmem:s31+$0x20];
	v4 =	vadd.f32 v11, v4  }
.Ltmp5:
0x241: {  	v12 =	vadd.f32 v25, v12;
	v14 =	vadd.f32 v28, v16;
	v11 =	vld [tilespmem:s31+$0x30];
	(pc) =	sbr.rel @p0 .LBB2_13-.Ltmp5, $4  }
0x242: {  	v10 =	vadd.f32 v20, v10;
	v16 =	vadd.f32 v21, v9;
	v9 =	vld [tilespmem:s31+$0xA0]  }
0x243: {  	v18 =	vadd.f32 v27, v12;
	v19 =	vadd.f32 v24, v14;
	v12 =	vld [tilespmem:s31+$0xB0]  }
0x244: {  	v15 =	vadd.f32 v13, v10;
	v14 =	vadd.f32 v17, v16;
	v10 =	vld [tilespmem:s31+$0x120]  }
0x245: {  	v17 =	vadd.f32 v32, v18;
	v16 =	vadd.f32 v26, v19;
	v13 =	vld [tilespmem:s31+$0x130];
	s31 =	sadd.s32 $0x280, s31  }
0x246: {  	_ = 	snop  }
0x247: {  	v8 =	vadd.f32 v8, v15;
	[tilespmem:s16+$0x4280] =	vst v7;
	v3 =	vadd.f32 v3, v17  }
0x248: {  	v7 =	vadd.f32 v11, v14;
	[tilespmem:s16+$0x4290] =	vst v6;
	v2 =	vadd.f32 v2, v16  }
0x249: {  	[tilespmem:s16+$0x42A0] =	vst v5;
	v6 =	vadd.f32 v9, v8;
	v0 =	vadd.f32 v0, v3  }
0x24a: {  	[tilespmem:s16+$0x42B0] =	vst v4;
	v3 =	vadd.f32 v12, v7;
	v1 =	vadd.f32 v1, v2  }
0x24b: {  	v2 =	vadd.f32 v10, v6;
	[tilespmem:s16+$0x42C0] =	vst v0  }
0x24c: {  	s18 =	smin.u32 s14, $0x73;
	v0 =	vadd.f32 v13, v3;
	[tilespmem:s16+$0x42D0] =	vst v1  }
0x24d: {  	s18 =	sshll.u32 s18, $0x7;
	[tilespmem:s16+$0x42E0] =	vst v2  }
0x24e: {  	s18 =	sadd.s32 $0x600, s18;
	[tilespmem:s16+$0x42F0] =	vst v0  }
0x24f: {  	[tilespmem:s17], [sflag:$0x5] =	stream.indirect.gather [hbm4b:s1+s8], $0x80, s18, s8, $0xb8;
	[tilespmem:$0x16000] =	vst v63  }
0x250: {  	_ =	swait.ge [sflag:s29], $0x1900  }
0x251: {  	[sflag:s29] =	ssyncset.done $0x0  }
0x252: {  	s31 =	simm.s32 $0x12940;
	[sflag:s29] =	ssyncadd.s32 $0xFFFFE700  }
0x253: {  	v4 =	vld [tilespmem:s31+$0xC0]  }
0x254: {  	v5 =	vld [tilespmem:s31+$0xD0]  }
0x255: {  	v9 =	vld [tilespmem:s31+$0xE0]  }
0x256: {  	v10 =	vld [tilespmem:s31+$0xF0]  }
0x257: {  	v0 =	vld [tilespmem:s31+$0x100]  }
0x258: {  	v1 =	vld [tilespmem:s31+$0x110]  }
0x259: {  	v6 =	vld [tilespmem:s31+$0x40]  }
0x25a: {  	v7 =	vld [tilespmem:s31+$0x50]  }
0x25b: {  	v8 =	vld [tilespmem:s31+$0x60]  }
0x25c: {  	v11 =	vld [tilespmem:s31+$0x70]  }
0x25d: {  	v3 =	vld [tilespmem:s31+$0x80]  }
0x25e: {  	v2 =	vld [tilespmem:s31+$0x90]  }
0x25f: {  	v12 =	vld [tilespmem:s31+$0xFFFFFFC0]  }
0x260: {  	v13 =	vld [tilespmem:s31+$0xFFFFFFD0]  }
0x261: {  	v14 =	vld [tilespmem:s31+$0xFFFFFFE0]  }
0x262: {  	v15 =	vld [tilespmem:s31+$0xFFFFFFF0]  }
0x263: {  	v16 =	vld [tilespmem:s31+$0xFFFFFF40]  }
0x264: {  	v17 =	vld [tilespmem:s31+$0xFFFFFF50]  }
0x265: {  	v18 =	vld [tilespmem:s31+$0xFFFFFEC0]  }
0x266: {  	v19 =	vld [tilespmem:s31+$0xFFFFFED0]  }
0x267: {  	v20 =	vld [tilespmem:s31+$0xFFFFFEE0]  }
0x268: {  	v21 =	vld [tilespmem:s31+$0xFFFFFEF0]  }
0x269: {  	v22 =	vld [tilespmem:s31+$0xFFFFFF60]  }
0x26a: {  	v23 =	vld [tilespmem:s31+$0xFFFFFF70]  }
0x26b: {  	v24 =	vimm.f32 $0.0e+00;
	v25 =	vld [tilespmem:s31+$0x0]  }
0x26c: {  	v26 =	vld [tilespmem:s31+$0x10];
	v18 =	vadd.f32 v18, v24;
	v19 =	vadd.f32 v19, v24  }
0x26d: {  	v27 =	vld [tilespmem:s31+$0xFFFFFF80];
	v20 =	vadd.f32 v20, v24;
	v21 =	vadd.f32 v21, v24  }
0x26e: {  	v62 =	vld [tilespmem:s31+$0xFFFFFF10];
	v16 =	vadd.f32 v16, v18;
	v17 =	vadd.f32 v17, v19  }
0x26f: {  	v63 =	vld [tilespmem:s31+$0xFFFFFFB0];
	v20 =	vadd.f32 v22, v20;
	v21 =	vadd.f32 v23, v21  }
0x270: {  	v19 =	vld [tilespmem:s31+$0xFFFFFF00];
	v12 =	vadd.f32 v12, v16;
	v13 =	vadd.f32 v13, v17  }
0x271: {  	v16 =	vld [tilespmem:s31+$0xFFFFFF20];
	v14 =	vadd.f32 v14, v20;
	v15 =	vadd.f32 v15, v21  }
0x272: {  	v17 =	vld [tilespmem:s31+$0xFFFFFF30];
	v6 =	vadd.f32 v6, v12;
	v12 =	vadd.f32 v7, v13  }
0x273: {  	v18 =	vld [tilespmem:s31+$0xFFFFFF90];
	v14 =	vadd.f32 v8, v14;
	v11 =	vadd.f32 v11, v15  }
0x274: {  	v13 =	vld [tilespmem:s31+$0xFFFFFFA0];
	v7 =	vadd.f32 v4, v6;
	v6 =	vadd.f32 v5, v12  }
0x275: {  	v8 =	vld [tilespmem:s31+$0x20];
	v5 =	vadd.f32 v9, v14;
	v4 =	vadd.f32 v10, v11  }
0x276: {  	v10 =	vadd.f32 v19, v24;
	v12 =	vadd.f32 v62, v24;
	v11 =	vld [tilespmem:s31+$0x30]  }
0x277: {  	v9 =	vld [tilespmem:s31+$0xA0];
	v14 =	vadd.f32 v16, v24;
	v16 =	vadd.f32 v17, v24  }
0x278: {  	v17 =	vadd.f32 v27, v10;
	v18 =	vadd.f32 v18, v12;
	v12 =	vld [tilespmem:s31+$0xB0]  }
0x279: {  	v10 =	vld [tilespmem:s31+$0x120];
	v15 =	vadd.f32 v13, v14;
	v14 =	vadd.f32 v63, v16  }
0x27a: {  	s16 =	simm.s32 $0x0;
	s18 =	simm.s32 $0x12BC0;
	v13 =	vld [tilespmem:s31+$0x130];
	v17 =	vadd.f32 v25, v17;
	v16 =	vadd.f32 v26, v18  }
.LBB2_15:
0x27b: {  	v18 =	vld [tilespmem:s18+$0xC0];
	v8 =	vadd.f32 v8, v15;
	v11 =	vadd.f32 v11, v14  }
0x27c: {  	v14 =	vld [tilespmem:s18+$0xD0];
	v3 =	vadd.f32 v3, v17;
	v2 =	vadd.f32 v2, v16  }
0x27d: {  	v15 =	vld [tilespmem:s18+$0xE0];
	v8 =	vadd.f32 v9, v8;
	v9 =	vadd.f32 v12, v11  }
0x27e: {  	v11 =	vld [tilespmem:s18+$0xF0];
	v12 =	vadd.f32 v0, v3;
	v16 =	vadd.f32 v1, v2  }
0x27f: {  	v0 =	vld [tilespmem:s18+$0x100];
	v10 =	vadd.f32 v10, v8;
	v9 =	vadd.f32 v13, v9  }
0x280: {  	v1 =	vld [tilespmem:s18+$0x110]  }
0x281: {  	v8 =	vld [tilespmem:s18+$0x40]  }
0x282: {  	v13 =	vld [tilespmem:s18+$0x50]  }
0x283: {  	v17 =	vld [tilespmem:s18+$0x60]  }
0x284: {  	v19 =	vld [tilespmem:s18+$0x70]  }
0x285: {  	v3 =	vld [tilespmem:s18+$0x80]  }
0x286: {  	v2 =	vld [tilespmem:s18+$0x90]  }
0x287: {  	v20 =	vld [tilespmem:s18+$0xFFFFFFC0]  }
0x288: {  	v21 =	vld [tilespmem:s18+$0xFFFFFFD0]  }
0x289: {  	v22 =	vld [tilespmem:s18+$0xFFFFFFE0]  }
0x28a: {  	v23 =	vld [tilespmem:s18+$0xFFFFFFF0]  }
0x28b: {  	v24 =	vld [tilespmem:s18+$0xFFFFFF40]  }
0x28c: {  	v25 =	vld [tilespmem:s18+$0xFFFFFF50]  }
0x28d: {  	v26 =	vld [tilespmem:s18+$0xFFFFFEC0]  }
0x28e: {  	v27 =	vld [tilespmem:s18+$0xFFFFFED0]  }
0x28f: {  	v28 =	vld [tilespmem:s18+$0xFFFFFEE0]  }
0x290: {  	v29 =	vld [tilespmem:s18+$0xFFFFFEF0]  }
0x291: {  	v30 =	vld [tilespmem:s18+$0xFFFFFF60]  }
0x292: {  	v31 =	vld [tilespmem:s18+$0xFFFFFF70]  }
0x293: {  	v32 =	vld [tilespmem:s18+$0x0]  }
0x294: {  	v7 =	vadd.f32 v26, v7;
	v6 =	vadd.f32 v27, v6;
	v26 =	vld [tilespmem:s18+$0x10]  }
0x295: {  	v5 =	vadd.f32 v28, v5;
	v4 =	vadd.f32 v29, v4;
	v27 =	vld [tilespmem:s18+$0xFFFFFF80]  }
0x296: {  	v7 =	vadd.f32 v24, v7;
	v6 =	vadd.f32 v25, v6;
	v24 =	vld [tilespmem:s18+$0xFFFFFF90]  }
0x297: {  	v5 =	vadd.f32 v30, v5;
	v25 =	vld [tilespmem:s18+$0xFFFFFF00];
	v4 =	vadd.f32 v31, v4  }
0x298: {  	v7 =	vadd.f32 v20, v7;
	v6 =	vadd.f32 v21, v6;
	v28 =	vld [tilespmem:s18+$0xFFFFFF10]  }
0x299: {  	v5 =	vadd.f32 v22, v5;
	v20 =	vld [tilespmem:s18+$0xFFFFFF20];
	v4 =	vadd.f32 v23, v4  }
0x29a: {  	s16 =	sadd.s32 $0x5, s16;
	v7 =	vadd.f32 v8, v7;
	v6 =	vadd.f32 v13, v6;
	v21 =	vld [tilespmem:s18+$0xFFFFFF30]  }
0x29b: {  	p0 =	slt.u32 s16, $0x2D;
	v5 =	vadd.f32 v17, v5;
	v13 =	vld [tilespmem:s18+$0xFFFFFFA0];
	v4 =	vadd.f32 v19, v4  }
0x29c: {  	v7 =	vadd.f32 v18, v7;
	v6 =	vadd.f32 v14, v6;
	v17 =	vld [tilespmem:s18+$0xFFFFFFB0]  }
0x29d: {  	v5 =	vadd.f32 v15, v5;
	v8 =	vld [tilespmem:s18+$0x20];
	v4 =	vadd.f32 v11, v4  }
.Ltmp6:
0x29e: {  	v12 =	vadd.f32 v25, v12;
	v14 =	vadd.f32 v28, v16;
	v11 =	vld [tilespmem:s18+$0x30];
	(pc) =	sbr.rel @p0 .LBB2_15-.Ltmp6, $4  }
0x29f: {  	v10 =	vadd.f32 v20, v10;
	v16 =	vadd.f32 v21, v9;
	v9 =	vld [tilespmem:s18+$0xA0]  }
0x2a0: {  	v18 =	vadd.f32 v27, v12;
	v19 =	vadd.f32 v24, v14;
	v12 =	vld [tilespmem:s18+$0xB0]  }
0x2a1: {  	v15 =	vadd.f32 v13, v10;
	v14 =	vadd.f32 v17, v16;
	v10 =	vld [tilespmem:s18+$0x120]  }
0x2a2: {  	v17 =	vadd.f32 v32, v18;
	v16 =	vadd.f32 v26, v19;
	v13 =	vld [tilespmem:s18+$0x130];
	s18 =	sadd.s32 $0x280, s18  }
0x2a3: {  	_ = 	snop  }
0x2a4: {  	v8 =	vadd.f32 v8, v15;
	[tilespmem:s10+$0x4000] =	vst v7;
	v3 =	vadd.f32 v3, v17  }
0x2a5: {  	v7 =	vadd.f32 v11, v14;
	[tilespmem:s10+$0x4010] =	vst v6;
	v2 =	vadd.f32 v2, v16  }
0x2a6: {  	[tilespmem:s10+$0x4020] =	vst v5;
	v6 =	vadd.f32 v9, v8;
	v0 =	vadd.f32 v0, v3  }
0x2a7: {  	[tilespmem:s10+$0x4030] =	vst v4;
	v3 =	vadd.f32 v12, v7;
	v1 =	vadd.f32 v1, v2  }
0x2a8: {  	v2 =	vadd.f32 v10, v6;
	[tilespmem:s10+$0x4040] =	vst v0  }
0x2a9: {  	s14 =	smin.u32 s14, $0x72;
	v0 =	vadd.f32 v13, v3;
	[tilespmem:s10+$0x4050] =	vst v1  }
0x2aa: {  	s14 =	sshll.u32 s14, $0x7;
	[tilespmem:s10+$0x4060] =	vst v2  }
0x2ab: {  	s18 =	sadd.s32 $0x680, s14;
	[tilespmem:s10+$0x4070] =	vst v0  }
0x2ac: {  	[tilespmem:s19], [sflag:$0x6] =	stream.indirect.gather [hbm4b:s1+s8], $0x80, s18, s8, $0xb8;
	[tilespmem:$0x16000] =	vst v63  }
0x2ad: {  	_ =	swait.ge [sflag:s30], $0x1900  }
0x2ae: {  	[sflag:s30] =	ssyncset.done $0x0  }
0x2af: {  	s31 =	simm.s32 $0x14540;
	[sflag:s30] =	ssyncadd.s32 $0xFFFFE700  }
0x2b0: {  	v4 =	vld [tilespmem:s31+$0xC0]  }
0x2b1: {  	v5 =	vld [tilespmem:s31+$0xD0]  }
0x2b2: {  	v9 =	vld [tilespmem:s31+$0xE0]  }
0x2b3: {  	v10 =	vld [tilespmem:s31+$0xF0]  }
0x2b4: {  	v0 =	vld [tilespmem:s31+$0x100]  }
0x2b5: {  	v1 =	vld [tilespmem:s31+$0x110]  }
0x2b6: {  	v6 =	vld [tilespmem:s31+$0x40]  }
0x2b7: {  	v7 =	vld [tilespmem:s31+$0x50]  }
0x2b8: {  	v8 =	vld [tilespmem:s31+$0x60]  }
0x2b9: {  	v11 =	vld [tilespmem:s31+$0x70]  }
0x2ba: {  	v3 =	vld [tilespmem:s31+$0x80]  }
0x2bb: {  	v2 =	vld [tilespmem:s31+$0x90]  }
0x2bc: {  	v12 =	vld [tilespmem:s31+$0xFFFFFFC0]  }
0x2bd: {  	v13 =	vld [tilespmem:s31+$0xFFFFFFD0]  }
0x2be: {  	v14 =	vld [tilespmem:s31+$0xFFFFFFE0]  }
0x2bf: {  	v15 =	vld [tilespmem:s31+$0xFFFFFFF0]  }
0x2c0: {  	v16 =	vld [tilespmem:s31+$0xFFFFFF40]  }
0x2c1: {  	v17 =	vld [tilespmem:s31+$0xFFFFFF50]  }
0x2c2: {  	v18 =	vld [tilespmem:s31+$0xFFFFFEC0]  }
0x2c3: {  	v19 =	vld [tilespmem:s31+$0xFFFFFED0]  }
0x2c4: {  	v20 =	vld [tilespmem:s31+$0xFFFFFEE0]  }
0x2c5: {  	v21 =	vld [tilespmem:s31+$0xFFFFFEF0]  }
0x2c6: {  	v22 =	vld [tilespmem:s31+$0xFFFFFF60]  }
0x2c7: {  	v23 =	vld [tilespmem:s31+$0xFFFFFF70]  }
0x2c8: {  	v24 =	vimm.f32 $0.0e+00;
	v25 =	vld [tilespmem:s31+$0x0]  }
0x2c9: {  	v26 =	vld [tilespmem:s31+$0x10];
	v18 =	vadd.f32 v18, v24;
	v19 =	vadd.f32 v19, v24  }
0x2ca: {  	v27 =	vld [tilespmem:s31+$0xFFFFFF80];
	v20 =	vadd.f32 v20, v24;
	v21 =	vadd.f32 v21, v24  }
0x2cb: {  	v62 =	vld [tilespmem:s31+$0xFFFFFF10];
	v16 =	vadd.f32 v16, v18;
	v17 =	vadd.f32 v17, v19  }
0x2cc: {  	v63 =	vld [tilespmem:s31+$0xFFFFFFB0];
	v20 =	vadd.f32 v22, v20;
	v21 =	vadd.f32 v23, v21  }
0x2cd: {  	v19 =	vld [tilespmem:s31+$0xFFFFFF00];
	v12 =	vadd.f32 v12, v16;
	v13 =	vadd.f32 v13, v17  }
0x2ce: {  	v16 =	vld [tilespmem:s31+$0xFFFFFF20];
	v14 =	vadd.f32 v14, v20;
	v15 =	vadd.f32 v15, v21  }
0x2cf: {  	v17 =	vld [tilespmem:s31+$0xFFFFFF30];
	v6 =	vadd.f32 v6, v12;
	v12 =	vadd.f32 v7, v13  }
0x2d0: {  	v18 =	vld [tilespmem:s31+$0xFFFFFF90];
	v14 =	vadd.f32 v8, v14;
	v11 =	vadd.f32 v11, v15  }
0x2d1: {  	v13 =	vld [tilespmem:s31+$0xFFFFFFA0];
	v7 =	vadd.f32 v4, v6;
	v6 =	vadd.f32 v5, v12  }
0x2d2: {  	v8 =	vld [tilespmem:s31+$0x20];
	v5 =	vadd.f32 v9, v14;
	v4 =	vadd.f32 v10, v11  }
0x2d3: {  	v10 =	vadd.f32 v19, v24;
	v12 =	vadd.f32 v62, v24;
	v11 =	vld [tilespmem:s31+$0x30]  }
0x2d4: {  	v9 =	vld [tilespmem:s31+$0xA0];
	v14 =	vadd.f32 v16, v24;
	v16 =	vadd.f32 v17, v24  }
0x2d5: {  	v17 =	vadd.f32 v27, v10;
	v18 =	vadd.f32 v18, v12;
	v12 =	vld [tilespmem:s31+$0xB0]  }
0x2d6: {  	v10 =	vld [tilespmem:s31+$0x120];
	v15 =	vadd.f32 v13, v14;
	v14 =	vadd.f32 v63, v16  }
0x2d7: {  	s14 =	simm.s32 $0x147C0;
	s10 =	simm.s32 $0x0;
	v13 =	vld [tilespmem:s31+$0x130];
	v17 =	vadd.f32 v25, v17;
	v16 =	vadd.f32 v26, v18  }
.LBB2_17:
0x2d8: {  	v18 =	vld [tilespmem:s14+$0xC0];
	v8 =	vadd.f32 v8, v15;
	v11 =	vadd.f32 v11, v14  }
0x2d9: {  	v14 =	vld [tilespmem:s14+$0xD0];
	v3 =	vadd.f32 v3, v17;
	v2 =	vadd.f32 v2, v16  }
0x2da: {  	v15 =	vld [tilespmem:s14+$0xE0];
	v8 =	vadd.f32 v9, v8;
	v9 =	vadd.f32 v12, v11  }
0x2db: {  	v11 =	vld [tilespmem:s14+$0xF0];
	v12 =	vadd.f32 v0, v3;
	v16 =	vadd.f32 v1, v2  }
0x2dc: {  	v0 =	vld [tilespmem:s14+$0x100];
	v10 =	vadd.f32 v10, v8;
	v9 =	vadd.f32 v13, v9  }
0x2dd: {  	v1 =	vld [tilespmem:s14+$0x110]  }
0x2de: {  	v8 =	vld [tilespmem:s14+$0x40]  }
0x2df: {  	v13 =	vld [tilespmem:s14+$0x50]  }
0x2e0: {  	v17 =	vld [tilespmem:s14+$0x60]  }
0x2e1: {  	v19 =	vld [tilespmem:s14+$0x70]  }
0x2e2: {  	v3 =	vld [tilespmem:s14+$0x80]  }
0x2e3: {  	v2 =	vld [tilespmem:s14+$0x90]  }
0x2e4: {  	v20 =	vld [tilespmem:s14+$0xFFFFFFC0]  }
0x2e5: {  	v21 =	vld [tilespmem:s14+$0xFFFFFFD0]  }
0x2e6: {  	v22 =	vld [tilespmem:s14+$0xFFFFFFE0]  }
0x2e7: {  	v23 =	vld [tilespmem:s14+$0xFFFFFFF0]  }
0x2e8: {  	v24 =	vld [tilespmem:s14+$0xFFFFFF40]  }
0x2e9: {  	v25 =	vld [tilespmem:s14+$0xFFFFFF50]  }
0x2ea: {  	v26 =	vld [tilespmem:s14+$0xFFFFFEC0]  }
0x2eb: {  	v27 =	vld [tilespmem:s14+$0xFFFFFED0]  }
0x2ec: {  	v28 =	vld [tilespmem:s14+$0xFFFFFEE0]  }
0x2ed: {  	v29 =	vld [tilespmem:s14+$0xFFFFFEF0]  }
0x2ee: {  	v30 =	vld [tilespmem:s14+$0xFFFFFF60]  }
0x2ef: {  	v31 =	vld [tilespmem:s14+$0xFFFFFF70]  }
0x2f0: {  	v32 =	vld [tilespmem:s14+$0x0]  }
0x2f1: {  	v7 =	vadd.f32 v26, v7;
	v6 =	vadd.f32 v27, v6;
	v26 =	vld [tilespmem:s14+$0x10]  }
0x2f2: {  	v5 =	vadd.f32 v28, v5;
	v4 =	vadd.f32 v29, v4;
	v27 =	vld [tilespmem:s14+$0xFFFFFF80]  }
0x2f3: {  	v7 =	vadd.f32 v24, v7;
	v6 =	vadd.f32 v25, v6;
	v24 =	vld [tilespmem:s14+$0xFFFFFF90]  }
0x2f4: {  	v5 =	vadd.f32 v30, v5;
	v25 =	vld [tilespmem:s14+$0xFFFFFF00];
	v4 =	vadd.f32 v31, v4  }
0x2f5: {  	v7 =	vadd.f32 v20, v7;
	v6 =	vadd.f32 v21, v6;
	v28 =	vld [tilespmem:s14+$0xFFFFFF10]  }
0x2f6: {  	v5 =	vadd.f32 v22, v5;
	v20 =	vld [tilespmem:s14+$0xFFFFFF20];
	v4 =	vadd.f32 v23, v4  }
0x2f7: {  	s10 =	sadd.s32 $0x5, s10;
	v7 =	vadd.f32 v8, v7;
	v6 =	vadd.f32 v13, v6;
	v21 =	vld [tilespmem:s14+$0xFFFFFF30]  }
0x2f8: {  	p0 =	slt.u32 s10, $0x2D;
	v5 =	vadd.f32 v17, v5;
	v13 =	vld [tilespmem:s14+$0xFFFFFFA0];
	v4 =	vadd.f32 v19, v4  }
0x2f9: {  	v7 =	vadd.f32 v18, v7;
	v6 =	vadd.f32 v14, v6;
	v17 =	vld [tilespmem:s14+$0xFFFFFFB0]  }
0x2fa: {  	v5 =	vadd.f32 v15, v5;
	v8 =	vld [tilespmem:s14+$0x20];
	v4 =	vadd.f32 v11, v4  }
.Ltmp7:
0x2fb: {  	v12 =	vadd.f32 v25, v12;
	v14 =	vadd.f32 v28, v16;
	v11 =	vld [tilespmem:s14+$0x30];
	(pc) =	sbr.rel @p0 .LBB2_17-.Ltmp7, $4  }
0x2fc: {  	v10 =	vadd.f32 v20, v10;
	v16 =	vadd.f32 v21, v9;
	v9 =	vld [tilespmem:s14+$0xA0]  }
0x2fd: {  	v18 =	vadd.f32 v27, v12;
	v19 =	vadd.f32 v24, v14;
	v12 =	vld [tilespmem:s14+$0xB0]  }
0x2fe: {  	v15 =	vadd.f32 v13, v10;
	v14 =	vadd.f32 v17, v16;
	v10 =	vld [tilespmem:s14+$0x120]  }
0x2ff: {  	v17 =	vadd.f32 v32, v18;
	v16 =	vadd.f32 v26, v19;
	v13 =	vld [tilespmem:s14+$0x130];
	s14 =	sadd.s32 $0x280, s14  }
0x300: {  	_ = 	snop  }
0x301: {  	v8 =	vadd.f32 v8, v15;
	[tilespmem:s12+$0x4000] =	vst v7;
	v3 =	vadd.f32 v3, v17  }
0x302: {  	v59 =	vadd.f32 v11, v14;
	[tilespmem:s12+$0x4010] =	vst v6;
	s2 =	sadd.s32 $0x1, s2;
	v2 =	vadd.f32 v2, v16  }
0x303: {  	[tilespmem:s12+$0x4020] =	vst v5;
	p0 =	sne.s32 s2, $0x10;
	v60 =	vadd.f32 v9, v8;
	v0 =	vadd.f32 v0, v3  }
.Ltmp8:
0x304: {  	[tilespmem:s12+$0x4030] =	vst v4;
	v61 =	vadd.f32 v12, v59;
	v1 =	vadd.f32 v1, v2;
	(pc) =	sbr.rel @p0 .LBB2_2-.Ltmp8, $4  }
0x305: {  	v62 =	vadd.f32 v10, v60;
	[tilespmem:s12+$0x4040] =	vst v0  }
0x306: {  	v63 =	vadd.f32 v13, v61;
	[tilespmem:s12+$0x4050] =	vst v1  }
0x307: {  	[tilespmem:s12+$0x4060] =	vst v62  }
0x308: {  	[tilespmem:s12+$0x4070] =	vst v63  }
0x309: {  	_ =	swait.ge [sflag:s21], $0x1900  }
0x30a: {  	[sflag:s21] =	ssyncset.done $0x0  }
0x30b: {  	[sflag:s21] =	ssyncadd.s32 $0xFFFFE700  }
0x30c: {  	_ =	swait.ge [sflag:s23], $0x1900  }
0x30d: {  	[sflag:s23] =	ssyncset.done $0x0  }
0x30e: {  	[sflag:s23] =	ssyncadd.s32 $0xFFFFE700  }
0x30f: {  	_ =	swait.ge [sflag:s24], $0x1900  }
0x310: {  	[sflag:s24] =	ssyncset.done $0x0  }
0x311: {  	[sflag:s24] =	ssyncadd.s32 $0xFFFFE700  }
0x312: {  	_ =	swait.ge [sflag:s25], $0x1900  }
0x313: {  	[sflag:s25] =	ssyncset.done $0x0  }
0x314: {  	[sflag:s25] =	ssyncadd.s32 $0xFFFFE700  }
0x315: {  	_ =	swait.ge [sflag:s26], $0x1900  }
0x316: {  	[sflag:s26] =	ssyncset.done $0x0  }
0x317: {  	[sflag:s26] =	ssyncadd.s32 $0xFFFFE700  }
0x318: {  	s0 =	sadd.s32 $0x1, s0;
	_ =	swait.ge [sflag:s28], $0x1900  }
0x319: {  	p0 =	sne.s32 s0, s6;
	[sflag:s28] =	ssyncset.done $0x0  }
.Ltmp9:
0x31a: {  	s2 =	simm.s32 $0x4000;
	[sflag:s28] =	ssyncadd.s32 $0xFFFFE700;
	(pc) =	sbr.rel @p0 .LBB2_1-.Ltmp9, $4  }
0x31b: {  	[hbm4b:s5+s3] =	stream.linear.scatter [tilespmem:s2], [sflag:$0x9], $0x4000, $0x38;
	[tilespmem:$0x16000] =	vst v63  }
0x31c: {  	_ =	swait.ge [sflag:s7], $0x4000  }
0x31d: {  	[sflag:s7] =	ssyncset.done $0x0  }
0x31e: {  	[sflag:s7] =	ssyncadd.s32 $0xFFFFC000  }
0x31f: {  	_ =	sfence.sel $0x180000  }
0x320: {  	[bflag:$0x0] =	sbarrier.arrive $0xFFFF  }
0x321: {  	_ =	strace $0x90000047  }
0x322: {  	s0 =	stileid.u32;
	[bflag:$0x2] =	sbarrier.arrive $0xFFFF  }
0x323: {  	p0 =	sne.s32 s0, $0x0;
	s0 =	rddreg [dreg:$0x3]  }
0x324: {  	s0 =	sadd.s32 @!p0 $0x100000, s0  }
0x325: {  	[sflag:s0] =	ssyncadd.tile.s32 @!p0 $0x1;
	_ =	shalt  }
.Lfunc_end2:
_tile_overlayer_lowered:
.L_overlay_start_2:
0x326: {  	(tag) =	ssettag $0x2  }
0x327: {  	s0 =	rddreg [dreg:$0x0];
	s2 =	stileid.u32  }
0x328: {  	s1 =	rddreg [dreg:$0x1];
	p0 =	sne.s32 s2, $0x0  }
0x329: {  	s3 =	rddreg [dreg:$0x2];
	[bflag:$0x3] =	sbarrier.arrive $0xFFFF;
	s2 =	simm.s32 @!p0 $0x1C09  }
0x32a: {  	[timem:s3], [sflag:s2] =	dma.local @!p0 [hbm:s0], s1  }
0x32b: {  	s0 =	simm.s32 @!p0 $0x9  }
0x32c: {  	_ =	swait.ge @!p0 [sflag:s0], s1  }
0x32d: {  	s1 =	ssub.s32 @!p0 $0x0, s1;
	[sflag:s0] =	ssyncset.done @!p0 $0x0  }
0x32e: {  	[sflag:s0] =	ssyncadd.s32 @!p0 s1  }
0x32f: {  	[bflag:$0x3] =	sbarrier.arrive $0xFFFF  }
0x330: {  	_ =	shalt  }

</sc_bundles>
